<compile_context>
chip_gen: v7x
topology: tpu7x:2x2x1
jax: 0.10.2.dev20260603
libtpu: 0.0.44.dev20260713+nightly
codegen_flags: <defaults>
</compile_context>

<pallas_src>
import jax
import jax.numpy as jnp
from jax import lax
from jax.experimental import pallas as pl
from jax.experimental.pallas import tpu as pltpu
from jax.experimental.pallas import tpu_sc as plsc

NUM_WORKERS = 32
NUM_CHUNKS = 4
CHUNK = 128
LANES = 16
EMBED = 128


def _body(uids_hbm, iids_hbm, utab_hbm, itab_hbm, ubias_hbm, ibias_hbm,
          out_hbm, uid_v, iid_v, urows0, urows1, irows0, irows1,
          ubv0, ubv1, ibv0, ibv1, sums,
          sem_u0, sem_u1, sem_i0, sem_i1, sem_b0, sem_b1):
    cid_ax = lax.axis_index("c")
    sid = lax.axis_index("s")
    wid = sid * 2 + cid_ax
    pltpu.sync_copy(uids_hbm.at[wid], uid_v)
    pltpu.sync_copy(iids_hbm.at[wid], iid_v)

    riota = lax.iota(jnp.int32, LANES)
    urows = (urows0, urows1)
    irows = (irows0, irows1)
    sem_u = (sem_u0, sem_u1)
    sem_i = (sem_i0, sem_i1)
    sem_b = (sem_b0, sem_b1)
    ubv = (ubv0, ubv1)
    ibv = (ibv0, ibv1)

    def start(c, b):
        pltpu.async_copy(utab_hbm.at[uid_v.at[c]], urows[b], sem_u[b])
        pltpu.async_copy(itab_hbm.at[iid_v.at[c]], irows[b], sem_i[b])
        pltpu.async_copy(ubias_hbm.at[0].at[uid_v.at[c]], ubv[b], sem_b[b])
        pltpu.async_copy(ibias_hbm.at[0].at[iid_v.at[c]], ibv[b], sem_b[b])

    def wait(c, b):
        pltpu.make_async_copy(utab_hbm.at[uid_v.at[c]], urows[b], sem_u[b]).wait()
        pltpu.make_async_copy(itab_hbm.at[iid_v.at[c]], irows[b], sem_i[b]).wait()
        pltpu.make_async_copy(ubias_hbm.at[0].at[uid_v.at[c]], ubv[b], sem_b[b]).wait()
        pltpu.make_async_copy(ibias_hbm.at[0].at[iid_v.at[c]], ibv[b], sem_b[b]).wait()

    def compute(b):
        def gbody(g):
            accs = []
            for r in range(LANES):
                row = g * LANES + r
                acc0 = (urows[b][row, pl.ds(0, LANES)]
                        * irows[b][row, pl.ds(0, LANES)])
                acc1 = (urows[b][row, pl.ds(LANES, LANES)]
                        * irows[b][row, pl.ds(LANES, LANES)])
                for k in range(2, EMBED // LANES, 2):
                    acc0 = acc0 + (urows[b][row, pl.ds(k * LANES, LANES)]
                                   * irows[b][row, pl.ds(k * LANES, LANES)])
                    acc1 = acc1 + (urows[b][row, pl.ds((k + 1) * LANES, LANES)]
                                   * irows[b][row, pl.ds((k + 1) * LANES, LANES)])
                accs.append(acc0 + acc1)
            cur = accs
            for s in range(4):
                st = 1 << s
                mask = (riota & st) == 0
                perm = riota ^ st
                nxt = []
                for j in range(len(cur) // 2):
                    a, bb = cur[2 * j], cur[2 * j + 1]
                    a_sh = a.at[perm].get(mode="promise_in_bounds")
                    b_sh = bb.at[perm].get(mode="promise_in_bounds")
                    nxt.append(jnp.where(mask, a, b_sh) + jnp.where(mask, a_sh, bb))
                cur = nxt
            acc = (cur[0] + ubv[b][pl.ds(g * LANES, LANES)]
                   + ibv[b][pl.ds(g * LANES, LANES)])
            sums[pl.ds(g * LANES, LANES)] = acc

        plsc.parallel_loop(0, CHUNK // LANES, unroll=2)(gbody)

    start(0, 0)
    start(1, 1)

    def super_body(c0, carry):
        for b in range(2):
            c = c0 * 2 + b
            with jax.named_scope(f"wait_{b}"):
                wait(c, b)
            with jax.named_scope(f"compute_{b}"):
                compute(b)

            @pl.when(c0 == 0)
            def _():
                start(c + 2, b)

            pltpu.sync_copy(sums, out_hbm.at[wid, c])
        return carry

    lax.fori_loop(0, NUM_CHUNKS // 2, super_body, 0)


@jax.jit
def _sc_call(uids, iids, utab, itab, ubias, ibias):
    mesh = plsc.VectorSubcoreMesh(core_axis_name="c", subcore_axis_name="s")
    return pl.kernel(
        _body,
        out_type=jax.ShapeDtypeStruct((NUM_WORKERS, NUM_CHUNKS, CHUNK), jnp.float32),
        mesh=mesh,
        compiler_params=pltpu.CompilerParams(needs_layout_passes=False),
        scratch_types=[
            pltpu.VMEM((NUM_CHUNKS, CHUNK), jnp.int32),
            pltpu.VMEM((NUM_CHUNKS, CHUNK), jnp.int32),
            pltpu.VMEM((CHUNK, EMBED), jnp.float32),
            pltpu.VMEM((CHUNK, EMBED), jnp.float32),
            pltpu.VMEM((CHUNK, EMBED), jnp.float32),
            pltpu.VMEM((CHUNK, EMBED), jnp.float32),
            pltpu.VMEM((CHUNK,), jnp.float32),
            pltpu.VMEM((CHUNK,), jnp.float32),
            pltpu.VMEM((CHUNK,), jnp.float32),
            pltpu.VMEM((CHUNK,), jnp.float32),
            pltpu.VMEM((CHUNK,), jnp.float32),
            pltpu.SemaphoreType.DMA,
            pltpu.SemaphoreType.DMA,
            pltpu.SemaphoreType.DMA,
            pltpu.SemaphoreType.DMA,
            pltpu.SemaphoreType.DMA,
            pltpu.SemaphoreType.DMA,
        ],
    )(uids, iids, utab, itab, ubias, ibias)


def kernel(user_ids, item_ids, user_table, item_table, user_bias, item_bias):
    batch = user_ids.shape[0]
    uids = user_ids.astype(jnp.int32).reshape(NUM_WORKERS, NUM_CHUNKS, CHUNK)
    iids = item_ids.astype(jnp.int32).reshape(NUM_WORKERS, NUM_CHUNKS, CHUNK)
    out = _sc_call(uids, iids, user_table, item_table,
                   jnp.transpose(user_bias, (1, 0)),
                   jnp.transpose(item_bias, (1, 0)))
    return out.reshape(batch, 1)

# --- scband reference (transcript-rebuilt; emitter-appended) ---
"""Pipeline reference for scband-model-31095563223412 (READ-ONLY COPY).

The authoritative reference and input builder live on the scoring server;
editing this copy changes nothing except your own understanding.
"""

import jax, jax.numpy as jnp
import numpy as np

NUM_USERS = 100000
NUM_ITEMS = 1000000
EMBED_DIM = 128
BATCH = 16384

def setup_inputs(seed: int = 0) -> dict:
    key = jax.random.key(seed)
    k1, k2, k3, k4, k5, k6 = jax.random.split(key, 6)
    user_ids = jax.random.randint(k1, (BATCH,), 0, NUM_USERS, dtype=jnp.int64 if jax.config.jax_enable_x64 else jnp.int32)
    item_ids = jax.random.randint(k2, (BATCH,), 0, NUM_ITEMS, dtype=jnp.int64 if jax.config.jax_enable_x64 else jnp.int32)
    user_table = jax.random.normal(k3, (NUM_USERS, EMBED_DIM), dtype=jnp.float32)
    item_table = jax.random.normal(k4, (NUM_ITEMS, EMBED_DIM), dtype=jnp.float32)
    user_bias = jax.random.normal(k5, (NUM_USERS, 1), dtype=jnp.float32)
    item_bias = jax.random.normal(k6, (NUM_ITEMS, 1), dtype=jnp.float32)
    return {"user_ids": user_ids, "item_ids": item_ids, "user_table": user_table, "item_table": item_table, "user_bias": user_bias, "item_bias": item_bias}

def reference(user_ids, item_ids, user_table, item_table, user_bias, item_bias):
    user_embeds = jnp.take(user_table, user_ids, axis=0)          # [B, D]
    item_embeds = jnp.take(item_table, item_ids, axis=0)          # [B, D]
    dot_product = jnp.sum(user_embeds * item_embeds, axis=1, keepdims=True)  # [B, 1]
    dot_product = dot_product + jnp.take(user_bias, user_ids, axis=0)
    dot_product = dot_product + jnp.take(item_bias, item_ids, axis=0)
    return dot_product

if __name__ == "__main__":
    import jax
    _d = setup_inputs()
    print(jax.jit(kernel)(*tuple(_d.values())))

</pallas_src>

<mosaic_0001>
#map = affine_map<(d0, d1) -> (0, 0, 0)>
#map1 = affine_map<(d0, d1) -> (0, 0)>
module attributes {stable_mosaic.version = 14 : i64} {
  func.func @_body(%arg0: i32, %arg1: i32, %arg2: memref<32x4x128xi32, #tpu.memory_space<hbm>>, %arg3: memref<32x4x128xi32, #tpu.memory_space<hbm>>, %arg4: memref<100000x128xf32, #tpu.memory_space<hbm>>, %arg5: memref<1000000x128xf32, #tpu.memory_space<hbm>>, %arg6: memref<1x100000xf32, #tpu.memory_space<hbm>>, %arg7: memref<1x1000000xf32, #tpu.memory_space<hbm>>, %arg8: memref<32x4x128xf32, #tpu.memory_space<hbm>>, %arg9: memref<4x128xi32, #tpu.memory_space<vmem>>, %arg10: memref<4x128xi32, #tpu.memory_space<vmem>>, %arg11: memref<128x128xf32, #tpu.memory_space<vmem>>, %arg12: memref<128x128xf32, #tpu.memory_space<vmem>>, %arg13: memref<128x128xf32, #tpu.memory_space<vmem>>, %arg14: memref<128x128xf32, #tpu.memory_space<vmem>>, %arg15: memref<128xf32, #tpu.memory_space<vmem>>, %arg16: memref<128xf32, #tpu.memory_space<vmem>>, %arg17: memref<128xf32, #tpu.memory_space<vmem>>, %arg18: memref<128xf32, #tpu.memory_space<vmem>>, %arg19: memref<128xf32, #tpu.memory_space<vmem>>, %arg20: memref<!tpu.dma_semaphore, #tpu.memory_space<semaphore_mem>>, %arg21: memref<!tpu.dma_semaphore, #tpu.memory_space<semaphore_mem>>, %arg22: memref<!tpu.dma_semaphore, #tpu.memory_space<semaphore_mem>>, %arg23: memref<!tpu.dma_semaphore, #tpu.memory_space<semaphore_mem>>, %arg24: memref<!tpu.dma_semaphore, #tpu.memory_space<semaphore_mem>>, %arg25: memref<!tpu.dma_semaphore, #tpu.memory_space<semaphore_mem>>) attributes {dimension_semantics = [#tpu.dimension_semantics<core_parallel>, #tpu.dimension_semantics<subcore_parallel>], iteration_bounds = array<i64: 2, 16>, scalar_prefetch = 0 : i64, scratch_operands = 17 : i64, tpu.core_type = #tpu.core_type<sc_vector_subcore>, window_params = [{transform_indices = #map}, {transform_indices = #map}, {transform_indices = #map1}, {transform_indices = #map1}, {transform_indices = #map1}, {transform_indices = #map1}, {transform_indices = #map}]} {
    %mul3A = arith.constant 2 : i32
    %mul3A_0 = arith.muli %arg1, %mul3A : i32
    %add3A = arith.addi %mul3A_0, %arg0 : i32
    "tpu.region"() ({
      %run_scoped3A = tpu.sem_alloc : memref<!tpu.dma_semaphore, #tpu.memory_space<semaphore_mem>>
      %dma_start3A_73 = arith.constant 0 : i32
      %dma_start3A_74 = arith.constant 0 : i32
      %dma_start3A_75 = tpu.memref_slice %arg2[%add3A, %dma_start3A_73, %dma_start3A_74] : memref<32x4x128xi32, #tpu.memory_space<hbm>> -> memref<1x4x128xi32, #tpu.memory_space<hbm>>
      %dma_start3A_76 = tpu.memref_squeeze %dma_start3A_75 : memref<1x4x128xi32, #tpu.memory_space<hbm>> -> memref<4x128xi32, #tpu.memory_space<hbm>>
      %dma_start3A_77 = arith.constant 0 : i32
      %dma_start3A_78 = arith.constant 0 : i32
      %dma_start3A_79 = tpu.memref_slice %arg2[%add3A, %dma_start3A_77, %dma_start3A_78] : memref<32x4x128xi32, #tpu.memory_space<hbm>> -> memref<1x4x128xi32, #tpu.memory_space<hbm>>
      %dma_start3A_80 = tpu.memref_squeeze %dma_start3A_79 : memref<1x4x128xi32, #tpu.memory_space<hbm>> -> memref<4x128xi32, #tpu.memory_space<hbm>>
      tpu.enqueue_dma source(%dma_start3A_80 : memref<4x128xi32, #tpu.memory_space<hbm>>) target(%arg9 : memref<4x128xi32, #tpu.memory_space<vmem>>) target_semaphore(%run_scoped3A : memref<!tpu.dma_semaphore, #tpu.memory_space<semaphore_mem>>)
      %dma_wait3A = arith.constant 0 : i32
      %dma_wait3A_81 = arith.constant 0 : i32
      %dma_wait3A_82 = tpu.memref_slice %arg2[%add3A, %dma_wait3A, %dma_wait3A_81] : memref<32x4x128xi32, #tpu.memory_space<hbm>> -> memref<1x4x128xi32, #tpu.memory_space<hbm>>
      %dma_wait3A_83 = tpu.memref_squeeze %dma_wait3A_82 : memref<1x4x128xi32, #tpu.memory_space<hbm>> -> memref<4x128xi32, #tpu.memory_space<hbm>>
      %dma_wait3A_84 = arith.constant 0 : i32
      %dma_wait3A_85 = arith.constant 0 : i32
      %dma_wait3A_86 = tpu.memref_slice %arg2[%add3A, %dma_wait3A_84, %dma_wait3A_85] : memref<32x4x128xi32, #tpu.memory_space<hbm>> -> memref<1x4x128xi32, #tpu.memory_space<hbm>>
      %dma_wait3A_87 = tpu.memref_squeeze %dma_wait3A_86 : memref<1x4x128xi32, #tpu.memory_space<hbm>> -> memref<4x128xi32, #tpu.memory_space<hbm>>
      tpu.wait_dma2 semaphore(%run_scoped3A : memref<!tpu.dma_semaphore, #tpu.memory_space<semaphore_mem>>) src(%dma_wait3A_87 : memref<4x128xi32, #tpu.memory_space<hbm>>) dst(%arg9 : memref<4x128xi32, #tpu.memory_space<vmem>>)
      tpu.yield
    }) : () -> ()
    "tpu.region"() ({
      %run_scoped3A = tpu.sem_alloc : memref<!tpu.dma_semaphore, #tpu.memory_space<semaphore_mem>>
      %dma_start3A_73 = arith.constant 0 : i32
      %dma_start3A_74 = arith.constant 0 : i32
      %dma_start3A_75 = tpu.memref_slice %arg3[%add3A, %dma_start3A_73, %dma_start3A_74] : memref<32x4x128xi32, #tpu.memory_space<hbm>> -> memref<1x4x128xi32, #tpu.memory_space<hbm>>
      %dma_start3A_76 = tpu.memref_squeeze %dma_start3A_75 : memref<1x4x128xi32, #tpu.memory_space<hbm>> -> memref<4x128xi32, #tpu.memory_space<hbm>>
      %dma_start3A_77 = arith.constant 0 : i32
      %dma_start3A_78 = arith.constant 0 : i32
      %dma_start3A_79 = tpu.memref_slice %arg3[%add3A, %dma_start3A_77, %dma_start3A_78] : memref<32x4x128xi32, #tpu.memory_space<hbm>> -> memref<1x4x128xi32, #tpu.memory_space<hbm>>
      %dma_start3A_80 = tpu.memref_squeeze %dma_start3A_79 : memref<1x4x128xi32, #tpu.memory_space<hbm>> -> memref<4x128xi32, #tpu.memory_space<hbm>>
      tpu.enqueue_dma source(%dma_start3A_80 : memref<4x128xi32, #tpu.memory_space<hbm>>) target(%arg10 : memref<4x128xi32, #tpu.memory_space<vmem>>) target_semaphore(%run_scoped3A : memref<!tpu.dma_semaphore, #tpu.memory_space<semaphore_mem>>)
      %dma_wait3A = arith.constant 0 : i32
      %dma_wait3A_81 = arith.constant 0 : i32
      %dma_wait3A_82 = tpu.memref_slice %arg3[%add3A, %dma_wait3A, %dma_wait3A_81] : memref<32x4x128xi32, #tpu.memory_space<hbm>> -> memref<1x4x128xi32, #tpu.memory_space<hbm>>
      %dma_wait3A_83 = tpu.memref_squeeze %dma_wait3A_82 : memref<1x4x128xi32, #tpu.memory_space<hbm>> -> memref<4x128xi32, #tpu.memory_space<hbm>>
      %dma_wait3A_84 = arith.constant 0 : i32
      %dma_wait3A_85 = arith.constant 0 : i32
      %dma_wait3A_86 = tpu.memref_slice %arg3[%add3A, %dma_wait3A_84, %dma_wait3A_85] : memref<32x4x128xi32, #tpu.memory_space<hbm>> -> memref<1x4x128xi32, #tpu.memory_space<hbm>>
      %dma_wait3A_87 = tpu.memref_squeeze %dma_wait3A_86 : memref<1x4x128xi32, #tpu.memory_space<hbm>> -> memref<4x128xi32, #tpu.memory_space<hbm>>
      tpu.wait_dma2 semaphore(%run_scoped3A : memref<!tpu.dma_semaphore, #tpu.memory_space<semaphore_mem>>) src(%dma_wait3A_87 : memref<4x128xi32, #tpu.memory_space<hbm>>) dst(%arg10 : memref<4x128xi32, #tpu.memory_space<vmem>>)
      tpu.yield
    }) : () -> ()
    %iota3A = tpu.iota {dimensions = array<i32: 0>} : vector<16xi32>
    %dma_start3A = arith.constant 0 : i32
    %dma_start3A_1 = arith.constant 0 : i32
    %dma_start3A_2 = tpu.memref_slice %arg9[%dma_start3A, %dma_start3A_1] : memref<4x128xi32, #tpu.memory_space<vmem>> -> memref<1x128xi32, #tpu.memory_space<vmem>>
    %dma_start3A_3 = tpu.memref_squeeze %dma_start3A_2 : memref<1x128xi32, #tpu.memory_space<vmem>> -> memref<128xi32, #tpu.memory_space<vmem>>
    %dma_start3A_4 = arith.constant 0 : i32
    %dma_start3A_5 = arith.constant 0 : i32
    %dma_start3A_6 = tpu.memref_slice %arg4[%dma_start3A_4, %dma_start3A_5] : memref<100000x128xf32, #tpu.memory_space<hbm>> -> memref<100000x128xf32, #tpu.memory_space<hbm>>
    tpu.enqueue_indirect_dma source(%dma_start3A_6 : memref<100000x128xf32, #tpu.memory_space<hbm>>) target(%arg11 : memref<128x128xf32, #tpu.memory_space<vmem>>) offsets(%dma_start3A_3 : memref<128xi32, #tpu.memory_space<vmem>>) semaphore(%arg20 : memref<!tpu.dma_semaphore, #tpu.memory_space<semaphore_mem>>)
    %dma_start3A_7 = arith.constant 0 : i32
    %dma_start3A_8 = arith.constant 0 : i32
    %dma_start3A_9 = tpu.memref_slice %arg10[%dma_start3A_7, %dma_start3A_8] : memref<4x128xi32, #tpu.memory_space<vmem>> -> memref<1x128xi32, #tpu.memory_space<vmem>>
    %dma_start3A_10 = tpu.memref_squeeze %dma_start3A_9 : memref<1x128xi32, #tpu.memory_space<vmem>> -> memref<128xi32, #tpu.memory_space<vmem>>
    %dma_start3A_11 = arith.constant 0 : i32
    %dma_start3A_12 = arith.constant 0 : i32
    %dma_start3A_13 = tpu.memref_slice %arg5[%dma_start3A_11, %dma_start3A_12] : memref<1000000x128xf32, #tpu.memory_space<hbm>> -> memref<1000000x128xf32, #tpu.memory_space<hbm>>
    tpu.enqueue_indirect_dma source(%dma_start3A_13 : memref<1000000x128xf32, #tpu.memory_space<hbm>>) target(%arg13 : memref<128x128xf32, #tpu.memory_space<vmem>>) offsets(%dma_start3A_10 : memref<128xi32, #tpu.memory_space<vmem>>) semaphore(%arg22 : memref<!tpu.dma_semaphore, #tpu.memory_space<semaphore_mem>>)
    %dma_start3A_14 = arith.constant 0 : i32
    %dma_start3A_15 = arith.constant 0 : i32
    %dma_start3A_16 = arith.constant 0 : i32
    %dma_start3A_17 = tpu.memref_slice %arg9[%dma_start3A_15, %dma_start3A_16] : memref<4x128xi32, #tpu.memory_space<vmem>> -> memref<1x128xi32, #tpu.memory_space<vmem>>
    %dma_start3A_18 = tpu.memref_squeeze %dma_start3A_17 : memref<1x128xi32, #tpu.memory_space<vmem>> -> memref<128xi32, #tpu.memory_space<vmem>>
    %dma_start3A_19 = arith.constant 0 : i32
    %dma_start3A_20 = tpu.memref_slice %arg6[%dma_start3A_14, %dma_start3A_19] : memref<1x100000xf32, #tpu.memory_space<hbm>> -> memref<1x100000xf32, #tpu.memory_space<hbm>>
    %dma_start3A_21 = tpu.memref_squeeze %dma_start3A_20 : memref<1x100000xf32, #tpu.memory_space<hbm>> -> memref<100000xf32, #tpu.memory_space<hbm>>
    %dma_start3A_22 = arith.constant 0 : i32
    %dma_start3A_23 = tpu.memref_slice %dma_start3A_21[%dma_start3A_22] : memref<100000xf32, #tpu.memory_space<hbm>> -> memref<100000xf32, #tpu.memory_space<hbm>>
    tpu.enqueue_indirect_dma source(%dma_start3A_23 : memref<100000xf32, #tpu.memory_space<hbm>>) target(%arg15 : memref<128xf32, #tpu.memory_space<vmem>>) offsets(%dma_start3A_18 : memref<128xi32, #tpu.memory_space<vmem>>) semaphore(%arg24 : memref<!tpu.dma_semaphore, #tpu.memory_space<semaphore_mem>>)
    %dma_start3A_24 = arith.constant 0 : i32
    %dma_start3A_25 = arith.constant 0 : i32
    %dma_start3A_26 = arith.constant 0 : i32
    %dma_start3A_27 = tpu.memref_slice %arg10[%dma_start3A_25, %dma_start3A_26] : memref<4x128xi32, #tpu.memory_space<vmem>> -> memref<1x128xi32, #tpu.memory_space<vmem>>
    %dma_start3A_28 = tpu.memref_squeeze %dma_start3A_27 : memref<1x128xi32, #tpu.memory_space<vmem>> -> memref<128xi32, #tpu.memory_space<vmem>>
    %dma_start3A_29 = arith.constant 0 : i32
    %dma_start3A_30 = tpu.memref_slice %arg7[%dma_start3A_24, %dma_start3A_29] : memref<1x1000000xf32, #tpu.memory_space<hbm>> -> memref<1x1000000xf32, #tpu.memory_space<hbm>>
    %dma_start3A_31 = tpu.memref_squeeze %dma_start3A_30 : memref<1x1000000xf32, #tpu.memory_space<hbm>> -> memref<1000000xf32, #tpu.memory_space<hbm>>
    %dma_start3A_32 = arith.constant 0 : i32
    %dma_start3A_33 = tpu.memref_slice %dma_start3A_31[%dma_start3A_32] : memref<1000000xf32, #tpu.memory_space<hbm>> -> memref<1000000xf32, #tpu.memory_space<hbm>>
    tpu.enqueue_indirect_dma source(%dma_start3A_33 : memref<1000000xf32, #tpu.memory_space<hbm>>) target(%arg17 : memref<128xf32, #tpu.memory_space<vmem>>) offsets(%dma_start3A_28 : memref<128xi32, #tpu.memory_space<vmem>>) semaphore(%arg24 : memref<!tpu.dma_semaphore, #tpu.memory_space<semaphore_mem>>)
    %dma_start3A_34 = arith.constant 1 : i32
    %dma_start3A_35 = arith.constant 0 : i32
    %dma_start3A_36 = tpu.memref_slice %arg9[%dma_start3A_34, %dma_start3A_35] : memref<4x128xi32, #tpu.memory_space<vmem>> -> memref<1x128xi32, #tpu.memory_space<vmem>>
    %dma_start3A_37 = tpu.memref_squeeze %dma_start3A_36 : memref<1x128xi32, #tpu.memory_space<vmem>> -> memref<128xi32, #tpu.memory_space<vmem>>
    %dma_start3A_38 = arith.constant 0 : i32
    %dma_start3A_39 = arith.constant 0 : i32
    %dma_start3A_40 = tpu.memref_slice %arg4[%dma_start3A_38, %dma_start3A_39] : memref<100000x128xf32, #tpu.memory_space<hbm>> -> memref<100000x128xf32, #tpu.memory_space<hbm>>
    tpu.enqueue_indirect_dma source(%dma_start3A_40 : memref<100000x128xf32, #tpu.memory_space<hbm>>) target(%arg12 : memref<128x128xf32, #tpu.memory_space<vmem>>) offsets(%dma_start3A_37 : memref<128xi32, #tpu.memory_space<vmem>>) semaphore(%arg21 : memref<!tpu.dma_semaphore, #tpu.memory_space<semaphore_mem>>)
    %dma_start3A_41 = arith.constant 1 : i32
    %dma_start3A_42 = arith.constant 0 : i32
    %dma_start3A_43 = tpu.memref_slice %arg10[%dma_start3A_41, %dma_start3A_42] : memref<4x128xi32, #tpu.memory_space<vmem>> -> memref<1x128xi32, #tpu.memory_space<vmem>>
    %dma_start3A_44 = tpu.memref_squeeze %dma_start3A_43 : memref<1x128xi32, #tpu.memory_space<vmem>> -> memref<128xi32, #tpu.memory_space<vmem>>
    %dma_start3A_45 = arith.constant 0 : i32
    %dma_start3A_46 = arith.constant 0 : i32
    %dma_start3A_47 = tpu.memref_slice %arg5[%dma_start3A_45, %dma_start3A_46] : memref<1000000x128xf32, #tpu.memory_space<hbm>> -> memref<1000000x128xf32, #tpu.memory_space<hbm>>
    tpu.enqueue_indirect_dma source(%dma_start3A_47 : memref<1000000x128xf32, #tpu.memory_space<hbm>>) target(%arg14 : memref<128x128xf32, #tpu.memory_space<vmem>>) offsets(%dma_start3A_44 : memref<128xi32, #tpu.memory_space<vmem>>) semaphore(%arg23 : memref<!tpu.dma_semaphore, #tpu.memory_space<semaphore_mem>>)
    %dma_start3A_48 = arith.constant 0 : i32
    %dma_start3A_49 = arith.constant 1 : i32
    %dma_start3A_50 = arith.constant 0 : i32
    %dma_start3A_51 = tpu.memref_slice %arg9[%dma_start3A_49, %dma_start3A_50] : memref<4x128xi32, #tpu.memory_space<vmem>> -> memref<1x128xi32, #tpu.memory_space<vmem>>
    %dma_start3A_52 = tpu.memref_squeeze %dma_start3A_51 : memref<1x128xi32, #tpu.memory_space<vmem>> -> memref<128xi32, #tpu.memory_space<vmem>>
    %dma_start3A_53 = arith.constant 0 : i32
    %dma_start3A_54 = tpu.memref_slice %arg6[%dma_start3A_48, %dma_start3A_53] : memref<1x100000xf32, #tpu.memory_space<hbm>> -> memref<1x100000xf32, #tpu.memory_space<hbm>>
    %dma_start3A_55 = tpu.memref_squeeze %dma_start3A_54 : memref<1x100000xf32, #tpu.memory_space<hbm>> -> memref<100000xf32, #tpu.memory_space<hbm>>
    %dma_start3A_56 = arith.constant 0 : i32
    %dma_start3A_57 = tpu.memref_slice %dma_start3A_55[%dma_start3A_56] : memref<100000xf32, #tpu.memory_space<hbm>> -> memref<100000xf32, #tpu.memory_space<hbm>>
    tpu.enqueue_indirect_dma source(%dma_start3A_57 : memref<100000xf32, #tpu.memory_space<hbm>>) target(%arg16 : memref<128xf32, #tpu.memory_space<vmem>>) offsets(%dma_start3A_52 : memref<128xi32, #tpu.memory_space<vmem>>) semaphore(%arg25 : memref<!tpu.dma_semaphore, #tpu.memory_space<semaphore_mem>>)
    %dma_start3A_58 = arith.constant 0 : i32
    %dma_start3A_59 = arith.constant 1 : i32
    %dma_start3A_60 = arith.constant 0 : i32
    %dma_start3A_61 = tpu.memref_slice %arg10[%dma_start3A_59, %dma_start3A_60] : memref<4x128xi32, #tpu.memory_space<vmem>> -> memref<1x128xi32, #tpu.memory_space<vmem>>
    %dma_start3A_62 = tpu.memref_squeeze %dma_start3A_61 : memref<1x128xi32, #tpu.memory_space<vmem>> -> memref<128xi32, #tpu.memory_space<vmem>>
    %dma_start3A_63 = arith.constant 0 : i32
    %dma_start3A_64 = tpu.memref_slice %arg7[%dma_start3A_58, %dma_start3A_63] : memref<1x1000000xf32, #tpu.memory_space<hbm>> -> memref<1x1000000xf32, #tpu.memory_space<hbm>>
    %dma_start3A_65 = tpu.memref_squeeze %dma_start3A_64 : memref<1x1000000xf32, #tpu.memory_space<hbm>> -> memref<1000000xf32, #tpu.memory_space<hbm>>
    %dma_start3A_66 = arith.constant 0 : i32
    %dma_start3A_67 = tpu.memref_slice %dma_start3A_65[%dma_start3A_66] : memref<1000000xf32, #tpu.memory_space<hbm>> -> memref<1000000xf32, #tpu.memory_space<hbm>>
    tpu.enqueue_indirect_dma source(%dma_start3A_67 : memref<1000000xf32, #tpu.memory_space<hbm>>) target(%arg18 : memref<128xf32, #tpu.memory_space<vmem>>) offsets(%dma_start3A_62 : memref<128xi32, #tpu.memory_space<vmem>>) semaphore(%arg25 : memref<!tpu.dma_semaphore, #tpu.memory_space<semaphore_mem>>)
    %scan3A = arith.constant 0 : i32
    %scan3A_68 = arith.constant 0 : i32
    %scan3A_69 = arith.constant 2 : i32
    %scan3A_70 = arith.addi %scan3A_68, %scan3A_69 : i32
    %scan3A_71 = arith.constant 1 : i32
    scf.for %scan3A_73 = %scan3A_68 to %scan3A_70 step %scan3A_71  : i32 {
      %mul3A_74 = arith.constant 2 : i32
      %mul3A_75 = arith.muli %scan3A_73, %mul3A_74 : i32
      %add3A_76 = arith.constant 0 : i32
      %add3A_77 = arith.addi %mul3A_75, %add3A_76 : i32
      "tpu.trace_start"() <{level = 10 : i32, message = "wait_0"}> : () -> ()
      %dma_wait3A = arith.constant 0 : i32
      %dma_wait3A_78 = tpu.memref_slice %arg9[%add3A_77, %dma_wait3A] : memref<4x128xi32, #tpu.memory_space<vmem>> -> memref<1x128xi32, #tpu.memory_space<vmem>>
      %dma_wait3A_79 = tpu.memref_squeeze %dma_wait3A_78 : memref<1x128xi32, #tpu.memory_space<vmem>> -> memref<128xi32, #tpu.memory_space<vmem>>
      %dma_wait3A_80 = arith.constant 0 : i32
      %dma_wait3A_81 = arith.constant 0 : i32
      %dma_wait3A_82 = tpu.memref_slice %arg4[%dma_wait3A_80, %dma_wait3A_81] : memref<100000x128xf32, #tpu.memory_space<hbm>> -> memref<100000x128xf32, #tpu.memory_space<hbm>>
      tpu.wait_indirect_dma semaphore(%arg20 : memref<!tpu.dma_semaphore, #tpu.memory_space<semaphore_mem>>) src(%dma_wait3A_82 : memref<100000x128xf32, #tpu.memory_space<hbm>>) dst(%arg11 : memref<128x128xf32, #tpu.memory_space<vmem>>)
      %dma_wait3A_83 = arith.constant 0 : i32
      %dma_wait3A_84 = tpu.memref_slice %arg10[%add3A_77, %dma_wait3A_83] : memref<4x128xi32, #tpu.memory_space<vmem>> -> memref<1x128xi32, #tpu.memory_space<vmem>>
      %dma_wait3A_85 = tpu.memref_squeeze %dma_wait3A_84 : memref<1x128xi32, #tpu.memory_space<vmem>> -> memref<128xi32, #tpu.memory_space<vmem>>
      %dma_wait3A_86 = arith.constant 0 : i32
      %dma_wait3A_87 = arith.constant 0 : i32
      %dma_wait3A_88 = tpu.memref_slice %arg5[%dma_wait3A_86, %dma_wait3A_87] : memref<1000000x128xf32, #tpu.memory_space<hbm>> -> memref<1000000x128xf32, #tpu.memory_space<hbm>>
      tpu.wait_indirect_dma semaphore(%arg22 : memref<!tpu.dma_semaphore, #tpu.memory_space<semaphore_mem>>) src(%dma_wait3A_88 : memref<1000000x128xf32, #tpu.memory_space<hbm>>) dst(%arg13 : memref<128x128xf32, #tpu.memory_space<vmem>>)
      %dma_wait3A_89 = arith.constant 0 : i32
      %dma_wait3A_90 = arith.constant 0 : i32
      %dma_wait3A_91 = tpu.memref_slice %arg9[%add3A_77, %dma_wait3A_90] : memref<4x128xi32, #tpu.memory_space<vmem>> -> memref<1x128xi32, #tpu.memory_space<vmem>>
      %dma_wait3A_92 = tpu.memref_squeeze %dma_wait3A_91 : memref<1x128xi32, #tpu.memory_space<vmem>> -> memref<128xi32, #tpu.memory_space<vmem>>
      %dma_wait3A_93 = arith.constant 0 : i32
      %dma_wait3A_94 = tpu.memref_slice %arg6[%dma_wait3A_89, %dma_wait3A_93] : memref<1x100000xf32, #tpu.memory_space<hbm>> -> memref<1x100000xf32, #tpu.memory_space<hbm>>
      %dma_wait3A_95 = tpu.memref_squeeze %dma_wait3A_94 : memref<1x100000xf32, #tpu.memory_space<hbm>> -> memref<100000xf32, #tpu.memory_space<hbm>>
      %dma_wait3A_96 = arith.constant 0 : i32
      %dma_wait3A_97 = tpu.memref_slice %dma_wait3A_95[%dma_wait3A_96] : memref<100000xf32, #tpu.memory_space<hbm>> -> memref<100000xf32, #tpu.memory_space<hbm>>
      tpu.wait_indirect_dma semaphore(%arg24 : memref<!tpu.dma_semaphore, #tpu.memory_space<semaphore_mem>>) src(%dma_wait3A_97 : memref<100000xf32, #tpu.memory_space<hbm>>) dst(%arg15 : memref<128xf32, #tpu.memory_space<vmem>>)
      %dma_wait3A_98 = arith.constant 0 : i32
      %dma_wait3A_99 = arith.constant 0 : i32
      %dma_wait3A_100 = tpu.memref_slice %arg10[%add3A_77, %dma_wait3A_99] : memref<4x128xi32, #tpu.memory_space<vmem>> -> memref<1x128xi32, #tpu.memory_space<vmem>>
      %dma_wait3A_101 = tpu.memref_squeeze %dma_wait3A_100 : memref<1x128xi32, #tpu.memory_space<vmem>> -> memref<128xi32, #tpu.memory_space<vmem>>
      %dma_wait3A_102 = arith.constant 0 : i32
      %dma_wait3A_103 = tpu.memref_slice %arg7[%dma_wait3A_98, %dma_wait3A_102] : memref<1x1000000xf32, #tpu.memory_space<hbm>> -> memref<1x1000000xf32, #tpu.memory_space<hbm>>
      %dma_wait3A_104 = tpu.memref_squeeze %dma_wait3A_103 : memref<1x1000000xf32, #tpu.memory_space<hbm>> -> memref<1000000xf32, #tpu.memory_space<hbm>>
      %dma_wait3A_105 = arith.constant 0 : i32
      %dma_wait3A_106 = tpu.memref_slice %dma_wait3A_104[%dma_wait3A_105] : memref<1000000xf32, #tpu.memory_space<hbm>> -> memref<1000000xf32, #tpu.memory_space<hbm>>
      tpu.wait_indirect_dma semaphore(%arg24 : memref<!tpu.dma_semaphore, #tpu.memory_space<semaphore_mem>>) src(%dma_wait3A_106 : memref<1000000xf32, #tpu.memory_space<hbm>>) dst(%arg17 : memref<128xf32, #tpu.memory_space<vmem>>)
      %parallel_loop3A = arith.constant 0 : i32
      %parallel_loop3A_107 = arith.constant 8 : i32
      %parallel_loop3A_108 = arith.constant 1 : i32
      "tpu.trace_stop"() : () -> ()
      "tpu.trace_start"() <{level = 10 : i32, message = "compute_0"}> : () -> ()
      scf.for %parallel_loop3A_153 = %parallel_loop3A to %parallel_loop3A_107 step %parallel_loop3A_108  : i32 {
        %parallel_loop3A_154 = arith.constant 16 : i32
        %parallel_loop3A_155 = arith.muli %parallel_loop3A_153, %parallel_loop3A_154 : i32
        %parallel_loop3A_156 = arith.constant 0 : i32
        %parallel_loop3A_157 = arith.addi %parallel_loop3A_155, %parallel_loop3A_156 : i32
        %parallel_loop3A_158 = arith.index_cast %parallel_loop3A_157 : i32 to index
        %parallel_loop3A_159 = arith.constant 0 : index
        %parallel_loop3A_160 = tpu.vector_load %arg11[%parallel_loop3A_158, %parallel_loop3A_159] {strides = array<i32>} : memref<128x128xf32, #tpu.memory_space<vmem>>, vector<16xf32>,
        %parallel_loop3A_161 = arith.index_cast %parallel_loop3A_157 : i32 to index
        %parallel_loop3A_162 = arith.constant 0 : index
        %parallel_loop3A_163 = tpu.vector_load %arg13[%parallel_loop3A_161, %parallel_loop3A_162] {strides = array<i32>} : memref<128x128xf32, #tpu.memory_space<vmem>>, vector<16xf32>,
        %parallel_loop3A_164 = arith.mulf %parallel_loop3A_160, %parallel_loop3A_163 : vector<16xf32>
        %parallel_loop3A_165 = arith.index_cast %parallel_loop3A_157 : i32 to index
        %parallel_loop3A_166 = arith.constant 16 : index
        %parallel_loop3A_167 = tpu.vector_load %arg11[%parallel_loop3A_165, %parallel_loop3A_166] {strides = array<i32>} : memref<128x128xf32, #tpu.memory_space<vmem>>, vector<16xf32>,
        %parallel_loop3A_168 = arith.index_cast %parallel_loop3A_157 : i32 to index
        %parallel_loop3A_169 = arith.constant 16 : index
        %parallel_loop3A_170 = tpu.vector_load %arg13[%parallel_loop3A_168, %parallel_loop3A_169] {strides = array<i32>} : memref<128x128xf32, #tpu.memory_space<vmem>>, vector<16xf32>,
        %parallel_loop3A_171 = arith.mulf %parallel_loop3A_167, %parallel_loop3A_170 : vector<16xf32>
        %parallel_loop3A_172 = arith.index_cast %parallel_loop3A_157 : i32 to index
        %parallel_loop3A_173 = arith.constant 32 : index
        %parallel_loop3A_174 = tpu.vector_load %arg11[%parallel_loop3A_172, %parallel_loop3A_173] {strides = array<i32>} : memref<128x128xf32, #tpu.memory_space<vmem>>, vector<16xf32>,
        %parallel_loop3A_175 = arith.index_cast %parallel_loop3A_157 : i32 to index
        %parallel_loop3A_176 = arith.constant 32 : index
        %parallel_loop3A_177 = tpu.vector_load %arg13[%parallel_loop3A_175, %parallel_loop3A_176] {strides = array<i32>} : memref<128x128xf32, #tpu.memory_space<vmem>>, vector<16xf32>,
        %parallel_loop3A_178 = arith.mulf %parallel_loop3A_174, %parallel_loop3A_177 : vector<16xf32>
        %parallel_loop3A_179 = arith.addf %parallel_loop3A_164, %parallel_loop3A_178 : vector<16xf32>
        %parallel_loop3A_180 = arith.index_cast %parallel_loop3A_157 : i32 to index
        %parallel_loop3A_181 = arith.constant 48 : index
        %parallel_loop3A_182 = tpu.vector_load %arg11[%parallel_loop3A_180, %parallel_loop3A_181] {strides = array<i32>} : memref<128x128xf32, #tpu.memory_space<vmem>>, vector<16xf32>,
        %parallel_loop3A_183 = arith.index_cast %parallel_loop3A_157 : i32 to index
        %parallel_loop3A_184 = arith.constant 48 : index
        %parallel_loop3A_185 = tpu.vector_load %arg13[%parallel_loop3A_183, %parallel_loop3A_184] {strides = array<i32>} : memref<128x128xf32, #tpu.memory_space<vmem>>, vector<16xf32>,
        %parallel_loop3A_186 = arith.mulf %parallel_loop3A_182, %parallel_loop3A_185 : vector<16xf32>
        %parallel_loop3A_187 = arith.addf %parallel_loop3A_171, %parallel_loop3A_186 : vector<16xf32>
        %parallel_loop3A_188 = arith.index_cast %parallel_loop3A_157 : i32 to index
        %parallel_loop3A_189 = arith.constant 64 : index
        %parallel_loop3A_190 = tpu.vector_load %arg11[%parallel_loop3A_188, %parallel_loop3A_189] {strides = array<i32>} : memref<128x128xf32, #tpu.memory_space<vmem>>, vector<16xf32>,
        %parallel_loop3A_191 = arith.index_cast %parallel_loop3A_157 : i32 to index
        %parallel_loop3A_192 = arith.constant 64 : index
        %parallel_loop3A_193 = tpu.vector_load %arg13[%parallel_loop3A_191, %parallel_loop3A_192] {strides = array<i32>} : memref<128x128xf32, #tpu.memory_space<vmem>>, vector<16xf32>,
        %parallel_loop3A_194 = arith.mulf %parallel_loop3A_190, %parallel_loop3A_193 : vector<16xf32>
        %parallel_loop3A_195 = arith.addf %parallel_loop3A_179, %parallel_loop3A_194 : vector<16xf32>
        %parallel_loop3A_196 = arith.index_cast %parallel_loop3A_157 : i32 to index
        %parallel_loop3A_197 = arith.constant 80 : index
        %parallel_loop3A_198 = tpu.vector_load %arg11[%parallel_loop3A_196, %parallel_loop3A_197] {strides = array<i32>} : memref<128x128xf32, #tpu.memory_space<vmem>>, vector<16xf32>,
        %parallel_loop3A_199 = arith.index_cast %parallel_loop3A_157 : i32 to index
        %parallel_loop3A_200 = arith.constant 80 : index
        %parallel_loop3A_201 = tpu.vector_load %arg13[%parallel_loop3A_199, %parallel_loop3A_200] {strides = array<i32>} : memref<128x128xf32, #tpu.memory_space<vmem>>, vector<16xf32>,
        %parallel_loop3A_202 = arith.mulf %parallel_loop3A_198, %parallel_loop3A_201 : vector<16xf32>
        %parallel_loop3A_203 = arith.addf %parallel_loop3A_187, %parallel_loop3A_202 : vector<16xf32>
        %parallel_loop3A_204 = arith.index_cast %parallel_loop3A_157 : i32 to index
        %parallel_loop3A_205 = arith.constant 96 : index
        %parallel_loop3A_206 = tpu.vector_load %arg11[%parallel_loop3A_204, %parallel_loop3A_205] {strides = array<i32>} : memref<128x128xf32, #tpu.memory_space<vmem>>, vector<16xf32>,
        %parallel_loop3A_207 = arith.index_cast %parallel_loop3A_157 : i32 to index
        %parallel_loop3A_208 = arith.constant 96 : index
        %parallel_loop3A_209 = tpu.vector_load %arg13[%parallel_loop3A_207, %parallel_loop3A_208] {strides = array<i32>} : memref<128x128xf32, #tpu.memory_space<vmem>>, vector<16xf32>,
        %parallel_loop3A_210 = arith.mulf %parallel_loop3A_206, %parallel_loop3A_209 : vector<16xf32>
        %parallel_loop3A_211 = arith.addf %parallel_loop3A_195, %parallel_loop3A_210 : vector<16xf32>
        %parallel_loop3A_212 = arith.index_cast %parallel_loop3A_157 : i32 to index
        %parallel_loop3A_213 = arith.constant 112 : index
        %parallel_loop3A_214 = tpu.vector_load %arg11[%parallel_loop3A_212, %parallel_loop3A_213] {strides = array<i32>} : memref<128x128xf32, #tpu.memory_space<vmem>>, vector<16xf32>,
        %parallel_loop3A_215 = arith.index_cast %parallel_loop3A_157 : i32 to index
        %parallel_loop3A_216 = arith.constant 112 : index
        %parallel_loop3A_217 = tpu.vector_load %arg13[%parallel_loop3A_215, %parallel_loop3A_216] {strides = array<i32>} : memref<128x128xf32, #tpu.memory_space<vmem>>, vector<16xf32>,
        %parallel_loop3A_218 = arith.mulf %parallel_loop3A_214, %parallel_loop3A_217 : vector<16xf32>
        %parallel_loop3A_219 = arith.addf %parallel_loop3A_203, %parallel_loop3A_218 : vector<16xf32>
        %parallel_loop3A_220 = arith.addf %parallel_loop3A_211, %parallel_loop3A_219 : vector<16xf32>
        %parallel_loop3A_221 = arith.constant 16 : i32
        %parallel_loop3A_222 = arith.muli %parallel_loop3A_153, %parallel_loop3A_221 : i32
        %parallel_loop3A_223 = arith.constant 1 : i32
        %parallel_loop3A_224 = arith.addi %parallel_loop3A_222, %parallel_loop3A_223 : i32
        %parallel_loop3A_225 = arith.index_cast %parallel_loop3A_224 : i32 to index
        %parallel_loop3A_226 = arith.constant 0 : index
        %parallel_loop3A_227 = tpu.vector_load %arg11[%parallel_loop3A_225, %parallel_loop3A_226] {strides = array<i32>} : memref<128x128xf32, #tpu.memory_space<vmem>>, vector<16xf32>,
        %parallel_loop3A_228 = arith.index_cast %parallel_loop3A_224 : i32 to index
        %parallel_loop3A_229 = arith.constant 0 : index
        %parallel_loop3A_230 = tpu.vector_load %arg13[%parallel_loop3A_228, %parallel_loop3A_229] {strides = array<i32>} : memref<128x128xf32, #tpu.memory_space<vmem>>, vector<16xf32>,
        %parallel_loop3A_231 = arith.mulf %parallel_loop3A_227, %parallel_loop3A_230 : vector<16xf32>
        %parallel_loop3A_232 = arith.index_cast %parallel_loop3A_224 : i32 to index
        %parallel_loop3A_233 = arith.constant 16 : index
        %parallel_loop3A_234 = tpu.vector_load %arg11[%parallel_loop3A_232, %parallel_loop3A_233] {strides = array<i32>} : memref<128x128xf32, #tpu.memory_space<vmem>>, vector<16xf32>,
        %parallel_loop3A_235 = arith.index_cast %parallel_loop3A_224 : i32 to index
        %parallel_loop3A_236 = arith.constant 16 : index
        %parallel_loop3A_237 = tpu.vector_load %arg13[%parallel_loop3A_235, %parallel_loop3A_236] {strides = array<i32>} : memref<128x128xf32, #tpu.memory_space<vmem>>, vector<16xf32>,
        %parallel_loop3A_238 = arith.mulf %parallel_loop3A_234, %parallel_loop3A_237 : vector<16xf32>
        %parallel_loop3A_239 = arith.index_cast %parallel_loop3A_224 : i32 to index
        %parallel_loop3A_240 = arith.constant 32 : index
        %parallel_loop3A_241 = tpu.vector_load %arg11[%parallel_loop3A_239, %parallel_loop3A_240] {strides = array<i32>} : memref<128x128xf32, #tpu.memory_space<vmem>>, vector<16xf32>,
        %parallel_loop3A_242 = arith.index_cast %parallel_loop3A_224 : i32 to index
        %parallel_loop3A_243 = arith.constant 32 : index
        %parallel_loop3A_244 = tpu.vector_load %arg13[%parallel_loop3A_242, %parallel_loop3A_243] {strides = array<i32>} : memref<128x128xf32, #tpu.memory_space<vmem>>, vector<16xf32>,
        %parallel_loop3A_245 = arith.mulf %parallel_loop3A_241, %parallel_loop3A_244 : vector<16xf32>
        %parallel_loop3A_246 = arith.addf %parallel_loop3A_231, %parallel_loop3A_245 : vector<16xf32>
        %parallel_loop3A_247 = arith.index_cast %parallel_loop3A_224 : i32 to index
        %parallel_loop3A_248 = arith.constant 48 : index
        %parallel_loop3A_249 = tpu.vector_load %arg11[%parallel_loop3A_247, %parallel_loop3A_248] {strides = array<i32>} : memref<128x128xf32, #tpu.memory_space<vmem>>, vector<16xf32>,
        %parallel_loop3A_250 = arith.index_cast %parallel_loop3A_224 : i32 to index
        %parallel_loop3A_251 = arith.constant 48 : index
        %parallel_loop3A_252 = tpu.vector_load %arg13[%parallel_loop3A_250, %parallel_loop3A_251] {strides = array<i32>} : memref<128x128xf32, #tpu.memory_space<vmem>>, vector<16xf32>,
        %parallel_loop3A_253 = arith.mulf %parallel_loop3A_249, %parallel_loop3A_252 : vector<16xf32>
        %parallel_loop3A_254 = arith.addf %parallel_loop3A_238, %parallel_loop3A_253 : vector<16xf32>
        %parallel_loop3A_255 = arith.index_cast %parallel_loop3A_224 : i32 to index
        %parallel_loop3A_256 = arith.constant 64 : index
        %parallel_loop3A_257 = tpu.vector_load %arg11[%parallel_loop3A_255, %parallel_loop3A_256] {strides = array<i32>} : memref<128x128xf32, #tpu.memory_space<vmem>>, vector<16xf32>,
        %parallel_loop3A_258 = arith.index_cast %parallel_loop3A_224 : i32 to index
        %parallel_loop3A_259 = arith.constant 64 : index
        %parallel_loop3A_260 = tpu.vector_load %arg13[%parallel_loop3A_258, %parallel_loop3A_259] {strides = array<i32>} : memref<128x128xf32, #tpu.memory_space<vmem>>, vector<16xf32>,
        %parallel_loop3A_261 = arith.mulf %parallel_loop3A_257, %parallel_loop3A_260 : vector<16xf32>
        %parallel_loop3A_262 = arith.addf %parallel_loop3A_246, %parallel_loop3A_261 : vector<16xf32>
        %parallel_loop3A_263 = arith.index_cast %parallel_loop3A_224 : i32 to index
        %parallel_loop3A_264 = arith.constant 80 : index
        %parallel_loop3A_265 = tpu.vector_load %arg11[%parallel_loop3A_263, %parallel_loop3A_264] {strides = array<i32>} : memref<128x128xf32, #tpu.memory_space<vmem>>, vector<16xf32>,
        %parallel_loop3A_266 = arith.index_cast %parallel_loop3A_224 : i32 to index
        %parallel_loop3A_267 = arith.constant 80 : index
        %parallel_loop3A_268 = tpu.vector_load %arg13[%parallel_loop3A_266, %parallel_loop3A_267] {strides = array<i32>} : memref<128x128xf32, #tpu.memory_space<vmem>>, vector<16xf32>,
        %parallel_loop3A_269 = arith.mulf %parallel_loop3A_265, %parallel_loop3A_268 : vector<16xf32>
        %parallel_loop3A_270 = arith.addf %parallel_loop3A_254, %parallel_loop3A_269 : vector<16xf32>
        %parallel_loop3A_271 = arith.index_cast %parallel_loop3A_224 : i32 to index
        %parallel_loop3A_272 = arith.constant 96 : index
        %parallel_loop3A_273 = tpu.vector_load %arg11[%parallel_loop3A_271, %parallel_loop3A_272] {strides = array<i32>} : memref<128x128xf32, #tpu.memory_space<vmem>>, vector<16xf32>,
        %parallel_loop3A_274 = arith.index_cast %parallel_loop3A_224 : i32 to index
        %parallel_loop3A_275 = arith.constant 96 : index
        %parallel_loop3A_276 = tpu.vector_load %arg13[%parallel_loop3A_274, %parallel_loop3A_275] {strides = array<i32>} : memref<128x128xf32, #tpu.memory_space<vmem>>, vector<16xf32>,
        %parallel_loop3A_277 = arith.mulf %parallel_loop3A_273, %parallel_loop3A_276 : vector<16xf32>
        %parallel_loop3A_278 = arith.addf %parallel_loop3A_262, %parallel_loop3A_277 : vector<16xf32>
        %parallel_loop3A_279 = arith.index_cast %parallel_loop3A_224 : i32 to index
        %parallel_loop3A_280 = arith.constant 112 : index
        %parallel_loop3A_281 = tpu.vector_load %arg11[%parallel_loop3A_279, %parallel_loop3A_280] {strides = array<i32>} : memref<128x128xf32, #tpu.memory_space<vmem>>, vector<16xf32>,
        %parallel_loop3A_282 = arith.index_cast %parallel_loop3A_224 : i32 to index
        %parallel_loop3A_283 = arith.constant 112 : index
        %parallel_loop3A_284 = tpu.vector_load %arg13[%parallel_loop3A_282, %parallel_loop3A_283] {strides = array<i32>} : memref<128x128xf32, #tpu.memory_space<vmem>>, vector<16xf32>,
        %parallel_loop3A_285 = arith.mulf %parallel_loop3A_281, %parallel_loop3A_284 : vector<16xf32>
        %parallel_loop3A_286 = arith.addf %parallel_loop3A_270, %parallel_loop3A_285 : vector<16xf32>
        %parallel_loop3A_287 = arith.addf %parallel_loop3A_278, %parallel_loop3A_286 : vector<16xf32>
        %parallel_loop3A_288 = arith.constant 16 : i32
        %parallel_loop3A_289 = arith.muli %parallel_loop3A_153, %parallel_loop3A_288 : i32
        %parallel_loop3A_290 = arith.constant 2 : i32
        %parallel_loop3A_291 = arith.addi %parallel_loop3A_289, %parallel_loop3A_290 : i32
        %parallel_loop3A_292 = arith.index_cast %parallel_loop3A_291 : i32 to index
        %parallel_loop3A_293 = arith.constant 0 : index
        %parallel_loop3A_294 = tpu.vector_load %arg11[%parallel_loop3A_292, %parallel_loop3A_293] {strides = array<i32>} : memref<128x128xf32, #tpu.memory_space<vmem>>, vector<16xf32>,
        %parallel_loop3A_295 = arith.index_cast %parallel_loop3A_291 : i32 to index
        %parallel_loop3A_296 = arith.constant 0 : index
        %parallel_loop3A_297 = tpu.vector_load %arg13[%parallel_loop3A_295, %parallel_loop3A_296] {strides = array<i32>} : memref<128x128xf32, #tpu.memory_space<vmem>>, vector<16xf32>,
        %parallel_loop3A_298 = arith.mulf %parallel_loop3A_294, %parallel_loop3A_297 : vector<16xf32>
        %parallel_loop3A_299 = arith.index_cast %parallel_loop3A_291 : i32 to index
        %parallel_loop3A_300 = arith.constant 16 : index
        %parallel_loop3A_301 = tpu.vector_load %arg11[%parallel_loop3A_299, %parallel_loop3A_300] {strides = array<i32>} : memref<128x128xf32, #tpu.memory_space<vmem>>, vector<16xf32>,
        %parallel_loop3A_302 = arith.index_cast %parallel_loop3A_291 : i32 to index
        %parallel_loop3A_303 = arith.constant 16 : index
        %parallel_loop3A_304 = tpu.vector_load %arg13[%parallel_loop3A_302, %parallel_loop3A_303] {strides = array<i32>} : memref<128x128xf32, #tpu.memory_space<vmem>>, vector<16xf32>,
        %parallel_loop3A_305 = arith.mulf %parallel_loop3A_301, %parallel_loop3A_304 : vector<16xf32>
        %parallel_loop3A_306 = arith.index_cast %parallel_loop3A_291 : i32 to index
        %parallel_loop3A_307 = arith.constant 32 : index
        %parallel_loop3A_308 = tpu.vector_load %arg11[%parallel_loop3A_306, %parallel_loop3A_307] {strides = array<i32>} : memref<128x128xf32, #tpu.memory_space<vmem>>, vector<16xf32>,
        %parallel_loop3A_309 = arith.index_cast %parallel_loop3A_291 : i32 to index
        %parallel_loop3A_310 = arith.constant 32 : index
        %parallel_loop3A_311 = tpu.vector_load %arg13[%parallel_loop3A_309, %parallel_loop3A_310] {strides = array<i32>} : memref<128x128xf32, #tpu.memory_space<vmem>>, vector<16xf32>,
        %parallel_loop3A_312 = arith.mulf %parallel_loop3A_308, %parallel_loop3A_311 : vector<16xf32>
        %parallel_loop3A_313 = arith.addf %parallel_loop3A_298, %parallel_loop3A_312 : vector<16xf32>
        %parallel_loop3A_314 = arith.index_cast %parallel_loop3A_291 : i32 to index
        %parallel_loop3A_315 = arith.constant 48 : index
        %parallel_loop3A_316 = tpu.vector_load %arg11[%parallel_loop3A_314, %parallel_loop3A_315] {strides = array<i32>} : memref<128x128xf32, #tpu.memory_space<vmem>>, vector<16xf32>,
        %parallel_loop3A_317 = arith.index_cast %parallel_loop3A_291 : i32 to index
        %parallel_loop3A_318 = arith.constant 48 : index
        %parallel_loop3A_319 = tpu.vector_load %arg13[%parallel_loop3A_317, %parallel_loop3A_318] {strides = array<i32>} : memref<128x128xf32, #tpu.memory_space<vmem>>, vector<16xf32>,
        %parallel_loop3A_320 = arith.mulf %parallel_loop3A_316, %parallel_loop3A_319 : vector<16xf32>
        %parallel_loop3A_321 = arith.addf %parallel_loop3A_305, %parallel_loop3A_320 : vector<16xf32>
        %parallel_loop3A_322 = arith.index_cast %parallel_loop3A_291 : i32 to index
        %parallel_loop3A_323 = arith.constant 64 : index
        %parallel_loop3A_324 = tpu.vector_load %arg11[%parallel_loop3A_322, %parallel_loop3A_323] {strides = array<i32>} : memref<128x128xf32, #tpu.memory_space<vmem>>, vector<16xf32>,
        %parallel_loop3A_325 = arith.index_cast %parallel_loop3A_291 : i32 to index
        %parallel_loop3A_326 = arith.constant 64 : index
        %parallel_loop3A_327 = tpu.vector_load %arg13[%parallel_loop3A_325, %parallel_loop3A_326] {strides = array<i32>} : memref<128x128xf32, #tpu.memory_space<vmem>>, vector<16xf32>,
        %parallel_loop3A_328 = arith.mulf %parallel_loop3A_324, %parallel_loop3A_327 : vector<16xf32>
        %parallel_loop3A_329 = arith.addf %parallel_loop3A_313, %parallel_loop3A_328 : vector<16xf32>
        %parallel_loop3A_330 = arith.index_cast %parallel_loop3A_291 : i32 to index
        %parallel_loop3A_331 = arith.constant 80 : index
        %parallel_loop3A_332 = tpu.vector_load %arg11[%parallel_loop3A_330, %parallel_loop3A_331] {strides = array<i32>} : memref<128x128xf32, #tpu.memory_space<vmem>>, vector<16xf32>,
        %parallel_loop3A_333 = arith.index_cast %parallel_loop3A_291 : i32 to index
        %parallel_loop3A_334 = arith.constant 80 : index
        %parallel_loop3A_335 = tpu.vector_load %arg13[%parallel_loop3A_333, %parallel_loop3A_334] {strides = array<i32>} : memref<128x128xf32, #tpu.memory_space<vmem>>, vector<16xf32>,
        %parallel_loop3A_336 = arith.mulf %parallel_loop3A_332, %parallel_loop3A_335 : vector<16xf32>
        %parallel_loop3A_337 = arith.addf %parallel_loop3A_321, %parallel_loop3A_336 : vector<16xf32>
        %parallel_loop3A_338 = arith.index_cast %parallel_loop3A_291 : i32 to index
        %parallel_loop3A_339 = arith.constant 96 : index
        %parallel_loop3A_340 = tpu.vector_load %arg11[%parallel_loop3A_338, %parallel_loop3A_339] {strides = array<i32>} : memref<128x128xf32, #tpu.memory_space<vmem>>, vector<16xf32>,
        %parallel_loop3A_341 = arith.index_cast %parallel_loop3A_291 : i32 to index
        %parallel_loop3A_342 = arith.constant 96 : index
        %parallel_loop3A_343 = tpu.vector_load %arg13[%parallel_loop3A_341, %parallel_loop3A_342] {strides = array<i32>} : memref<128x128xf32, #tpu.memory_space<vmem>>, vector<16xf32>,
        %parallel_loop3A_344 = arith.mulf %parallel_loop3A_340, %parallel_loop3A_343 : vector<16xf32>
        %parallel_loop3A_345 = arith.addf %parallel_loop3A_329, %parallel_loop3A_344 : vector<16xf32>
        %parallel_loop3A_346 = arith.index_cast %parallel_loop3A_291 : i32 to index
        %parallel_loop3A_347 = arith.constant 112 : index
        %parallel_loop3A_348 = tpu.vector_load %arg11[%parallel_loop3A_346, %parallel_loop3A_347] {strides = array<i32>} : memref<128x128xf32, #tpu.memory_space<vmem>>, vector<16xf32>,
        %parallel_loop3A_349 = arith.index_cast %parallel_loop3A_291 : i32 to index
        %parallel_loop3A_350 = arith.constant 112 : index
        %parallel_loop3A_351 = tpu.vector_load %arg13[%parallel_loop3A_349, %parallel_loop3A_350] {strides = array<i32>} : memref<128x128xf32, #tpu.memory_space<vmem>>, vector<16xf32>,
        %parallel_loop3A_352 = arith.mulf %parallel_loop3A_348, %parallel_loop3A_351 : vector<16xf32>
        %parallel_loop3A_353 = arith.addf %parallel_loop3A_337, %parallel_loop3A_352 : vector<16xf32>
        %parallel_loop3A_354 = arith.addf %parallel_loop3A_345, %parallel_loop3A_353 : vector<16xf32>
        %parallel_loop3A_355 = arith.constant 16 : i32
        %parallel_loop3A_356 = arith.muli %parallel_loop3A_153, %parallel_loop3A_355 : i32
        %parallel_loop3A_357 = arith.constant 3 : i32
        %parallel_loop3A_358 = arith.addi %parallel_loop3A_356, %parallel_loop3A_357 : i32
        %parallel_loop3A_359 = arith.index_cast %parallel_loop3A_358 : i32 to index
        %parallel_loop3A_360 = arith.constant 0 : index
        %parallel_loop3A_361 = tpu.vector_load %arg11[%parallel_loop3A_359, %parallel_loop3A_360] {strides = array<i32>} : memref<128x128xf32, #tpu.memory_space<vmem>>, vector<16xf32>,
        %parallel_loop3A_362 = arith.index_cast %parallel_loop3A_358 : i32 to index
        %parallel_loop3A_363 = arith.constant 0 : index
        %parallel_loop3A_364 = tpu.vector_load %arg13[%parallel_loop3A_362, %parallel_loop3A_363] {strides = array<i32>} : memref<128x128xf32, #tpu.memory_space<vmem>>, vector<16xf32>,
        %parallel_loop3A_365 = arith.mulf %parallel_loop3A_361, %parallel_loop3A_364 : vector<16xf32>
        %parallel_loop3A_366 = arith.index_cast %parallel_loop3A_358 : i32 to index
        %parallel_loop3A_367 = arith.constant 16 : index
        %parallel_loop3A_368 = tpu.vector_load %arg11[%parallel_loop3A_366, %parallel_loop3A_367] {strides = array<i32>} : memref<128x128xf32, #tpu.memory_space<vmem>>, vector<16xf32>,
        %parallel_loop3A_369 = arith.index_cast %parallel_loop3A_358 : i32 to index
        %parallel_loop3A_370 = arith.constant 16 : index
        %parallel_loop3A_371 = tpu.vector_load %arg13[%parallel_loop3A_369, %parallel_loop3A_370] {strides = array<i32>} : memref<128x128xf32, #tpu.memory_space<vmem>>, vector<16xf32>,
        %parallel_loop3A_372 = arith.mulf %parallel_loop3A_368, %parallel_loop3A_371 : vector<16xf32>
        %parallel_loop3A_373 = arith.index_cast %parallel_loop3A_358 : i32 to index
        %parallel_loop3A_374 = arith.constant 32 : index
        %parallel_loop3A_375 = tpu.vector_load %arg11[%parallel_loop3A_373, %parallel_loop3A_374] {strides = array<i32>} : memref<128x128xf32, #tpu.memory_space<vmem>>, vector<16xf32>,
        %parallel_loop3A_376 = arith.index_cast %parallel_loop3A_358 : i32 to index
        %parallel_loop3A_377 = arith.constant 32 : index
        %parallel_loop3A_378 = tpu.vector_load %arg13[%parallel_loop3A_376, %parallel_loop3A_377] {strides = array<i32>} : memref<128x128xf32, #tpu.memory_space<vmem>>, vector<16xf32>,
        %parallel_loop3A_379 = arith.mulf %parallel_loop3A_375, %parallel_loop3A_378 : vector<16xf32>
        %parallel_loop3A_380 = arith.addf %parallel_loop3A_365, %parallel_loop3A_379 : vector<16xf32>
        %parallel_loop3A_381 = arith.index_cast %parallel_loop3A_358 : i32 to index
        %parallel_loop3A_382 = arith.constant 48 : index
        %parallel_loop3A_383 = tpu.vector_load %arg11[%parallel_loop3A_381, %parallel_loop3A_382] {strides = array<i32>} : memref<128x128xf32, #tpu.memory_space<vmem>>, vector<16xf32>,
        %parallel_loop3A_384 = arith.index_cast %parallel_loop3A_358 : i32 to index
        %parallel_loop3A_385 = arith.constant 48 : index
        %parallel_loop3A_386 = tpu.vector_load %arg13[%parallel_loop3A_384, %parallel_loop3A_385] {strides = array<i32>} : memref<128x128xf32, #tpu.memory_space<vmem>>, vector<16xf32>,
        %parallel_loop3A_387 = arith.mulf %parallel_loop3A_383, %parallel_loop3A_386 : vector<16xf32>
        %parallel_loop3A_388 = arith.addf %parallel_loop3A_372, %parallel_loop3A_387 : vector<16xf32>
        %parallel_loop3A_389 = arith.index_cast %parallel_loop3A_358 : i32 to index
        %parallel_loop3A_390 = arith.constant 64 : index
        %parallel_loop3A_391 = tpu.vector_load %arg11[%parallel_loop3A_389, %parallel_loop3A_390] {strides = array<i32>} : memref<128x128xf32, #tpu.memory_space<vmem>>, vector<16xf32>,
        %parallel_loop3A_392 = arith.index_cast %parallel_loop3A_358 : i32 to index
        %parallel_loop3A_393 = arith.constant 64 : index
        %parallel_loop3A_394 = tpu.vector_load %arg13[%parallel_loop3A_392, %parallel_loop3A_393] {strides = array<i32>} : memref<128x128xf32, #tpu.memory_space<vmem>>, vector<16xf32>,
        %parallel_loop3A_395 = arith.mulf %parallel_loop3A_391, %parallel_loop3A_394 : vector<16xf32>
        %parallel_loop3A_396 = arith.addf %parallel_loop3A_380, %parallel_loop3A_395 : vector<16xf32>
        %parallel_loop3A_397 = arith.index_cast %parallel_loop3A_358 : i32 to index
        %parallel_loop3A_398 = arith.constant 80 : index
        %parallel_loop3A_399 = tpu.vector_load %arg11[%parallel_loop3A_397, %parallel_loop3A_398] {strides = array<i32>} : memref<128x128xf32, #tpu.memory_space<vmem>>, vector<16xf32>,
        %parallel_loop3A_400 = arith.index_cast %parallel_loop3A_358 : i32 to index
        %parallel_loop3A_401 = arith.constant 80 : index
        %parallel_loop3A_402 = tpu.vector_load %arg13[%parallel_loop3A_400, %parallel_loop3A_401] {strides = array<i32>} : memref<128x128xf32, #tpu.memory_space<vmem>>, vector<16xf32>,
        %parallel_loop3A_403 = arith.mulf %parallel_loop3A_399, %parallel_loop3A_402 : vector<16xf32>
        %parallel_loop3A_404 = arith.addf %parallel_loop3A_388, %parallel_loop3A_403 : vector<16xf32>
        %parallel_loop3A_405 = arith.index_cast %parallel_loop3A_358 : i32 to index
        %parallel_loop3A_406 = arith.constant 96 : index
        %parallel_loop3A_407 = tpu.vector_load %arg11[%parallel_loop3A_405, %parallel_loop3A_406] {strides = array<i32>} : memref<128x128xf32, #tpu.memory_space<vmem>>, vector<16xf32>,
        %parallel_loop3A_408 = arith.index_cast %parallel_loop3A_358 : i32 to index
        %parallel_loop3A_409 = arith.constant 96 : index
        %parallel_loop3A_410 = tpu.vector_load %arg13[%parallel_loop3A_408, %parallel_loop3A_409] {strides = array<i32>} : memref<128x128xf32, #tpu.memory_space<vmem>>, vector<16xf32>,
        %parallel_loop3A_411 = arith.mulf %parallel_loop3A_407, %parallel_loop3A_410 : vector<16xf32>
        %parallel_loop3A_412 = arith.addf %parallel_loop3A_396, %parallel_loop3A_411 : vector<16xf32>
        %parallel_loop3A_413 = arith.index_cast %parallel_loop3A_358 : i32 to index
        %parallel_loop3A_414 = arith.constant 112 : index
        %parallel_loop3A_415 = tpu.vector_load %arg11[%parallel_loop3A_413, %parallel_loop3A_414] {strides = array<i32>} : memref<128x128xf32, #tpu.memory_space<vmem>>, vector<16xf32>,
        %parallel_loop3A_416 = arith.index_cast %parallel_loop3A_358 : i32 to index
        %parallel_loop3A_417 = arith.constant 112 : index
        %parallel_loop3A_418 = tpu.vector_load %arg13[%parallel_loop3A_416, %parallel_loop3A_417] {strides = array<i32>} : memref<128x128xf32, #tpu.memory_space<vmem>>, vector<16xf32>,
        %parallel_loop3A_419 = arith.mulf %parallel_loop3A_415, %parallel_loop3A_418 : vector<16xf32>
        %parallel_loop3A_420 = arith.addf %parallel_loop3A_404, %parallel_loop3A_419 : vector<16xf32>
        %parallel_loop3A_421 = arith.addf %parallel_loop3A_412, %parallel_loop3A_420 : vector<16xf32>
        %parallel_loop3A_422 = arith.constant 16 : i32
        %parallel_loop3A_423 = arith.muli %parallel_loop3A_153, %parallel_loop3A_422 : i32
        %parallel_loop3A_424 = arith.constant 4 : i32
        %parallel_loop3A_425 = arith.addi %parallel_loop3A_423, %parallel_loop3A_424 : i32
        %parallel_loop3A_426 = arith.index_cast %parallel_loop3A_425 : i32 to index
        %parallel_loop3A_427 = arith.constant 0 : index
        %parallel_loop3A_428 = tpu.vector_load %arg11[%parallel_loop3A_426, %parallel_loop3A_427] {strides = array<i32>} : memref<128x128xf32, #tpu.memory_space<vmem>>, vector<16xf32>,
        %parallel_loop3A_429 = arith.index_cast %parallel_loop3A_425 : i32 to index
        %parallel_loop3A_430 = arith.constant 0 : index
        %parallel_loop3A_431 = tpu.vector_load %arg13[%parallel_loop3A_429, %parallel_loop3A_430] {strides = array<i32>} : memref<128x128xf32, #tpu.memory_space<vmem>>, vector<16xf32>,
        %parallel_loop3A_432 = arith.mulf %parallel_loop3A_428, %parallel_loop3A_431 : vector<16xf32>
        %parallel_loop3A_433 = arith.index_cast %parallel_loop3A_425 : i32 to index
        %parallel_loop3A_434 = arith.constant 16 : index
        %parallel_loop3A_435 = tpu.vector_load %arg11[%parallel_loop3A_433, %parallel_loop3A_434] {strides = array<i32>} : memref<128x128xf32, #tpu.memory_space<vmem>>, vector<16xf32>,
        %parallel_loop3A_436 = arith.index_cast %parallel_loop3A_425 : i32 to index
        %parallel_loop3A_437 = arith.constant 16 : index
        %parallel_loop3A_438 = tpu.vector_load %arg13[%parallel_loop3A_436, %parallel_loop3A_437] {strides = array<i32>} : memref<128x128xf32, #tpu.memory_space<vmem>>, vector<16xf32>,
        %parallel_loop3A_439 = arith.mulf %parallel_loop3A_435, %parallel_loop3A_438 : vector<16xf32>
        %parallel_loop3A_440 = arith.index_cast %parallel_loop3A_425 : i32 to index
        %parallel_loop3A_441 = arith.constant 32 : index
        %parallel_loop3A_442 = tpu.vector_load %arg11[%parallel_loop3A_440, %parallel_loop3A_441] {strides = array<i32>} : memref<128x128xf32, #tpu.memory_space<vmem>>, vector<16xf32>,
        %parallel_loop3A_443 = arith.index_cast %parallel_loop3A_425 : i32 to index
        %parallel_loop3A_444 = arith.constant 32 : index
        %parallel_loop3A_445 = tpu.vector_load %arg13[%parallel_loop3A_443, %parallel_loop3A_444] {strides = array<i32>} : memref<128x128xf32, #tpu.memory_space<vmem>>, vector<16xf32>,
        %parallel_loop3A_446 = arith.mulf %parallel_loop3A_442, %parallel_loop3A_445 : vector<16xf32>
        %parallel_loop3A_447 = arith.addf %parallel_loop3A_432, %parallel_loop3A_446 : vector<16xf32>
        %parallel_loop3A_448 = arith.index_cast %parallel_loop3A_425 : i32 to index
        %parallel_loop3A_449 = arith.constant 48 : index
        %parallel_loop3A_450 = tpu.vector_load %arg11[%parallel_loop3A_448, %parallel_loop3A_449] {strides = array<i32>} : memref<128x128xf32, #tpu.memory_space<vmem>>, vector<16xf32>,
        %parallel_loop3A_451 = arith.index_cast %parallel_loop3A_425 : i32 to index
        %parallel_loop3A_452 = arith.constant 48 : index
        %parallel_loop3A_453 = tpu.vector_load %arg13[%parallel_loop3A_451, %parallel_loop3A_452] {strides = array<i32>} : memref<128x128xf32, #tpu.memory_space<vmem>>, vector<16xf32>,
        %parallel_loop3A_454 = arith.mulf %parallel_loop3A_450, %parallel_loop3A_453 : vector<16xf32>
        %parallel_loop3A_455 = arith.addf %parallel_loop3A_439, %parallel_loop3A_454 : vector<16xf32>
        %parallel_loop3A_456 = arith.index_cast %parallel_loop3A_425 : i32 to index
        %parallel_loop3A_457 = arith.constant 64 : index
        %parallel_loop3A_458 = tpu.vector_load %arg11[%parallel_loop3A_456, %parallel_loop3A_457] {strides = array<i32>} : memref<128x128xf32, #tpu.memory_space<vmem>>, vector<16xf32>,
        %parallel_loop3A_459 = arith.index_cast %parallel_loop3A_425 : i32 to index
        %parallel_loop3A_460 = arith.constant 64 : index
        %parallel_loop3A_461 = tpu.vector_load %arg13[%parallel_loop3A_459, %parallel_loop3A_460] {strides = array<i32>} : memref<128x128xf32, #tpu.memory_space<vmem>>, vector<16xf32>,
        %parallel_loop3A_462 = arith.mulf %parallel_loop3A_458, %parallel_loop3A_461 : vector<16xf32>
        %parallel_loop3A_463 = arith.addf %parallel_loop3A_447, %parallel_loop3A_462 : vector<16xf32>
        %parallel_loop3A_464 = arith.index_cast %parallel_loop3A_425 : i32 to index
        %parallel_loop3A_465 = arith.constant 80 : index
        %parallel_loop3A_466 = tpu.vector_load %arg11[%parallel_loop3A_464, %parallel_loop3A_465] {strides = array<i32>} : memref<128x128xf32, #tpu.memory_space<vmem>>, vector<16xf32>,
        %parallel_loop3A_467 = arith.index_cast %parallel_loop3A_425 : i32 to index
        %parallel_loop3A_468 = arith.constant 80 : index
        %parallel_loop3A_469 = tpu.vector_load %arg13[%parallel_loop3A_467, %parallel_loop3A_468] {strides = array<i32>} : memref<128x128xf32, #tpu.memory_space<vmem>>, vector<16xf32>,
        %parallel_loop3A_470 = arith.mulf %parallel_loop3A_466, %parallel_loop3A_469 : vector<16xf32>
        %parallel_loop3A_471 = arith.addf %parallel_loop3A_455, %parallel_loop3A_470 : vector<16xf32>
        %parallel_loop3A_472 = arith.index_cast %parallel_loop3A_425 : i32 to index
        %parallel_loop3A_473 = arith.constant 96 : index
        %parallel_loop3A_474 = tpu.vector_load %arg11[%parallel_loop3A_472, %parallel_loop3A_473] {strides = array<i32>} : memref<128x128xf32, #tpu.memory_space<vmem>>, vector<16xf32>,
        %parallel_loop3A_475 = arith.index_cast %parallel_loop3A_425 : i32 to index
        %parallel_loop3A_476 = arith.constant 96 : index
        %parallel_loop3A_477 = tpu.vector_load %arg13[%parallel_loop3A_475, %parallel_loop3A_476] {strides = array<i32>} : memref<128x128xf32, #tpu.memory_space<vmem>>, vector<16xf32>,
        %parallel_loop3A_478 = arith.mulf %parallel_loop3A_474, %parallel_loop3A_477 : vector<16xf32>
        %parallel_loop3A_479 = arith.addf %parallel_loop3A_463, %parallel_loop3A_478 : vector<16xf32>
        %parallel_loop3A_480 = arith.index_cast %parallel_loop3A_425 : i32 to index
        %parallel_loop3A_481 = arith.constant 112 : index
        %parallel_loop3A_482 = tpu.vector_load %arg11[%parallel_loop3A_480, %parallel_loop3A_481] {strides = array<i32>} : memref<128x128xf32, #tpu.memory_space<vmem>>, vector<16xf32>,
        %parallel_loop3A_483 = arith.index_cast %parallel_loop3A_425 : i32 to index
        %parallel_loop3A_484 = arith.constant 112 : index
        %parallel_loop3A_485 = tpu.vector_load %arg13[%parallel_loop3A_483, %parallel_loop3A_484] {strides = array<i32>} : memref<128x128xf32, #tpu.memory_space<vmem>>, vector<16xf32>,
        %parallel_loop3A_486 = arith.mulf %parallel_loop3A_482, %parallel_loop3A_485 : vector<16xf32>
        %parallel_loop3A_487 = arith.addf %parallel_loop3A_471, %parallel_loop3A_486 : vector<16xf32>
        %parallel_loop3A_488 = arith.addf %parallel_loop3A_479, %parallel_loop3A_487 : vector<16xf32>
        %parallel_loop3A_489 = arith.constant 16 : i32
        %parallel_loop3A_490 = arith.muli %parallel_loop3A_153, %parallel_loop3A_489 : i32
        %parallel_loop3A_491 = arith.constant 5 : i32
        %parallel_loop3A_492 = arith.addi %parallel_loop3A_490, %parallel_loop3A_491 : i32
        %parallel_loop3A_493 = arith.index_cast %parallel_loop3A_492 : i32 to index
        %parallel_loop3A_494 = arith.constant 0 : index
        %parallel_loop3A_495 = tpu.vector_load %arg11[%parallel_loop3A_493, %parallel_loop3A_494] {strides = array<i32>} : memref<128x128xf32, #tpu.memory_space<vmem>>, vector<16xf32>,
        %parallel_loop3A_496 = arith.index_cast %parallel_loop3A_492 : i32 to index
        %parallel_loop3A_497 = arith.constant 0 : index
        %parallel_loop3A_498 = tpu.vector_load %arg13[%parallel_loop3A_496, %parallel_loop3A_497] {strides = array<i32>} : memref<128x128xf32, #tpu.memory_space<vmem>>, vector<16xf32>,
        %parallel_loop3A_499 = arith.mulf %parallel_loop3A_495, %parallel_loop3A_498 : vector<16xf32>
        %parallel_loop3A_500 = arith.index_cast %parallel_loop3A_492 : i32 to index
        %parallel_loop3A_501 = arith.constant 16 : index
        %parallel_loop3A_502 = tpu.vector_load %arg11[%parallel_loop3A_500, %parallel_loop3A_501] {strides = array<i32>} : memref<128x128xf32, #tpu.memory_space<vmem>>, vector<16xf32>,
        %parallel_loop3A_503 = arith.index_cast %parallel_loop3A_492 : i32 to index
        %parallel_loop3A_504 = arith.constant 16 : index
        %parallel_loop3A_505 = tpu.vector_load %arg13[%parallel_loop3A_503, %parallel_loop3A_504] {strides = array<i32>} : memref<128x128xf32, #tpu.memory_space<vmem>>, vector<16xf32>,
        %parallel_loop3A_506 = arith.mulf %parallel_loop3A_502, %parallel_loop3A_505 : vector<16xf32>
        %parallel_loop3A_507 = arith.index_cast %parallel_loop3A_492 : i32 to index
        %parallel_loop3A_508 = arith.constant 32 : index
        %parallel_loop3A_509 = tpu.vector_load %arg11[%parallel_loop3A_507, %parallel_loop3A_508] {strides = array<i32>} : memref<128x128xf32, #tpu.memory_space<vmem>>, vector<16xf32>,
        %parallel_loop3A_510 = arith.index_cast %parallel_loop3A_492 : i32 to index
        %parallel_loop3A_511 = arith.constant 32 : index
        %parallel_loop3A_512 = tpu.vector_load %arg13[%parallel_loop3A_510, %parallel_loop3A_511] {strides = array<i32>} : memref<128x128xf32, #tpu.memory_space<vmem>>, vector<16xf32>,
        %parallel_loop3A_513 = arith.mulf %parallel_loop3A_509, %parallel_loop3A_512 : vector<16xf32>
        %parallel_loop3A_514 = arith.addf %parallel_loop3A_499, %parallel_loop3A_513 : vector<16xf32>
        %parallel_loop3A_515 = arith.index_cast %parallel_loop3A_492 : i32 to index
        %parallel_loop3A_516 = arith.constant 48 : index
        %parallel_loop3A_517 = tpu.vector_load %arg11[%parallel_loop3A_515, %parallel_loop3A_516] {strides = array<i32>} : memref<128x128xf32, #tpu.memory_space<vmem>>, vector<16xf32>,
        %parallel_loop3A_518 = arith.index_cast %parallel_loop3A_492 : i32 to index
        %parallel_loop3A_519 = arith.constant 48 : index
        %parallel_loop3A_520 = tpu.vector_load %arg13[%parallel_loop3A_518, %parallel_loop3A_519] {strides = array<i32>} : memref<128x128xf32, #tpu.memory_space<vmem>>, vector<16xf32>,
        %parallel_loop3A_521 = arith.mulf %parallel_loop3A_517, %parallel_loop3A_520 : vector<16xf32>
        %parallel_loop3A_522 = arith.addf %parallel_loop3A_506, %parallel_loop3A_521 : vector<16xf32>
        %parallel_loop3A_523 = arith.index_cast %parallel_loop3A_492 : i32 to index
        %parallel_loop3A_524 = arith.constant 64 : index
        %parallel_loop3A_525 = tpu.vector_load %arg11[%parallel_loop3A_523, %parallel_loop3A_524] {strides = array<i32>} : memref<128x128xf32, #tpu.memory_space<vmem>>, vector<16xf32>,
        %parallel_loop3A_526 = arith.index_cast %parallel_loop3A_492 : i32 to index
        %parallel_loop3A_527 = arith.constant 64 : index
        %parallel_loop3A_528 = tpu.vector_load %arg13[%parallel_loop3A_526, %parallel_loop3A_527] {strides = array<i32>} : memref<128x128xf32, #tpu.memory_space<vmem>>, vector<16xf32>,
        %parallel_loop3A_529 = arith.mulf %parallel_loop3A_525, %parallel_loop3A_528 : vector<16xf32>
        %parallel_loop3A_530 = arith.addf %parallel_loop3A_514, %parallel_loop3A_529 : vector<16xf32>
        %parallel_loop3A_531 = arith.index_cast %parallel_loop3A_492 : i32 to index
        %parallel_loop3A_532 = arith.constant 80 : index
        %parallel_loop3A_533 = tpu.vector_load %arg11[%parallel_loop3A_531, %parallel_loop3A_532] {strides = array<i32>} : memref<128x128xf32, #tpu.memory_space<vmem>>, vector<16xf32>,
        %parallel_loop3A_534 = arith.index_cast %parallel_loop3A_492 : i32 to index
        %parallel_loop3A_535 = arith.constant 80 : index
        %parallel_loop3A_536 = tpu.vector_load %arg13[%parallel_loop3A_534, %parallel_loop3A_535] {strides = array<i32>} : memref<128x128xf32, #tpu.memory_space<vmem>>, vector<16xf32>,
        %parallel_loop3A_537 = arith.mulf %parallel_loop3A_533, %parallel_loop3A_536 : vector<16xf32>
        %parallel_loop3A_538 = arith.addf %parallel_loop3A_522, %parallel_loop3A_537 : vector<16xf32>
        %parallel_loop3A_539 = arith.index_cast %parallel_loop3A_492 : i32 to index
        %parallel_loop3A_540 = arith.constant 96 : index
        %parallel_loop3A_541 = tpu.vector_load %arg11[%parallel_loop3A_539, %parallel_loop3A_540] {strides = array<i32>} : memref<128x128xf32, #tpu.memory_space<vmem>>, vector<16xf32>,
        %parallel_loop3A_542 = arith.index_cast %parallel_loop3A_492 : i32 to index
        %parallel_loop3A_543 = arith.constant 96 : index
        %parallel_loop3A_544 = tpu.vector_load %arg13[%parallel_loop3A_542, %parallel_loop3A_543] {strides = array<i32>} : memref<128x128xf32, #tpu.memory_space<vmem>>, vector<16xf32>,
        %parallel_loop3A_545 = arith.mulf %parallel_loop3A_541, %parallel_loop3A_544 : vector<16xf32>
        %parallel_loop3A_546 = arith.addf %parallel_loop3A_530, %parallel_loop3A_545 : vector<16xf32>
        %parallel_loop3A_547 = arith.index_cast %parallel_loop3A_492 : i32 to index
        %parallel_loop3A_548 = arith.constant 112 : index
        %parallel_loop3A_549 = tpu.vector_load %arg11[%parallel_loop3A_547, %parallel_loop3A_548] {strides = array<i32>} : memref<128x128xf32, #tpu.memory_space<vmem>>, vector<16xf32>,
        %parallel_loop3A_550 = arith.index_cast %parallel_loop3A_492 : i32 to index
        %parallel_loop3A_551 = arith.constant 112 : index
        %parallel_loop3A_552 = tpu.vector_load %arg13[%parallel_loop3A_550, %parallel_loop3A_551] {strides = array<i32>} : memref<128x128xf32, #tpu.memory_space<vmem>>, vector<16xf32>,
        %parallel_loop3A_553 = arith.mulf %parallel_loop3A_549, %parallel_loop3A_552 : vector<16xf32>
        %parallel_loop3A_554 = arith.addf %parallel_loop3A_538, %parallel_loop3A_553 : vector<16xf32>
        %parallel_loop3A_555 = arith.addf %parallel_loop3A_546, %parallel_loop3A_554 : vector<16xf32>
        %parallel_loop3A_556 = arith.constant 16 : i32
        %parallel_loop3A_557 = arith.muli %parallel_loop3A_153, %parallel_loop3A_556 : i32
        %parallel_loop3A_558 = arith.constant 6 : i32
        %parallel_loop3A_559 = arith.addi %parallel_loop3A_557, %parallel_loop3A_558 : i32
        %parallel_loop3A_560 = arith.index_cast %parallel_loop3A_559 : i32 to index
        %parallel_loop3A_561 = arith.constant 0 : index
        %parallel_loop3A_562 = tpu.vector_load %arg11[%parallel_loop3A_560, %parallel_loop3A_561] {strides = array<i32>} : memref<128x128xf32, #tpu.memory_space<vmem>>, vector<16xf32>,
        %parallel_loop3A_563 = arith.index_cast %parallel_loop3A_559 : i32 to index
        %parallel_loop3A_564 = arith.constant 0 : index
        %parallel_loop3A_565 = tpu.vector_load %arg13[%parallel_loop3A_563, %parallel_loop3A_564] {strides = array<i32>} : memref<128x128xf32, #tpu.memory_space<vmem>>, vector<16xf32>,
        %parallel_loop3A_566 = arith.mulf %parallel_loop3A_562, %parallel_loop3A_565 : vector<16xf32>
        %parallel_loop3A_567 = arith.index_cast %parallel_loop3A_559 : i32 to index
        %parallel_loop3A_568 = arith.constant 16 : index
        %parallel_loop3A_569 = tpu.vector_load %arg11[%parallel_loop3A_567, %parallel_loop3A_568] {strides = array<i32>} : memref<128x128xf32, #tpu.memory_space<vmem>>, vector<16xf32>,
        %parallel_loop3A_570 = arith.index_cast %parallel_loop3A_559 : i32 to index
        %parallel_loop3A_571 = arith.constant 16 : index
        %parallel_loop3A_572 = tpu.vector_load %arg13[%parallel_loop3A_570, %parallel_loop3A_571] {strides = array<i32>} : memref<128x128xf32, #tpu.memory_space<vmem>>, vector<16xf32>,
        %parallel_loop3A_573 = arith.mulf %parallel_loop3A_569, %parallel_loop3A_572 : vector<16xf32>
        %parallel_loop3A_574 = arith.index_cast %parallel_loop3A_559 : i32 to index
        %parallel_loop3A_575 = arith.constant 32 : index
        %parallel_loop3A_576 = tpu.vector_load %arg11[%parallel_loop3A_574, %parallel_loop3A_575] {strides = array<i32>} : memref<128x128xf32, #tpu.memory_space<vmem>>, vector<16xf32>,
        %parallel_loop3A_577 = arith.index_cast %parallel_loop3A_559 : i32 to index
        %parallel_loop3A_578 = arith.constant 32 : index
        %parallel_loop3A_579 = tpu.vector_load %arg13[%parallel_loop3A_577, %parallel_loop3A_578] {strides = array<i32>} : memref<128x128xf32, #tpu.memory_space<vmem>>, vector<16xf32>,
        %parallel_loop3A_580 = arith.mulf %parallel_loop3A_576, %parallel_loop3A_579 : vector<16xf32>
        %parallel_loop3A_581 = arith.addf %parallel_loop3A_566, %parallel_loop3A_580 : vector<16xf32>
        %parallel_loop3A_582 = arith.index_cast %parallel_loop3A_559 : i32 to index
        %parallel_loop3A_583 = arith.constant 48 : index
        %parallel_loop3A_584 = tpu.vector_load %arg11[%parallel_loop3A_582, %parallel_loop3A_583] {strides = array<i32>} : memref<128x128xf32, #tpu.memory_space<vmem>>, vector<16xf32>,
        %parallel_loop3A_585 = arith.index_cast %parallel_loop3A_559 : i32 to index
        %parallel_loop3A_586 = arith.constant 48 : index
        %parallel_loop3A_587 = tpu.vector_load %arg13[%parallel_loop3A_585, %parallel_loop3A_586] {strides = array<i32>} : memref<128x128xf32, #tpu.memory_space<vmem>>, vector<16xf32>,
        %parallel_loop3A_588 = arith.mulf %parallel_loop3A_584, %parallel_loop3A_587 : vector<16xf32>
        %parallel_loop3A_589 = arith.addf %parallel_loop3A_573, %parallel_loop3A_588 : vector<16xf32>
        %parallel_loop3A_590 = arith.index_cast %parallel_loop3A_559 : i32 to index
        %parallel_loop3A_591 = arith.constant 64 : index
        %parallel_loop3A_592 = tpu.vector_load %arg11[%parallel_loop3A_590, %parallel_loop3A_591] {strides = array<i32>} : memref<128x128xf32, #tpu.memory_space<vmem>>, vector<16xf32>,
        %parallel_loop3A_593 = arith.index_cast %parallel_loop3A_559 : i32 to index
        %parallel_loop3A_594 = arith.constant 64 : index
        %parallel_loop3A_595 = tpu.vector_load %arg13[%parallel_loop3A_593, %parallel_loop3A_594] {strides = array<i32>} : memref<128x128xf32, #tpu.memory_space<vmem>>, vector<16xf32>,
        %parallel_loop3A_596 = arith.mulf %parallel_loop3A_592, %parallel_loop3A_595 : vector<16xf32>
        %parallel_loop3A_597 = arith.addf %parallel_loop3A_581, %parallel_loop3A_596 : vector<16xf32>
        %parallel_loop3A_598 = arith.index_cast %parallel_loop3A_559 : i32 to index
        %parallel_loop3A_599 = arith.constant 80 : index
        %parallel_loop3A_600 = tpu.vector_load %arg11[%parallel_loop3A_598, %parallel_loop3A_599] {strides = array<i32>} : memref<128x128xf32, #tpu.memory_space<vmem>>, vector<16xf32>,
        %parallel_loop3A_601 = arith.index_cast %parallel_loop3A_559 : i32 to index
        %parallel_loop3A_602 = arith.constant 80 : index
        %parallel_loop3A_603 = tpu.vector_load %arg13[%parallel_loop3A_601, %parallel_loop3A_602] {strides = array<i32>} : memref<128x128xf32, #tpu.memory_space<vmem>>, vector<16xf32>,
        %parallel_loop3A_604 = arith.mulf %parallel_loop3A_600, %parallel_loop3A_603 : vector<16xf32>
        %parallel_loop3A_605 = arith.addf %parallel_loop3A_589, %parallel_loop3A_604 : vector<16xf32>
        %parallel_loop3A_606 = arith.index_cast %parallel_loop3A_559 : i32 to index
        %parallel_loop3A_607 = arith.constant 96 : index
        %parallel_loop3A_608 = tpu.vector_load %arg11[%parallel_loop3A_606, %parallel_loop3A_607] {strides = array<i32>} : memref<128x128xf32, #tpu.memory_space<vmem>>, vector<16xf32>,
        %parallel_loop3A_609 = arith.index_cast %parallel_loop3A_559 : i32 to index
        %parallel_loop3A_610 = arith.constant 96 : index
        %parallel_loop3A_611 = tpu.vector_load %arg13[%parallel_loop3A_609, %parallel_loop3A_610] {strides = array<i32>} : memref<128x128xf32, #tpu.memory_space<vmem>>, vector<16xf32>,
        %parallel_loop3A_612 = arith.mulf %parallel_loop3A_608, %parallel_loop3A_611 : vector<16xf32>
        %parallel_loop3A_613 = arith.addf %parallel_loop3A_597, %parallel_loop3A_612 : vector<16xf32>
        %parallel_loop3A_614 = arith.index_cast %parallel_loop3A_559 : i32 to index
        %parallel_loop3A_615 = arith.constant 112 : index
        %parallel_loop3A_616 = tpu.vector_load %arg11[%parallel_loop3A_614, %parallel_loop3A_615] {strides = array<i32>} : memref<128x128xf32, #tpu.memory_space<vmem>>, vector<16xf32>,
        %parallel_loop3A_617 = arith.index_cast %parallel_loop3A_559 : i32 to index
        %parallel_loop3A_618 = arith.constant 112 : index
        %parallel_loop3A_619 = tpu.vector_load %arg13[%parallel_loop3A_617, %parallel_loop3A_618] {strides = array<i32>} : memref<128x128xf32, #tpu.memory_space<vmem>>, vector<16xf32>,
        %parallel_loop3A_620 = arith.mulf %parallel_loop3A_616, %parallel_loop3A_619 : vector<16xf32>
        %parallel_loop3A_621 = arith.addf %parallel_loop3A_605, %parallel_loop3A_620 : vector<16xf32>
        %parallel_loop3A_622 = arith.addf %parallel_loop3A_613, %parallel_loop3A_621 : vector<16xf32>
        %parallel_loop3A_623 = arith.constant 16 : i32
        %parallel_loop3A_624 = arith.muli %parallel_loop3A_153, %parallel_loop3A_623 : i32
        %parallel_loop3A_625 = arith.constant 7 : i32
        %parallel_loop3A_626 = arith.addi %parallel_loop3A_624, %parallel_loop3A_625 : i32
        %parallel_loop3A_627 = arith.index_cast %parallel_loop3A_626 : i32 to index
        %parallel_loop3A_628 = arith.constant 0 : index
        %parallel_loop3A_629 = tpu.vector_load %arg11[%parallel_loop3A_627, %parallel_loop3A_628] {strides = array<i32>} : memref<128x128xf32, #tpu.memory_space<vmem>>, vector<16xf32>,
        %parallel_loop3A_630 = arith.index_cast %parallel_loop3A_626 : i32 to index
        %parallel_loop3A_631 = arith.constant 0 : index
        %parallel_loop3A_632 = tpu.vector_load %arg13[%parallel_loop3A_630, %parallel_loop3A_631] {strides = array<i32>} : memref<128x128xf32, #tpu.memory_space<vmem>>, vector<16xf32>,
        %parallel_loop3A_633 = arith.mulf %parallel_loop3A_629, %parallel_loop3A_632 : vector<16xf32>
        %parallel_loop3A_634 = arith.index_cast %parallel_loop3A_626 : i32 to index
        %parallel_loop3A_635 = arith.constant 16 : index
        %parallel_loop3A_636 = tpu.vector_load %arg11[%parallel_loop3A_634, %parallel_loop3A_635] {strides = array<i32>} : memref<128x128xf32, #tpu.memory_space<vmem>>, vector<16xf32>,
        %parallel_loop3A_637 = arith.index_cast %parallel_loop3A_626 : i32 to index
        %parallel_loop3A_638 = arith.constant 16 : index
        %parallel_loop3A_639 = tpu.vector_load %arg13[%parallel_loop3A_637, %parallel_loop3A_638] {strides = array<i32>} : memref<128x128xf32, #tpu.memory_space<vmem>>, vector<16xf32>,
        %parallel_loop3A_640 = arith.mulf %parallel_loop3A_636, %parallel_loop3A_639 : vector<16xf32>
        %parallel_loop3A_641 = arith.index_cast %parallel_loop3A_626 : i32 to index
        %parallel_loop3A_642 = arith.constant 32 : index
        %parallel_loop3A_643 = tpu.vector_load %arg11[%parallel_loop3A_641, %parallel_loop3A_642] {strides = array<i32>} : memref<128x128xf32, #tpu.memory_space<vmem>>, vector<16xf32>,
        %parallel_loop3A_644 = arith.index_cast %parallel_loop3A_626 : i32 to index
        %parallel_loop3A_645 = arith.constant 32 : index
        %parallel_loop3A_646 = tpu.vector_load %arg13[%parallel_loop3A_644, %parallel_loop3A_645] {strides = array<i32>} : memref<128x128xf32, #tpu.memory_space<vmem>>, vector<16xf32>,
        %parallel_loop3A_647 = arith.mulf %parallel_loop3A_643, %parallel_loop3A_646 : vector<16xf32>
        %parallel_loop3A_648 = arith.addf %parallel_loop3A_633, %parallel_loop3A_647 : vector<16xf32>
        %parallel_loop3A_649 = arith.index_cast %parallel_loop3A_626 : i32 to index
        %parallel_loop3A_650 = arith.constant 48 : index
        %parallel_loop3A_651 = tpu.vector_load %arg11[%parallel_loop3A_649, %parallel_loop3A_650] {strides = array<i32>} : memref<128x128xf32, #tpu.memory_space<vmem>>, vector<16xf32>,
        %parallel_loop3A_652 = arith.index_cast %parallel_loop3A_626 : i32 to index
        %parallel_loop3A_653 = arith.constant 48 : index
        %parallel_loop3A_654 = tpu.vector_load %arg13[%parallel_loop3A_652, %parallel_loop3A_653] {strides = array<i32>} : memref<128x128xf32, #tpu.memory_space<vmem>>, vector<16xf32>,
        %parallel_loop3A_655 = arith.mulf %parallel_loop3A_651, %parallel_loop3A_654 : vector<16xf32>
        %parallel_loop3A_656 = arith.addf %parallel_loop3A_640, %parallel_loop3A_655 : vector<16xf32>
        %parallel_loop3A_657 = arith.index_cast %parallel_loop3A_626 : i32 to index
        %parallel_loop3A_658 = arith.constant 64 : index
        %parallel_loop3A_659 = tpu.vector_load %arg11[%parallel_loop3A_657, %parallel_loop3A_658] {strides = array<i32>} : memref<128x128xf32, #tpu.memory_space<vmem>>, vector<16xf32>,
        %parallel_loop3A_660 = arith.index_cast %parallel_loop3A_626 : i32 to index
        %parallel_loop3A_661 = arith.constant 64 : index
        %parallel_loop3A_662 = tpu.vector_load %arg13[%parallel_loop3A_660, %parallel_loop3A_661] {strides = array<i32>} : memref<128x128xf32, #tpu.memory_space<vmem>>, vector<16xf32>,
        %parallel_loop3A_663 = arith.mulf %parallel_loop3A_659, %parallel_loop3A_662 : vector<16xf32>
        %parallel_loop3A_664 = arith.addf %parallel_loop3A_648, %parallel_loop3A_663 : vector<16xf32>
        %parallel_loop3A_665 = arith.index_cast %parallel_loop3A_626 : i32 to index
        %parallel_loop3A_666 = arith.constant 80 : index
        %parallel_loop3A_667 = tpu.vector_load %arg11[%parallel_loop3A_665, %parallel_loop3A_666] {strides = array<i32>} : memref<128x128xf32, #tpu.memory_space<vmem>>, vector<16xf32>,
        %parallel_loop3A_668 = arith.index_cast %parallel_loop3A_626 : i32 to index
        %parallel_loop3A_669 = arith.constant 80 : index
        %parallel_loop3A_670 = tpu.vector_load %arg13[%parallel_loop3A_668, %parallel_loop3A_669] {strides = array<i32>} : memref<128x128xf32, #tpu.memory_space<vmem>>, vector<16xf32>,
        %parallel_loop3A_671 = arith.mulf %parallel_loop3A_667, %parallel_loop3A_670 : vector<16xf32>
        %parallel_loop3A_672 = arith.addf %parallel_loop3A_656, %parallel_loop3A_671 : vector<16xf32>
        %parallel_loop3A_673 = arith.index_cast %parallel_loop3A_626 : i32 to index
        %parallel_loop3A_674 = arith.constant 96 : index
        %parallel_loop3A_675 = tpu.vector_load %arg11[%parallel_loop3A_673, %parallel_loop3A_674] {strides = array<i32>} : memref<128x128xf32, #tpu.memory_space<vmem>>, vector<16xf32>,
        %parallel_loop3A_676 = arith.index_cast %parallel_loop3A_626 : i32 to index
        %parallel_loop3A_677 = arith.constant 96 : index
        %parallel_loop3A_678 = tpu.vector_load %arg13[%parallel_loop3A_676, %parallel_loop3A_677] {strides = array<i32>} : memref<128x128xf32, #tpu.memory_space<vmem>>, vector<16xf32>,
        %parallel_loop3A_679 = arith.mulf %parallel_loop3A_675, %parallel_loop3A_678 : vector<16xf32>
        %parallel_loop3A_680 = arith.addf %parallel_loop3A_664, %parallel_loop3A_679 : vector<16xf32>
        %parallel_loop3A_681 = arith.index_cast %parallel_loop3A_626 : i32 to index
        %parallel_loop3A_682 = arith.constant 112 : index
        %parallel_loop3A_683 = tpu.vector_load %arg11[%parallel_loop3A_681, %parallel_loop3A_682] {strides = array<i32>} : memref<128x128xf32, #tpu.memory_space<vmem>>, vector<16xf32>,
        %parallel_loop3A_684 = arith.index_cast %parallel_loop3A_626 : i32 to index
        %parallel_loop3A_685 = arith.constant 112 : index
        %parallel_loop3A_686 = tpu.vector_load %arg13[%parallel_loop3A_684, %parallel_loop3A_685] {strides = array<i32>} : memref<128x128xf32, #tpu.memory_space<vmem>>, vector<16xf32>,
        %parallel_loop3A_687 = arith.mulf %parallel_loop3A_683, %parallel_loop3A_686 : vector<16xf32>
        %parallel_loop3A_688 = arith.addf %parallel_loop3A_672, %parallel_loop3A_687 : vector<16xf32>
        %parallel_loop3A_689 = arith.addf %parallel_loop3A_680, %parallel_loop3A_688 : vector<16xf32>
        %parallel_loop3A_690 = arith.constant 16 : i32
        %parallel_loop3A_691 = arith.muli %parallel_loop3A_153, %parallel_loop3A_690 : i32
        %parallel_loop3A_692 = arith.constant 8 : i32
        %parallel_loop3A_693 = arith.addi %parallel_loop3A_691, %parallel_loop3A_692 : i32
        %parallel_loop3A_694 = arith.index_cast %parallel_loop3A_693 : i32 to index
        %parallel_loop3A_695 = arith.constant 0 : index
        %parallel_loop3A_696 = tpu.vector_load %arg11[%parallel_loop3A_694, %parallel_loop3A_695] {strides = array<i32>} : memref<128x128xf32, #tpu.memory_space<vmem>>, vector<16xf32>,
        %parallel_loop3A_697 = arith.index_cast %parallel_loop3A_693 : i32 to index
        %parallel_loop3A_698 = arith.constant 0 : index
        %parallel_loop3A_699 = tpu.vector_load %arg13[%parallel_loop3A_697, %parallel_loop3A_698] {strides = array<i32>} : memref<128x128xf32, #tpu.memory_space<vmem>>, vector<16xf32>,
        %parallel_loop3A_700 = arith.mulf %parallel_loop3A_696, %parallel_loop3A_699 : vector<16xf32>
        %parallel_loop3A_701 = arith.index_cast %parallel_loop3A_693 : i32 to index
        %parallel_loop3A_702 = arith.constant 16 : index
        %parallel_loop3A_703 = tpu.vector_load %arg11[%parallel_loop3A_701, %parallel_loop3A_702] {strides = array<i32>} : memref<128x128xf32, #tpu.memory_space<vmem>>, vector<16xf32>,
        %parallel_loop3A_704 = arith.index_cast %parallel_loop3A_693 : i32 to index
        %parallel_loop3A_705 = arith.constant 16 : index
        %parallel_loop3A_706 = tpu.vector_load %arg13[%parallel_loop3A_704, %parallel_loop3A_705] {strides = array<i32>} : memref<128x128xf32, #tpu.memory_space<vmem>>, vector<16xf32>,
        %parallel_loop3A_707 = arith.mulf %parallel_loop3A_703, %parallel_loop3A_706 : vector<16xf32>
        %parallel_loop3A_708 = arith.index_cast %parallel_loop3A_693 : i32 to index
        %parallel_loop3A_709 = arith.constant 32 : index
        %parallel_loop3A_710 = tpu.vector_load %arg11[%parallel_loop3A_708, %parallel_loop3A_709] {strides = array<i32>} : memref<128x128xf32, #tpu.memory_space<vmem>>, vector<16xf32>,
        %parallel_loop3A_711 = arith.index_cast %parallel_loop3A_693 : i32 to index
        %parallel_loop3A_712 = arith.constant 32 : index
        %parallel_loop3A_713 = tpu.vector_load %arg13[%parallel_loop3A_711, %parallel_loop3A_712] {strides = array<i32>} : memref<128x128xf32, #tpu.memory_space<vmem>>, vector<16xf32>,
        %parallel_loop3A_714 = arith.mulf %parallel_loop3A_710, %parallel_loop3A_713 : vector<16xf32>
        %parallel_loop3A_715 = arith.addf %parallel_loop3A_700, %parallel_loop3A_714 : vector<16xf32>
        %parallel_loop3A_716 = arith.index_cast %parallel_loop3A_693 : i32 to index
        %parallel_loop3A_717 = arith.constant 48 : index
        %parallel_loop3A_718 = tpu.vector_load %arg11[%parallel_loop3A_716, %parallel_loop3A_717] {strides = array<i32>} : memref<128x128xf32, #tpu.memory_space<vmem>>, vector<16xf32>,
        %parallel_loop3A_719 = arith.index_cast %parallel_loop3A_693 : i32 to index
        %parallel_loop3A_720 = arith.constant 48 : index
        %parallel_loop3A_721 = tpu.vector_load %arg13[%parallel_loop3A_719, %parallel_loop3A_720] {strides = array<i32>} : memref<128x128xf32, #tpu.memory_space<vmem>>, vector<16xf32>,
        %parallel_loop3A_722 = arith.mulf %parallel_loop3A_718, %parallel_loop3A_721 : vector<16xf32>
        %parallel_loop3A_723 = arith.addf %parallel_loop3A_707, %parallel_loop3A_722 : vector<16xf32>
        %parallel_loop3A_724 = arith.index_cast %parallel_loop3A_693 : i32 to index
        %parallel_loop3A_725 = arith.constant 64 : index
        %parallel_loop3A_726 = tpu.vector_load %arg11[%parallel_loop3A_724, %parallel_loop3A_725] {strides = array<i32>} : memref<128x128xf32, #tpu.memory_space<vmem>>, vector<16xf32>,
        %parallel_loop3A_727 = arith.index_cast %parallel_loop3A_693 : i32 to index
        %parallel_loop3A_728 = arith.constant 64 : index
        %parallel_loop3A_729 = tpu.vector_load %arg13[%parallel_loop3A_727, %parallel_loop3A_728] {strides = array<i32>} : memref<128x128xf32, #tpu.memory_space<vmem>>, vector<16xf32>,
        %parallel_loop3A_730 = arith.mulf %parallel_loop3A_726, %parallel_loop3A_729 : vector<16xf32>
        %parallel_loop3A_731 = arith.addf %parallel_loop3A_715, %parallel_loop3A_730 : vector<16xf32>
        %parallel_loop3A_732 = arith.index_cast %parallel_loop3A_693 : i32 to index
        %parallel_loop3A_733 = arith.constant 80 : index
        %parallel_loop3A_734 = tpu.vector_load %arg11[%parallel_loop3A_732, %parallel_loop3A_733] {strides = array<i32>} : memref<128x128xf32, #tpu.memory_space<vmem>>, vector<16xf32>,
        %parallel_loop3A_735 = arith.index_cast %parallel_loop3A_693 : i32 to index
        %parallel_loop3A_736 = arith.constant 80 : index
        %parallel_loop3A_737 = tpu.vector_load %arg13[%parallel_loop3A_735, %parallel_loop3A_736] {strides = array<i32>} : memref<128x128xf32, #tpu.memory_space<vmem>>, vector<16xf32>,
        %parallel_loop3A_738 = arith.mulf %parallel_loop3A_734, %parallel_loop3A_737 : vector<16xf32>
        %parallel_loop3A_739 = arith.addf %parallel_loop3A_723, %parallel_loop3A_738 : vector<16xf32>
        %parallel_loop3A_740 = arith.index_cast %parallel_loop3A_693 : i32 to index
        %parallel_loop3A_741 = arith.constant 96 : index
        %parallel_loop3A_742 = tpu.vector_load %arg11[%parallel_loop3A_740, %parallel_loop3A_741] {strides = array<i32>} : memref<128x128xf32, #tpu.memory_space<vmem>>, vector<16xf32>,
        %parallel_loop3A_743 = arith.index_cast %parallel_loop3A_693 : i32 to index
        %parallel_loop3A_744 = arith.constant 96 : index
        %parallel_loop3A_745 = tpu.vector_load %arg13[%parallel_loop3A_743, %parallel_loop3A_744] {strides = array<i32>} : memref<128x128xf32, #tpu.memory_space<vmem>>, vector<16xf32>,
        %parallel_loop3A_746 = arith.mulf %parallel_loop3A_742, %parallel_loop3A_745 : vector<16xf32>
        %parallel_loop3A_747 = arith.addf %parallel_loop3A_731, %parallel_loop3A_746 : vector<16xf32>
        %parallel_loop3A_748 = arith.index_cast %parallel_loop3A_693 : i32 to index
        %parallel_loop3A_749 = arith.constant 112 : index
        %parallel_loop3A_750 = tpu.vector_load %arg11[%parallel_loop3A_748, %parallel_loop3A_749] {strides = array<i32>} : memref<128x128xf32, #tpu.memory_space<vmem>>, vector<16xf32>,
        %parallel_loop3A_751 = arith.index_cast %parallel_loop3A_693 : i32 to index
        %parallel_loop3A_752 = arith.constant 112 : index
        %parallel_loop3A_753 = tpu.vector_load %arg13[%parallel_loop3A_751, %parallel_loop3A_752] {strides = array<i32>} : memref<128x128xf32, #tpu.memory_space<vmem>>, vector<16xf32>,
        %parallel_loop3A_754 = arith.mulf %parallel_loop3A_750, %parallel_loop3A_753 : vector<16xf32>
        %parallel_loop3A_755 = arith.addf %parallel_loop3A_739, %parallel_loop3A_754 : vector<16xf32>
        %parallel_loop3A_756 = arith.addf %parallel_loop3A_747, %parallel_loop3A_755 : vector<16xf32>
        %parallel_loop3A_757 = arith.constant 16 : i32
        %parallel_loop3A_758 = arith.muli %parallel_loop3A_153, %parallel_loop3A_757 : i32
        %parallel_loop3A_759 = arith.constant 9 : i32
        %parallel_loop3A_760 = arith.addi %parallel_loop3A_758, %parallel_loop3A_759 : i32
        %parallel_loop3A_761 = arith.index_cast %parallel_loop3A_760 : i32 to index
        %parallel_loop3A_762 = arith.constant 0 : index
        %parallel_loop3A_763 = tpu.vector_load %arg11[%parallel_loop3A_761, %parallel_loop3A_762] {strides = array<i32>} : memref<128x128xf32, #tpu.memory_space<vmem>>, vector<16xf32>,
        %parallel_loop3A_764 = arith.index_cast %parallel_loop3A_760 : i32 to index
        %parallel_loop3A_765 = arith.constant 0 : index
        %parallel_loop3A_766 = tpu.vector_load %arg13[%parallel_loop3A_764, %parallel_loop3A_765] {strides = array<i32>} : memref<128x128xf32, #tpu.memory_space<vmem>>, vector<16xf32>,
        %parallel_loop3A_767 = arith.mulf %parallel_loop3A_763, %parallel_loop3A_766 : vector<16xf32>
        %parallel_loop3A_768 = arith.index_cast %parallel_loop3A_760 : i32 to index
        %parallel_loop3A_769 = arith.constant 16 : index
        %parallel_loop3A_770 = tpu.vector_load %arg11[%parallel_loop3A_768, %parallel_loop3A_769] {strides = array<i32>} : memref<128x128xf32, #tpu.memory_space<vmem>>, vector<16xf32>,
        %parallel_loop3A_771 = arith.index_cast %parallel_loop3A_760 : i32 to index
        %parallel_loop3A_772 = arith.constant 16 : index
        %parallel_loop3A_773 = tpu.vector_load %arg13[%parallel_loop3A_771, %parallel_loop3A_772] {strides = array<i32>} : memref<128x128xf32, #tpu.memory_space<vmem>>, vector<16xf32>,
        %parallel_loop3A_774 = arith.mulf %parallel_loop3A_770, %parallel_loop3A_773 : vector<16xf32>
        %parallel_loop3A_775 = arith.index_cast %parallel_loop3A_760 : i32 to index
        %parallel_loop3A_776 = arith.constant 32 : index
        %parallel_loop3A_777 = tpu.vector_load %arg11[%parallel_loop3A_775, %parallel_loop3A_776] {strides = array<i32>} : memref<128x128xf32, #tpu.memory_space<vmem>>, vector<16xf32>,
        %parallel_loop3A_778 = arith.index_cast %parallel_loop3A_760 : i32 to index
        %parallel_loop3A_779 = arith.constant 32 : index
        %parallel_loop3A_780 = tpu.vector_load %arg13[%parallel_loop3A_778, %parallel_loop3A_779] {strides = array<i32>} : memref<128x128xf32, #tpu.memory_space<vmem>>, vector<16xf32>,
        %parallel_loop3A_781 = arith.mulf %parallel_loop3A_777, %parallel_loop3A_780 : vector<16xf32>
        %parallel_loop3A_782 = arith.addf %parallel_loop3A_767, %parallel_loop3A_781 : vector<16xf32>
        %parallel_loop3A_783 = arith.index_cast %parallel_loop3A_760 : i32 to index
        %parallel_loop3A_784 = arith.constant 48 : index
        %parallel_loop3A_785 = tpu.vector_load %arg11[%parallel_loop3A_783, %parallel_loop3A_784] {strides = array<i32>} : memref<128x128xf32, #tpu.memory_space<vmem>>, vector<16xf32>,
        %parallel_loop3A_786 = arith.index_cast %parallel_loop3A_760 : i32 to index
        %parallel_loop3A_787 = arith.constant 48 : index
        %parallel_loop3A_788 = tpu.vector_load %arg13[%parallel_loop3A_786, %parallel_loop3A_787] {strides = array<i32>} : memref<128x128xf32, #tpu.memory_space<vmem>>, vector<16xf32>,
        %parallel_loop3A_789 = arith.mulf %parallel_loop3A_785, %parallel_loop3A_788 : vector<16xf32>
        %parallel_loop3A_790 = arith.addf %parallel_loop3A_774, %parallel_loop3A_789 : vector<16xf32>
        %parallel_loop3A_791 = arith.index_cast %parallel_loop3A_760 : i32 to index
        %parallel_loop3A_792 = arith.constant 64 : index
        %parallel_loop3A_793 = tpu.vector_load %arg11[%parallel_loop3A_791, %parallel_loop3A_792] {strides = array<i32>} : memref<128x128xf32, #tpu.memory_space<vmem>>, vector<16xf32>,
        %parallel_loop3A_794 = arith.index_cast %parallel_loop3A_760 : i32 to index
        %parallel_loop3A_795 = arith.constant 64 : index
        %parallel_loop3A_796 = tpu.vector_load %arg13[%parallel_loop3A_794, %parallel_loop3A_795] {strides = array<i32>} : memref<128x128xf32, #tpu.memory_space<vmem>>, vector<16xf32>,
        %parallel_loop3A_797 = arith.mulf %parallel_loop3A_793, %parallel_loop3A_796 : vector<16xf32>
        %parallel_loop3A_798 = arith.addf %parallel_loop3A_782, %parallel_loop3A_797 : vector<16xf32>
        %parallel_loop3A_799 = arith.index_cast %parallel_loop3A_760 : i32 to index
        %parallel_loop3A_800 = arith.constant 80 : index
        %parallel_loop3A_801 = tpu.vector_load %arg11[%parallel_loop3A_799, %parallel_loop3A_800] {strides = array<i32>} : memref<128x128xf32, #tpu.memory_space<vmem>>, vector<16xf32>,
        %parallel_loop3A_802 = arith.index_cast %parallel_loop3A_760 : i32 to index
        %parallel_loop3A_803 = arith.constant 80 : index
        %parallel_loop3A_804 = tpu.vector_load %arg13[%parallel_loop3A_802, %parallel_loop3A_803] {strides = array<i32>} : memref<128x128xf32, #tpu.memory_space<vmem>>, vector<16xf32>,
        %parallel_loop3A_805 = arith.mulf %parallel_loop3A_801, %parallel_loop3A_804 : vector<16xf32>
        %parallel_loop3A_806 = arith.addf %parallel_loop3A_790, %parallel_loop3A_805 : vector<16xf32>
        %parallel_loop3A_807 = arith.index_cast %parallel_loop3A_760 : i32 to index
        %parallel_loop3A_808 = arith.constant 96 : index
        %parallel_loop3A_809 = tpu.vector_load %arg11[%parallel_loop3A_807, %parallel_loop3A_808] {strides = array<i32>} : memref<128x128xf32, #tpu.memory_space<vmem>>, vector<16xf32>,
        %parallel_loop3A_810 = arith.index_cast %parallel_loop3A_760 : i32 to index
        %parallel_loop3A_811 = arith.constant 96 : index
        %parallel_loop3A_812 = tpu.vector_load %arg13[%parallel_loop3A_810, %parallel_loop3A_811] {strides = array<i32>} : memref<128x128xf32, #tpu.memory_space<vmem>>, vector<16xf32>,
        %parallel_loop3A_813 = arith.mulf %parallel_loop3A_809, %parallel_loop3A_812 : vector<16xf32>
        %parallel_loop3A_814 = arith.addf %parallel_loop3A_798, %parallel_loop3A_813 : vector<16xf32>
        %parallel_loop3A_815 = arith.index_cast %parallel_loop3A_760 : i32 to index
        %parallel_loop3A_816 = arith.constant 112 : index
        %parallel_loop3A_817 = tpu.vector_load %arg11[%parallel_loop3A_815, %parallel_loop3A_816] {strides = array<i32>} : memref<128x128xf32, #tpu.memory_space<vmem>>, vector<16xf32>,
        %parallel_loop3A_818 = arith.index_cast %parallel_loop3A_760 : i32 to index
        %parallel_loop3A_819 = arith.constant 112 : index
        %parallel_loop3A_820 = tpu.vector_load %arg13[%parallel_loop3A_818, %parallel_loop3A_819] {strides = array<i32>} : memref<128x128xf32, #tpu.memory_space<vmem>>, vector<16xf32>,
        %parallel_loop3A_821 = arith.mulf %parallel_loop3A_817, %parallel_loop3A_820 : vector<16xf32>
        %parallel_loop3A_822 = arith.addf %parallel_loop3A_806, %parallel_loop3A_821 : vector<16xf32>
        %parallel_loop3A_823 = arith.addf %parallel_loop3A_814, %parallel_loop3A_822 : vector<16xf32>
        %parallel_loop3A_824 = arith.constant 16 : i32
        %parallel_loop3A_825 = arith.muli %parallel_loop3A_153, %parallel_loop3A_824 : i32
        %parallel_loop3A_826 = arith.constant 10 : i32
        %parallel_loop3A_827 = arith.addi %parallel_loop3A_825, %parallel_loop3A_826 : i32
        %parallel_loop3A_828 = arith.index_cast %parallel_loop3A_827 : i32 to index
        %parallel_loop3A_829 = arith.constant 0 : index
        %parallel_loop3A_830 = tpu.vector_load %arg11[%parallel_loop3A_828, %parallel_loop3A_829] {strides = array<i32>} : memref<128x128xf32, #tpu.memory_space<vmem>>, vector<16xf32>,
        %parallel_loop3A_831 = arith.index_cast %parallel_loop3A_827 : i32 to index
        %parallel_loop3A_832 = arith.constant 0 : index
        %parallel_loop3A_833 = tpu.vector_load %arg13[%parallel_loop3A_831, %parallel_loop3A_832] {strides = array<i32>} : memref<128x128xf32, #tpu.memory_space<vmem>>, vector<16xf32>,
        %parallel_loop3A_834 = arith.mulf %parallel_loop3A_830, %parallel_loop3A_833 : vector<16xf32>
        %parallel_loop3A_835 = arith.index_cast %parallel_loop3A_827 : i32 to index
        %parallel_loop3A_836 = arith.constant 16 : index
        %parallel_loop3A_837 = tpu.vector_load %arg11[%parallel_loop3A_835, %parallel_loop3A_836] {strides = array<i32>} : memref<128x128xf32, #tpu.memory_space<vmem>>, vector<16xf32>,
        %parallel_loop3A_838 = arith.index_cast %parallel_loop3A_827 : i32 to index
        %parallel_loop3A_839 = arith.constant 16 : index
        %parallel_loop3A_840 = tpu.vector_load %arg13[%parallel_loop3A_838, %parallel_loop3A_839] {strides = array<i32>} : memref<128x128xf32, #tpu.memory_space<vmem>>, vector<16xf32>,
        %parallel_loop3A_841 = arith.mulf %parallel_loop3A_837, %parallel_loop3A_840 : vector<16xf32>
        %parallel_loop3A_842 = arith.index_cast %parallel_loop3A_827 : i32 to index
        %parallel_loop3A_843 = arith.constant 32 : index
        %parallel_loop3A_844 = tpu.vector_load %arg11[%parallel_loop3A_842, %parallel_loop3A_843] {strides = array<i32>} : memref<128x128xf32, #tpu.memory_space<vmem>>, vector<16xf32>,
        %parallel_loop3A_845 = arith.index_cast %parallel_loop3A_827 : i32 to index
        %parallel_loop3A_846 = arith.constant 32 : index
        %parallel_loop3A_847 = tpu.vector_load %arg13[%parallel_loop3A_845, %parallel_loop3A_846] {strides = array<i32>} : memref<128x128xf32, #tpu.memory_space<vmem>>, vector<16xf32>,
        %parallel_loop3A_848 = arith.mulf %parallel_loop3A_844, %parallel_loop3A_847 : vector<16xf32>
        %parallel_loop3A_849 = arith.addf %parallel_loop3A_834, %parallel_loop3A_848 : vector<16xf32>
        %parallel_loop3A_850 = arith.index_cast %parallel_loop3A_827 : i32 to index
        %parallel_loop3A_851 = arith.constant 48 : index
        %parallel_loop3A_852 = tpu.vector_load %arg11[%parallel_loop3A_850, %parallel_loop3A_851] {strides = array<i32>} : memref<128x128xf32, #tpu.memory_space<vmem>>, vector<16xf32>,
        %parallel_loop3A_853 = arith.index_cast %parallel_loop3A_827 : i32 to index
        %parallel_loop3A_854 = arith.constant 48 : index
        %parallel_loop3A_855 = tpu.vector_load %arg13[%parallel_loop3A_853, %parallel_loop3A_854] {strides = array<i32>} : memref<128x128xf32, #tpu.memory_space<vmem>>, vector<16xf32>,
        %parallel_loop3A_856 = arith.mulf %parallel_loop3A_852, %parallel_loop3A_855 : vector<16xf32>
        %parallel_loop3A_857 = arith.addf %parallel_loop3A_841, %parallel_loop3A_856 : vector<16xf32>
        %parallel_loop3A_858 = arith.index_cast %parallel_loop3A_827 : i32 to index
        %parallel_loop3A_859 = arith.constant 64 : index
        %parallel_loop3A_860 = tpu.vector_load %arg11[%parallel_loop3A_858, %parallel_loop3A_859] {strides = array<i32>} : memref<128x128xf32, #tpu.memory_space<vmem>>, vector<16xf32>,
        %parallel_loop3A_861 = arith.index_cast %parallel_loop3A_827 : i32 to index
        %parallel_loop3A_862 = arith.constant 64 : index
        %parallel_loop3A_863 = tpu.vector_load %arg13[%parallel_loop3A_861, %parallel_loop3A_862] {strides = array<i32>} : memref<128x128xf32, #tpu.memory_space<vmem>>, vector<16xf32>,
        %parallel_loop3A_864 = arith.mulf %parallel_loop3A_860, %parallel_loop3A_863 : vector<16xf32>
        %parallel_loop3A_865 = arith.addf %parallel_loop3A_849, %parallel_loop3A_864 : vector<16xf32>
        %parallel_loop3A_866 = arith.index_cast %parallel_loop3A_827 : i32 to index
        %parallel_loop3A_867 = arith.constant 80 : index
        %parallel_loop3A_868 = tpu.vector_load %arg11[%parallel_loop3A_866, %parallel_loop3A_867] {strides = array<i32>} : memref<128x128xf32, #tpu.memory_space<vmem>>, vector<16xf32>,
        %parallel_loop3A_869 = arith.index_cast %parallel_loop3A_827 : i32 to index
        %parallel_loop3A_870 = arith.constant 80 : index
        %parallel_loop3A_871 = tpu.vector_load %arg13[%parallel_loop3A_869, %parallel_loop3A_870] {strides = array<i32>} : memref<128x128xf32, #tpu.memory_space<vmem>>, vector<16xf32>,
        %parallel_loop3A_872 = arith.mulf %parallel_loop3A_868, %parallel_loop3A_871 : vector<16xf32>
        %parallel_loop3A_873 = arith.addf %parallel_loop3A_857, %parallel_loop3A_872 : vector<16xf32>
        %parallel_loop3A_874 = arith.index_cast %parallel_loop3A_827 : i32 to index
        %parallel_loop3A_875 = arith.constant 96 : index
        %parallel_loop3A_876 = tpu.vector_load %arg11[%parallel_loop3A_874, %parallel_loop3A_875] {strides = array<i32>} : memref<128x128xf32, #tpu.memory_space<vmem>>, vector<16xf32>,
        %parallel_loop3A_877 = arith.index_cast %parallel_loop3A_827 : i32 to index
        %parallel_loop3A_878 = arith.constant 96 : index
        %parallel_loop3A_879 = tpu.vector_load %arg13[%parallel_loop3A_877, %parallel_loop3A_878] {strides = array<i32>} : memref<128x128xf32, #tpu.memory_space<vmem>>, vector<16xf32>,
        %parallel_loop3A_880 = arith.mulf %parallel_loop3A_876, %parallel_loop3A_879 : vector<16xf32>
        %parallel_loop3A_881 = arith.addf %parallel_loop3A_865, %parallel_loop3A_880 : vector<16xf32>
        %parallel_loop3A_882 = arith.index_cast %parallel_loop3A_827 : i32 to index
        %parallel_loop3A_883 = arith.constant 112 : index
        %parallel_loop3A_884 = tpu.vector_load %arg11[%parallel_loop3A_882, %parallel_loop3A_883] {strides = array<i32>} : memref<128x128xf32, #tpu.memory_space<vmem>>, vector<16xf32>,
        %parallel_loop3A_885 = arith.index_cast %parallel_loop3A_827 : i32 to index
        %parallel_loop3A_886 = arith.constant 112 : index
        %parallel_loop3A_887 = tpu.vector_load %arg13[%parallel_loop3A_885, %parallel_loop3A_886] {strides = array<i32>} : memref<128x128xf32, #tpu.memory_space<vmem>>, vector<16xf32>,
        %parallel_loop3A_888 = arith.mulf %parallel_loop3A_884, %parallel_loop3A_887 : vector<16xf32>
        %parallel_loop3A_889 = arith.addf %parallel_loop3A_873, %parallel_loop3A_888 : vector<16xf32>
        %parallel_loop3A_890 = arith.addf %parallel_loop3A_881, %parallel_loop3A_889 : vector<16xf32>
        %parallel_loop3A_891 = arith.constant 16 : i32
        %parallel_loop3A_892 = arith.muli %parallel_loop3A_153, %parallel_loop3A_891 : i32
        %parallel_loop3A_893 = arith.constant 11 : i32
        %parallel_loop3A_894 = arith.addi %parallel_loop3A_892, %parallel_loop3A_893 : i32
        %parallel_loop3A_895 = arith.index_cast %parallel_loop3A_894 : i32 to index
        %parallel_loop3A_896 = arith.constant 0 : index
        %parallel_loop3A_897 = tpu.vector_load %arg11[%parallel_loop3A_895, %parallel_loop3A_896] {strides = array<i32>} : memref<128x128xf32, #tpu.memory_space<vmem>>, vector<16xf32>,
        %parallel_loop3A_898 = arith.index_cast %parallel_loop3A_894 : i32 to index
        %parallel_loop3A_899 = arith.constant 0 : index
        %parallel_loop3A_900 = tpu.vector_load %arg13[%parallel_loop3A_898, %parallel_loop3A_899] {strides = array<i32>} : memref<128x128xf32, #tpu.memory_space<vmem>>, vector<16xf32>,
        %parallel_loop3A_901 = arith.mulf %parallel_loop3A_897, %parallel_loop3A_900 : vector<16xf32>
        %parallel_loop3A_902 = arith.index_cast %parallel_loop3A_894 : i32 to index
        %parallel_loop3A_903 = arith.constant 16 : index
        %parallel_loop3A_904 = tpu.vector_load %arg11[%parallel_loop3A_902, %parallel_loop3A_903] {strides = array<i32>} : memref<128x128xf32, #tpu.memory_space<vmem>>, vector<16xf32>,
        %parallel_loop3A_905 = arith.index_cast %parallel_loop3A_894 : i32 to index
        %parallel_loop3A_906 = arith.constant 16 : index
        %parallel_loop3A_907 = tpu.vector_load %arg13[%parallel_loop3A_905, %parallel_loop3A_906] {strides = array<i32>} : memref<128x128xf32, #tpu.memory_space<vmem>>, vector<16xf32>,
        %parallel_loop3A_908 = arith.mulf %parallel_loop3A_904, %parallel_loop3A_907 : vector<16xf32>
        %parallel_loop3A_909 = arith.index_cast %parallel_loop3A_894 : i32 to index
        %parallel_loop3A_910 = arith.constant 32 : index
        %parallel_loop3A_911 = tpu.vector_load %arg11[%parallel_loop3A_909, %parallel_loop3A_910] {strides = array<i32>} : memref<128x128xf32, #tpu.memory_space<vmem>>, vector<16xf32>,
        %parallel_loop3A_912 = arith.index_cast %parallel_loop3A_894 : i32 to index
        %parallel_loop3A_913 = arith.constant 32 : index
        %parallel_loop3A_914 = tpu.vector_load %arg13[%parallel_loop3A_912, %parallel_loop3A_913] {strides = array<i32>} : memref<128x128xf32, #tpu.memory_space<vmem>>, vector<16xf32>,
        %parallel_loop3A_915 = arith.mulf %parallel_loop3A_911, %parallel_loop3A_914 : vector<16xf32>
        %parallel_loop3A_916 = arith.addf %parallel_loop3A_901, %parallel_loop3A_915 : vector<16xf32>
        %parallel_loop3A_917 = arith.index_cast %parallel_loop3A_894 : i32 to index
        %parallel_loop3A_918 = arith.constant 48 : index
        %parallel_loop3A_919 = tpu.vector_load %arg11[%parallel_loop3A_917, %parallel_loop3A_918] {strides = array<i32>} : memref<128x128xf32, #tpu.memory_space<vmem>>, vector<16xf32>,
        %parallel_loop3A_920 = arith.index_cast %parallel_loop3A_894 : i32 to index
        %parallel_loop3A_921 = arith.constant 48 : index
        %parallel_loop3A_922 = tpu.vector_load %arg13[%parallel_loop3A_920, %parallel_loop3A_921] {strides = array<i32>} : memref<128x128xf32, #tpu.memory_space<vmem>>, vector<16xf32>,
        %parallel_loop3A_923 = arith.mulf %parallel_loop3A_919, %parallel_loop3A_922 : vector<16xf32>
        %parallel_loop3A_924 = arith.addf %parallel_loop3A_908, %parallel_loop3A_923 : vector<16xf32>
        %parallel_loop3A_925 = arith.index_cast %parallel_loop3A_894 : i32 to index
        %parallel_loop3A_926 = arith.constant 64 : index
        %parallel_loop3A_927 = tpu.vector_load %arg11[%parallel_loop3A_925, %parallel_loop3A_926] {strides = array<i32>} : memref<128x128xf32, #tpu.memory_space<vmem>>, vector<16xf32>,
        %parallel_loop3A_928 = arith.index_cast %parallel_loop3A_894 : i32 to index
        %parallel_loop3A_929 = arith.constant 64 : index
        %parallel_loop3A_930 = tpu.vector_load %arg13[%parallel_loop3A_928, %parallel_loop3A_929] {strides = array<i32>} : memref<128x128xf32, #tpu.memory_space<vmem>>, vector<16xf32>,
        %parallel_loop3A_931 = arith.mulf %parallel_loop3A_927, %parallel_loop3A_930 : vector<16xf32>
        %parallel_loop3A_932 = arith.addf %parallel_loop3A_916, %parallel_loop3A_931 : vector<16xf32>
        %parallel_loop3A_933 = arith.index_cast %parallel_loop3A_894 : i32 to index
        %parallel_loop3A_934 = arith.constant 80 : index
        %parallel_loop3A_935 = tpu.vector_load %arg11[%parallel_loop3A_933, %parallel_loop3A_934] {strides = array<i32>} : memref<128x128xf32, #tpu.memory_space<vmem>>, vector<16xf32>,
        %parallel_loop3A_936 = arith.index_cast %parallel_loop3A_894 : i32 to index
        %parallel_loop3A_937 = arith.constant 80 : index
        %parallel_loop3A_938 = tpu.vector_load %arg13[%parallel_loop3A_936, %parallel_loop3A_937] {strides = array<i32>} : memref<128x128xf32, #tpu.memory_space<vmem>>, vector<16xf32>,
        %parallel_loop3A_939 = arith.mulf %parallel_loop3A_935, %parallel_loop3A_938 : vector<16xf32>
        %parallel_loop3A_940 = arith.addf %parallel_loop3A_924, %parallel_loop3A_939 : vector<16xf32>
        %parallel_loop3A_941 = arith.index_cast %parallel_loop3A_894 : i32 to index
        %parallel_loop3A_942 = arith.constant 96 : index
        %parallel_loop3A_943 = tpu.vector_load %arg11[%parallel_loop3A_941, %parallel_loop3A_942] {strides = array<i32>} : memref<128x128xf32, #tpu.memory_space<vmem>>, vector<16xf32>,
        %parallel_loop3A_944 = arith.index_cast %parallel_loop3A_894 : i32 to index
        %parallel_loop3A_945 = arith.constant 96 : index
        %parallel_loop3A_946 = tpu.vector_load %arg13[%parallel_loop3A_944, %parallel_loop3A_945] {strides = array<i32>} : memref<128x128xf32, #tpu.memory_space<vmem>>, vector<16xf32>,
        %parallel_loop3A_947 = arith.mulf %parallel_loop3A_943, %parallel_loop3A_946 : vector<16xf32>
        %parallel_loop3A_948 = arith.addf %parallel_loop3A_932, %parallel_loop3A_947 : vector<16xf32>
        %parallel_loop3A_949 = arith.index_cast %parallel_loop3A_894 : i32 to index
        %parallel_loop3A_950 = arith.constant 112 : index
        %parallel_loop3A_951 = tpu.vector_load %arg11[%parallel_loop3A_949, %parallel_loop3A_950] {strides = array<i32>} : memref<128x128xf32, #tpu.memory_space<vmem>>, vector<16xf32>,
        %parallel_loop3A_952 = arith.index_cast %parallel_loop3A_894 : i32 to index
        %parallel_loop3A_953 = arith.constant 112 : index
        %parallel_loop3A_954 = tpu.vector_load %arg13[%parallel_loop3A_952, %parallel_loop3A_953] {strides = array<i32>} : memref<128x128xf32, #tpu.memory_space<vmem>>, vector<16xf32>,
        %parallel_loop3A_955 = arith.mulf %parallel_loop3A_951, %parallel_loop3A_954 : vector<16xf32>
        %parallel_loop3A_956 = arith.addf %parallel_loop3A_940, %parallel_loop3A_955 : vector<16xf32>
        %parallel_loop3A_957 = arith.addf %parallel_loop3A_948, %parallel_loop3A_956 : vector<16xf32>
        %parallel_loop3A_958 = arith.constant 16 : i32
        %parallel_loop3A_959 = arith.muli %parallel_loop3A_153, %parallel_loop3A_958 : i32
        %parallel_loop3A_960 = arith.constant 12 : i32
        %parallel_loop3A_961 = arith.addi %parallel_loop3A_959, %parallel_loop3A_960 : i32
        %parallel_loop3A_962 = arith.index_cast %parallel_loop3A_961 : i32 to index
        %parallel_loop3A_963 = arith.constant 0 : index
        %parallel_loop3A_964 = tpu.vector_load %arg11[%parallel_loop3A_962, %parallel_loop3A_963] {strides = array<i32>} : memref<128x128xf32, #tpu.memory_space<vmem>>, vector<16xf32>,
        %parallel_loop3A_965 = arith.index_cast %parallel_loop3A_961 : i32 to index
        %parallel_loop3A_966 = arith.constant 0 : index
        %parallel_loop3A_967 = tpu.vector_load %arg13[%parallel_loop3A_965, %parallel_loop3A_966] {strides = array<i32>} : memref<128x128xf32, #tpu.memory_space<vmem>>, vector<16xf32>,
        %parallel_loop3A_968 = arith.mulf %parallel_loop3A_964, %parallel_loop3A_967 : vector<16xf32>
        %parallel_loop3A_969 = arith.index_cast %parallel_loop3A_961 : i32 to index
        %parallel_loop3A_970 = arith.constant 16 : index
        %parallel_loop3A_971 = tpu.vector_load %arg11[%parallel_loop3A_969, %parallel_loop3A_970] {strides = array<i32>} : memref<128x128xf32, #tpu.memory_space<vmem>>, vector<16xf32>,
        %parallel_loop3A_972 = arith.index_cast %parallel_loop3A_961 : i32 to index
        %parallel_loop3A_973 = arith.constant 16 : index
        %parallel_loop3A_974 = tpu.vector_load %arg13[%parallel_loop3A_972, %parallel_loop3A_973] {strides = array<i32>} : memref<128x128xf32, #tpu.memory_space<vmem>>, vector<16xf32>,
        %parallel_loop3A_975 = arith.mulf %parallel_loop3A_971, %parallel_loop3A_974 : vector<16xf32>
        %parallel_loop3A_976 = arith.index_cast %parallel_loop3A_961 : i32 to index
        %parallel_loop3A_977 = arith.constant 32 : index
        %parallel_loop3A_978 = tpu.vector_load %arg11[%parallel_loop3A_976, %parallel_loop3A_977] {strides = array<i32>} : memref<128x128xf32, #tpu.memory_space<vmem>>, vector<16xf32>,
        %parallel_loop3A_979 = arith.index_cast %parallel_loop3A_961 : i32 to index
        %parallel_loop3A_980 = arith.constant 32 : index
        %parallel_loop3A_981 = tpu.vector_load %arg13[%parallel_loop3A_979, %parallel_loop3A_980] {strides = array<i32>} : memref<128x128xf32, #tpu.memory_space<vmem>>, vector<16xf32>,
        %parallel_loop3A_982 = arith.mulf %parallel_loop3A_978, %parallel_loop3A_981 : vector<16xf32>
        %parallel_loop3A_983 = arith.addf %parallel_loop3A_968, %parallel_loop3A_982 : vector<16xf32>
        %parallel_loop3A_984 = arith.index_cast %parallel_loop3A_961 : i32 to index
        %parallel_loop3A_985 = arith.constant 48 : index
        %parallel_loop3A_986 = tpu.vector_load %arg11[%parallel_loop3A_984, %parallel_loop3A_985] {strides = array<i32>} : memref<128x128xf32, #tpu.memory_space<vmem>>, vector<16xf32>,
        %parallel_loop3A_987 = arith.index_cast %parallel_loop3A_961 : i32 to index
        %parallel_loop3A_988 = arith.constant 48 : index
        %parallel_loop3A_989 = tpu.vector_load %arg13[%parallel_loop3A_987, %parallel_loop3A_988] {strides = array<i32>} : memref<128x128xf32, #tpu.memory_space<vmem>>, vector<16xf32>,
        %parallel_loop3A_990 = arith.mulf %parallel_loop3A_986, %parallel_loop3A_989 : vector<16xf32>
        %parallel_loop3A_991 = arith.addf %parallel_loop3A_975, %parallel_loop3A_990 : vector<16xf32>
        %parallel_loop3A_992 = arith.index_cast %parallel_loop3A_961 : i32 to index
        %parallel_loop3A_993 = arith.constant 64 : index
        %parallel_loop3A_994 = tpu.vector_load %arg11[%parallel_loop3A_992, %parallel_loop3A_993] {strides = array<i32>} : memref<128x128xf32, #tpu.memory_space<vmem>>, vector<16xf32>,
        %parallel_loop3A_995 = arith.index_cast %parallel_loop3A_961 : i32 to index
        %parallel_loop3A_996 = arith.constant 64 : index
        %parallel_loop3A_997 = tpu.vector_load %arg13[%parallel_loop3A_995, %parallel_loop3A_996] {strides = array<i32>} : memref<128x128xf32, #tpu.memory_space<vmem>>, vector<16xf32>,
        %parallel_loop3A_998 = arith.mulf %parallel_loop3A_994, %parallel_loop3A_997 : vector<16xf32>
        %parallel_loop3A_999 = arith.addf %parallel_loop3A_983, %parallel_loop3A_998 : vector<16xf32>
        %parallel_loop3A_1000 = arith.index_cast %parallel_loop3A_961 : i32 to index
        %parallel_loop3A_1001 = arith.constant 80 : index
        %parallel_loop3A_1002 = tpu.vector_load %arg11[%parallel_loop3A_1000, %parallel_loop3A_1001] {strides = array<i32>} : memref<128x128xf32, #tpu.memory_space<vmem>>, vector<16xf32>,
        %parallel_loop3A_1003 = arith.index_cast %parallel_loop3A_961 : i32 to index
        %parallel_loop3A_1004 = arith.constant 80 : index
        %parallel_loop3A_1005 = tpu.vector_load %arg13[%parallel_loop3A_1003, %parallel_loop3A_1004] {strides = array<i32>} : memref<128x128xf32, #tpu.memory_space<vmem>>, vector<16xf32>,
        %parallel_loop3A_1006 = arith.mulf %parallel_loop3A_1002, %parallel_loop3A_1005 : vector<16xf32>
        %parallel_loop3A_1007 = arith.addf %parallel_loop3A_991, %parallel_loop3A_1006 : vector<16xf32>
        %parallel_loop3A_1008 = arith.index_cast %parallel_loop3A_961 : i32 to index
        %parallel_loop3A_1009 = arith.constant 96 : index
        %parallel_loop3A_1010 = tpu.vector_load %arg11[%parallel_loop3A_1008, %parallel_loop3A_1009] {strides = array<i32>} : memref<128x128xf32, #tpu.memory_space<vmem>>, vector<16xf32>,
        %parallel_loop3A_1011 = arith.index_cast %parallel_loop3A_961 : i32 to index
        %parallel_loop3A_1012 = arith.constant 96 : index
        %parallel_loop3A_1013 = tpu.vector_load %arg13[%parallel_loop3A_1011, %parallel_loop3A_1012] {strides = array<i32>} : memref<128x128xf32, #tpu.memory_space<vmem>>, vector<16xf32>,
        %parallel_loop3A_1014 = arith.mulf %parallel_loop3A_1010, %parallel_loop3A_1013 : vector<16xf32>
        %parallel_loop3A_1015 = arith.addf %parallel_loop3A_999, %parallel_loop3A_1014 : vector<16xf32>
        %parallel_loop3A_1016 = arith.index_cast %parallel_loop3A_961 : i32 to index
        %parallel_loop3A_1017 = arith.constant 112 : index
        %parallel_loop3A_1018 = tpu.vector_load %arg11[%parallel_loop3A_1016, %parallel_loop3A_1017] {strides = array<i32>} : memref<128x128xf32, #tpu.memory_space<vmem>>, vector<16xf32>,
        %parallel_loop3A_1019 = arith.index_cast %parallel_loop3A_961 : i32 to index
        %parallel_loop3A_1020 = arith.constant 112 : index
        %parallel_loop3A_1021 = tpu.vector_load %arg13[%parallel_loop3A_1019, %parallel_loop3A_1020] {strides = array<i32>} : memref<128x128xf32, #tpu.memory_space<vmem>>, vector<16xf32>,
        %parallel_loop3A_1022 = arith.mulf %parallel_loop3A_1018, %parallel_loop3A_1021 : vector<16xf32>
        %parallel_loop3A_1023 = arith.addf %parallel_loop3A_1007, %parallel_loop3A_1022 : vector<16xf32>
        %parallel_loop3A_1024 = arith.addf %parallel_loop3A_1015, %parallel_loop3A_1023 : vector<16xf32>
        %parallel_loop3A_1025 = arith.constant 16 : i32
        %parallel_loop3A_1026 = arith.muli %parallel_loop3A_153, %parallel_loop3A_1025 : i32
        %parallel_loop3A_1027 = arith.constant 13 : i32
        %parallel_loop3A_1028 = arith.addi %parallel_loop3A_1026, %parallel_loop3A_1027 : i32
        %parallel_loop3A_1029 = arith.index_cast %parallel_loop3A_1028 : i32 to index
        %parallel_loop3A_1030 = arith.constant 0 : index
        %parallel_loop3A_1031 = tpu.vector_load %arg11[%parallel_loop3A_1029, %parallel_loop3A_1030] {strides = array<i32>} : memref<128x128xf32, #tpu.memory_space<vmem>>, vector<16xf32>,
        %parallel_loop3A_1032 = arith.index_cast %parallel_loop3A_1028 : i32 to index
        %parallel_loop3A_1033 = arith.constant 0 : index
        %parallel_loop3A_1034 = tpu.vector_load %arg13[%parallel_loop3A_1032, %parallel_loop3A_1033] {strides = array<i32>} : memref<128x128xf32, #tpu.memory_space<vmem>>, vector<16xf32>,
        %parallel_loop3A_1035 = arith.mulf %parallel_loop3A_1031, %parallel_loop3A_1034 : vector<16xf32>
        %parallel_loop3A_1036 = arith.index_cast %parallel_loop3A_1028 : i32 to index
        %parallel_loop3A_1037 = arith.constant 16 : index
        %parallel_loop3A_1038 = tpu.vector_load %arg11[%parallel_loop3A_1036, %parallel_loop3A_1037] {strides = array<i32>} : memref<128x128xf32, #tpu.memory_space<vmem>>, vector<16xf32>,
        %parallel_loop3A_1039 = arith.index_cast %parallel_loop3A_1028 : i32 to index
        %parallel_loop3A_1040 = arith.constant 16 : index
        %parallel_loop3A_1041 = tpu.vector_load %arg13[%parallel_loop3A_1039, %parallel_loop3A_1040] {strides = array<i32>} : memref<128x128xf32, #tpu.memory_space<vmem>>, vector<16xf32>,
        %parallel_loop3A_1042 = arith.mulf %parallel_loop3A_1038, %parallel_loop3A_1041 : vector<16xf32>
        %parallel_loop3A_1043 = arith.index_cast %parallel_loop3A_1028 : i32 to index
        %parallel_loop3A_1044 = arith.constant 32 : index
        %parallel_loop3A_1045 = tpu.vector_load %arg11[%parallel_loop3A_1043, %parallel_loop3A_1044] {strides = array<i32>} : memref<128x128xf32, #tpu.memory_space<vmem>>, vector<16xf32>,
        %parallel_loop3A_1046 = arith.index_cast %parallel_loop3A_1028 : i32 to index
        %parallel_loop3A_1047 = arith.constant 32 : index
        %parallel_loop3A_1048 = tpu.vector_load %arg13[%parallel_loop3A_1046, %parallel_loop3A_1047] {strides = array<i32>} : memref<128x128xf32, #tpu.memory_space<vmem>>, vector<16xf32>,
        %parallel_loop3A_1049 = arith.mulf %parallel_loop3A_1045, %parallel_loop3A_1048 : vector<16xf32>
        %parallel_loop3A_1050 = arith.addf %parallel_loop3A_1035, %parallel_loop3A_1049 : vector<16xf32>
        %parallel_loop3A_1051 = arith.index_cast %parallel_loop3A_1028 : i32 to index
        %parallel_loop3A_1052 = arith.constant 48 : index
        %parallel_loop3A_1053 = tpu.vector_load %arg11[%parallel_loop3A_1051, %parallel_loop3A_1052] {strides = array<i32>} : memref<128x128xf32, #tpu.memory_space<vmem>>, vector<16xf32>,
        %parallel_loop3A_1054 = arith.index_cast %parallel_loop3A_1028 : i32 to index
        %parallel_loop3A_1055 = arith.constant 48 : index
        %parallel_loop3A_1056 = tpu.vector_load %arg13[%parallel_loop3A_1054, %parallel_loop3A_1055] {strides = array<i32>} : memref<128x128xf32, #tpu.memory_space<vmem>>, vector<16xf32>,
        %parallel_loop3A_1057 = arith.mulf %parallel_loop3A_1053, %parallel_loop3A_1056 : vector<16xf32>
        %parallel_loop3A_1058 = arith.addf %parallel_loop3A_1042, %parallel_loop3A_1057 : vector<16xf32>
        %parallel_loop3A_1059 = arith.index_cast %parallel_loop3A_1028 : i32 to index
        %parallel_loop3A_1060 = arith.constant 64 : index
        %parallel_loop3A_1061 = tpu.vector_load %arg11[%parallel_loop3A_1059, %parallel_loop3A_1060] {strides = array<i32>} : memref<128x128xf32, #tpu.memory_space<vmem>>, vector<16xf32>,
        %parallel_loop3A_1062 = arith.index_cast %parallel_loop3A_1028 : i32 to index
        %parallel_loop3A_1063 = arith.constant 64 : index
        %parallel_loop3A_1064 = tpu.vector_load %arg13[%parallel_loop3A_1062, %parallel_loop3A_1063] {strides = array<i32>} : memref<128x128xf32, #tpu.memory_space<vmem>>, vector<16xf32>,
        %parallel_loop3A_1065 = arith.mulf %parallel_loop3A_1061, %parallel_loop3A_1064 : vector<16xf32>
        %parallel_loop3A_1066 = arith.addf %parallel_loop3A_1050, %parallel_loop3A_1065 : vector<16xf32>
        %parallel_loop3A_1067 = arith.index_cast %parallel_loop3A_1028 : i32 to index
        %parallel_loop3A_1068 = arith.constant 80 : index
        %parallel_loop3A_1069 = tpu.vector_load %arg11[%parallel_loop3A_1067, %parallel_loop3A_1068] {strides = array<i32>} : memref<128x128xf32, #tpu.memory_space<vmem>>, vector<16xf32>,
        %parallel_loop3A_1070 = arith.index_cast %parallel_loop3A_1028 : i32 to index
        %parallel_loop3A_1071 = arith.constant 80 : index
        %parallel_loop3A_1072 = tpu.vector_load %arg13[%parallel_loop3A_1070, %parallel_loop3A_1071] {strides = array<i32>} : memref<128x128xf32, #tpu.memory_space<vmem>>, vector<16xf32>,
        %parallel_loop3A_1073 = arith.mulf %parallel_loop3A_1069, %parallel_loop3A_1072 : vector<16xf32>
        %parallel_loop3A_1074 = arith.addf %parallel_loop3A_1058, %parallel_loop3A_1073 : vector<16xf32>
        %parallel_loop3A_1075 = arith.index_cast %parallel_loop3A_1028 : i32 to index
        %parallel_loop3A_1076 = arith.constant 96 : index
        %parallel_loop3A_1077 = tpu.vector_load %arg11[%parallel_loop3A_1075, %parallel_loop3A_1076] {strides = array<i32>} : memref<128x128xf32, #tpu.memory_space<vmem>>, vector<16xf32>,
        %parallel_loop3A_1078 = arith.index_cast %parallel_loop3A_1028 : i32 to index
        %parallel_loop3A_1079 = arith.constant 96 : index
        %parallel_loop3A_1080 = tpu.vector_load %arg13[%parallel_loop3A_1078, %parallel_loop3A_1079] {strides = array<i32>} : memref<128x128xf32, #tpu.memory_space<vmem>>, vector<16xf32>,
        %parallel_loop3A_1081 = arith.mulf %parallel_loop3A_1077, %parallel_loop3A_1080 : vector<16xf32>
        %parallel_loop3A_1082 = arith.addf %parallel_loop3A_1066, %parallel_loop3A_1081 : vector<16xf32>
        %parallel_loop3A_1083 = arith.index_cast %parallel_loop3A_1028 : i32 to index
        %parallel_loop3A_1084 = arith.constant 112 : index
        %parallel_loop3A_1085 = tpu.vector_load %arg11[%parallel_loop3A_1083, %parallel_loop3A_1084] {strides = array<i32>} : memref<128x128xf32, #tpu.memory_space<vmem>>, vector<16xf32>,
        %parallel_loop3A_1086 = arith.index_cast %parallel_loop3A_1028 : i32 to index
        %parallel_loop3A_1087 = arith.constant 112 : index
        %parallel_loop3A_1088 = tpu.vector_load %arg13[%parallel_loop3A_1086, %parallel_loop3A_1087] {strides = array<i32>} : memref<128x128xf32, #tpu.memory_space<vmem>>, vector<16xf32>,
        %parallel_loop3A_1089 = arith.mulf %parallel_loop3A_1085, %parallel_loop3A_1088 : vector<16xf32>
        %parallel_loop3A_1090 = arith.addf %parallel_loop3A_1074, %parallel_loop3A_1089 : vector<16xf32>
        %parallel_loop3A_1091 = arith.addf %parallel_loop3A_1082, %parallel_loop3A_1090 : vector<16xf32>
        %parallel_loop3A_1092 = arith.constant 16 : i32
        %parallel_loop3A_1093 = arith.muli %parallel_loop3A_153, %parallel_loop3A_1092 : i32
        %parallel_loop3A_1094 = arith.constant 14 : i32
        %parallel_loop3A_1095 = arith.addi %parallel_loop3A_1093, %parallel_loop3A_1094 : i32
        %parallel_loop3A_1096 = arith.index_cast %parallel_loop3A_1095 : i32 to index
        %parallel_loop3A_1097 = arith.constant 0 : index
        %parallel_loop3A_1098 = tpu.vector_load %arg11[%parallel_loop3A_1096, %parallel_loop3A_1097] {strides = array<i32>} : memref<128x128xf32, #tpu.memory_space<vmem>>, vector<16xf32>,
        %parallel_loop3A_1099 = arith.index_cast %parallel_loop3A_1095 : i32 to index
        %parallel_loop3A_1100 = arith.constant 0 : index
        %parallel_loop3A_1101 = tpu.vector_load %arg13[%parallel_loop3A_1099, %parallel_loop3A_1100] {strides = array<i32>} : memref<128x128xf32, #tpu.memory_space<vmem>>, vector<16xf32>,
        %parallel_loop3A_1102 = arith.mulf %parallel_loop3A_1098, %parallel_loop3A_1101 : vector<16xf32>
        %parallel_loop3A_1103 = arith.index_cast %parallel_loop3A_1095 : i32 to index
        %parallel_loop3A_1104 = arith.constant 16 : index
        %parallel_loop3A_1105 = tpu.vector_load %arg11[%parallel_loop3A_1103, %parallel_loop3A_1104] {strides = array<i32>} : memref<128x128xf32, #tpu.memory_space<vmem>>, vector<16xf32>,
        %parallel_loop3A_1106 = arith.index_cast %parallel_loop3A_1095 : i32 to index
        %parallel_loop3A_1107 = arith.constant 16 : index
        %parallel_loop3A_1108 = tpu.vector_load %arg13[%parallel_loop3A_1106, %parallel_loop3A_1107] {strides = array<i32>} : memref<128x128xf32, #tpu.memory_space<vmem>>, vector<16xf32>,
        %parallel_loop3A_1109 = arith.mulf %parallel_loop3A_1105, %parallel_loop3A_1108 : vector<16xf32>
        %parallel_loop3A_1110 = arith.index_cast %parallel_loop3A_1095 : i32 to index
        %parallel_loop3A_1111 = arith.constant 32 : index
        %parallel_loop3A_1112 = tpu.vector_load %arg11[%parallel_loop3A_1110, %parallel_loop3A_1111] {strides = array<i32>} : memref<128x128xf32, #tpu.memory_space<vmem>>, vector<16xf32>,
        %parallel_loop3A_1113 = arith.index_cast %parallel_loop3A_1095 : i32 to index
        %parallel_loop3A_1114 = arith.constant 32 : index
        %parallel_loop3A_1115 = tpu.vector_load %arg13[%parallel_loop3A_1113, %parallel_loop3A_1114] {strides = array<i32>} : memref<128x128xf32, #tpu.memory_space<vmem>>, vector<16xf32>,
        %parallel_loop3A_1116 = arith.mulf %parallel_loop3A_1112, %parallel_loop3A_1115 : vector<16xf32>
        %parallel_loop3A_1117 = arith.addf %parallel_loop3A_1102, %parallel_loop3A_1116 : vector<16xf32>
        %parallel_loop3A_1118 = arith.index_cast %parallel_loop3A_1095 : i32 to index
        %parallel_loop3A_1119 = arith.constant 48 : index
        %parallel_loop3A_1120 = tpu.vector_load %arg11[%parallel_loop3A_1118, %parallel_loop3A_1119] {strides = array<i32>} : memref<128x128xf32, #tpu.memory_space<vmem>>, vector<16xf32>,
        %parallel_loop3A_1121 = arith.index_cast %parallel_loop3A_1095 : i32 to index
        %parallel_loop3A_1122 = arith.constant 48 : index
        %parallel_loop3A_1123 = tpu.vector_load %arg13[%parallel_loop3A_1121, %parallel_loop3A_1122] {strides = array<i32>} : memref<128x128xf32, #tpu.memory_space<vmem>>, vector<16xf32>,
        %parallel_loop3A_1124 = arith.mulf %parallel_loop3A_1120, %parallel_loop3A_1123 : vector<16xf32>
        %parallel_loop3A_1125 = arith.addf %parallel_loop3A_1109, %parallel_loop3A_1124 : vector<16xf32>
        %parallel_loop3A_1126 = arith.index_cast %parallel_loop3A_1095 : i32 to index
        %parallel_loop3A_1127 = arith.constant 64 : index
        %parallel_loop3A_1128 = tpu.vector_load %arg11[%parallel_loop3A_1126, %parallel_loop3A_1127] {strides = array<i32>} : memref<128x128xf32, #tpu.memory_space<vmem>>, vector<16xf32>,
        %parallel_loop3A_1129 = arith.index_cast %parallel_loop3A_1095 : i32 to index
        %parallel_loop3A_1130 = arith.constant 64 : index
        %parallel_loop3A_1131 = tpu.vector_load %arg13[%parallel_loop3A_1129, %parallel_loop3A_1130] {strides = array<i32>} : memref<128x128xf32, #tpu.memory_space<vmem>>, vector<16xf32>,
        %parallel_loop3A_1132 = arith.mulf %parallel_loop3A_1128, %parallel_loop3A_1131 : vector<16xf32>
        %parallel_loop3A_1133 = arith.addf %parallel_loop3A_1117, %parallel_loop3A_1132 : vector<16xf32>
        %parallel_loop3A_1134 = arith.index_cast %parallel_loop3A_1095 : i32 to index
        %parallel_loop3A_1135 = arith.constant 80 : index
        %parallel_loop3A_1136 = tpu.vector_load %arg11[%parallel_loop3A_1134, %parallel_loop3A_1135] {strides = array<i32>} : memref<128x128xf32, #tpu.memory_space<vmem>>, vector<16xf32>,
        %parallel_loop3A_1137 = arith.index_cast %parallel_loop3A_1095 : i32 to index
        %parallel_loop3A_1138 = arith.constant 80 : index
        %parallel_loop3A_1139 = tpu.vector_load %arg13[%parallel_loop3A_1137, %parallel_loop3A_1138] {strides = array<i32>} : memref<128x128xf32, #tpu.memory_space<vmem>>, vector<16xf32>,
        %parallel_loop3A_1140 = arith.mulf %parallel_loop3A_1136, %parallel_loop3A_1139 : vector<16xf32>
        %parallel_loop3A_1141 = arith.addf %parallel_loop3A_1125, %parallel_loop3A_1140 : vector<16xf32>
        %parallel_loop3A_1142 = arith.index_cast %parallel_loop3A_1095 : i32 to index
        %parallel_loop3A_1143 = arith.constant 96 : index
        %parallel_loop3A_1144 = tpu.vector_load %arg11[%parallel_loop3A_1142, %parallel_loop3A_1143] {strides = array<i32>} : memref<128x128xf32, #tpu.memory_space<vmem>>, vector<16xf32>,
        %parallel_loop3A_1145 = arith.index_cast %parallel_loop3A_1095 : i32 to index
        %parallel_loop3A_1146 = arith.constant 96 : index
        %parallel_loop3A_1147 = tpu.vector_load %arg13[%parallel_loop3A_1145, %parallel_loop3A_1146] {strides = array<i32>} : memref<128x128xf32, #tpu.memory_space<vmem>>, vector<16xf32>,
        %parallel_loop3A_1148 = arith.mulf %parallel_loop3A_1144, %parallel_loop3A_1147 : vector<16xf32>
        %parallel_loop3A_1149 = arith.addf %parallel_loop3A_1133, %parallel_loop3A_1148 : vector<16xf32>
        %parallel_loop3A_1150 = arith.index_cast %parallel_loop3A_1095 : i32 to index
        %parallel_loop3A_1151 = arith.constant 112 : index
        %parallel_loop3A_1152 = tpu.vector_load %arg11[%parallel_loop3A_1150, %parallel_loop3A_1151] {strides = array<i32>} : memref<128x128xf32, #tpu.memory_space<vmem>>, vector<16xf32>,
        %parallel_loop3A_1153 = arith.index_cast %parallel_loop3A_1095 : i32 to index
        %parallel_loop3A_1154 = arith.constant 112 : index
        %parallel_loop3A_1155 = tpu.vector_load %arg13[%parallel_loop3A_1153, %parallel_loop3A_1154] {strides = array<i32>} : memref<128x128xf32, #tpu.memory_space<vmem>>, vector<16xf32>,
        %parallel_loop3A_1156 = arith.mulf %parallel_loop3A_1152, %parallel_loop3A_1155 : vector<16xf32>
        %parallel_loop3A_1157 = arith.addf %parallel_loop3A_1141, %parallel_loop3A_1156 : vector<16xf32>
        %parallel_loop3A_1158 = arith.addf %parallel_loop3A_1149, %parallel_loop3A_1157 : vector<16xf32>
        %parallel_loop3A_1159 = arith.constant 16 : i32
        %parallel_loop3A_1160 = arith.muli %parallel_loop3A_153, %parallel_loop3A_1159 : i32
        %parallel_loop3A_1161 = arith.constant 15 : i32
        %parallel_loop3A_1162 = arith.addi %parallel_loop3A_1160, %parallel_loop3A_1161 : i32
        %parallel_loop3A_1163 = arith.index_cast %parallel_loop3A_1162 : i32 to index
        %parallel_loop3A_1164 = arith.constant 0 : index
        %parallel_loop3A_1165 = tpu.vector_load %arg11[%parallel_loop3A_1163, %parallel_loop3A_1164] {strides = array<i32>} : memref<128x128xf32, #tpu.memory_space<vmem>>, vector<16xf32>,
        %parallel_loop3A_1166 = arith.index_cast %parallel_loop3A_1162 : i32 to index
        %parallel_loop3A_1167 = arith.constant 0 : index
        %parallel_loop3A_1168 = tpu.vector_load %arg13[%parallel_loop3A_1166, %parallel_loop3A_1167] {strides = array<i32>} : memref<128x128xf32, #tpu.memory_space<vmem>>, vector<16xf32>,
        %parallel_loop3A_1169 = arith.mulf %parallel_loop3A_1165, %parallel_loop3A_1168 : vector<16xf32>
        %parallel_loop3A_1170 = arith.index_cast %parallel_loop3A_1162 : i32 to index
        %parallel_loop3A_1171 = arith.constant 16 : index
        %parallel_loop3A_1172 = tpu.vector_load %arg11[%parallel_loop3A_1170, %parallel_loop3A_1171] {strides = array<i32>} : memref<128x128xf32, #tpu.memory_space<vmem>>, vector<16xf32>,
        %parallel_loop3A_1173 = arith.index_cast %parallel_loop3A_1162 : i32 to index
        %parallel_loop3A_1174 = arith.constant 16 : index
        %parallel_loop3A_1175 = tpu.vector_load %arg13[%parallel_loop3A_1173, %parallel_loop3A_1174] {strides = array<i32>} : memref<128x128xf32, #tpu.memory_space<vmem>>, vector<16xf32>,
        %parallel_loop3A_1176 = arith.mulf %parallel_loop3A_1172, %parallel_loop3A_1175 : vector<16xf32>
        %parallel_loop3A_1177 = arith.index_cast %parallel_loop3A_1162 : i32 to index
        %parallel_loop3A_1178 = arith.constant 32 : index
        %parallel_loop3A_1179 = tpu.vector_load %arg11[%parallel_loop3A_1177, %parallel_loop3A_1178] {strides = array<i32>} : memref<128x128xf32, #tpu.memory_space<vmem>>, vector<16xf32>,
        %parallel_loop3A_1180 = arith.index_cast %parallel_loop3A_1162 : i32 to index
        %parallel_loop3A_1181 = arith.constant 32 : index
        %parallel_loop3A_1182 = tpu.vector_load %arg13[%parallel_loop3A_1180, %parallel_loop3A_1181] {strides = array<i32>} : memref<128x128xf32, #tpu.memory_space<vmem>>, vector<16xf32>,
        %parallel_loop3A_1183 = arith.mulf %parallel_loop3A_1179, %parallel_loop3A_1182 : vector<16xf32>
        %parallel_loop3A_1184 = arith.addf %parallel_loop3A_1169, %parallel_loop3A_1183 : vector<16xf32>
        %parallel_loop3A_1185 = arith.index_cast %parallel_loop3A_1162 : i32 to index
        %parallel_loop3A_1186 = arith.constant 48 : index
        %parallel_loop3A_1187 = tpu.vector_load %arg11[%parallel_loop3A_1185, %parallel_loop3A_1186] {strides = array<i32>} : memref<128x128xf32, #tpu.memory_space<vmem>>, vector<16xf32>,
        %parallel_loop3A_1188 = arith.index_cast %parallel_loop3A_1162 : i32 to index
        %parallel_loop3A_1189 = arith.constant 48 : index
        %parallel_loop3A_1190 = tpu.vector_load %arg13[%parallel_loop3A_1188, %parallel_loop3A_1189] {strides = array<i32>} : memref<128x128xf32, #tpu.memory_space<vmem>>, vector<16xf32>,
        %parallel_loop3A_1191 = arith.mulf %parallel_loop3A_1187, %parallel_loop3A_1190 : vector<16xf32>
        %parallel_loop3A_1192 = arith.addf %parallel_loop3A_1176, %parallel_loop3A_1191 : vector<16xf32>
        %parallel_loop3A_1193 = arith.index_cast %parallel_loop3A_1162 : i32 to index
        %parallel_loop3A_1194 = arith.constant 64 : index
        %parallel_loop3A_1195 = tpu.vector_load %arg11[%parallel_loop3A_1193, %parallel_loop3A_1194] {strides = array<i32>} : memref<128x128xf32, #tpu.memory_space<vmem>>, vector<16xf32>,
        %parallel_loop3A_1196 = arith.index_cast %parallel_loop3A_1162 : i32 to index
        %parallel_loop3A_1197 = arith.constant 64 : index
        %parallel_loop3A_1198 = tpu.vector_load %arg13[%parallel_loop3A_1196, %parallel_loop3A_1197] {strides = array<i32>} : memref<128x128xf32, #tpu.memory_space<vmem>>, vector<16xf32>,
        %parallel_loop3A_1199 = arith.mulf %parallel_loop3A_1195, %parallel_loop3A_1198 : vector<16xf32>
        %parallel_loop3A_1200 = arith.addf %parallel_loop3A_1184, %parallel_loop3A_1199 : vector<16xf32>
        %parallel_loop3A_1201 = arith.index_cast %parallel_loop3A_1162 : i32 to index
        %parallel_loop3A_1202 = arith.constant 80 : index
        %parallel_loop3A_1203 = tpu.vector_load %arg11[%parallel_loop3A_1201, %parallel_loop3A_1202] {strides = array<i32>} : memref<128x128xf32, #tpu.memory_space<vmem>>, vector<16xf32>,
        %parallel_loop3A_1204 = arith.index_cast %parallel_loop3A_1162 : i32 to index
        %parallel_loop3A_1205 = arith.constant 80 : index
        %parallel_loop3A_1206 = tpu.vector_load %arg13[%parallel_loop3A_1204, %parallel_loop3A_1205] {strides = array<i32>} : memref<128x128xf32, #tpu.memory_space<vmem>>, vector<16xf32>,
        %parallel_loop3A_1207 = arith.mulf %parallel_loop3A_1203, %parallel_loop3A_1206 : vector<16xf32>
        %parallel_loop3A_1208 = arith.addf %parallel_loop3A_1192, %parallel_loop3A_1207 : vector<16xf32>
        %parallel_loop3A_1209 = arith.index_cast %parallel_loop3A_1162 : i32 to index
        %parallel_loop3A_1210 = arith.constant 96 : index
        %parallel_loop3A_1211 = tpu.vector_load %arg11[%parallel_loop3A_1209, %parallel_loop3A_1210] {strides = array<i32>} : memref<128x128xf32, #tpu.memory_space<vmem>>, vector<16xf32>,
        %parallel_loop3A_1212 = arith.index_cast %parallel_loop3A_1162 : i32 to index
        %parallel_loop3A_1213 = arith.constant 96 : index
        %parallel_loop3A_1214 = tpu.vector_load %arg13[%parallel_loop3A_1212, %parallel_loop3A_1213] {strides = array<i32>} : memref<128x128xf32, #tpu.memory_space<vmem>>, vector<16xf32>,
        %parallel_loop3A_1215 = arith.mulf %parallel_loop3A_1211, %parallel_loop3A_1214 : vector<16xf32>
        %parallel_loop3A_1216 = arith.addf %parallel_loop3A_1200, %parallel_loop3A_1215 : vector<16xf32>
        %parallel_loop3A_1217 = arith.index_cast %parallel_loop3A_1162 : i32 to index
        %parallel_loop3A_1218 = arith.constant 112 : index
        %parallel_loop3A_1219 = tpu.vector_load %arg11[%parallel_loop3A_1217, %parallel_loop3A_1218] {strides = array<i32>} : memref<128x128xf32, #tpu.memory_space<vmem>>, vector<16xf32>,
        %parallel_loop3A_1220 = arith.index_cast %parallel_loop3A_1162 : i32 to index
        %parallel_loop3A_1221 = arith.constant 112 : index
        %parallel_loop3A_1222 = tpu.vector_load %arg13[%parallel_loop3A_1220, %parallel_loop3A_1221] {strides = array<i32>} : memref<128x128xf32, #tpu.memory_space<vmem>>, vector<16xf32>,
        %parallel_loop3A_1223 = arith.mulf %parallel_loop3A_1219, %parallel_loop3A_1222 : vector<16xf32>
        %parallel_loop3A_1224 = arith.addf %parallel_loop3A_1208, %parallel_loop3A_1223 : vector<16xf32>
        %parallel_loop3A_1225 = arith.addf %parallel_loop3A_1216, %parallel_loop3A_1224 : vector<16xf32>
        %parallel_loop3A_1226 = arith.constant 1 : i32
        %parallel_loop3A_1227 = vector.broadcast %parallel_loop3A_1226 : i32 to vector<16xi32>
        %parallel_loop3A_1228 = arith.andi %iota3A, %parallel_loop3A_1227 : vector<16xi32>
        %parallel_loop3A_1229 = arith.constant 0 : i32
        %parallel_loop3A_1230 = vector.broadcast %parallel_loop3A_1229 : i32 to vector<16xi32>
        %parallel_loop3A_1231 = arith.cmpi eq, %parallel_loop3A_1228, %parallel_loop3A_1230 : vector<16xi32>
        %parallel_loop3A_1232 = arith.constant 1 : i32
        %parallel_loop3A_1233 = vector.broadcast %parallel_loop3A_1232 : i32 to vector<16xi32>
        %parallel_loop3A_1234 = arith.xori %iota3A, %parallel_loop3A_1233 : vector<16xi32>
        %parallel_loop3A_1235 = arith.constant 0 : i32
        %parallel_loop3A_1236 = vector.broadcast %parallel_loop3A_1235 : i32 to vector<16xi32>
        %parallel_loop3A_1237 = arith.cmpi slt, %parallel_loop3A_1234, %parallel_loop3A_1236 : vector<16xi32>
        %parallel_loop3A_1238 = arith.constant 16 : i32
        %parallel_loop3A_1239 = vector.broadcast %parallel_loop3A_1238 : i32 to vector<16xi32>
        %parallel_loop3A_1240 = arith.addi %parallel_loop3A_1234, %parallel_loop3A_1239 : vector<16xi32>
        %parallel_loop3A_1241 = arith.select %parallel_loop3A_1237, %parallel_loop3A_1240, %parallel_loop3A_1234 : vector<16xi1>, vector<16xi32>
        %parallel_loop3A_1242 = vector.shape_cast %parallel_loop3A_1241 : vector<16xi32> to vector<16x1xi32>
        %parallel_loop3A_1243 = vector.shape_cast %parallel_loop3A_1242 : vector<16x1xi32> to vector<16xi32>
        %parallel_loop3A_1244 = tpu.dynamic_gather %parallel_loop3A_220[%parallel_loop3A_1243] in [0] : vector<16xf32>, vector<16xi32> -> vector<16xf32>
        %parallel_loop3A_1245 = arith.constant 0 : i32
        %parallel_loop3A_1246 = vector.broadcast %parallel_loop3A_1245 : i32 to vector<16xi32>
        %parallel_loop3A_1247 = arith.cmpi slt, %parallel_loop3A_1234, %parallel_loop3A_1246 : vector<16xi32>
        %parallel_loop3A_1248 = arith.constant 16 : i32
        %parallel_loop3A_1249 = vector.broadcast %parallel_loop3A_1248 : i32 to vector<16xi32>
        %parallel_loop3A_1250 = arith.addi %parallel_loop3A_1234, %parallel_loop3A_1249 : vector<16xi32>
        %parallel_loop3A_1251 = arith.select %parallel_loop3A_1247, %parallel_loop3A_1250, %parallel_loop3A_1234 : vector<16xi1>, vector<16xi32>
        %parallel_loop3A_1252 = vector.shape_cast %parallel_loop3A_1251 : vector<16xi32> to vector<16x1xi32>
        %parallel_loop3A_1253 = vector.shape_cast %parallel_loop3A_1252 : vector<16x1xi32> to vector<16xi32>
        %parallel_loop3A_1254 = tpu.dynamic_gather %parallel_loop3A_287[%parallel_loop3A_1253] in [0] : vector<16xf32>, vector<16xi32> -> vector<16xf32>
        %parallel_loop3A_1255 = arith.select %parallel_loop3A_1231, %parallel_loop3A_220, %parallel_loop3A_1254 : vector<16xi1>, vector<16xf32>
        %parallel_loop3A_1256 = arith.select %parallel_loop3A_1231, %parallel_loop3A_1244, %parallel_loop3A_287 : vector<16xi1>, vector<16xf32>
        %parallel_loop3A_1257 = arith.addf %parallel_loop3A_1255, %parallel_loop3A_1256 : vector<16xf32>
        %parallel_loop3A_1258 = arith.constant 0 : i32
        %parallel_loop3A_1259 = vector.broadcast %parallel_loop3A_1258 : i32 to vector<16xi32>
        %parallel_loop3A_1260 = arith.cmpi slt, %parallel_loop3A_1234, %parallel_loop3A_1259 : vector<16xi32>
        %parallel_loop3A_1261 = arith.constant 16 : i32
        %parallel_loop3A_1262 = vector.broadcast %parallel_loop3A_1261 : i32 to vector<16xi32>
        %parallel_loop3A_1263 = arith.addi %parallel_loop3A_1234, %parallel_loop3A_1262 : vector<16xi32>
        %parallel_loop3A_1264 = arith.select %parallel_loop3A_1260, %parallel_loop3A_1263, %parallel_loop3A_1234 : vector<16xi1>, vector<16xi32>
        %parallel_loop3A_1265 = vector.shape_cast %parallel_loop3A_1264 : vector<16xi32> to vector<16x1xi32>
        %parallel_loop3A_1266 = vector.shape_cast %parallel_loop3A_1265 : vector<16x1xi32> to vector<16xi32>
        %parallel_loop3A_1267 = tpu.dynamic_gather %parallel_loop3A_354[%parallel_loop3A_1266] in [0] : vector<16xf32>, vector<16xi32> -> vector<16xf32>
        %parallel_loop3A_1268 = arith.constant 0 : i32
        %parallel_loop3A_1269 = vector.broadcast %parallel_loop3A_1268 : i32 to vector<16xi32>
        %parallel_loop3A_1270 = arith.cmpi slt, %parallel_loop3A_1234, %parallel_loop3A_1269 : vector<16xi32>
        %parallel_loop3A_1271 = arith.constant 16 : i32
        %parallel_loop3A_1272 = vector.broadcast %parallel_loop3A_1271 : i32 to vector<16xi32>
        %parallel_loop3A_1273 = arith.addi %parallel_loop3A_1234, %parallel_loop3A_1272 : vector<16xi32>
        %parallel_loop3A_1274 = arith.select %parallel_loop3A_1270, %parallel_loop3A_1273, %parallel_loop3A_1234 : vector<16xi1>, vector<16xi32>
        %parallel_loop3A_1275 = vector.shape_cast %parallel_loop3A_1274 : vector<16xi32> to vector<16x1xi32>
        %parallel_loop3A_1276 = vector.shape_cast %parallel_loop3A_1275 : vector<16x1xi32> to vector<16xi32>
        %parallel_loop3A_1277 = tpu.dynamic_gather %parallel_loop3A_421[%parallel_loop3A_1276] in [0] : vector<16xf32>, vector<16xi32> -> vector<16xf32>
        %parallel_loop3A_1278 = arith.select %parallel_loop3A_1231, %parallel_loop3A_354, %parallel_loop3A_1277 : vector<16xi1>, vector<16xf32>
        %parallel_loop3A_1279 = arith.select %parallel_loop3A_1231, %parallel_loop3A_1267, %parallel_loop3A_421 : vector<16xi1>, vector<16xf32>
        %parallel_loop3A_1280 = arith.addf %parallel_loop3A_1278, %parallel_loop3A_1279 : vector<16xf32>
        %parallel_loop3A_1281 = arith.constant 0 : i32
        %parallel_loop3A_1282 = vector.broadcast %parallel_loop3A_1281 : i32 to vector<16xi32>
        %parallel_loop3A_1283 = arith.cmpi slt, %parallel_loop3A_1234, %parallel_loop3A_1282 : vector<16xi32>
        %parallel_loop3A_1284 = arith.constant 16 : i32
        %parallel_loop3A_1285 = vector.broadcast %parallel_loop3A_1284 : i32 to vector<16xi32>
        %parallel_loop3A_1286 = arith.addi %parallel_loop3A_1234, %parallel_loop3A_1285 : vector<16xi32>
        %parallel_loop3A_1287 = arith.select %parallel_loop3A_1283, %parallel_loop3A_1286, %parallel_loop3A_1234 : vector<16xi1>, vector<16xi32>
        %parallel_loop3A_1288 = vector.shape_cast %parallel_loop3A_1287 : vector<16xi32> to vector<16x1xi32>
        %parallel_loop3A_1289 = vector.shape_cast %parallel_loop3A_1288 : vector<16x1xi32> to vector<16xi32>
        %parallel_loop3A_1290 = tpu.dynamic_gather %parallel_loop3A_488[%parallel_loop3A_1289] in [0] : vector<16xf32>, vector<16xi32> -> vector<16xf32>
        %parallel_loop3A_1291 = arith.constant 0 : i32
        %parallel_loop3A_1292 = vector.broadcast %parallel_loop3A_1291 : i32 to vector<16xi32>
        %parallel_loop3A_1293 = arith.cmpi slt, %parallel_loop3A_1234, %parallel_loop3A_1292 : vector<16xi32>
        %parallel_loop3A_1294 = arith.constant 16 : i32
        %parallel_loop3A_1295 = vector.broadcast %parallel_loop3A_1294 : i32 to vector<16xi32>
        %parallel_loop3A_1296 = arith.addi %parallel_loop3A_1234, %parallel_loop3A_1295 : vector<16xi32>
        %parallel_loop3A_1297 = arith.select %parallel_loop3A_1293, %parallel_loop3A_1296, %parallel_loop3A_1234 : vector<16xi1>, vector<16xi32>
        %parallel_loop3A_1298 = vector.shape_cast %parallel_loop3A_1297 : vector<16xi32> to vector<16x1xi32>
        %parallel_loop3A_1299 = vector.shape_cast %parallel_loop3A_1298 : vector<16x1xi32> to vector<16xi32>
        %parallel_loop3A_1300 = tpu.dynamic_gather %parallel_loop3A_555[%parallel_loop3A_1299] in [0] : vector<16xf32>, vector<16xi32> -> vector<16xf32>
        %parallel_loop3A_1301 = arith.select %parallel_loop3A_1231, %parallel_loop3A_488, %parallel_loop3A_1300 : vector<16xi1>, vector<16xf32>
        %parallel_loop3A_1302 = arith.select %parallel_loop3A_1231, %parallel_loop3A_1290, %parallel_loop3A_555 : vector<16xi1>, vector<16xf32>
        %parallel_loop3A_1303 = arith.addf %parallel_loop3A_1301, %parallel_loop3A_1302 : vector<16xf32>
        %parallel_loop3A_1304 = arith.constant 0 : i32
        %parallel_loop3A_1305 = vector.broadcast %parallel_loop3A_1304 : i32 to vector<16xi32>
        %parallel_loop3A_1306 = arith.cmpi slt, %parallel_loop3A_1234, %parallel_loop3A_1305 : vector<16xi32>
        %parallel_loop3A_1307 = arith.constant 16 : i32
        %parallel_loop3A_1308 = vector.broadcast %parallel_loop3A_1307 : i32 to vector<16xi32>
        %parallel_loop3A_1309 = arith.addi %parallel_loop3A_1234, %parallel_loop3A_1308 : vector<16xi32>
        %parallel_loop3A_1310 = arith.select %parallel_loop3A_1306, %parallel_loop3A_1309, %parallel_loop3A_1234 : vector<16xi1>, vector<16xi32>
        %parallel_loop3A_1311 = vector.shape_cast %parallel_loop3A_1310 : vector<16xi32> to vector<16x1xi32>
        %parallel_loop3A_1312 = vector.shape_cast %parallel_loop3A_1311 : vector<16x1xi32> to vector<16xi32>
        %parallel_loop3A_1313 = tpu.dynamic_gather %parallel_loop3A_622[%parallel_loop3A_1312] in [0] : vector<16xf32>, vector<16xi32> -> vector<16xf32>
        %parallel_loop3A_1314 = arith.constant 0 : i32
        %parallel_loop3A_1315 = vector.broadcast %parallel_loop3A_1314 : i32 to vector<16xi32>
        %parallel_loop3A_1316 = arith.cmpi slt, %parallel_loop3A_1234, %parallel_loop3A_1315 : vector<16xi32>
        %parallel_loop3A_1317 = arith.constant 16 : i32
        %parallel_loop3A_1318 = vector.broadcast %parallel_loop3A_1317 : i32 to vector<16xi32>
        %parallel_loop3A_1319 = arith.addi %parallel_loop3A_1234, %parallel_loop3A_1318 : vector<16xi32>
        %parallel_loop3A_1320 = arith.select %parallel_loop3A_1316, %parallel_loop3A_1319, %parallel_loop3A_1234 : vector<16xi1>, vector<16xi32>
        %parallel_loop3A_1321 = vector.shape_cast %parallel_loop3A_1320 : vector<16xi32> to vector<16x1xi32>
        %parallel_loop3A_1322 = vector.shape_cast %parallel_loop3A_1321 : vector<16x1xi32> to vector<16xi32>
        %parallel_loop3A_1323 = tpu.dynamic_gather %parallel_loop3A_689[%parallel_loop3A_1322] in [0] : vector<16xf32>, vector<16xi32> -> vector<16xf32>
        %parallel_loop3A_1324 = arith.select %parallel_loop3A_1231, %parallel_loop3A_622, %parallel_loop3A_1323 : vector<16xi1>, vector<16xf32>
        %parallel_loop3A_1325 = arith.select %parallel_loop3A_1231, %parallel_loop3A_1313, %parallel_loop3A_689 : vector<16xi1>, vector<16xf32>
        %parallel_loop3A_1326 = arith.addf %parallel_loop3A_1324, %parallel_loop3A_1325 : vector<16xf32>
        %parallel_loop3A_1327 = arith.constant 0 : i32
        %parallel_loop3A_1328 = vector.broadcast %parallel_loop3A_1327 : i32 to vector<16xi32>
        %parallel_loop3A_1329 = arith.cmpi slt, %parallel_loop3A_1234, %parallel_loop3A_1328 : vector<16xi32>
        %parallel_loop3A_1330 = arith.constant 16 : i32
        %parallel_loop3A_1331 = vector.broadcast %parallel_loop3A_1330 : i32 to vector<16xi32>
        %parallel_loop3A_1332 = arith.addi %parallel_loop3A_1234, %parallel_loop3A_1331 : vector<16xi32>
        %parallel_loop3A_1333 = arith.select %parallel_loop3A_1329, %parallel_loop3A_1332, %parallel_loop3A_1234 : vector<16xi1>, vector<16xi32>
        %parallel_loop3A_1334 = vector.shape_cast %parallel_loop3A_1333 : vector<16xi32> to vector<16x1xi32>
        %parallel_loop3A_1335 = vector.shape_cast %parallel_loop3A_1334 : vector<16x1xi32> to vector<16xi32>
        %parallel_loop3A_1336 = tpu.dynamic_gather %parallel_loop3A_756[%parallel_loop3A_1335] in [0] : vector<16xf32>, vector<16xi32> -> vector<16xf32>
        %parallel_loop3A_1337 = arith.constant 0 : i32
        %parallel_loop3A_1338 = vector.broadcast %parallel_loop3A_1337 : i32 to vector<16xi32>
        %parallel_loop3A_1339 = arith.cmpi slt, %parallel_loop3A_1234, %parallel_loop3A_1338 : vector<16xi32>
        %parallel_loop3A_1340 = arith.constant 16 : i32
        %parallel_loop3A_1341 = vector.broadcast %parallel_loop3A_1340 : i32 to vector<16xi32>
        %parallel_loop3A_1342 = arith.addi %parallel_loop3A_1234, %parallel_loop3A_1341 : vector<16xi32>
        %parallel_loop3A_1343 = arith.select %parallel_loop3A_1339, %parallel_loop3A_1342, %parallel_loop3A_1234 : vector<16xi1>, vector<16xi32>
        %parallel_loop3A_1344 = vector.shape_cast %parallel_loop3A_1343 : vector<16xi32> to vector<16x1xi32>
        %parallel_loop3A_1345 = vector.shape_cast %parallel_loop3A_1344 : vector<16x1xi32> to vector<16xi32>
        %parallel_loop3A_1346 = tpu.dynamic_gather %parallel_loop3A_823[%parallel_loop3A_1345] in [0] : vector<16xf32>, vector<16xi32> -> vector<16xf32>
        %parallel_loop3A_1347 = arith.select %parallel_loop3A_1231, %parallel_loop3A_756, %parallel_loop3A_1346 : vector<16xi1>, vector<16xf32>
        %parallel_loop3A_1348 = arith.select %parallel_loop3A_1231, %parallel_loop3A_1336, %parallel_loop3A_823 : vector<16xi1>, vector<16xf32>
        %parallel_loop3A_1349 = arith.addf %parallel_loop3A_1347, %parallel_loop3A_1348 : vector<16xf32>
        %parallel_loop3A_1350 = arith.constant 0 : i32
        %parallel_loop3A_1351 = vector.broadcast %parallel_loop3A_1350 : i32 to vector<16xi32>
        %parallel_loop3A_1352 = arith.cmpi slt, %parallel_loop3A_1234, %parallel_loop3A_1351 : vector<16xi32>
        %parallel_loop3A_1353 = arith.constant 16 : i32
        %parallel_loop3A_1354 = vector.broadcast %parallel_loop3A_1353 : i32 to vector<16xi32>
        %parallel_loop3A_1355 = arith.addi %parallel_loop3A_1234, %parallel_loop3A_1354 : vector<16xi32>
        %parallel_loop3A_1356 = arith.select %parallel_loop3A_1352, %parallel_loop3A_1355, %parallel_loop3A_1234 : vector<16xi1>, vector<16xi32>
        %parallel_loop3A_1357 = vector.shape_cast %parallel_loop3A_1356 : vector<16xi32> to vector<16x1xi32>
        %parallel_loop3A_1358 = vector.shape_cast %parallel_loop3A_1357 : vector<16x1xi32> to vector<16xi32>
        %parallel_loop3A_1359 = tpu.dynamic_gather %parallel_loop3A_890[%parallel_loop3A_1358] in [0] : vector<16xf32>, vector<16xi32> -> vector<16xf32>
        %parallel_loop3A_1360 = arith.constant 0 : i32
        %parallel_loop3A_1361 = vector.broadcast %parallel_loop3A_1360 : i32 to vector<16xi32>
        %parallel_loop3A_1362 = arith.cmpi slt, %parallel_loop3A_1234, %parallel_loop3A_1361 : vector<16xi32>
        %parallel_loop3A_1363 = arith.constant 16 : i32
        %parallel_loop3A_1364 = vector.broadcast %parallel_loop3A_1363 : i32 to vector<16xi32>
        %parallel_loop3A_1365 = arith.addi %parallel_loop3A_1234, %parallel_loop3A_1364 : vector<16xi32>
        %parallel_loop3A_1366 = arith.select %parallel_loop3A_1362, %parallel_loop3A_1365, %parallel_loop3A_1234 : vector<16xi1>, vector<16xi32>
        %parallel_loop3A_1367 = vector.shape_cast %parallel_loop3A_1366 : vector<16xi32> to vector<16x1xi32>
        %parallel_loop3A_1368 = vector.shape_cast %parallel_loop3A_1367 : vector<16x1xi32> to vector<16xi32>
        %parallel_loop3A_1369 = tpu.dynamic_gather %parallel_loop3A_957[%parallel_loop3A_1368] in [0] : vector<16xf32>, vector<16xi32> -> vector<16xf32>
        %parallel_loop3A_1370 = arith.select %parallel_loop3A_1231, %parallel_loop3A_890, %parallel_loop3A_1369 : vector<16xi1>, vector<16xf32>
        %parallel_loop3A_1371 = arith.select %parallel_loop3A_1231, %parallel_loop3A_1359, %parallel_loop3A_957 : vector<16xi1>, vector<16xf32>
        %parallel_loop3A_1372 = arith.addf %parallel_loop3A_1370, %parallel_loop3A_1371 : vector<16xf32>
        %parallel_loop3A_1373 = arith.constant 0 : i32
        %parallel_loop3A_1374 = vector.broadcast %parallel_loop3A_1373 : i32 to vector<16xi32>
        %parallel_loop3A_1375 = arith.cmpi slt, %parallel_loop3A_1234, %parallel_loop3A_1374 : vector<16xi32>
        %parallel_loop3A_1376 = arith.constant 16 : i32
        %parallel_loop3A_1377 = vector.broadcast %parallel_loop3A_1376 : i32 to vector<16xi32>
        %parallel_loop3A_1378 = arith.addi %parallel_loop3A_1234, %parallel_loop3A_1377 : vector<16xi32>
        %parallel_loop3A_1379 = arith.select %parallel_loop3A_1375, %parallel_loop3A_1378, %parallel_loop3A_1234 : vector<16xi1>, vector<16xi32>
        %parallel_loop3A_1380 = vector.shape_cast %parallel_loop3A_1379 : vector<16xi32> to vector<16x1xi32>
        %parallel_loop3A_1381 = vector.shape_cast %parallel_loop3A_1380 : vector<16x1xi32> to vector<16xi32>
        %parallel_loop3A_1382 = tpu.dynamic_gather %parallel_loop3A_1024[%parallel_loop3A_1381] in [0] : vector<16xf32>, vector<16xi32> -> vector<16xf32>
        %parallel_loop3A_1383 = arith.constant 0 : i32
        %parallel_loop3A_1384 = vector.broadcast %parallel_loop3A_1383 : i32 to vector<16xi32>
        %parallel_loop3A_1385 = arith.cmpi slt, %parallel_loop3A_1234, %parallel_loop3A_1384 : vector<16xi32>
        %parallel_loop3A_1386 = arith.constant 16 : i32
        %parallel_loop3A_1387 = vector.broadcast %parallel_loop3A_1386 : i32 to vector<16xi32>
        %parallel_loop3A_1388 = arith.addi %parallel_loop3A_1234, %parallel_loop3A_1387 : vector<16xi32>
        %parallel_loop3A_1389 = arith.select %parallel_loop3A_1385, %parallel_loop3A_1388, %parallel_loop3A_1234 : vector<16xi1>, vector<16xi32>
        %parallel_loop3A_1390 = vector.shape_cast %parallel_loop3A_1389 : vector<16xi32> to vector<16x1xi32>
        %parallel_loop3A_1391 = vector.shape_cast %parallel_loop3A_1390 : vector<16x1xi32> to vector<16xi32>
        %parallel_loop3A_1392 = tpu.dynamic_gather %parallel_loop3A_1091[%parallel_loop3A_1391] in [0] : vector<16xf32>, vector<16xi32> -> vector<16xf32>
        %parallel_loop3A_1393 = arith.select %parallel_loop3A_1231, %parallel_loop3A_1024, %parallel_loop3A_1392 : vector<16xi1>, vector<16xf32>
        %parallel_loop3A_1394 = arith.select %parallel_loop3A_1231, %parallel_loop3A_1382, %parallel_loop3A_1091 : vector<16xi1>, vector<16xf32>
        %parallel_loop3A_1395 = arith.addf %parallel_loop3A_1393, %parallel_loop3A_1394 : vector<16xf32>
        %parallel_loop3A_1396 = arith.constant 0 : i32
        %parallel_loop3A_1397 = vector.broadcast %parallel_loop3A_1396 : i32 to vector<16xi32>
        %parallel_loop3A_1398 = arith.cmpi slt, %parallel_loop3A_1234, %parallel_loop3A_1397 : vector<16xi32>
        %parallel_loop3A_1399 = arith.constant 16 : i32
        %parallel_loop3A_1400 = vector.broadcast %parallel_loop3A_1399 : i32 to vector<16xi32>
        %parallel_loop3A_1401 = arith.addi %parallel_loop3A_1234, %parallel_loop3A_1400 : vector<16xi32>
        %parallel_loop3A_1402 = arith.select %parallel_loop3A_1398, %parallel_loop3A_1401, %parallel_loop3A_1234 : vector<16xi1>, vector<16xi32>
        %parallel_loop3A_1403 = vector.shape_cast %parallel_loop3A_1402 : vector<16xi32> to vector<16x1xi32>
        %parallel_loop3A_1404 = vector.shape_cast %parallel_loop3A_1403 : vector<16x1xi32> to vector<16xi32>
        %parallel_loop3A_1405 = tpu.dynamic_gather %parallel_loop3A_1158[%parallel_loop3A_1404] in [0] : vector<16xf32>, vector<16xi32> -> vector<16xf32>
        %parallel_loop3A_1406 = arith.constant 0 : i32
        %parallel_loop3A_1407 = vector.broadcast %parallel_loop3A_1406 : i32 to vector<16xi32>
        %parallel_loop3A_1408 = arith.cmpi slt, %parallel_loop3A_1234, %parallel_loop3A_1407 : vector<16xi32>
        %parallel_loop3A_1409 = arith.constant 16 : i32
        %parallel_loop3A_1410 = vector.broadcast %parallel_loop3A_1409 : i32 to vector<16xi32>
        %parallel_loop3A_1411 = arith.addi %parallel_loop3A_1234, %parallel_loop3A_1410 : vector<16xi32>
        %parallel_loop3A_1412 = arith.select %parallel_loop3A_1408, %parallel_loop3A_1411, %parallel_loop3A_1234 : vector<16xi1>, vector<16xi32>
        %parallel_loop3A_1413 = vector.shape_cast %parallel_loop3A_1412 : vector<16xi32> to vector<16x1xi32>
        %parallel_loop3A_1414 = vector.shape_cast %parallel_loop3A_1413 : vector<16x1xi32> to vector<16xi32>
        %parallel_loop3A_1415 = tpu.dynamic_gather %parallel_loop3A_1225[%parallel_loop3A_1414] in [0] : vector<16xf32>, vector<16xi32> -> vector<16xf32>
        %parallel_loop3A_1416 = arith.select %parallel_loop3A_1231, %parallel_loop3A_1158, %parallel_loop3A_1415 : vector<16xi1>, vector<16xf32>
        %parallel_loop3A_1417 = arith.select %parallel_loop3A_1231, %parallel_loop3A_1405, %parallel_loop3A_1225 : vector<16xi1>, vector<16xf32>
        %parallel_loop3A_1418 = arith.addf %parallel_loop3A_1416, %parallel_loop3A_1417 : vector<16xf32>
        %parallel_loop3A_1419 = arith.constant 2 : i32
        %parallel_loop3A_1420 = vector.broadcast %parallel_loop3A_1419 : i32 to vector<16xi32>
        %parallel_loop3A_1421 = arith.andi %iota3A, %parallel_loop3A_1420 : vector<16xi32>
        %parallel_loop3A_1422 = arith.constant 0 : i32
        %parallel_loop3A_1423 = vector.broadcast %parallel_loop3A_1422 : i32 to vector<16xi32>
        %parallel_loop3A_1424 = arith.cmpi eq, %parallel_loop3A_1421, %parallel_loop3A_1423 : vector<16xi32>
        %parallel_loop3A_1425 = arith.constant 2 : i32
        %parallel_loop3A_1426 = vector.broadcast %parallel_loop3A_1425 : i32 to vector<16xi32>
        %parallel_loop3A_1427 = arith.xori %iota3A, %parallel_loop3A_1426 : vector<16xi32>
        %parallel_loop3A_1428 = arith.constant 0 : i32
        %parallel_loop3A_1429 = vector.broadcast %parallel_loop3A_1428 : i32 to vector<16xi32>
        %parallel_loop3A_1430 = arith.cmpi slt, %parallel_loop3A_1427, %parallel_loop3A_1429 : vector<16xi32>
        %parallel_loop3A_1431 = arith.constant 16 : i32
        %parallel_loop3A_1432 = vector.broadcast %parallel_loop3A_1431 : i32 to vector<16xi32>
        %parallel_loop3A_1433 = arith.addi %parallel_loop3A_1427, %parallel_loop3A_1432 : vector<16xi32>
        %parallel_loop3A_1434 = arith.select %parallel_loop3A_1430, %parallel_loop3A_1433, %parallel_loop3A_1427 : vector<16xi1>, vector<16xi32>
        %parallel_loop3A_1435 = vector.shape_cast %parallel_loop3A_1434 : vector<16xi32> to vector<16x1xi32>
        %parallel_loop3A_1436 = vector.shape_cast %parallel_loop3A_1435 : vector<16x1xi32> to vector<16xi32>
        %parallel_loop3A_1437 = tpu.dynamic_gather %parallel_loop3A_1257[%parallel_loop3A_1436] in [0] : vector<16xf32>, vector<16xi32> -> vector<16xf32>
        %parallel_loop3A_1438 = arith.constant 0 : i32
        %parallel_loop3A_1439 = vector.broadcast %parallel_loop3A_1438 : i32 to vector<16xi32>
        %parallel_loop3A_1440 = arith.cmpi slt, %parallel_loop3A_1427, %parallel_loop3A_1439 : vector<16xi32>
        %parallel_loop3A_1441 = arith.constant 16 : i32
        %parallel_loop3A_1442 = vector.broadcast %parallel_loop3A_1441 : i32 to vector<16xi32>
        %parallel_loop3A_1443 = arith.addi %parallel_loop3A_1427, %parallel_loop3A_1442 : vector<16xi32>
        %parallel_loop3A_1444 = arith.select %parallel_loop3A_1440, %parallel_loop3A_1443, %parallel_loop3A_1427 : vector<16xi1>, vector<16xi32>
        %parallel_loop3A_1445 = vector.shape_cast %parallel_loop3A_1444 : vector<16xi32> to vector<16x1xi32>
        %parallel_loop3A_1446 = vector.shape_cast %parallel_loop3A_1445 : vector<16x1xi32> to vector<16xi32>
        %parallel_loop3A_1447 = tpu.dynamic_gather %parallel_loop3A_1280[%parallel_loop3A_1446] in [0] : vector<16xf32>, vector<16xi32> -> vector<16xf32>
        %parallel_loop3A_1448 = arith.select %parallel_loop3A_1424, %parallel_loop3A_1257, %parallel_loop3A_1447 : vector<16xi1>, vector<16xf32>
        %parallel_loop3A_1449 = arith.select %parallel_loop3A_1424, %parallel_loop3A_1437, %parallel_loop3A_1280 : vector<16xi1>, vector<16xf32>
        %parallel_loop3A_1450 = arith.addf %parallel_loop3A_1448, %parallel_loop3A_1449 : vector<16xf32>
        %parallel_loop3A_1451 = arith.constant 0 : i32
        %parallel_loop3A_1452 = vector.broadcast %parallel_loop3A_1451 : i32 to vector<16xi32>
        %parallel_loop3A_1453 = arith.cmpi slt, %parallel_loop3A_1427, %parallel_loop3A_1452 : vector<16xi32>
        %parallel_loop3A_1454 = arith.constant 16 : i32
        %parallel_loop3A_1455 = vector.broadcast %parallel_loop3A_1454 : i32 to vector<16xi32>
        %parallel_loop3A_1456 = arith.addi %parallel_loop3A_1427, %parallel_loop3A_1455 : vector<16xi32>
        %parallel_loop3A_1457 = arith.select %parallel_loop3A_1453, %parallel_loop3A_1456, %parallel_loop3A_1427 : vector<16xi1>, vector<16xi32>
        %parallel_loop3A_1458 = vector.shape_cast %parallel_loop3A_1457 : vector<16xi32> to vector<16x1xi32>
        %parallel_loop3A_1459 = vector.shape_cast %parallel_loop3A_1458 : vector<16x1xi32> to vector<16xi32>
        %parallel_loop3A_1460 = tpu.dynamic_gather %parallel_loop3A_1303[%parallel_loop3A_1459] in [0] : vector<16xf32>, vector<16xi32> -> vector<16xf32>
        %parallel_loop3A_1461 = arith.constant 0 : i32
        %parallel_loop3A_1462 = vector.broadcast %parallel_loop3A_1461 : i32 to vector<16xi32>
        %parallel_loop3A_1463 = arith.cmpi slt, %parallel_loop3A_1427, %parallel_loop3A_1462 : vector<16xi32>
        %parallel_loop3A_1464 = arith.constant 16 : i32
        %parallel_loop3A_1465 = vector.broadcast %parallel_loop3A_1464 : i32 to vector<16xi32>
        %parallel_loop3A_1466 = arith.addi %parallel_loop3A_1427, %parallel_loop3A_1465 : vector<16xi32>
        %parallel_loop3A_1467 = arith.select %parallel_loop3A_1463, %parallel_loop3A_1466, %parallel_loop3A_1427 : vector<16xi1>, vector<16xi32>
        %parallel_loop3A_1468 = vector.shape_cast %parallel_loop3A_1467 : vector<16xi32> to vector<16x1xi32>
        %parallel_loop3A_1469 = vector.shape_cast %parallel_loop3A_1468 : vector<16x1xi32> to vector<16xi32>
        %parallel_loop3A_1470 = tpu.dynamic_gather %parallel_loop3A_1326[%parallel_loop3A_1469] in [0] : vector<16xf32>, vector<16xi32> -> vector<16xf32>
        %parallel_loop3A_1471 = arith.select %parallel_loop3A_1424, %parallel_loop3A_1303, %parallel_loop3A_1470 : vector<16xi1>, vector<16xf32>
        %parallel_loop3A_1472 = arith.select %parallel_loop3A_1424, %parallel_loop3A_1460, %parallel_loop3A_1326 : vector<16xi1>, vector<16xf32>
        %parallel_loop3A_1473 = arith.addf %parallel_loop3A_1471, %parallel_loop3A_1472 : vector<16xf32>
        %parallel_loop3A_1474 = arith.constant 0 : i32
        %parallel_loop3A_1475 = vector.broadcast %parallel_loop3A_1474 : i32 to vector<16xi32>
        %parallel_loop3A_1476 = arith.cmpi slt, %parallel_loop3A_1427, %parallel_loop3A_1475 : vector<16xi32>
        %parallel_loop3A_1477 = arith.constant 16 : i32
        %parallel_loop3A_1478 = vector.broadcast %parallel_loop3A_1477 : i32 to vector<16xi32>
        %parallel_loop3A_1479 = arith.addi %parallel_loop3A_1427, %parallel_loop3A_1478 : vector<16xi32>
        %parallel_loop3A_1480 = arith.select %parallel_loop3A_1476, %parallel_loop3A_1479, %parallel_loop3A_1427 : vector<16xi1>, vector<16xi32>
        %parallel_loop3A_1481 = vector.shape_cast %parallel_loop3A_1480 : vector<16xi32> to vector<16x1xi32>
        %parallel_loop3A_1482 = vector.shape_cast %parallel_loop3A_1481 : vector<16x1xi32> to vector<16xi32>
        %parallel_loop3A_1483 = tpu.dynamic_gather %parallel_loop3A_1349[%parallel_loop3A_1482] in [0] : vector<16xf32>, vector<16xi32> -> vector<16xf32>
        %parallel_loop3A_1484 = arith.constant 0 : i32
        %parallel_loop3A_1485 = vector.broadcast %parallel_loop3A_1484 : i32 to vector<16xi32>
        %parallel_loop3A_1486 = arith.cmpi slt, %parallel_loop3A_1427, %parallel_loop3A_1485 : vector<16xi32>
        %parallel_loop3A_1487 = arith.constant 16 : i32
        %parallel_loop3A_1488 = vector.broadcast %parallel_loop3A_1487 : i32 to vector<16xi32>
        %parallel_loop3A_1489 = arith.addi %parallel_loop3A_1427, %parallel_loop3A_1488 : vector<16xi32>
        %parallel_loop3A_1490 = arith.select %parallel_loop3A_1486, %parallel_loop3A_1489, %parallel_loop3A_1427 : vector<16xi1>, vector<16xi32>
        %parallel_loop3A_1491 = vector.shape_cast %parallel_loop3A_1490 : vector<16xi32> to vector<16x1xi32>
        %parallel_loop3A_1492 = vector.shape_cast %parallel_loop3A_1491 : vector<16x1xi32> to vector<16xi32>
        %parallel_loop3A_1493 = tpu.dynamic_gather %parallel_loop3A_1372[%parallel_loop3A_1492] in [0] : vector<16xf32>, vector<16xi32> -> vector<16xf32>
        %parallel_loop3A_1494 = arith.select %parallel_loop3A_1424, %parallel_loop3A_1349, %parallel_loop3A_1493 : vector<16xi1>, vector<16xf32>
        %parallel_loop3A_1495 = arith.select %parallel_loop3A_1424, %parallel_loop3A_1483, %parallel_loop3A_1372 : vector<16xi1>, vector<16xf32>
        %parallel_loop3A_1496 = arith.addf %parallel_loop3A_1494, %parallel_loop3A_1495 : vector<16xf32>
        %parallel_loop3A_1497 = arith.constant 0 : i32
        %parallel_loop3A_1498 = vector.broadcast %parallel_loop3A_1497 : i32 to vector<16xi32>
        %parallel_loop3A_1499 = arith.cmpi slt, %parallel_loop3A_1427, %parallel_loop3A_1498 : vector<16xi32>
        %parallel_loop3A_1500 = arith.constant 16 : i32
        %parallel_loop3A_1501 = vector.broadcast %parallel_loop3A_1500 : i32 to vector<16xi32>
        %parallel_loop3A_1502 = arith.addi %parallel_loop3A_1427, %parallel_loop3A_1501 : vector<16xi32>
        %parallel_loop3A_1503 = arith.select %parallel_loop3A_1499, %parallel_loop3A_1502, %parallel_loop3A_1427 : vector<16xi1>, vector<16xi32>
        %parallel_loop3A_1504 = vector.shape_cast %parallel_loop3A_1503 : vector<16xi32> to vector<16x1xi32>
        %parallel_loop3A_1505 = vector.shape_cast %parallel_loop3A_1504 : vector<16x1xi32> to vector<16xi32>
        %parallel_loop3A_1506 = tpu.dynamic_gather %parallel_loop3A_1395[%parallel_loop3A_1505] in [0] : vector<16xf32>, vector<16xi32> -> vector<16xf32>
        %parallel_loop3A_1507 = arith.constant 0 : i32
        %parallel_loop3A_1508 = vector.broadcast %parallel_loop3A_1507 : i32 to vector<16xi32>
        %parallel_loop3A_1509 = arith.cmpi slt, %parallel_loop3A_1427, %parallel_loop3A_1508 : vector<16xi32>
        %parallel_loop3A_1510 = arith.constant 16 : i32
        %parallel_loop3A_1511 = vector.broadcast %parallel_loop3A_1510 : i32 to vector<16xi32>
        %parallel_loop3A_1512 = arith.addi %parallel_loop3A_1427, %parallel_loop3A_1511 : vector<16xi32>
        %parallel_loop3A_1513 = arith.select %parallel_loop3A_1509, %parallel_loop3A_1512, %parallel_loop3A_1427 : vector<16xi1>, vector<16xi32>
        %parallel_loop3A_1514 = vector.shape_cast %parallel_loop3A_1513 : vector<16xi32> to vector<16x1xi32>
        %parallel_loop3A_1515 = vector.shape_cast %parallel_loop3A_1514 : vector<16x1xi32> to vector<16xi32>
        %parallel_loop3A_1516 = tpu.dynamic_gather %parallel_loop3A_1418[%parallel_loop3A_1515] in [0] : vector<16xf32>, vector<16xi32> -> vector<16xf32>
        %parallel_loop3A_1517 = arith.select %parallel_loop3A_1424, %parallel_loop3A_1395, %parallel_loop3A_1516 : vector<16xi1>, vector<16xf32>
        %parallel_loop3A_1518 = arith.select %parallel_loop3A_1424, %parallel_loop3A_1506, %parallel_loop3A_1418 : vector<16xi1>, vector<16xf32>
        %parallel_loop3A_1519 = arith.addf %parallel_loop3A_1517, %parallel_loop3A_1518 : vector<16xf32>
        %parallel_loop3A_1520 = arith.constant 4 : i32
        %parallel_loop3A_1521 = vector.broadcast %parallel_loop3A_1520 : i32 to vector<16xi32>
        %parallel_loop3A_1522 = arith.andi %iota3A, %parallel_loop3A_1521 : vector<16xi32>
        %parallel_loop3A_1523 = arith.constant 0 : i32
        %parallel_loop3A_1524 = vector.broadcast %parallel_loop3A_1523 : i32 to vector<16xi32>
        %parallel_loop3A_1525 = arith.cmpi eq, %parallel_loop3A_1522, %parallel_loop3A_1524 : vector<16xi32>
        %parallel_loop3A_1526 = arith.constant 4 : i32
        %parallel_loop3A_1527 = vector.broadcast %parallel_loop3A_1526 : i32 to vector<16xi32>
        %parallel_loop3A_1528 = arith.xori %iota3A, %parallel_loop3A_1527 : vector<16xi32>
        %parallel_loop3A_1529 = arith.constant 0 : i32
        %parallel_loop3A_1530 = vector.broadcast %parallel_loop3A_1529 : i32 to vector<16xi32>
        %parallel_loop3A_1531 = arith.cmpi slt, %parallel_loop3A_1528, %parallel_loop3A_1530 : vector<16xi32>
        %parallel_loop3A_1532 = arith.constant 16 : i32
        %parallel_loop3A_1533 = vector.broadcast %parallel_loop3A_1532 : i32 to vector<16xi32>
        %parallel_loop3A_1534 = arith.addi %parallel_loop3A_1528, %parallel_loop3A_1533 : vector<16xi32>
        %parallel_loop3A_1535 = arith.select %parallel_loop3A_1531, %parallel_loop3A_1534, %parallel_loop3A_1528 : vector<16xi1>, vector<16xi32>
        %parallel_loop3A_1536 = vector.shape_cast %parallel_loop3A_1535 : vector<16xi32> to vector<16x1xi32>
        %parallel_loop3A_1537 = vector.shape_cast %parallel_loop3A_1536 : vector<16x1xi32> to vector<16xi32>
        %parallel_loop3A_1538 = tpu.dynamic_gather %parallel_loop3A_1450[%parallel_loop3A_1537] in [0] : vector<16xf32>, vector<16xi32> -> vector<16xf32>
        %parallel_loop3A_1539 = arith.constant 0 : i32
        %parallel_loop3A_1540 = vector.broadcast %parallel_loop3A_1539 : i32 to vector<16xi32>
        %parallel_loop3A_1541 = arith.cmpi slt, %parallel_loop3A_1528, %parallel_loop3A_1540 : vector<16xi32>
        %parallel_loop3A_1542 = arith.constant 16 : i32
        %parallel_loop3A_1543 = vector.broadcast %parallel_loop3A_1542 : i32 to vector<16xi32>
        %parallel_loop3A_1544 = arith.addi %parallel_loop3A_1528, %parallel_loop3A_1543 : vector<16xi32>
        %parallel_loop3A_1545 = arith.select %parallel_loop3A_1541, %parallel_loop3A_1544, %parallel_loop3A_1528 : vector<16xi1>, vector<16xi32>
        %parallel_loop3A_1546 = vector.shape_cast %parallel_loop3A_1545 : vector<16xi32> to vector<16x1xi32>
        %parallel_loop3A_1547 = vector.shape_cast %parallel_loop3A_1546 : vector<16x1xi32> to vector<16xi32>
        %parallel_loop3A_1548 = tpu.dynamic_gather %parallel_loop3A_1473[%parallel_loop3A_1547] in [0] : vector<16xf32>, vector<16xi32> -> vector<16xf32>
        %parallel_loop3A_1549 = arith.select %parallel_loop3A_1525, %parallel_loop3A_1450, %parallel_loop3A_1548 : vector<16xi1>, vector<16xf32>
        %parallel_loop3A_1550 = arith.select %parallel_loop3A_1525, %parallel_loop3A_1538, %parallel_loop3A_1473 : vector<16xi1>, vector<16xf32>
        %parallel_loop3A_1551 = arith.addf %parallel_loop3A_1549, %parallel_loop3A_1550 : vector<16xf32>
        %parallel_loop3A_1552 = arith.constant 0 : i32
        %parallel_loop3A_1553 = vector.broadcast %parallel_loop3A_1552 : i32 to vector<16xi32>
        %parallel_loop3A_1554 = arith.cmpi slt, %parallel_loop3A_1528, %parallel_loop3A_1553 : vector<16xi32>
        %parallel_loop3A_1555 = arith.constant 16 : i32
        %parallel_loop3A_1556 = vector.broadcast %parallel_loop3A_1555 : i32 to vector<16xi32>
        %parallel_loop3A_1557 = arith.addi %parallel_loop3A_1528, %parallel_loop3A_1556 : vector<16xi32>
        %parallel_loop3A_1558 = arith.select %parallel_loop3A_1554, %parallel_loop3A_1557, %parallel_loop3A_1528 : vector<16xi1>, vector<16xi32>
        %parallel_loop3A_1559 = vector.shape_cast %parallel_loop3A_1558 : vector<16xi32> to vector<16x1xi32>
        %parallel_loop3A_1560 = vector.shape_cast %parallel_loop3A_1559 : vector<16x1xi32> to vector<16xi32>
        %parallel_loop3A_1561 = tpu.dynamic_gather %parallel_loop3A_1496[%parallel_loop3A_1560] in [0] : vector<16xf32>, vector<16xi32> -> vector<16xf32>
        %parallel_loop3A_1562 = arith.constant 0 : i32
        %parallel_loop3A_1563 = vector.broadcast %parallel_loop3A_1562 : i32 to vector<16xi32>
        %parallel_loop3A_1564 = arith.cmpi slt, %parallel_loop3A_1528, %parallel_loop3A_1563 : vector<16xi32>
        %parallel_loop3A_1565 = arith.constant 16 : i32
        %parallel_loop3A_1566 = vector.broadcast %parallel_loop3A_1565 : i32 to vector<16xi32>
        %parallel_loop3A_1567 = arith.addi %parallel_loop3A_1528, %parallel_loop3A_1566 : vector<16xi32>
        %parallel_loop3A_1568 = arith.select %parallel_loop3A_1564, %parallel_loop3A_1567, %parallel_loop3A_1528 : vector<16xi1>, vector<16xi32>
        %parallel_loop3A_1569 = vector.shape_cast %parallel_loop3A_1568 : vector<16xi32> to vector<16x1xi32>
        %parallel_loop3A_1570 = vector.shape_cast %parallel_loop3A_1569 : vector<16x1xi32> to vector<16xi32>
        %parallel_loop3A_1571 = tpu.dynamic_gather %parallel_loop3A_1519[%parallel_loop3A_1570] in [0] : vector<16xf32>, vector<16xi32> -> vector<16xf32>
        %parallel_loop3A_1572 = arith.select %parallel_loop3A_1525, %parallel_loop3A_1496, %parallel_loop3A_1571 : vector<16xi1>, vector<16xf32>
        %parallel_loop3A_1573 = arith.select %parallel_loop3A_1525, %parallel_loop3A_1561, %parallel_loop3A_1519 : vector<16xi1>, vector<16xf32>
        %parallel_loop3A_1574 = arith.addf %parallel_loop3A_1572, %parallel_loop3A_1573 : vector<16xf32>
        %parallel_loop3A_1575 = arith.constant 8 : i32
        %parallel_loop3A_1576 = vector.broadcast %parallel_loop3A_1575 : i32 to vector<16xi32>
        %parallel_loop3A_1577 = arith.andi %iota3A, %parallel_loop3A_1576 : vector<16xi32>
        %parallel_loop3A_1578 = arith.constant 0 : i32
        %parallel_loop3A_1579 = vector.broadcast %parallel_loop3A_1578 : i32 to vector<16xi32>
        %parallel_loop3A_1580 = arith.cmpi eq, %parallel_loop3A_1577, %parallel_loop3A_1579 : vector<16xi32>
        %parallel_loop3A_1581 = arith.constant 8 : i32
        %parallel_loop3A_1582 = vector.broadcast %parallel_loop3A_1581 : i32 to vector<16xi32>
        %parallel_loop3A_1583 = arith.xori %iota3A, %parallel_loop3A_1582 : vector<16xi32>
        %parallel_loop3A_1584 = arith.constant 0 : i32
        %parallel_loop3A_1585 = vector.broadcast %parallel_loop3A_1584 : i32 to vector<16xi32>
        %parallel_loop3A_1586 = arith.cmpi slt, %parallel_loop3A_1583, %parallel_loop3A_1585 : vector<16xi32>
        %parallel_loop3A_1587 = arith.constant 16 : i32
        %parallel_loop3A_1588 = vector.broadcast %parallel_loop3A_1587 : i32 to vector<16xi32>
        %parallel_loop3A_1589 = arith.addi %parallel_loop3A_1583, %parallel_loop3A_1588 : vector<16xi32>
        %parallel_loop3A_1590 = arith.select %parallel_loop3A_1586, %parallel_loop3A_1589, %parallel_loop3A_1583 : vector<16xi1>, vector<16xi32>
        %parallel_loop3A_1591 = vector.shape_cast %parallel_loop3A_1590 : vector<16xi32> to vector<16x1xi32>
        %parallel_loop3A_1592 = vector.shape_cast %parallel_loop3A_1591 : vector<16x1xi32> to vector<16xi32>
        %parallel_loop3A_1593 = tpu.dynamic_gather %parallel_loop3A_1551[%parallel_loop3A_1592] in [0] : vector<16xf32>, vector<16xi32> -> vector<16xf32>
        %parallel_loop3A_1594 = arith.constant 0 : i32
        %parallel_loop3A_1595 = vector.broadcast %parallel_loop3A_1594 : i32 to vector<16xi32>
        %parallel_loop3A_1596 = arith.cmpi slt, %parallel_loop3A_1583, %parallel_loop3A_1595 : vector<16xi32>
        %parallel_loop3A_1597 = arith.constant 16 : i32
        %parallel_loop3A_1598 = vector.broadcast %parallel_loop3A_1597 : i32 to vector<16xi32>
        %parallel_loop3A_1599 = arith.addi %parallel_loop3A_1583, %parallel_loop3A_1598 : vector<16xi32>
        %parallel_loop3A_1600 = arith.select %parallel_loop3A_1596, %parallel_loop3A_1599, %parallel_loop3A_1583 : vector<16xi1>, vector<16xi32>
        %parallel_loop3A_1601 = vector.shape_cast %parallel_loop3A_1600 : vector<16xi32> to vector<16x1xi32>
        %parallel_loop3A_1602 = vector.shape_cast %parallel_loop3A_1601 : vector<16x1xi32> to vector<16xi32>
        %parallel_loop3A_1603 = tpu.dynamic_gather %parallel_loop3A_1574[%parallel_loop3A_1602] in [0] : vector<16xf32>, vector<16xi32> -> vector<16xf32>
        %parallel_loop3A_1604 = arith.select %parallel_loop3A_1580, %parallel_loop3A_1551, %parallel_loop3A_1603 : vector<16xi1>, vector<16xf32>
        %parallel_loop3A_1605 = arith.select %parallel_loop3A_1580, %parallel_loop3A_1593, %parallel_loop3A_1574 : vector<16xi1>, vector<16xf32>
        %parallel_loop3A_1606 = arith.addf %parallel_loop3A_1604, %parallel_loop3A_1605 : vector<16xf32>
        %parallel_loop3A_1607 = arith.constant 16 : i32
        %parallel_loop3A_1608 = arith.muli %parallel_loop3A_153, %parallel_loop3A_1607 : i32
        %parallel_loop3A_1609 = arith.index_cast %parallel_loop3A_1608 : i32 to index
        %parallel_loop3A_1610 = tpu.vector_load %arg15[%parallel_loop3A_1609] {strides = array<i32>} : memref<128xf32, #tpu.memory_space<vmem>>, vector<16xf32>,
        %parallel_loop3A_1611 = arith.addf %parallel_loop3A_1606, %parallel_loop3A_1610 : vector<16xf32>
        %parallel_loop3A_1612 = arith.constant 16 : i32
        %parallel_loop3A_1613 = arith.muli %parallel_loop3A_153, %parallel_loop3A_1612 : i32
        %parallel_loop3A_1614 = arith.index_cast %parallel_loop3A_1613 : i32 to index
        %parallel_loop3A_1615 = tpu.vector_load %arg17[%parallel_loop3A_1614] {strides = array<i32>} : memref<128xf32, #tpu.memory_space<vmem>>, vector<16xf32>,
        %parallel_loop3A_1616 = arith.addf %parallel_loop3A_1611, %parallel_loop3A_1615 : vector<16xf32>
        %parallel_loop3A_1617 = arith.constant 16 : i32
        %parallel_loop3A_1618 = arith.muli %parallel_loop3A_153, %parallel_loop3A_1617 : i32
        %parallel_loop3A_1619 = arith.index_cast %parallel_loop3A_1618 : i32 to index
        %parallel_loop3A_1620 = tpu.vector_load %arg19[%parallel_loop3A_1619] {strides = array<i32>} : memref<128xf32, #tpu.memory_space<vmem>>, vector<16xf32>,
        tpu.vector_store %arg19[%parallel_loop3A_1619], %parallel_loop3A_1616 {strides = array<i32>} : memref<128xf32, #tpu.memory_space<vmem>>, vector<16xf32>,
      } {sc.loop_unroll_factor = 2 : i64, sc.parallel_access}
      %eq3A = arith.constant 0 : i32
      "tpu.trace_stop"() : () -> ()
      %eq3A_109 = arith.cmpi eq, %scan3A_73, %eq3A : i32
      %convert_element_type3A = arith.extui %eq3A_109 : i1 to i32
      %cond3A = arith.constant 0 : i32
      %cond3A_110 = arith.cmpi ne, %convert_element_type3A, %cond3A : i32
      scf.if %cond3A_110 {
        %add3A_153 = arith.constant 2 : i32
        %add3A_154 = arith.addi %add3A_77, %add3A_153 : i32
        %dma_start3A_155 = arith.constant 0 : i32
        %dma_start3A_156 = tpu.memref_slice %arg9[%add3A_154, %dma_start3A_155] : memref<4x128xi32, #tpu.memory_space<vmem>> -> memref<1x128xi32, #tpu.memory_space<vmem>>
        %dma_start3A_157 = tpu.memref_squeeze %dma_start3A_156 : memref<1x128xi32, #tpu.memory_space<vmem>> -> memref<128xi32, #tpu.memory_space<vmem>>
        %dma_start3A_158 = arith.constant 0 : i32
        %dma_start3A_159 = arith.constant 0 : i32
        %dma_start3A_160 = tpu.memref_slice %arg4[%dma_start3A_158, %dma_start3A_159] : memref<100000x128xf32, #tpu.memory_space<hbm>> -> memref<100000x128xf32, #tpu.memory_space<hbm>>
        tpu.enqueue_indirect_dma source(%dma_start3A_160 : memref<100000x128xf32, #tpu.memory_space<hbm>>) target(%arg11 : memref<128x128xf32, #tpu.memory_space<vmem>>) offsets(%dma_start3A_157 : memref<128xi32, #tpu.memory_space<vmem>>) semaphore(%arg20 : memref<!tpu.dma_semaphore, #tpu.memory_space<semaphore_mem>>)
        %dma_start3A_161 = arith.constant 0 : i32
        %dma_start3A_162 = tpu.memref_slice %arg10[%add3A_154, %dma_start3A_161] : memref<4x128xi32, #tpu.memory_space<vmem>> -> memref<1x128xi32, #tpu.memory_space<vmem>>
        %dma_start3A_163 = tpu.memref_squeeze %dma_start3A_162 : memref<1x128xi32, #tpu.memory_space<vmem>> -> memref<128xi32, #tpu.memory_space<vmem>>
        %dma_start3A_164 = arith.constant 0 : i32
        %dma_start3A_165 = arith.constant 0 : i32
        %dma_start3A_166 = tpu.memref_slice %arg5[%dma_start3A_164, %dma_start3A_165] : memref<1000000x128xf32, #tpu.memory_space<hbm>> -> memref<1000000x128xf32, #tpu.memory_space<hbm>>
        tpu.enqueue_indirect_dma source(%dma_start3A_166 : memref<1000000x128xf32, #tpu.memory_space<hbm>>) target(%arg13 : memref<128x128xf32, #tpu.memory_space<vmem>>) offsets(%dma_start3A_163 : memref<128xi32, #tpu.memory_space<vmem>>) semaphore(%arg22 : memref<!tpu.dma_semaphore, #tpu.memory_space<semaphore_mem>>)
        %dma_start3A_167 = arith.constant 0 : i32
        %dma_start3A_168 = arith.constant 0 : i32
        %dma_start3A_169 = tpu.memref_slice %arg9[%add3A_154, %dma_start3A_168] : memref<4x128xi32, #tpu.memory_space<vmem>> -> memref<1x128xi32, #tpu.memory_space<vmem>>
        %dma_start3A_170 = tpu.memref_squeeze %dma_start3A_169 : memref<1x128xi32, #tpu.memory_space<vmem>> -> memref<128xi32, #tpu.memory_space<vmem>>
        %dma_start3A_171 = arith.constant 0 : i32
        %dma_start3A_172 = tpu.memref_slice %arg6[%dma_start3A_167, %dma_start3A_171] : memref<1x100000xf32, #tpu.memory_space<hbm>> -> memref<1x100000xf32, #tpu.memory_space<hbm>>
        %dma_start3A_173 = tpu.memref_squeeze %dma_start3A_172 : memref<1x100000xf32, #tpu.memory_space<hbm>> -> memref<100000xf32, #tpu.memory_space<hbm>>
        %dma_start3A_174 = arith.constant 0 : i32
        %dma_start3A_175 = tpu.memref_slice %dma_start3A_173[%dma_start3A_174] : memref<100000xf32, #tpu.memory_space<hbm>> -> memref<100000xf32, #tpu.memory_space<hbm>>
        tpu.enqueue_indirect_dma source(%dma_start3A_175 : memref<100000xf32, #tpu.memory_space<hbm>>) target(%arg15 : memref<128xf32, #tpu.memory_space<vmem>>) offsets(%dma_start3A_170 : memref<128xi32, #tpu.memory_space<vmem>>) semaphore(%arg24 : memref<!tpu.dma_semaphore, #tpu.memory_space<semaphore_mem>>)
        %dma_start3A_176 = arith.constant 0 : i32
        %dma_start3A_177 = arith.constant 0 : i32
        %dma_start3A_178 = tpu.memref_slice %arg10[%add3A_154, %dma_start3A_177] : memref<4x128xi32, #tpu.memory_space<vmem>> -> memref<1x128xi32, #tpu.memory_space<vmem>>
        %dma_start3A_179 = tpu.memref_squeeze %dma_start3A_178 : memref<1x128xi32, #tpu.memory_space<vmem>> -> memref<128xi32, #tpu.memory_space<vmem>>
        %dma_start3A_180 = arith.constant 0 : i32
        %dma_start3A_181 = tpu.memref_slice %arg7[%dma_start3A_176, %dma_start3A_180] : memref<1x1000000xf32, #tpu.memory_space<hbm>> -> memref<1x1000000xf32, #tpu.memory_space<hbm>>
        %dma_start3A_182 = tpu.memref_squeeze %dma_start3A_181 : memref<1x1000000xf32, #tpu.memory_space<hbm>> -> memref<1000000xf32, #tpu.memory_space<hbm>>
        %dma_start3A_183 = arith.constant 0 : i32
        %dma_start3A_184 = tpu.memref_slice %dma_start3A_182[%dma_start3A_183] : memref<1000000xf32, #tpu.memory_space<hbm>> -> memref<1000000xf32, #tpu.memory_space<hbm>>
        tpu.enqueue_indirect_dma source(%dma_start3A_184 : memref<1000000xf32, #tpu.memory_space<hbm>>) target(%arg17 : memref<128xf32, #tpu.memory_space<vmem>>) offsets(%dma_start3A_179 : memref<128xi32, #tpu.memory_space<vmem>>) semaphore(%arg24 : memref<!tpu.dma_semaphore, #tpu.memory_space<semaphore_mem>>)
      } else {
      }
      "tpu.region"() ({
        %run_scoped3A = tpu.sem_alloc : memref<!tpu.dma_semaphore, #tpu.memory_space<semaphore_mem>>
        %dma_start3A_153 = arith.constant 0 : i32
        %dma_start3A_154 = tpu.memref_slice %arg8[%add3A, %add3A_77, %dma_start3A_153] : memref<32x4x128xf32, #tpu.memory_space<hbm>> -> memref<1x1x128xf32, #tpu.memory_space<hbm>>
        %dma_start3A_155 = tpu.memref_squeeze %dma_start3A_154 : memref<1x1x128xf32, #tpu.memory_space<hbm>> -> memref<128xf32, #tpu.memory_space<hbm>>
        %dma_start3A_156 = arith.constant 0 : i32
        %dma_start3A_157 = tpu.memref_slice %arg8[%add3A, %add3A_77, %dma_start3A_156] : memref<32x4x128xf32, #tpu.memory_space<hbm>> -> memref<1x1x128xf32, #tpu.memory_space<hbm>>
        %dma_start3A_158 = tpu.memref_squeeze %dma_start3A_157 : memref<1x1x128xf32, #tpu.memory_space<hbm>> -> memref<128xf32, #tpu.memory_space<hbm>>
        tpu.enqueue_dma source(%arg19 : memref<128xf32, #tpu.memory_space<vmem>>) target(%dma_start3A_158 : memref<128xf32, #tpu.memory_space<hbm>>) target_semaphore(%run_scoped3A : memref<!tpu.dma_semaphore, #tpu.memory_space<semaphore_mem>>)
        %dma_wait3A_159 = arith.constant 0 : i32
        %dma_wait3A_160 = tpu.memref_slice %arg8[%add3A, %add3A_77, %dma_wait3A_159] : memref<32x4x128xf32, #tpu.memory_space<hbm>> -> memref<1x1x128xf32, #tpu.memory_space<hbm>>
        %dma_wait3A_161 = tpu.memref_squeeze %dma_wait3A_160 : memref<1x1x128xf32, #tpu.memory_space<hbm>> -> memref<128xf32, #tpu.memory_space<hbm>>
        %dma_wait3A_162 = arith.constant 0 : i32
        %dma_wait3A_163 = tpu.memref_slice %arg8[%add3A, %add3A_77, %dma_wait3A_162] : memref<32x4x128xf32, #tpu.memory_space<hbm>> -> memref<1x1x128xf32, #tpu.memory_space<hbm>>
        %dma_wait3A_164 = tpu.memref_squeeze %dma_wait3A_163 : memref<1x1x128xf32, #tpu.memory_space<hbm>> -> memref<128xf32, #tpu.memory_space<hbm>>
        tpu.wait_dma2 semaphore(%run_scoped3A : memref<!tpu.dma_semaphore, #tpu.memory_space<semaphore_mem>>) src(%arg19 : memref<128xf32, #tpu.memory_space<vmem>>) dst(%dma_wait3A_164 : memref<128xf32, #tpu.memory_space<hbm>>)
        tpu.yield
      }) : () -> ()
      %mul3A_111 = arith.constant 2 : i32
      %mul3A_112 = arith.muli %scan3A_73, %mul3A_111 : i32
      %add3A_113 = arith.constant 1 : i32
      %add3A_114 = arith.addi %mul3A_112, %add3A_113 : i32
      "tpu.trace_start"() <{level = 10 : i32, message = "wait_1"}> : () -> ()
      %dma_wait3A_115 = arith.constant 0 : i32
      %dma_wait3A_116 = tpu.memref_slice %arg9[%add3A_114, %dma_wait3A_115] : memref<4x128xi32, #tpu.memory_space<vmem>> -> memref<1x128xi32, #tpu.memory_space<vmem>>
      %dma_wait3A_117 = tpu.memref_squeeze %dma_wait3A_116 : memref<1x128xi32, #tpu.memory_space<vmem>> -> memref<128xi32, #tpu.memory_space<vmem>>
      %dma_wait3A_118 = arith.constant 0 : i32
      %dma_wait3A_119 = arith.constant 0 : i32
      %dma_wait3A_120 = tpu.memref_slice %arg4[%dma_wait3A_118, %dma_wait3A_119] : memref<100000x128xf32, #tpu.memory_space<hbm>> -> memref<100000x128xf32, #tpu.memory_space<hbm>>
      tpu.wait_indirect_dma semaphore(%arg21 : memref<!tpu.dma_semaphore, #tpu.memory_space<semaphore_mem>>) src(%dma_wait3A_120 : memref<100000x128xf32, #tpu.memory_space<hbm>>) dst(%arg12 : memref<128x128xf32, #tpu.memory_space<vmem>>)
      %dma_wait3A_121 = arith.constant 0 : i32
      %dma_wait3A_122 = tpu.memref_slice %arg10[%add3A_114, %dma_wait3A_121] : memref<4x128xi32, #tpu.memory_space<vmem>> -> memref<1x128xi32, #tpu.memory_space<vmem>>
      %dma_wait3A_123 = tpu.memref_squeeze %dma_wait3A_122 : memref<1x128xi32, #tpu.memory_space<vmem>> -> memref<128xi32, #tpu.memory_space<vmem>>
      %dma_wait3A_124 = arith.constant 0 : i32
      %dma_wait3A_125 = arith.constant 0 : i32
      %dma_wait3A_126 = tpu.memref_slice %arg5[%dma_wait3A_124, %dma_wait3A_125] : memref<1000000x128xf32, #tpu.memory_space<hbm>> -> memref<1000000x128xf32, #tpu.memory_space<hbm>>
      tpu.wait_indirect_dma semaphore(%arg23 : memref<!tpu.dma_semaphore, #tpu.memory_space<semaphore_mem>>) src(%dma_wait3A_126 : memref<1000000x128xf32, #tpu.memory_space<hbm>>) dst(%arg14 : memref<128x128xf32, #tpu.memory_space<vmem>>)
      %dma_wait3A_127 = arith.constant 0 : i32
      %dma_wait3A_128 = arith.constant 0 : i32
      %dma_wait3A_129 = tpu.memref_slice %arg9[%add3A_114, %dma_wait3A_128] : memref<4x128xi32, #tpu.memory_space<vmem>> -> memref<1x128xi32, #tpu.memory_space<vmem>>
      %dma_wait3A_130 = tpu.memref_squeeze %dma_wait3A_129 : memref<1x128xi32, #tpu.memory_space<vmem>> -> memref<128xi32, #tpu.memory_space<vmem>>
      %dma_wait3A_131 = arith.constant 0 : i32
      %dma_wait3A_132 = tpu.memref_slice %arg6[%dma_wait3A_127, %dma_wait3A_131] : memref<1x100000xf32, #tpu.memory_space<hbm>> -> memref<1x100000xf32, #tpu.memory_space<hbm>>
      %dma_wait3A_133 = tpu.memref_squeeze %dma_wait3A_132 : memref<1x100000xf32, #tpu.memory_space<hbm>> -> memref<100000xf32, #tpu.memory_space<hbm>>
      %dma_wait3A_134 = arith.constant 0 : i32
      %dma_wait3A_135 = tpu.memref_slice %dma_wait3A_133[%dma_wait3A_134] : memref<100000xf32, #tpu.memory_space<hbm>> -> memref<100000xf32, #tpu.memory_space<hbm>>
      tpu.wait_indirect_dma semaphore(%arg25 : memref<!tpu.dma_semaphore, #tpu.memory_space<semaphore_mem>>) src(%dma_wait3A_135 : memref<100000xf32, #tpu.memory_space<hbm>>) dst(%arg16 : memref<128xf32, #tpu.memory_space<vmem>>)
      %dma_wait3A_136 = arith.constant 0 : i32
      %dma_wait3A_137 = arith.constant 0 : i32
      %dma_wait3A_138 = tpu.memref_slice %arg10[%add3A_114, %dma_wait3A_137] : memref<4x128xi32, #tpu.memory_space<vmem>> -> memref<1x128xi32, #tpu.memory_space<vmem>>
      %dma_wait3A_139 = tpu.memref_squeeze %dma_wait3A_138 : memref<1x128xi32, #tpu.memory_space<vmem>> -> memref<128xi32, #tpu.memory_space<vmem>>
      %dma_wait3A_140 = arith.constant 0 : i32
      %dma_wait3A_141 = tpu.memref_slice %arg7[%dma_wait3A_136, %dma_wait3A_140] : memref<1x1000000xf32, #tpu.memory_space<hbm>> -> memref<1x1000000xf32, #tpu.memory_space<hbm>>
      %dma_wait3A_142 = tpu.memref_squeeze %dma_wait3A_141 : memref<1x1000000xf32, #tpu.memory_space<hbm>> -> memref<1000000xf32, #tpu.memory_space<hbm>>
      %dma_wait3A_143 = arith.constant 0 : i32
      %dma_wait3A_144 = tpu.memref_slice %dma_wait3A_142[%dma_wait3A_143] : memref<1000000xf32, #tpu.memory_space<hbm>> -> memref<1000000xf32, #tpu.memory_space<hbm>>
      tpu.wait_indirect_dma semaphore(%arg25 : memref<!tpu.dma_semaphore, #tpu.memory_space<semaphore_mem>>) src(%dma_wait3A_144 : memref<1000000xf32, #tpu.memory_space<hbm>>) dst(%arg18 : memref<128xf32, #tpu.memory_space<vmem>>)
      %parallel_loop3A_145 = arith.constant 0 : i32
      %parallel_loop3A_146 = arith.constant 8 : i32
      %parallel_loop3A_147 = arith.constant 1 : i32
      "tpu.trace_stop"() : () -> ()
      "tpu.trace_start"() <{level = 10 : i32, message = "compute_1"}> : () -> ()
      scf.for %parallel_loop3A_153 = %parallel_loop3A_145 to %parallel_loop3A_146 step %parallel_loop3A_147  : i32 {
        %parallel_loop3A_154 = arith.constant 16 : i32
        %parallel_loop3A_155 = arith.muli %parallel_loop3A_153, %parallel_loop3A_154 : i32
        %parallel_loop3A_156 = arith.constant 0 : i32
        %parallel_loop3A_157 = arith.addi %parallel_loop3A_155, %parallel_loop3A_156 : i32
        %parallel_loop3A_158 = arith.index_cast %parallel_loop3A_157 : i32 to index
        %parallel_loop3A_159 = arith.constant 0 : index
        %parallel_loop3A_160 = tpu.vector_load %arg12[%parallel_loop3A_158, %parallel_loop3A_159] {strides = array<i32>} : memref<128x128xf32, #tpu.memory_space<vmem>>, vector<16xf32>,
        %parallel_loop3A_161 = arith.index_cast %parallel_loop3A_157 : i32 to index
        %parallel_loop3A_162 = arith.constant 0 : index
        %parallel_loop3A_163 = tpu.vector_load %arg14[%parallel_loop3A_161, %parallel_loop3A_162] {strides = array<i32>} : memref<128x128xf32, #tpu.memory_space<vmem>>, vector<16xf32>,
        %parallel_loop3A_164 = arith.mulf %parallel_loop3A_160, %parallel_loop3A_163 : vector<16xf32>
        %parallel_loop3A_165 = arith.index_cast %parallel_loop3A_157 : i32 to index
        %parallel_loop3A_166 = arith.constant 16 : index
        %parallel_loop3A_167 = tpu.vector_load %arg12[%parallel_loop3A_165, %parallel_loop3A_166] {strides = array<i32>} : memref<128x128xf32, #tpu.memory_space<vmem>>, vector<16xf32>,
        %parallel_loop3A_168 = arith.index_cast %parallel_loop3A_157 : i32 to index
        %parallel_loop3A_169 = arith.constant 16 : index
        %parallel_loop3A_170 = tpu.vector_load %arg14[%parallel_loop3A_168, %parallel_loop3A_169] {strides = array<i32>} : memref<128x128xf32, #tpu.memory_space<vmem>>, vector<16xf32>,
        %parallel_loop3A_171 = arith.mulf %parallel_loop3A_167, %parallel_loop3A_170 : vector<16xf32>
        %parallel_loop3A_172 = arith.index_cast %parallel_loop3A_157 : i32 to index
        %parallel_loop3A_173 = arith.constant 32 : index
        %parallel_loop3A_174 = tpu.vector_load %arg12[%parallel_loop3A_172, %parallel_loop3A_173] {strides = array<i32>} : memref<128x128xf32, #tpu.memory_space<vmem>>, vector<16xf32>,
        %parallel_loop3A_175 = arith.index_cast %parallel_loop3A_157 : i32 to index
        %parallel_loop3A_176 = arith.constant 32 : index
        %parallel_loop3A_177 = tpu.vector_load %arg14[%parallel_loop3A_175, %parallel_loop3A_176] {strides = array<i32>} : memref<128x128xf32, #tpu.memory_space<vmem>>, vector<16xf32>,
        %parallel_loop3A_178 = arith.mulf %parallel_loop3A_174, %parallel_loop3A_177 : vector<16xf32>
        %parallel_loop3A_179 = arith.addf %parallel_loop3A_164, %parallel_loop3A_178 : vector<16xf32>
        %parallel_loop3A_180 = arith.index_cast %parallel_loop3A_157 : i32 to index
        %parallel_loop3A_181 = arith.constant 48 : index
        %parallel_loop3A_182 = tpu.vector_load %arg12[%parallel_loop3A_180, %parallel_loop3A_181] {strides = array<i32>} : memref<128x128xf32, #tpu.memory_space<vmem>>, vector<16xf32>,
        %parallel_loop3A_183 = arith.index_cast %parallel_loop3A_157 : i32 to index
        %parallel_loop3A_184 = arith.constant 48 : index
        %parallel_loop3A_185 = tpu.vector_load %arg14[%parallel_loop3A_183, %parallel_loop3A_184] {strides = array<i32>} : memref<128x128xf32, #tpu.memory_space<vmem>>, vector<16xf32>,
        %parallel_loop3A_186 = arith.mulf %parallel_loop3A_182, %parallel_loop3A_185 : vector<16xf32>
        %parallel_loop3A_187 = arith.addf %parallel_loop3A_171, %parallel_loop3A_186 : vector<16xf32>
        %parallel_loop3A_188 = arith.index_cast %parallel_loop3A_157 : i32 to index
        %parallel_loop3A_189 = arith.constant 64 : index
        %parallel_loop3A_190 = tpu.vector_load %arg12[%parallel_loop3A_188, %parallel_loop3A_189] {strides = array<i32>} : memref<128x128xf32, #tpu.memory_space<vmem>>, vector<16xf32>,
        %parallel_loop3A_191 = arith.index_cast %parallel_loop3A_157 : i32 to index
        %parallel_loop3A_192 = arith.constant 64 : index
        %parallel_loop3A_193 = tpu.vector_load %arg14[%parallel_loop3A_191, %parallel_loop3A_192] {strides = array<i32>} : memref<128x128xf32, #tpu.memory_space<vmem>>, vector<16xf32>,
        %parallel_loop3A_194 = arith.mulf %parallel_loop3A_190, %parallel_loop3A_193 : vector<16xf32>
        %parallel_loop3A_195 = arith.addf %parallel_loop3A_179, %parallel_loop3A_194 : vector<16xf32>
        %parallel_loop3A_196 = arith.index_cast %parallel_loop3A_157 : i32 to index
        %parallel_loop3A_197 = arith.constant 80 : index
        %parallel_loop3A_198 = tpu.vector_load %arg12[%parallel_loop3A_196, %parallel_loop3A_197] {strides = array<i32>} : memref<128x128xf32, #tpu.memory_space<vmem>>, vector<16xf32>,
        %parallel_loop3A_199 = arith.index_cast %parallel_loop3A_157 : i32 to index
        %parallel_loop3A_200 = arith.constant 80 : index
        %parallel_loop3A_201 = tpu.vector_load %arg14[%parallel_loop3A_199, %parallel_loop3A_200] {strides = array<i32>} : memref<128x128xf32, #tpu.memory_space<vmem>>, vector<16xf32>,
        %parallel_loop3A_202 = arith.mulf %parallel_loop3A_198, %parallel_loop3A_201 : vector<16xf32>
        %parallel_loop3A_203 = arith.addf %parallel_loop3A_187, %parallel_loop3A_202 : vector<16xf32>
        %parallel_loop3A_204 = arith.index_cast %parallel_loop3A_157 : i32 to index
        %parallel_loop3A_205 = arith.constant 96 : index
        %parallel_loop3A_206 = tpu.vector_load %arg12[%parallel_loop3A_204, %parallel_loop3A_205] {strides = array<i32>} : memref<128x128xf32, #tpu.memory_space<vmem>>, vector<16xf32>,
        %parallel_loop3A_207 = arith.index_cast %parallel_loop3A_157 : i32 to index
        %parallel_loop3A_208 = arith.constant 96 : index
        %parallel_loop3A_209 = tpu.vector_load %arg14[%parallel_loop3A_207, %parallel_loop3A_208] {strides = array<i32>} : memref<128x128xf32, #tpu.memory_space<vmem>>, vector<16xf32>,
        %parallel_loop3A_210 = arith.mulf %parallel_loop3A_206, %parallel_loop3A_209 : vector<16xf32>
        %parallel_loop3A_211 = arith.addf %parallel_loop3A_195, %parallel_loop3A_210 : vector<16xf32>
        %parallel_loop3A_212 = arith.index_cast %parallel_loop3A_157 : i32 to index
        %parallel_loop3A_213 = arith.constant 112 : index
        %parallel_loop3A_214 = tpu.vector_load %arg12[%parallel_loop3A_212, %parallel_loop3A_213] {strides = array<i32>} : memref<128x128xf32, #tpu.memory_space<vmem>>, vector<16xf32>,
        %parallel_loop3A_215 = arith.index_cast %parallel_loop3A_157 : i32 to index
        %parallel_loop3A_216 = arith.constant 112 : index
        %parallel_loop3A_217 = tpu.vector_load %arg14[%parallel_loop3A_215, %parallel_loop3A_216] {strides = array<i32>} : memref<128x128xf32, #tpu.memory_space<vmem>>, vector<16xf32>,
        %parallel_loop3A_218 = arith.mulf %parallel_loop3A_214, %parallel_loop3A_217 : vector<16xf32>
        %parallel_loop3A_219 = arith.addf %parallel_loop3A_203, %parallel_loop3A_218 : vector<16xf32>
        %parallel_loop3A_220 = arith.addf %parallel_loop3A_211, %parallel_loop3A_219 : vector<16xf32>
        %parallel_loop3A_221 = arith.constant 16 : i32
        %parallel_loop3A_222 = arith.muli %parallel_loop3A_153, %parallel_loop3A_221 : i32
        %parallel_loop3A_223 = arith.constant 1 : i32
        %parallel_loop3A_224 = arith.addi %parallel_loop3A_222, %parallel_loop3A_223 : i32
        %parallel_loop3A_225 = arith.index_cast %parallel_loop3A_224 : i32 to index
        %parallel_loop3A_226 = arith.constant 0 : index
        %parallel_loop3A_227 = tpu.vector_load %arg12[%parallel_loop3A_225, %parallel_loop3A_226] {strides = array<i32>} : memref<128x128xf32, #tpu.memory_space<vmem>>, vector<16xf32>,
        %parallel_loop3A_228 = arith.index_cast %parallel_loop3A_224 : i32 to index
        %parallel_loop3A_229 = arith.constant 0 : index
        %parallel_loop3A_230 = tpu.vector_load %arg14[%parallel_loop3A_228, %parallel_loop3A_229] {strides = array<i32>} : memref<128x128xf32, #tpu.memory_space<vmem>>, vector<16xf32>,
        %parallel_loop3A_231 = arith.mulf %parallel_loop3A_227, %parallel_loop3A_230 : vector<16xf32>
        %parallel_loop3A_232 = arith.index_cast %parallel_loop3A_224 : i32 to index
        %parallel_loop3A_233 = arith.constant 16 : index
        %parallel_loop3A_234 = tpu.vector_load %arg12[%parallel_loop3A_232, %parallel_loop3A_233] {strides = array<i32>} : memref<128x128xf32, #tpu.memory_space<vmem>>, vector<16xf32>,
        %parallel_loop3A_235 = arith.index_cast %parallel_loop3A_224 : i32 to index
        %parallel_loop3A_236 = arith.constant 16 : index
        %parallel_loop3A_237 = tpu.vector_load %arg14[%parallel_loop3A_235, %parallel_loop3A_236] {strides = array<i32>} : memref<128x128xf32, #tpu.memory_space<vmem>>, vector<16xf32>,
        %parallel_loop3A_238 = arith.mulf %parallel_loop3A_234, %parallel_loop3A_237 : vector<16xf32>
        %parallel_loop3A_239 = arith.index_cast %parallel_loop3A_224 : i32 to index
        %parallel_loop3A_240 = arith.constant 32 : index
        %parallel_loop3A_241 = tpu.vector_load %arg12[%parallel_loop3A_239, %parallel_loop3A_240] {strides = array<i32>} : memref<128x128xf32, #tpu.memory_space<vmem>>, vector<16xf32>,
        %parallel_loop3A_242 = arith.index_cast %parallel_loop3A_224 : i32 to index
        %parallel_loop3A_243 = arith.constant 32 : index
        %parallel_loop3A_244 = tpu.vector_load %arg14[%parallel_loop3A_242, %parallel_loop3A_243] {strides = array<i32>} : memref<128x128xf32, #tpu.memory_space<vmem>>, vector<16xf32>,
        %parallel_loop3A_245 = arith.mulf %parallel_loop3A_241, %parallel_loop3A_244 : vector<16xf32>
        %parallel_loop3A_246 = arith.addf %parallel_loop3A_231, %parallel_loop3A_245 : vector<16xf32>
        %parallel_loop3A_247 = arith.index_cast %parallel_loop3A_224 : i32 to index
        %parallel_loop3A_248 = arith.constant 48 : index
        %parallel_loop3A_249 = tpu.vector_load %arg12[%parallel_loop3A_247, %parallel_loop3A_248] {strides = array<i32>} : memref<128x128xf32, #tpu.memory_space<vmem>>, vector<16xf32>,
        %parallel_loop3A_250 = arith.index_cast %parallel_loop3A_224 : i32 to index
        %parallel_loop3A_251 = arith.constant 48 : index
        %parallel_loop3A_252 = tpu.vector_load %arg14[%parallel_loop3A_250, %parallel_loop3A_251] {strides = array<i32>} : memref<128x128xf32, #tpu.memory_space<vmem>>, vector<16xf32>,
        %parallel_loop3A_253 = arith.mulf %parallel_loop3A_249, %parallel_loop3A_252 : vector<16xf32>
        %parallel_loop3A_254 = arith.addf %parallel_loop3A_238, %parallel_loop3A_253 : vector<16xf32>
        %parallel_loop3A_255 = arith.index_cast %parallel_loop3A_224 : i32 to index
        %parallel_loop3A_256 = arith.constant 64 : index
        %parallel_loop3A_257 = tpu.vector_load %arg12[%parallel_loop3A_255, %parallel_loop3A_256] {strides = array<i32>} : memref<128x128xf32, #tpu.memory_space<vmem>>, vector<16xf32>,
        %parallel_loop3A_258 = arith.index_cast %parallel_loop3A_224 : i32 to index
        %parallel_loop3A_259 = arith.constant 64 : index
        %parallel_loop3A_260 = tpu.vector_load %arg14[%parallel_loop3A_258, %parallel_loop3A_259] {strides = array<i32>} : memref<128x128xf32, #tpu.memory_space<vmem>>, vector<16xf32>,
        %parallel_loop3A_261 = arith.mulf %parallel_loop3A_257, %parallel_loop3A_260 : vector<16xf32>
        %parallel_loop3A_262 = arith.addf %parallel_loop3A_246, %parallel_loop3A_261 : vector<16xf32>
        %parallel_loop3A_263 = arith.index_cast %parallel_loop3A_224 : i32 to index
        %parallel_loop3A_264 = arith.constant 80 : index
        %parallel_loop3A_265 = tpu.vector_load %arg12[%parallel_loop3A_263, %parallel_loop3A_264] {strides = array<i32>} : memref<128x128xf32, #tpu.memory_space<vmem>>, vector<16xf32>,
        %parallel_loop3A_266 = arith.index_cast %parallel_loop3A_224 : i32 to index
        %parallel_loop3A_267 = arith.constant 80 : index
        %parallel_loop3A_268 = tpu.vector_load %arg14[%parallel_loop3A_266, %parallel_loop3A_267] {strides = array<i32>} : memref<128x128xf32, #tpu.memory_space<vmem>>, vector<16xf32>,
        %parallel_loop3A_269 = arith.mulf %parallel_loop3A_265, %parallel_loop3A_268 : vector<16xf32>
        %parallel_loop3A_270 = arith.addf %parallel_loop3A_254, %parallel_loop3A_269 : vector<16xf32>
        %parallel_loop3A_271 = arith.index_cast %parallel_loop3A_224 : i32 to index
        %parallel_loop3A_272 = arith.constant 96 : index
        %parallel_loop3A_273 = tpu.vector_load %arg12[%parallel_loop3A_271, %parallel_loop3A_272] {strides = array<i32>} : memref<128x128xf32, #tpu.memory_space<vmem>>, vector<16xf32>,
        %parallel_loop3A_274 = arith.index_cast %parallel_loop3A_224 : i32 to index
        %parallel_loop3A_275 = arith.constant 96 : index
        %parallel_loop3A_276 = tpu.vector_load %arg14[%parallel_loop3A_274, %parallel_loop3A_275] {strides = array<i32>} : memref<128x128xf32, #tpu.memory_space<vmem>>, vector<16xf32>,
        %parallel_loop3A_277 = arith.mulf %parallel_loop3A_273, %parallel_loop3A_276 : vector<16xf32>
        %parallel_loop3A_278 = arith.addf %parallel_loop3A_262, %parallel_loop3A_277 : vector<16xf32>
        %parallel_loop3A_279 = arith.index_cast %parallel_loop3A_224 : i32 to index
        %parallel_loop3A_280 = arith.constant 112 : index
        %parallel_loop3A_281 = tpu.vector_load %arg12[%parallel_loop3A_279, %parallel_loop3A_280] {strides = array<i32>} : memref<128x128xf32, #tpu.memory_space<vmem>>, vector<16xf32>,
        %parallel_loop3A_282 = arith.index_cast %parallel_loop3A_224 : i32 to index
        %parallel_loop3A_283 = arith.constant 112 : index
        %parallel_loop3A_284 = tpu.vector_load %arg14[%parallel_loop3A_282, %parallel_loop3A_283] {strides = array<i32>} : memref<128x128xf32, #tpu.memory_space<vmem>>, vector<16xf32>,
        %parallel_loop3A_285 = arith.mulf %parallel_loop3A_281, %parallel_loop3A_284 : vector<16xf32>
        %parallel_loop3A_286 = arith.addf %parallel_loop3A_270, %parallel_loop3A_285 : vector<16xf32>
        %parallel_loop3A_287 = arith.addf %parallel_loop3A_278, %parallel_loop3A_286 : vector<16xf32>
        %parallel_loop3A_288 = arith.constant 16 : i32
        %parallel_loop3A_289 = arith.muli %parallel_loop3A_153, %parallel_loop3A_288 : i32
        %parallel_loop3A_290 = arith.constant 2 : i32
        %parallel_loop3A_291 = arith.addi %parallel_loop3A_289, %parallel_loop3A_290 : i32
        %parallel_loop3A_292 = arith.index_cast %parallel_loop3A_291 : i32 to index
        %parallel_loop3A_293 = arith.constant 0 : index
        %parallel_loop3A_294 = tpu.vector_load %arg12[%parallel_loop3A_292, %parallel_loop3A_293] {strides = array<i32>} : memref<128x128xf32, #tpu.memory_space<vmem>>, vector<16xf32>,
        %parallel_loop3A_295 = arith.index_cast %parallel_loop3A_291 : i32 to index
        %parallel_loop3A_296 = arith.constant 0 : index
        %parallel_loop3A_297 = tpu.vector_load %arg14[%parallel_loop3A_295, %parallel_loop3A_296] {strides = array<i32>} : memref<128x128xf32, #tpu.memory_space<vmem>>, vector<16xf32>,
        %parallel_loop3A_298 = arith.mulf %parallel_loop3A_294, %parallel_loop3A_297 : vector<16xf32>
        %parallel_loop3A_299 = arith.index_cast %parallel_loop3A_291 : i32 to index
        %parallel_loop3A_300 = arith.constant 16 : index
        %parallel_loop3A_301 = tpu.vector_load %arg12[%parallel_loop3A_299, %parallel_loop3A_300] {strides = array<i32>} : memref<128x128xf32, #tpu.memory_space<vmem>>, vector<16xf32>,
        %parallel_loop3A_302 = arith.index_cast %parallel_loop3A_291 : i32 to index
        %parallel_loop3A_303 = arith.constant 16 : index
        %parallel_loop3A_304 = tpu.vector_load %arg14[%parallel_loop3A_302, %parallel_loop3A_303] {strides = array<i32>} : memref<128x128xf32, #tpu.memory_space<vmem>>, vector<16xf32>,
        %parallel_loop3A_305 = arith.mulf %parallel_loop3A_301, %parallel_loop3A_304 : vector<16xf32>
        %parallel_loop3A_306 = arith.index_cast %parallel_loop3A_291 : i32 to index
        %parallel_loop3A_307 = arith.constant 32 : index
        %parallel_loop3A_308 = tpu.vector_load %arg12[%parallel_loop3A_306, %parallel_loop3A_307] {strides = array<i32>} : memref<128x128xf32, #tpu.memory_space<vmem>>, vector<16xf32>,
        %parallel_loop3A_309 = arith.index_cast %parallel_loop3A_291 : i32 to index
        %parallel_loop3A_310 = arith.constant 32 : index
        %parallel_loop3A_311 = tpu.vector_load %arg14[%parallel_loop3A_309, %parallel_loop3A_310] {strides = array<i32>} : memref<128x128xf32, #tpu.memory_space<vmem>>, vector<16xf32>,
        %parallel_loop3A_312 = arith.mulf %parallel_loop3A_308, %parallel_loop3A_311 : vector<16xf32>
        %parallel_loop3A_313 = arith.addf %parallel_loop3A_298, %parallel_loop3A_312 : vector<16xf32>
        %parallel_loop3A_314 = arith.index_cast %parallel_loop3A_291 : i32 to index
        %parallel_loop3A_315 = arith.constant 48 : index
        %parallel_loop3A_316 = tpu.vector_load %arg12[%parallel_loop3A_314, %parallel_loop3A_315] {strides = array<i32>} : memref<128x128xf32, #tpu.memory_space<vmem>>, vector<16xf32>,
        %parallel_loop3A_317 = arith.index_cast %parallel_loop3A_291 : i32 to index
        %parallel_loop3A_318 = arith.constant 48 : index
        %parallel_loop3A_319 = tpu.vector_load %arg14[%parallel_loop3A_317, %parallel_loop3A_318] {strides = array<i32>} : memref<128x128xf32, #tpu.memory_space<vmem>>, vector<16xf32>,
        %parallel_loop3A_320 = arith.mulf %parallel_loop3A_316, %parallel_loop3A_319 : vector<16xf32>
        %parallel_loop3A_321 = arith.addf %parallel_loop3A_305, %parallel_loop3A_320 : vector<16xf32>
        %parallel_loop3A_322 = arith.index_cast %parallel_loop3A_291 : i32 to index
        %parallel_loop3A_323 = arith.constant 64 : index
        %parallel_loop3A_324 = tpu.vector_load %arg12[%parallel_loop3A_322, %parallel_loop3A_323] {strides = array<i32>} : memref<128x128xf32, #tpu.memory_space<vmem>>, vector<16xf32>,
        %parallel_loop3A_325 = arith.index_cast %parallel_loop3A_291 : i32 to index
        %parallel_loop3A_326 = arith.constant 64 : index
        %parallel_loop3A_327 = tpu.vector_load %arg14[%parallel_loop3A_325, %parallel_loop3A_326] {strides = array<i32>} : memref<128x128xf32, #tpu.memory_space<vmem>>, vector<16xf32>,
        %parallel_loop3A_328 = arith.mulf %parallel_loop3A_324, %parallel_loop3A_327 : vector<16xf32>
        %parallel_loop3A_329 = arith.addf %parallel_loop3A_313, %parallel_loop3A_328 : vector<16xf32>
        %parallel_loop3A_330 = arith.index_cast %parallel_loop3A_291 : i32 to index
        %parallel_loop3A_331 = arith.constant 80 : index
        %parallel_loop3A_332 = tpu.vector_load %arg12[%parallel_loop3A_330, %parallel_loop3A_331] {strides = array<i32>} : memref<128x128xf32, #tpu.memory_space<vmem>>, vector<16xf32>,
        %parallel_loop3A_333 = arith.index_cast %parallel_loop3A_291 : i32 to index
        %parallel_loop3A_334 = arith.constant 80 : index
        %parallel_loop3A_335 = tpu.vector_load %arg14[%parallel_loop3A_333, %parallel_loop3A_334] {strides = array<i32>} : memref<128x128xf32, #tpu.memory_space<vmem>>, vector<16xf32>,
        %parallel_loop3A_336 = arith.mulf %parallel_loop3A_332, %parallel_loop3A_335 : vector<16xf32>
        %parallel_loop3A_337 = arith.addf %parallel_loop3A_321, %parallel_loop3A_336 : vector<16xf32>
        %parallel_loop3A_338 = arith.index_cast %parallel_loop3A_291 : i32 to index
        %parallel_loop3A_339 = arith.constant 96 : index
        %parallel_loop3A_340 = tpu.vector_load %arg12[%parallel_loop3A_338, %parallel_loop3A_339] {strides = array<i32>} : memref<128x128xf32, #tpu.memory_space<vmem>>, vector<16xf32>,
        %parallel_loop3A_341 = arith.index_cast %parallel_loop3A_291 : i32 to index
        %parallel_loop3A_342 = arith.constant 96 : index
        %parallel_loop3A_343 = tpu.vector_load %arg14[%parallel_loop3A_341, %parallel_loop3A_342] {strides = array<i32>} : memref<128x128xf32, #tpu.memory_space<vmem>>, vector<16xf32>,
        %parallel_loop3A_344 = arith.mulf %parallel_loop3A_340, %parallel_loop3A_343 : vector<16xf32>
        %parallel_loop3A_345 = arith.addf %parallel_loop3A_329, %parallel_loop3A_344 : vector<16xf32>
        %parallel_loop3A_346 = arith.index_cast %parallel_loop3A_291 : i32 to index
        %parallel_loop3A_347 = arith.constant 112 : index
        %parallel_loop3A_348 = tpu.vector_load %arg12[%parallel_loop3A_346, %parallel_loop3A_347] {strides = array<i32>} : memref<128x128xf32, #tpu.memory_space<vmem>>, vector<16xf32>,
        %parallel_loop3A_349 = arith.index_cast %parallel_loop3A_291 : i32 to index
        %parallel_loop3A_350 = arith.constant 112 : index
        %parallel_loop3A_351 = tpu.vector_load %arg14[%parallel_loop3A_349, %parallel_loop3A_350] {strides = array<i32>} : memref<128x128xf32, #tpu.memory_space<vmem>>, vector<16xf32>,
        %parallel_loop3A_352 = arith.mulf %parallel_loop3A_348, %parallel_loop3A_351 : vector<16xf32>
        %parallel_loop3A_353 = arith.addf %parallel_loop3A_337, %parallel_loop3A_352 : vector<16xf32>
        %parallel_loop3A_354 = arith.addf %parallel_loop3A_345, %parallel_loop3A_353 : vector<16xf32>
        %parallel_loop3A_355 = arith.constant 16 : i32
        %parallel_loop3A_356 = arith.muli %parallel_loop3A_153, %parallel_loop3A_355 : i32
        %parallel_loop3A_357 = arith.constant 3 : i32
        %parallel_loop3A_358 = arith.addi %parallel_loop3A_356, %parallel_loop3A_357 : i32
        %parallel_loop3A_359 = arith.index_cast %parallel_loop3A_358 : i32 to index
        %parallel_loop3A_360 = arith.constant 0 : index
        %parallel_loop3A_361 = tpu.vector_load %arg12[%parallel_loop3A_359, %parallel_loop3A_360] {strides = array<i32>} : memref<128x128xf32, #tpu.memory_space<vmem>>, vector<16xf32>,
        %parallel_loop3A_362 = arith.index_cast %parallel_loop3A_358 : i32 to index
        %parallel_loop3A_363 = arith.constant 0 : index
        %parallel_loop3A_364 = tpu.vector_load %arg14[%parallel_loop3A_362, %parallel_loop3A_363] {strides = array<i32>} : memref<128x128xf32, #tpu.memory_space<vmem>>, vector<16xf32>,
        %parallel_loop3A_365 = arith.mulf %parallel_loop3A_361, %parallel_loop3A_364 : vector<16xf32>
        %parallel_loop3A_366 = arith.index_cast %parallel_loop3A_358 : i32 to index
        %parallel_loop3A_367 = arith.constant 16 : index
        %parallel_loop3A_368 = tpu.vector_load %arg12[%parallel_loop3A_366, %parallel_loop3A_367] {strides = array<i32>} : memref<128x128xf32, #tpu.memory_space<vmem>>, vector<16xf32>,
        %parallel_loop3A_369 = arith.index_cast %parallel_loop3A_358 : i32 to index
        %parallel_loop3A_370 = arith.constant 16 : index
        %parallel_loop3A_371 = tpu.vector_load %arg14[%parallel_loop3A_369, %parallel_loop3A_370] {strides = array<i32>} : memref<128x128xf32, #tpu.memory_space<vmem>>, vector<16xf32>,
        %parallel_loop3A_372 = arith.mulf %parallel_loop3A_368, %parallel_loop3A_371 : vector<16xf32>
        %parallel_loop3A_373 = arith.index_cast %parallel_loop3A_358 : i32 to index
        %parallel_loop3A_374 = arith.constant 32 : index
        %parallel_loop3A_375 = tpu.vector_load %arg12[%parallel_loop3A_373, %parallel_loop3A_374] {strides = array<i32>} : memref<128x128xf32, #tpu.memory_space<vmem>>, vector<16xf32>,
        %parallel_loop3A_376 = arith.index_cast %parallel_loop3A_358 : i32 to index
        %parallel_loop3A_377 = arith.constant 32 : index
        %parallel_loop3A_378 = tpu.vector_load %arg14[%parallel_loop3A_376, %parallel_loop3A_377] {strides = array<i32>} : memref<128x128xf32, #tpu.memory_space<vmem>>, vector<16xf32>,
        %parallel_loop3A_379 = arith.mulf %parallel_loop3A_375, %parallel_loop3A_378 : vector<16xf32>
        %parallel_loop3A_380 = arith.addf %parallel_loop3A_365, %parallel_loop3A_379 : vector<16xf32>
        %parallel_loop3A_381 = arith.index_cast %parallel_loop3A_358 : i32 to index
        %parallel_loop3A_382 = arith.constant 48 : index
        %parallel_loop3A_383 = tpu.vector_load %arg12[%parallel_loop3A_381, %parallel_loop3A_382] {strides = array<i32>} : memref<128x128xf32, #tpu.memory_space<vmem>>, vector<16xf32>,
        %parallel_loop3A_384 = arith.index_cast %parallel_loop3A_358 : i32 to index
        %parallel_loop3A_385 = arith.constant 48 : index
        %parallel_loop3A_386 = tpu.vector_load %arg14[%parallel_loop3A_384, %parallel_loop3A_385] {strides = array<i32>} : memref<128x128xf32, #tpu.memory_space<vmem>>, vector<16xf32>,
        %parallel_loop3A_387 = arith.mulf %parallel_loop3A_383, %parallel_loop3A_386 : vector<16xf32>
        %parallel_loop3A_388 = arith.addf %parallel_loop3A_372, %parallel_loop3A_387 : vector<16xf32>
        %parallel_loop3A_389 = arith.index_cast %parallel_loop3A_358 : i32 to index
        %parallel_loop3A_390 = arith.constant 64 : index
        %parallel_loop3A_391 = tpu.vector_load %arg12[%parallel_loop3A_389, %parallel_loop3A_390] {strides = array<i32>} : memref<128x128xf32, #tpu.memory_space<vmem>>, vector<16xf32>,
        %parallel_loop3A_392 = arith.index_cast %parallel_loop3A_358 : i32 to index
        %parallel_loop3A_393 = arith.constant 64 : index
        %parallel_loop3A_394 = tpu.vector_load %arg14[%parallel_loop3A_392, %parallel_loop3A_393] {strides = array<i32>} : memref<128x128xf32, #tpu.memory_space<vmem>>, vector<16xf32>,
        %parallel_loop3A_395 = arith.mulf %parallel_loop3A_391, %parallel_loop3A_394 : vector<16xf32>
        %parallel_loop3A_396 = arith.addf %parallel_loop3A_380, %parallel_loop3A_395 : vector<16xf32>
        %parallel_loop3A_397 = arith.index_cast %parallel_loop3A_358 : i32 to index
        %parallel_loop3A_398 = arith.constant 80 : index
        %parallel_loop3A_399 = tpu.vector_load %arg12[%parallel_loop3A_397, %parallel_loop3A_398] {strides = array<i32>} : memref<128x128xf32, #tpu.memory_space<vmem>>, vector<16xf32>,
        %parallel_loop3A_400 = arith.index_cast %parallel_loop3A_358 : i32 to index
        %parallel_loop3A_401 = arith.constant 80 : index
        %parallel_loop3A_402 = tpu.vector_load %arg14[%parallel_loop3A_400, %parallel_loop3A_401] {strides = array<i32>} : memref<128x128xf32, #tpu.memory_space<vmem>>, vector<16xf32>,
        %parallel_loop3A_403 = arith.mulf %parallel_loop3A_399, %parallel_loop3A_402 : vector<16xf32>
        %parallel_loop3A_404 = arith.addf %parallel_loop3A_388, %parallel_loop3A_403 : vector<16xf32>
        %parallel_loop3A_405 = arith.index_cast %parallel_loop3A_358 : i32 to index
        %parallel_loop3A_406 = arith.constant 96 : index
        %parallel_loop3A_407 = tpu.vector_load %arg12[%parallel_loop3A_405, %parallel_loop3A_406] {strides = array<i32>} : memref<128x128xf32, #tpu.memory_space<vmem>>, vector<16xf32>,
        %parallel_loop3A_408 = arith.index_cast %parallel_loop3A_358 : i32 to index
        %parallel_loop3A_409 = arith.constant 96 : index
        %parallel_loop3A_410 = tpu.vector_load %arg14[%parallel_loop3A_408, %parallel_loop3A_409] {strides = array<i32>} : memref<128x128xf32, #tpu.memory_space<vmem>>, vector<16xf32>,
        %parallel_loop3A_411 = arith.mulf %parallel_loop3A_407, %parallel_loop3A_410 : vector<16xf32>
        %parallel_loop3A_412 = arith.addf %parallel_loop3A_396, %parallel_loop3A_411 : vector<16xf32>
        %parallel_loop3A_413 = arith.index_cast %parallel_loop3A_358 : i32 to index
        %parallel_loop3A_414 = arith.constant 112 : index
        %parallel_loop3A_415 = tpu.vector_load %arg12[%parallel_loop3A_413, %parallel_loop3A_414] {strides = array<i32>} : memref<128x128xf32, #tpu.memory_space<vmem>>, vector<16xf32>,
        %parallel_loop3A_416 = arith.index_cast %parallel_loop3A_358 : i32 to index
        %parallel_loop3A_417 = arith.constant 112 : index
        %parallel_loop3A_418 = tpu.vector_load %arg14[%parallel_loop3A_416, %parallel_loop3A_417] {strides = array<i32>} : memref<128x128xf32, #tpu.memory_space<vmem>>, vector<16xf32>,
        %parallel_loop3A_419 = arith.mulf %parallel_loop3A_415, %parallel_loop3A_418 : vector<16xf32>
        %parallel_loop3A_420 = arith.addf %parallel_loop3A_404, %parallel_loop3A_419 : vector<16xf32>
        %parallel_loop3A_421 = arith.addf %parallel_loop3A_412, %parallel_loop3A_420 : vector<16xf32>
        %parallel_loop3A_422 = arith.constant 16 : i32
        %parallel_loop3A_423 = arith.muli %parallel_loop3A_153, %parallel_loop3A_422 : i32
        %parallel_loop3A_424 = arith.constant 4 : i32
        %parallel_loop3A_425 = arith.addi %parallel_loop3A_423, %parallel_loop3A_424 : i32
        %parallel_loop3A_426 = arith.index_cast %parallel_loop3A_425 : i32 to index
        %parallel_loop3A_427 = arith.constant 0 : index
        %parallel_loop3A_428 = tpu.vector_load %arg12[%parallel_loop3A_426, %parallel_loop3A_427] {strides = array<i32>} : memref<128x128xf32, #tpu.memory_space<vmem>>, vector<16xf32>,
        %parallel_loop3A_429 = arith.index_cast %parallel_loop3A_425 : i32 to index
        %parallel_loop3A_430 = arith.constant 0 : index
        %parallel_loop3A_431 = tpu.vector_load %arg14[%parallel_loop3A_429, %parallel_loop3A_430] {strides = array<i32>} : memref<128x128xf32, #tpu.memory_space<vmem>>, vector<16xf32>,
        %parallel_loop3A_432 = arith.mulf %parallel_loop3A_428, %parallel_loop3A_431 : vector<16xf32>
        %parallel_loop3A_433 = arith.index_cast %parallel_loop3A_425 : i32 to index
        %parallel_loop3A_434 = arith.constant 16 : index
        %parallel_loop3A_435 = tpu.vector_load %arg12[%parallel_loop3A_433, %parallel_loop3A_434] {strides = array<i32>} : memref<128x128xf32, #tpu.memory_space<vmem>>, vector<16xf32>,
        %parallel_loop3A_436 = arith.index_cast %parallel_loop3A_425 : i32 to index
        %parallel_loop3A_437 = arith.constant 16 : index
        %parallel_loop3A_438 = tpu.vector_load %arg14[%parallel_loop3A_436, %parallel_loop3A_437] {strides = array<i32>} : memref<128x128xf32, #tpu.memory_space<vmem>>, vector<16xf32>,
        %parallel_loop3A_439 = arith.mulf %parallel_loop3A_435, %parallel_loop3A_438 : vector<16xf32>
        %parallel_loop3A_440 = arith.index_cast %parallel_loop3A_425 : i32 to index
        %parallel_loop3A_441 = arith.constant 32 : index
        %parallel_loop3A_442 = tpu.vector_load %arg12[%parallel_loop3A_440, %parallel_loop3A_441] {strides = array<i32>} : memref<128x128xf32, #tpu.memory_space<vmem>>, vector<16xf32>,
        %parallel_loop3A_443 = arith.index_cast %parallel_loop3A_425 : i32 to index
        %parallel_loop3A_444 = arith.constant 32 : index
        %parallel_loop3A_445 = tpu.vector_load %arg14[%parallel_loop3A_443, %parallel_loop3A_444] {strides = array<i32>} : memref<128x128xf32, #tpu.memory_space<vmem>>, vector<16xf32>,
        %parallel_loop3A_446 = arith.mulf %parallel_loop3A_442, %parallel_loop3A_445 : vector<16xf32>
        %parallel_loop3A_447 = arith.addf %parallel_loop3A_432, %parallel_loop3A_446 : vector<16xf32>
        %parallel_loop3A_448 = arith.index_cast %parallel_loop3A_425 : i32 to index
        %parallel_loop3A_449 = arith.constant 48 : index
        %parallel_loop3A_450 = tpu.vector_load %arg12[%parallel_loop3A_448, %parallel_loop3A_449] {strides = array<i32>} : memref<128x128xf32, #tpu.memory_space<vmem>>, vector<16xf32>,
        %parallel_loop3A_451 = arith.index_cast %parallel_loop3A_425 : i32 to index
        %parallel_loop3A_452 = arith.constant 48 : index
        %parallel_loop3A_453 = tpu.vector_load %arg14[%parallel_loop3A_451, %parallel_loop3A_452] {strides = array<i32>} : memref<128x128xf32, #tpu.memory_space<vmem>>, vector<16xf32>,
        %parallel_loop3A_454 = arith.mulf %parallel_loop3A_450, %parallel_loop3A_453 : vector<16xf32>
        %parallel_loop3A_455 = arith.addf %parallel_loop3A_439, %parallel_loop3A_454 : vector<16xf32>
        %parallel_loop3A_456 = arith.index_cast %parallel_loop3A_425 : i32 to index
        %parallel_loop3A_457 = arith.constant 64 : index
        %parallel_loop3A_458 = tpu.vector_load %arg12[%parallel_loop3A_456, %parallel_loop3A_457] {strides = array<i32>} : memref<128x128xf32, #tpu.memory_space<vmem>>, vector<16xf32>,
        %parallel_loop3A_459 = arith.index_cast %parallel_loop3A_425 : i32 to index
        %parallel_loop3A_460 = arith.constant 64 : index
        %parallel_loop3A_461 = tpu.vector_load %arg14[%parallel_loop3A_459, %parallel_loop3A_460] {strides = array<i32>} : memref<128x128xf32, #tpu.memory_space<vmem>>, vector<16xf32>,
        %parallel_loop3A_462 = arith.mulf %parallel_loop3A_458, %parallel_loop3A_461 : vector<16xf32>
        %parallel_loop3A_463 = arith.addf %parallel_loop3A_447, %parallel_loop3A_462 : vector<16xf32>
        %parallel_loop3A_464 = arith.index_cast %parallel_loop3A_425 : i32 to index
        %parallel_loop3A_465 = arith.constant 80 : index
        %parallel_loop3A_466 = tpu.vector_load %arg12[%parallel_loop3A_464, %parallel_loop3A_465] {strides = array<i32>} : memref<128x128xf32, #tpu.memory_space<vmem>>, vector<16xf32>,
        %parallel_loop3A_467 = arith.index_cast %parallel_loop3A_425 : i32 to index
        %parallel_loop3A_468 = arith.constant 80 : index
        %parallel_loop3A_469 = tpu.vector_load %arg14[%parallel_loop3A_467, %parallel_loop3A_468] {strides = array<i32>} : memref<128x128xf32, #tpu.memory_space<vmem>>, vector<16xf32>,
        %parallel_loop3A_470 = arith.mulf %parallel_loop3A_466, %parallel_loop3A_469 : vector<16xf32>
        %parallel_loop3A_471 = arith.addf %parallel_loop3A_455, %parallel_loop3A_470 : vector<16xf32>
        %parallel_loop3A_472 = arith.index_cast %parallel_loop3A_425 : i32 to index
        %parallel_loop3A_473 = arith.constant 96 : index
        %parallel_loop3A_474 = tpu.vector_load %arg12[%parallel_loop3A_472, %parallel_loop3A_473] {strides = array<i32>} : memref<128x128xf32, #tpu.memory_space<vmem>>, vector<16xf32>,
        %parallel_loop3A_475 = arith.index_cast %parallel_loop3A_425 : i32 to index
        %parallel_loop3A_476 = arith.constant 96 : index
        %parallel_loop3A_477 = tpu.vector_load %arg14[%parallel_loop3A_475, %parallel_loop3A_476] {strides = array<i32>} : memref<128x128xf32, #tpu.memory_space<vmem>>, vector<16xf32>,
        %parallel_loop3A_478 = arith.mulf %parallel_loop3A_474, %parallel_loop3A_477 : vector<16xf32>
        %parallel_loop3A_479 = arith.addf %parallel_loop3A_463, %parallel_loop3A_478 : vector<16xf32>
        %parallel_loop3A_480 = arith.index_cast %parallel_loop3A_425 : i32 to index
        %parallel_loop3A_481 = arith.constant 112 : index
        %parallel_loop3A_482 = tpu.vector_load %arg12[%parallel_loop3A_480, %parallel_loop3A_481] {strides = array<i32>} : memref<128x128xf32, #tpu.memory_space<vmem>>, vector<16xf32>,
        %parallel_loop3A_483 = arith.index_cast %parallel_loop3A_425 : i32 to index
        %parallel_loop3A_484 = arith.constant 112 : index
        %parallel_loop3A_485 = tpu.vector_load %arg14[%parallel_loop3A_483, %parallel_loop3A_484] {strides = array<i32>} : memref<128x128xf32, #tpu.memory_space<vmem>>, vector<16xf32>,
        %parallel_loop3A_486 = arith.mulf %parallel_loop3A_482, %parallel_loop3A_485 : vector<16xf32>
        %parallel_loop3A_487 = arith.addf %parallel_loop3A_471, %parallel_loop3A_486 : vector<16xf32>
        %parallel_loop3A_488 = arith.addf %parallel_loop3A_479, %parallel_loop3A_487 : vector<16xf32>
        %parallel_loop3A_489 = arith.constant 16 : i32
        %parallel_loop3A_490 = arith.muli %parallel_loop3A_153, %parallel_loop3A_489 : i32
        %parallel_loop3A_491 = arith.constant 5 : i32
        %parallel_loop3A_492 = arith.addi %parallel_loop3A_490, %parallel_loop3A_491 : i32
        %parallel_loop3A_493 = arith.index_cast %parallel_loop3A_492 : i32 to index
        %parallel_loop3A_494 = arith.constant 0 : index
        %parallel_loop3A_495 = tpu.vector_load %arg12[%parallel_loop3A_493, %parallel_loop3A_494] {strides = array<i32>} : memref<128x128xf32, #tpu.memory_space<vmem>>, vector<16xf32>,
        %parallel_loop3A_496 = arith.index_cast %parallel_loop3A_492 : i32 to index
        %parallel_loop3A_497 = arith.constant 0 : index
        %parallel_loop3A_498 = tpu.vector_load %arg14[%parallel_loop3A_496, %parallel_loop3A_497] {strides = array<i32>} : memref<128x128xf32, #tpu.memory_space<vmem>>, vector<16xf32>,
        %parallel_loop3A_499 = arith.mulf %parallel_loop3A_495, %parallel_loop3A_498 : vector<16xf32>
        %parallel_loop3A_500 = arith.index_cast %parallel_loop3A_492 : i32 to index
        %parallel_loop3A_501 = arith.constant 16 : index
        %parallel_loop3A_502 = tpu.vector_load %arg12[%parallel_loop3A_500, %parallel_loop3A_501] {strides = array<i32>} : memref<128x128xf32, #tpu.memory_space<vmem>>, vector<16xf32>,
        %parallel_loop3A_503 = arith.index_cast %parallel_loop3A_492 : i32 to index
        %parallel_loop3A_504 = arith.constant 16 : index
        %parallel_loop3A_505 = tpu.vector_load %arg14[%parallel_loop3A_503, %parallel_loop3A_504] {strides = array<i32>} : memref<128x128xf32, #tpu.memory_space<vmem>>, vector<16xf32>,
        %parallel_loop3A_506 = arith.mulf %parallel_loop3A_502, %parallel_loop3A_505 : vector<16xf32>
        %parallel_loop3A_507 = arith.index_cast %parallel_loop3A_492 : i32 to index
        %parallel_loop3A_508 = arith.constant 32 : index
        %parallel_loop3A_509 = tpu.vector_load %arg12[%parallel_loop3A_507, %parallel_loop3A_508] {strides = array<i32>} : memref<128x128xf32, #tpu.memory_space<vmem>>, vector<16xf32>,
        %parallel_loop3A_510 = arith.index_cast %parallel_loop3A_492 : i32 to index
        %parallel_loop3A_511 = arith.constant 32 : index
        %parallel_loop3A_512 = tpu.vector_load %arg14[%parallel_loop3A_510, %parallel_loop3A_511] {strides = array<i32>} : memref<128x128xf32, #tpu.memory_space<vmem>>, vector<16xf32>,
        %parallel_loop3A_513 = arith.mulf %parallel_loop3A_509, %parallel_loop3A_512 : vector<16xf32>
        %parallel_loop3A_514 = arith.addf %parallel_loop3A_499, %parallel_loop3A_513 : vector<16xf32>
        %parallel_loop3A_515 = arith.index_cast %parallel_loop3A_492 : i32 to index
        %parallel_loop3A_516 = arith.constant 48 : index
        %parallel_loop3A_517 = tpu.vector_load %arg12[%parallel_loop3A_515, %parallel_loop3A_516] {strides = array<i32>} : memref<128x128xf32, #tpu.memory_space<vmem>>, vector<16xf32>,
        %parallel_loop3A_518 = arith.index_cast %parallel_loop3A_492 : i32 to index
        %parallel_loop3A_519 = arith.constant 48 : index
        %parallel_loop3A_520 = tpu.vector_load %arg14[%parallel_loop3A_518, %parallel_loop3A_519] {strides = array<i32>} : memref<128x128xf32, #tpu.memory_space<vmem>>, vector<16xf32>,
        %parallel_loop3A_521 = arith.mulf %parallel_loop3A_517, %parallel_loop3A_520 : vector<16xf32>
        %parallel_loop3A_522 = arith.addf %parallel_loop3A_506, %parallel_loop3A_521 : vector<16xf32>
        %parallel_loop3A_523 = arith.index_cast %parallel_loop3A_492 : i32 to index
        %parallel_loop3A_524 = arith.constant 64 : index
        %parallel_loop3A_525 = tpu.vector_load %arg12[%parallel_loop3A_523, %parallel_loop3A_524] {strides = array<i32>} : memref<128x128xf32, #tpu.memory_space<vmem>>, vector<16xf32>,
        %parallel_loop3A_526 = arith.index_cast %parallel_loop3A_492 : i32 to index
        %parallel_loop3A_527 = arith.constant 64 : index
        %parallel_loop3A_528 = tpu.vector_load %arg14[%parallel_loop3A_526, %parallel_loop3A_527] {strides = array<i32>} : memref<128x128xf32, #tpu.memory_space<vmem>>, vector<16xf32>,
        %parallel_loop3A_529 = arith.mulf %parallel_loop3A_525, %parallel_loop3A_528 : vector<16xf32>
        %parallel_loop3A_530 = arith.addf %parallel_loop3A_514, %parallel_loop3A_529 : vector<16xf32>
        %parallel_loop3A_531 = arith.index_cast %parallel_loop3A_492 : i32 to index
        %parallel_loop3A_532 = arith.constant 80 : index
        %parallel_loop3A_533 = tpu.vector_load %arg12[%parallel_loop3A_531, %parallel_loop3A_532] {strides = array<i32>} : memref<128x128xf32, #tpu.memory_space<vmem>>, vector<16xf32>,
        %parallel_loop3A_534 = arith.index_cast %parallel_loop3A_492 : i32 to index
        %parallel_loop3A_535 = arith.constant 80 : index
        %parallel_loop3A_536 = tpu.vector_load %arg14[%parallel_loop3A_534, %parallel_loop3A_535] {strides = array<i32>} : memref<128x128xf32, #tpu.memory_space<vmem>>, vector<16xf32>,
        %parallel_loop3A_537 = arith.mulf %parallel_loop3A_533, %parallel_loop3A_536 : vector<16xf32>
        %parallel_loop3A_538 = arith.addf %parallel_loop3A_522, %parallel_loop3A_537 : vector<16xf32>
        %parallel_loop3A_539 = arith.index_cast %parallel_loop3A_492 : i32 to index
        %parallel_loop3A_540 = arith.constant 96 : index
        %parallel_loop3A_541 = tpu.vector_load %arg12[%parallel_loop3A_539, %parallel_loop3A_540] {strides = array<i32>} : memref<128x128xf32, #tpu.memory_space<vmem>>, vector<16xf32>,
        %parallel_loop3A_542 = arith.index_cast %parallel_loop3A_492 : i32 to index
        %parallel_loop3A_543 = arith.constant 96 : index
        %parallel_loop3A_544 = tpu.vector_load %arg14[%parallel_loop3A_542, %parallel_loop3A_543] {strides = array<i32>} : memref<128x128xf32, #tpu.memory_space<vmem>>, vector<16xf32>,
        %parallel_loop3A_545 = arith.mulf %parallel_loop3A_541, %parallel_loop3A_544 : vector<16xf32>
        %parallel_loop3A_546 = arith.addf %parallel_loop3A_530, %parallel_loop3A_545 : vector<16xf32>
        %parallel_loop3A_547 = arith.index_cast %parallel_loop3A_492 : i32 to index
        %parallel_loop3A_548 = arith.constant 112 : index
        %parallel_loop3A_549 = tpu.vector_load %arg12[%parallel_loop3A_547, %parallel_loop3A_548] {strides = array<i32>} : memref<128x128xf32, #tpu.memory_space<vmem>>, vector<16xf32>,
        %parallel_loop3A_550 = arith.index_cast %parallel_loop3A_492 : i32 to index
        %parallel_loop3A_551 = arith.constant 112 : index
        %parallel_loop3A_552 = tpu.vector_load %arg14[%parallel_loop3A_550, %parallel_loop3A_551] {strides = array<i32>} : memref<128x128xf32, #tpu.memory_space<vmem>>, vector<16xf32>,
        %parallel_loop3A_553 = arith.mulf %parallel_loop3A_549, %parallel_loop3A_552 : vector<16xf32>
        %parallel_loop3A_554 = arith.addf %parallel_loop3A_538, %parallel_loop3A_553 : vector<16xf32>
        %parallel_loop3A_555 = arith.addf %parallel_loop3A_546, %parallel_loop3A_554 : vector<16xf32>
        %parallel_loop3A_556 = arith.constant 16 : i32
        %parallel_loop3A_557 = arith.muli %parallel_loop3A_153, %parallel_loop3A_556 : i32
        %parallel_loop3A_558 = arith.constant 6 : i32
        %parallel_loop3A_559 = arith.addi %parallel_loop3A_557, %parallel_loop3A_558 : i32
        %parallel_loop3A_560 = arith.index_cast %parallel_loop3A_559 : i32 to index
        %parallel_loop3A_561 = arith.constant 0 : index
        %parallel_loop3A_562 = tpu.vector_load %arg12[%parallel_loop3A_560, %parallel_loop3A_561] {strides = array<i32>} : memref<128x128xf32, #tpu.memory_space<vmem>>, vector<16xf32>,
        %parallel_loop3A_563 = arith.index_cast %parallel_loop3A_559 : i32 to index
        %parallel_loop3A_564 = arith.constant 0 : index
        %parallel_loop3A_565 = tpu.vector_load %arg14[%parallel_loop3A_563, %parallel_loop3A_564] {strides = array<i32>} : memref<128x128xf32, #tpu.memory_space<vmem>>, vector<16xf32>,
        %parallel_loop3A_566 = arith.mulf %parallel_loop3A_562, %parallel_loop3A_565 : vector<16xf32>
        %parallel_loop3A_567 = arith.index_cast %parallel_loop3A_559 : i32 to index
        %parallel_loop3A_568 = arith.constant 16 : index
        %parallel_loop3A_569 = tpu.vector_load %arg12[%parallel_loop3A_567, %parallel_loop3A_568] {strides = array<i32>} : memref<128x128xf32, #tpu.memory_space<vmem>>, vector<16xf32>,
        %parallel_loop3A_570 = arith.index_cast %parallel_loop3A_559 : i32 to index
        %parallel_loop3A_571 = arith.constant 16 : index
        %parallel_loop3A_572 = tpu.vector_load %arg14[%parallel_loop3A_570, %parallel_loop3A_571] {strides = array<i32>} : memref<128x128xf32, #tpu.memory_space<vmem>>, vector<16xf32>,
        %parallel_loop3A_573 = arith.mulf %parallel_loop3A_569, %parallel_loop3A_572 : vector<16xf32>
        %parallel_loop3A_574 = arith.index_cast %parallel_loop3A_559 : i32 to index
        %parallel_loop3A_575 = arith.constant 32 : index
        %parallel_loop3A_576 = tpu.vector_load %arg12[%parallel_loop3A_574, %parallel_loop3A_575] {strides = array<i32>} : memref<128x128xf32, #tpu.memory_space<vmem>>, vector<16xf32>,
        %parallel_loop3A_577 = arith.index_cast %parallel_loop3A_559 : i32 to index
        %parallel_loop3A_578 = arith.constant 32 : index
        %parallel_loop3A_579 = tpu.vector_load %arg14[%parallel_loop3A_577, %parallel_loop3A_578] {strides = array<i32>} : memref<128x128xf32, #tpu.memory_space<vmem>>, vector<16xf32>,
        %parallel_loop3A_580 = arith.mulf %parallel_loop3A_576, %parallel_loop3A_579 : vector<16xf32>
        %parallel_loop3A_581 = arith.addf %parallel_loop3A_566, %parallel_loop3A_580 : vector<16xf32>
        %parallel_loop3A_582 = arith.index_cast %parallel_loop3A_559 : i32 to index
        %parallel_loop3A_583 = arith.constant 48 : index
        %parallel_loop3A_584 = tpu.vector_load %arg12[%parallel_loop3A_582, %parallel_loop3A_583] {strides = array<i32>} : memref<128x128xf32, #tpu.memory_space<vmem>>, vector<16xf32>,
        %parallel_loop3A_585 = arith.index_cast %parallel_loop3A_559 : i32 to index
        %parallel_loop3A_586 = arith.constant 48 : index
        %parallel_loop3A_587 = tpu.vector_load %arg14[%parallel_loop3A_585, %parallel_loop3A_586] {strides = array<i32>} : memref<128x128xf32, #tpu.memory_space<vmem>>, vector<16xf32>,
        %parallel_loop3A_588 = arith.mulf %parallel_loop3A_584, %parallel_loop3A_587 : vector<16xf32>
        %parallel_loop3A_589 = arith.addf %parallel_loop3A_573, %parallel_loop3A_588 : vector<16xf32>
        %parallel_loop3A_590 = arith.index_cast %parallel_loop3A_559 : i32 to index
        %parallel_loop3A_591 = arith.constant 64 : index
        %parallel_loop3A_592 = tpu.vector_load %arg12[%parallel_loop3A_590, %parallel_loop3A_591] {strides = array<i32>} : memref<128x128xf32, #tpu.memory_space<vmem>>, vector<16xf32>,
        %parallel_loop3A_593 = arith.index_cast %parallel_loop3A_559 : i32 to index
        %parallel_loop3A_594 = arith.constant 64 : index
        %parallel_loop3A_595 = tpu.vector_load %arg14[%parallel_loop3A_593, %parallel_loop3A_594] {strides = array<i32>} : memref<128x128xf32, #tpu.memory_space<vmem>>, vector<16xf32>,
        %parallel_loop3A_596 = arith.mulf %parallel_loop3A_592, %parallel_loop3A_595 : vector<16xf32>
        %parallel_loop3A_597 = arith.addf %parallel_loop3A_581, %parallel_loop3A_596 : vector<16xf32>
        %parallel_loop3A_598 = arith.index_cast %parallel_loop3A_559 : i32 to index
        %parallel_loop3A_599 = arith.constant 80 : index
        %parallel_loop3A_600 = tpu.vector_load %arg12[%parallel_loop3A_598, %parallel_loop3A_599] {strides = array<i32>} : memref<128x128xf32, #tpu.memory_space<vmem>>, vector<16xf32>,
        %parallel_loop3A_601 = arith.index_cast %parallel_loop3A_559 : i32 to index
        %parallel_loop3A_602 = arith.constant 80 : index
        %parallel_loop3A_603 = tpu.vector_load %arg14[%parallel_loop3A_601, %parallel_loop3A_602] {strides = array<i32>} : memref<128x128xf32, #tpu.memory_space<vmem>>, vector<16xf32>,
        %parallel_loop3A_604 = arith.mulf %parallel_loop3A_600, %parallel_loop3A_603 : vector<16xf32>
        %parallel_loop3A_605 = arith.addf %parallel_loop3A_589, %parallel_loop3A_604 : vector<16xf32>
        %parallel_loop3A_606 = arith.index_cast %parallel_loop3A_559 : i32 to index
        %parallel_loop3A_607 = arith.constant 96 : index
        %parallel_loop3A_608 = tpu.vector_load %arg12[%parallel_loop3A_606, %parallel_loop3A_607] {strides = array<i32>} : memref<128x128xf32, #tpu.memory_space<vmem>>, vector<16xf32>,
        %parallel_loop3A_609 = arith.index_cast %parallel_loop3A_559 : i32 to index
        %parallel_loop3A_610 = arith.constant 96 : index
        %parallel_loop3A_611 = tpu.vector_load %arg14[%parallel_loop3A_609, %parallel_loop3A_610] {strides = array<i32>} : memref<128x128xf32, #tpu.memory_space<vmem>>, vector<16xf32>,
        %parallel_loop3A_612 = arith.mulf %parallel_loop3A_608, %parallel_loop3A_611 : vector<16xf32>
        %parallel_loop3A_613 = arith.addf %parallel_loop3A_597, %parallel_loop3A_612 : vector<16xf32>
        %parallel_loop3A_614 = arith.index_cast %parallel_loop3A_559 : i32 to index
        %parallel_loop3A_615 = arith.constant 112 : index
        %parallel_loop3A_616 = tpu.vector_load %arg12[%parallel_loop3A_614, %parallel_loop3A_615] {strides = array<i32>} : memref<128x128xf32, #tpu.memory_space<vmem>>, vector<16xf32>,
        %parallel_loop3A_617 = arith.index_cast %parallel_loop3A_559 : i32 to index
        %parallel_loop3A_618 = arith.constant 112 : index
        %parallel_loop3A_619 = tpu.vector_load %arg14[%parallel_loop3A_617, %parallel_loop3A_618] {strides = array<i32>} : memref<128x128xf32, #tpu.memory_space<vmem>>, vector<16xf32>,
        %parallel_loop3A_620 = arith.mulf %parallel_loop3A_616, %parallel_loop3A_619 : vector<16xf32>
        %parallel_loop3A_621 = arith.addf %parallel_loop3A_605, %parallel_loop3A_620 : vector<16xf32>
        %parallel_loop3A_622 = arith.addf %parallel_loop3A_613, %parallel_loop3A_621 : vector<16xf32>
        %parallel_loop3A_623 = arith.constant 16 : i32
        %parallel_loop3A_624 = arith.muli %parallel_loop3A_153, %parallel_loop3A_623 : i32
        %parallel_loop3A_625 = arith.constant 7 : i32
        %parallel_loop3A_626 = arith.addi %parallel_loop3A_624, %parallel_loop3A_625 : i32
        %parallel_loop3A_627 = arith.index_cast %parallel_loop3A_626 : i32 to index
        %parallel_loop3A_628 = arith.constant 0 : index
        %parallel_loop3A_629 = tpu.vector_load %arg12[%parallel_loop3A_627, %parallel_loop3A_628] {strides = array<i32>} : memref<128x128xf32, #tpu.memory_space<vmem>>, vector<16xf32>,
        %parallel_loop3A_630 = arith.index_cast %parallel_loop3A_626 : i32 to index
        %parallel_loop3A_631 = arith.constant 0 : index
        %parallel_loop3A_632 = tpu.vector_load %arg14[%parallel_loop3A_630, %parallel_loop3A_631] {strides = array<i32>} : memref<128x128xf32, #tpu.memory_space<vmem>>, vector<16xf32>,
        %parallel_loop3A_633 = arith.mulf %parallel_loop3A_629, %parallel_loop3A_632 : vector<16xf32>
        %parallel_loop3A_634 = arith.index_cast %parallel_loop3A_626 : i32 to index
        %parallel_loop3A_635 = arith.constant 16 : index
        %parallel_loop3A_636 = tpu.vector_load %arg12[%parallel_loop3A_634, %parallel_loop3A_635] {strides = array<i32>} : memref<128x128xf32, #tpu.memory_space<vmem>>, vector<16xf32>,
        %parallel_loop3A_637 = arith.index_cast %parallel_loop3A_626 : i32 to index
        %parallel_loop3A_638 = arith.constant 16 : index
        %parallel_loop3A_639 = tpu.vector_load %arg14[%parallel_loop3A_637, %parallel_loop3A_638] {strides = array<i32>} : memref<128x128xf32, #tpu.memory_space<vmem>>, vector<16xf32>,
        %parallel_loop3A_640 = arith.mulf %parallel_loop3A_636, %parallel_loop3A_639 : vector<16xf32>
        %parallel_loop3A_641 = arith.index_cast %parallel_loop3A_626 : i32 to index
        %parallel_loop3A_642 = arith.constant 32 : index
        %parallel_loop3A_643 = tpu.vector_load %arg12[%parallel_loop3A_641, %parallel_loop3A_642] {strides = array<i32>} : memref<128x128xf32, #tpu.memory_space<vmem>>, vector<16xf32>,
        %parallel_loop3A_644 = arith.index_cast %parallel_loop3A_626 : i32 to index
        %parallel_loop3A_645 = arith.constant 32 : index
        %parallel_loop3A_646 = tpu.vector_load %arg14[%parallel_loop3A_644, %parallel_loop3A_645] {strides = array<i32>} : memref<128x128xf32, #tpu.memory_space<vmem>>, vector<16xf32>,
        %parallel_loop3A_647 = arith.mulf %parallel_loop3A_643, %parallel_loop3A_646 : vector<16xf32>
        %parallel_loop3A_648 = arith.addf %parallel_loop3A_633, %parallel_loop3A_647 : vector<16xf32>
        %parallel_loop3A_649 = arith.index_cast %parallel_loop3A_626 : i32 to index
        %parallel_loop3A_650 = arith.constant 48 : index
        %parallel_loop3A_651 = tpu.vector_load %arg12[%parallel_loop3A_649, %parallel_loop3A_650] {strides = array<i32>} : memref<128x128xf32, #tpu.memory_space<vmem>>, vector<16xf32>,
        %parallel_loop3A_652 = arith.index_cast %parallel_loop3A_626 : i32 to index
        %parallel_loop3A_653 = arith.constant 48 : index
        %parallel_loop3A_654 = tpu.vector_load %arg14[%parallel_loop3A_652, %parallel_loop3A_653] {strides = array<i32>} : memref<128x128xf32, #tpu.memory_space<vmem>>, vector<16xf32>,
        %parallel_loop3A_655 = arith.mulf %parallel_loop3A_651, %parallel_loop3A_654 : vector<16xf32>
        %parallel_loop3A_656 = arith.addf %parallel_loop3A_640, %parallel_loop3A_655 : vector<16xf32>
        %parallel_loop3A_657 = arith.index_cast %parallel_loop3A_626 : i32 to index
        %parallel_loop3A_658 = arith.constant 64 : index
        %parallel_loop3A_659 = tpu.vector_load %arg12[%parallel_loop3A_657, %parallel_loop3A_658] {strides = array<i32>} : memref<128x128xf32, #tpu.memory_space<vmem>>, vector<16xf32>,
        %parallel_loop3A_660 = arith.index_cast %parallel_loop3A_626 : i32 to index
        %parallel_loop3A_661 = arith.constant 64 : index
        %parallel_loop3A_662 = tpu.vector_load %arg14[%parallel_loop3A_660, %parallel_loop3A_661] {strides = array<i32>} : memref<128x128xf32, #tpu.memory_space<vmem>>, vector<16xf32>,
        %parallel_loop3A_663 = arith.mulf %parallel_loop3A_659, %parallel_loop3A_662 : vector<16xf32>
        %parallel_loop3A_664 = arith.addf %parallel_loop3A_648, %parallel_loop3A_663 : vector<16xf32>
        %parallel_loop3A_665 = arith.index_cast %parallel_loop3A_626 : i32 to index
        %parallel_loop3A_666 = arith.constant 80 : index
        %parallel_loop3A_667 = tpu.vector_load %arg12[%parallel_loop3A_665, %parallel_loop3A_666] {strides = array<i32>} : memref<128x128xf32, #tpu.memory_space<vmem>>, vector<16xf32>,
        %parallel_loop3A_668 = arith.index_cast %parallel_loop3A_626 : i32 to index
        %parallel_loop3A_669 = arith.constant 80 : index
        %parallel_loop3A_670 = tpu.vector_load %arg14[%parallel_loop3A_668, %parallel_loop3A_669] {strides = array<i32>} : memref<128x128xf32, #tpu.memory_space<vmem>>, vector<16xf32>,
        %parallel_loop3A_671 = arith.mulf %parallel_loop3A_667, %parallel_loop3A_670 : vector<16xf32>
        %parallel_loop3A_672 = arith.addf %parallel_loop3A_656, %parallel_loop3A_671 : vector<16xf32>
        %parallel_loop3A_673 = arith.index_cast %parallel_loop3A_626 : i32 to index
        %parallel_loop3A_674 = arith.constant 96 : index
        %parallel_loop3A_675 = tpu.vector_load %arg12[%parallel_loop3A_673, %parallel_loop3A_674] {strides = array<i32>} : memref<128x128xf32, #tpu.memory_space<vmem>>, vector<16xf32>,
        %parallel_loop3A_676 = arith.index_cast %parallel_loop3A_626 : i32 to index
        %parallel_loop3A_677 = arith.constant 96 : index
        %parallel_loop3A_678 = tpu.vector_load %arg14[%parallel_loop3A_676, %parallel_loop3A_677] {strides = array<i32>} : memref<128x128xf32, #tpu.memory_space<vmem>>, vector<16xf32>,
        %parallel_loop3A_679 = arith.mulf %parallel_loop3A_675, %parallel_loop3A_678 : vector<16xf32>
        %parallel_loop3A_680 = arith.addf %parallel_loop3A_664, %parallel_loop3A_679 : vector<16xf32>
        %parallel_loop3A_681 = arith.index_cast %parallel_loop3A_626 : i32 to index
        %parallel_loop3A_682 = arith.constant 112 : index
        %parallel_loop3A_683 = tpu.vector_load %arg12[%parallel_loop3A_681, %parallel_loop3A_682] {strides = array<i32>} : memref<128x128xf32, #tpu.memory_space<vmem>>, vector<16xf32>,
        %parallel_loop3A_684 = arith.index_cast %parallel_loop3A_626 : i32 to index
        %parallel_loop3A_685 = arith.constant 112 : index
        %parallel_loop3A_686 = tpu.vector_load %arg14[%parallel_loop3A_684, %parallel_loop3A_685] {strides = array<i32>} : memref<128x128xf32, #tpu.memory_space<vmem>>, vector<16xf32>,
        %parallel_loop3A_687 = arith.mulf %parallel_loop3A_683, %parallel_loop3A_686 : vector<16xf32>
        %parallel_loop3A_688 = arith.addf %parallel_loop3A_672, %parallel_loop3A_687 : vector<16xf32>
        %parallel_loop3A_689 = arith.addf %parallel_loop3A_680, %parallel_loop3A_688 : vector<16xf32>
        %parallel_loop3A_690 = arith.constant 16 : i32
        %parallel_loop3A_691 = arith.muli %parallel_loop3A_153, %parallel_loop3A_690 : i32
        %parallel_loop3A_692 = arith.constant 8 : i32
        %parallel_loop3A_693 = arith.addi %parallel_loop3A_691, %parallel_loop3A_692 : i32
        %parallel_loop3A_694 = arith.index_cast %parallel_loop3A_693 : i32 to index
        %parallel_loop3A_695 = arith.constant 0 : index
        %parallel_loop3A_696 = tpu.vector_load %arg12[%parallel_loop3A_694, %parallel_loop3A_695] {strides = array<i32>} : memref<128x128xf32, #tpu.memory_space<vmem>>, vector<16xf32>,
        %parallel_loop3A_697 = arith.index_cast %parallel_loop3A_693 : i32 to index
        %parallel_loop3A_698 = arith.constant 0 : index
        %parallel_loop3A_699 = tpu.vector_load %arg14[%parallel_loop3A_697, %parallel_loop3A_698] {strides = array<i32>} : memref<128x128xf32, #tpu.memory_space<vmem>>, vector<16xf32>,
        %parallel_loop3A_700 = arith.mulf %parallel_loop3A_696, %parallel_loop3A_699 : vector<16xf32>
        %parallel_loop3A_701 = arith.index_cast %parallel_loop3A_693 : i32 to index
        %parallel_loop3A_702 = arith.constant 16 : index
        %parallel_loop3A_703 = tpu.vector_load %arg12[%parallel_loop3A_701, %parallel_loop3A_702] {strides = array<i32>} : memref<128x128xf32, #tpu.memory_space<vmem>>, vector<16xf32>,
        %parallel_loop3A_704 = arith.index_cast %parallel_loop3A_693 : i32 to index
        %parallel_loop3A_705 = arith.constant 16 : index
        %parallel_loop3A_706 = tpu.vector_load %arg14[%parallel_loop3A_704, %parallel_loop3A_705] {strides = array<i32>} : memref<128x128xf32, #tpu.memory_space<vmem>>, vector<16xf32>,
        %parallel_loop3A_707 = arith.mulf %parallel_loop3A_703, %parallel_loop3A_706 : vector<16xf32>
        %parallel_loop3A_708 = arith.index_cast %parallel_loop3A_693 : i32 to index
        %parallel_loop3A_709 = arith.constant 32 : index
        %parallel_loop3A_710 = tpu.vector_load %arg12[%parallel_loop3A_708, %parallel_loop3A_709] {strides = array<i32>} : memref<128x128xf32, #tpu.memory_space<vmem>>, vector<16xf32>,
        %parallel_loop3A_711 = arith.index_cast %parallel_loop3A_693 : i32 to index
        %parallel_loop3A_712 = arith.constant 32 : index
        %parallel_loop3A_713 = tpu.vector_load %arg14[%parallel_loop3A_711, %parallel_loop3A_712] {strides = array<i32>} : memref<128x128xf32, #tpu.memory_space<vmem>>, vector<16xf32>,
        %parallel_loop3A_714 = arith.mulf %parallel_loop3A_710, %parallel_loop3A_713 : vector<16xf32>
        %parallel_loop3A_715 = arith.addf %parallel_loop3A_700, %parallel_loop3A_714 : vector<16xf32>
        %parallel_loop3A_716 = arith.index_cast %parallel_loop3A_693 : i32 to index
        %parallel_loop3A_717 = arith.constant 48 : index
        %parallel_loop3A_718 = tpu.vector_load %arg12[%parallel_loop3A_716, %parallel_loop3A_717] {strides = array<i32>} : memref<128x128xf32, #tpu.memory_space<vmem>>, vector<16xf32>,
        %parallel_loop3A_719 = arith.index_cast %parallel_loop3A_693 : i32 to index
        %parallel_loop3A_720 = arith.constant 48 : index
        %parallel_loop3A_721 = tpu.vector_load %arg14[%parallel_loop3A_719, %parallel_loop3A_720] {strides = array<i32>} : memref<128x128xf32, #tpu.memory_space<vmem>>, vector<16xf32>,
        %parallel_loop3A_722 = arith.mulf %parallel_loop3A_718, %parallel_loop3A_721 : vector<16xf32>
        %parallel_loop3A_723 = arith.addf %parallel_loop3A_707, %parallel_loop3A_722 : vector<16xf32>
        %parallel_loop3A_724 = arith.index_cast %parallel_loop3A_693 : i32 to index
        %parallel_loop3A_725 = arith.constant 64 : index
        %parallel_loop3A_726 = tpu.vector_load %arg12[%parallel_loop3A_724, %parallel_loop3A_725] {strides = array<i32>} : memref<128x128xf32, #tpu.memory_space<vmem>>, vector<16xf32>,
        %parallel_loop3A_727 = arith.index_cast %parallel_loop3A_693 : i32 to index
        %parallel_loop3A_728 = arith.constant 64 : index
        %parallel_loop3A_729 = tpu.vector_load %arg14[%parallel_loop3A_727, %parallel_loop3A_728] {strides = array<i32>} : memref<128x128xf32, #tpu.memory_space<vmem>>, vector<16xf32>,
        %parallel_loop3A_730 = arith.mulf %parallel_loop3A_726, %parallel_loop3A_729 : vector<16xf32>
        %parallel_loop3A_731 = arith.addf %parallel_loop3A_715, %parallel_loop3A_730 : vector<16xf32>
        %parallel_loop3A_732 = arith.index_cast %parallel_loop3A_693 : i32 to index
        %parallel_loop3A_733 = arith.constant 80 : index
        %parallel_loop3A_734 = tpu.vector_load %arg12[%parallel_loop3A_732, %parallel_loop3A_733] {strides = array<i32>} : memref<128x128xf32, #tpu.memory_space<vmem>>, vector<16xf32>,
        %parallel_loop3A_735 = arith.index_cast %parallel_loop3A_693 : i32 to index
        %parallel_loop3A_736 = arith.constant 80 : index
        %parallel_loop3A_737 = tpu.vector_load %arg14[%parallel_loop3A_735, %parallel_loop3A_736] {strides = array<i32>} : memref<128x128xf32, #tpu.memory_space<vmem>>, vector<16xf32>,
        %parallel_loop3A_738 = arith.mulf %parallel_loop3A_734, %parallel_loop3A_737 : vector<16xf32>
        %parallel_loop3A_739 = arith.addf %parallel_loop3A_723, %parallel_loop3A_738 : vector<16xf32>
        %parallel_loop3A_740 = arith.index_cast %parallel_loop3A_693 : i32 to index
        %parallel_loop3A_741 = arith.constant 96 : index
        %parallel_loop3A_742 = tpu.vector_load %arg12[%parallel_loop3A_740, %parallel_loop3A_741] {strides = array<i32>} : memref<128x128xf32, #tpu.memory_space<vmem>>, vector<16xf32>,
        %parallel_loop3A_743 = arith.index_cast %parallel_loop3A_693 : i32 to index
        %parallel_loop3A_744 = arith.constant 96 : index
        %parallel_loop3A_745 = tpu.vector_load %arg14[%parallel_loop3A_743, %parallel_loop3A_744] {strides = array<i32>} : memref<128x128xf32, #tpu.memory_space<vmem>>, vector<16xf32>,
        %parallel_loop3A_746 = arith.mulf %parallel_loop3A_742, %parallel_loop3A_745 : vector<16xf32>
        %parallel_loop3A_747 = arith.addf %parallel_loop3A_731, %parallel_loop3A_746 : vector<16xf32>
        %parallel_loop3A_748 = arith.index_cast %parallel_loop3A_693 : i32 to index
        %parallel_loop3A_749 = arith.constant 112 : index
        %parallel_loop3A_750 = tpu.vector_load %arg12[%parallel_loop3A_748, %parallel_loop3A_749] {strides = array<i32>} : memref<128x128xf32, #tpu.memory_space<vmem>>, vector<16xf32>,
        %parallel_loop3A_751 = arith.index_cast %parallel_loop3A_693 : i32 to index
        %parallel_loop3A_752 = arith.constant 112 : index
        %parallel_loop3A_753 = tpu.vector_load %arg14[%parallel_loop3A_751, %parallel_loop3A_752] {strides = array<i32>} : memref<128x128xf32, #tpu.memory_space<vmem>>, vector<16xf32>,
        %parallel_loop3A_754 = arith.mulf %parallel_loop3A_750, %parallel_loop3A_753 : vector<16xf32>
        %parallel_loop3A_755 = arith.addf %parallel_loop3A_739, %parallel_loop3A_754 : vector<16xf32>
        %parallel_loop3A_756 = arith.addf %parallel_loop3A_747, %parallel_loop3A_755 : vector<16xf32>
        %parallel_loop3A_757 = arith.constant 16 : i32
        %parallel_loop3A_758 = arith.muli %parallel_loop3A_153, %parallel_loop3A_757 : i32
        %parallel_loop3A_759 = arith.constant 9 : i32
        %parallel_loop3A_760 = arith.addi %parallel_loop3A_758, %parallel_loop3A_759 : i32
        %parallel_loop3A_761 = arith.index_cast %parallel_loop3A_760 : i32 to index
        %parallel_loop3A_762 = arith.constant 0 : index
        %parallel_loop3A_763 = tpu.vector_load %arg12[%parallel_loop3A_761, %parallel_loop3A_762] {strides = array<i32>} : memref<128x128xf32, #tpu.memory_space<vmem>>, vector<16xf32>,
        %parallel_loop3A_764 = arith.index_cast %parallel_loop3A_760 : i32 to index
        %parallel_loop3A_765 = arith.constant 0 : index
        %parallel_loop3A_766 = tpu.vector_load %arg14[%parallel_loop3A_764, %parallel_loop3A_765] {strides = array<i32>} : memref<128x128xf32, #tpu.memory_space<vmem>>, vector<16xf32>,
        %parallel_loop3A_767 = arith.mulf %parallel_loop3A_763, %parallel_loop3A_766 : vector<16xf32>
        %parallel_loop3A_768 = arith.index_cast %parallel_loop3A_760 : i32 to index
        %parallel_loop3A_769 = arith.constant 16 : index
        %parallel_loop3A_770 = tpu.vector_load %arg12[%parallel_loop3A_768, %parallel_loop3A_769] {strides = array<i32>} : memref<128x128xf32, #tpu.memory_space<vmem>>, vector<16xf32>,
        %parallel_loop3A_771 = arith.index_cast %parallel_loop3A_760 : i32 to index
        %parallel_loop3A_772 = arith.constant 16 : index
        %parallel_loop3A_773 = tpu.vector_load %arg14[%parallel_loop3A_771, %parallel_loop3A_772] {strides = array<i32>} : memref<128x128xf32, #tpu.memory_space<vmem>>, vector<16xf32>,
        %parallel_loop3A_774 = arith.mulf %parallel_loop3A_770, %parallel_loop3A_773 : vector<16xf32>
        %parallel_loop3A_775 = arith.index_cast %parallel_loop3A_760 : i32 to index
        %parallel_loop3A_776 = arith.constant 32 : index
        %parallel_loop3A_777 = tpu.vector_load %arg12[%parallel_loop3A_775, %parallel_loop3A_776] {strides = array<i32>} : memref<128x128xf32, #tpu.memory_space<vmem>>, vector<16xf32>,
        %parallel_loop3A_778 = arith.index_cast %parallel_loop3A_760 : i32 to index
        %parallel_loop3A_779 = arith.constant 32 : index
        %parallel_loop3A_780 = tpu.vector_load %arg14[%parallel_loop3A_778, %parallel_loop3A_779] {strides = array<i32>} : memref<128x128xf32, #tpu.memory_space<vmem>>, vector<16xf32>,
        %parallel_loop3A_781 = arith.mulf %parallel_loop3A_777, %parallel_loop3A_780 : vector<16xf32>
        %parallel_loop3A_782 = arith.addf %parallel_loop3A_767, %parallel_loop3A_781 : vector<16xf32>
        %parallel_loop3A_783 = arith.index_cast %parallel_loop3A_760 : i32 to index
        %parallel_loop3A_784 = arith.constant 48 : index
        %parallel_loop3A_785 = tpu.vector_load %arg12[%parallel_loop3A_783, %parallel_loop3A_784] {strides = array<i32>} : memref<128x128xf32, #tpu.memory_space<vmem>>, vector<16xf32>,
        %parallel_loop3A_786 = arith.index_cast %parallel_loop3A_760 : i32 to index
        %parallel_loop3A_787 = arith.constant 48 : index
        %parallel_loop3A_788 = tpu.vector_load %arg14[%parallel_loop3A_786, %parallel_loop3A_787] {strides = array<i32>} : memref<128x128xf32, #tpu.memory_space<vmem>>, vector<16xf32>,
        %parallel_loop3A_789 = arith.mulf %parallel_loop3A_785, %parallel_loop3A_788 : vector<16xf32>
        %parallel_loop3A_790 = arith.addf %parallel_loop3A_774, %parallel_loop3A_789 : vector<16xf32>
        %parallel_loop3A_791 = arith.index_cast %parallel_loop3A_760 : i32 to index
        %parallel_loop3A_792 = arith.constant 64 : index
        %parallel_loop3A_793 = tpu.vector_load %arg12[%parallel_loop3A_791, %parallel_loop3A_792] {strides = array<i32>} : memref<128x128xf32, #tpu.memory_space<vmem>>, vector<16xf32>,
        %parallel_loop3A_794 = arith.index_cast %parallel_loop3A_760 : i32 to index
        %parallel_loop3A_795 = arith.constant 64 : index
        %parallel_loop3A_796 = tpu.vector_load %arg14[%parallel_loop3A_794, %parallel_loop3A_795] {strides = array<i32>} : memref<128x128xf32, #tpu.memory_space<vmem>>, vector<16xf32>,
        %parallel_loop3A_797 = arith.mulf %parallel_loop3A_793, %parallel_loop3A_796 : vector<16xf32>
        %parallel_loop3A_798 = arith.addf %parallel_loop3A_782, %parallel_loop3A_797 : vector<16xf32>
        %parallel_loop3A_799 = arith.index_cast %parallel_loop3A_760 : i32 to index
        %parallel_loop3A_800 = arith.constant 80 : index
        %parallel_loop3A_801 = tpu.vector_load %arg12[%parallel_loop3A_799, %parallel_loop3A_800] {strides = array<i32>} : memref<128x128xf32, #tpu.memory_space<vmem>>, vector<16xf32>,
        %parallel_loop3A_802 = arith.index_cast %parallel_loop3A_760 : i32 to index
        %parallel_loop3A_803 = arith.constant 80 : index
        %parallel_loop3A_804 = tpu.vector_load %arg14[%parallel_loop3A_802, %parallel_loop3A_803] {strides = array<i32>} : memref<128x128xf32, #tpu.memory_space<vmem>>, vector<16xf32>,
        %parallel_loop3A_805 = arith.mulf %parallel_loop3A_801, %parallel_loop3A_804 : vector<16xf32>
        %parallel_loop3A_806 = arith.addf %parallel_loop3A_790, %parallel_loop3A_805 : vector<16xf32>
        %parallel_loop3A_807 = arith.index_cast %parallel_loop3A_760 : i32 to index
        %parallel_loop3A_808 = arith.constant 96 : index
        %parallel_loop3A_809 = tpu.vector_load %arg12[%parallel_loop3A_807, %parallel_loop3A_808] {strides = array<i32>} : memref<128x128xf32, #tpu.memory_space<vmem>>, vector<16xf32>,
        %parallel_loop3A_810 = arith.index_cast %parallel_loop3A_760 : i32 to index
        %parallel_loop3A_811 = arith.constant 96 : index
        %parallel_loop3A_812 = tpu.vector_load %arg14[%parallel_loop3A_810, %parallel_loop3A_811] {strides = array<i32>} : memref<128x128xf32, #tpu.memory_space<vmem>>, vector<16xf32>,
        %parallel_loop3A_813 = arith.mulf %parallel_loop3A_809, %parallel_loop3A_812 : vector<16xf32>
        %parallel_loop3A_814 = arith.addf %parallel_loop3A_798, %parallel_loop3A_813 : vector<16xf32>
        %parallel_loop3A_815 = arith.index_cast %parallel_loop3A_760 : i32 to index
        %parallel_loop3A_816 = arith.constant 112 : index
        %parallel_loop3A_817 = tpu.vector_load %arg12[%parallel_loop3A_815, %parallel_loop3A_816] {strides = array<i32>} : memref<128x128xf32, #tpu.memory_space<vmem>>, vector<16xf32>,
        %parallel_loop3A_818 = arith.index_cast %parallel_loop3A_760 : i32 to index
        %parallel_loop3A_819 = arith.constant 112 : index
        %parallel_loop3A_820 = tpu.vector_load %arg14[%parallel_loop3A_818, %parallel_loop3A_819] {strides = array<i32>} : memref<128x128xf32, #tpu.memory_space<vmem>>, vector<16xf32>,
        %parallel_loop3A_821 = arith.mulf %parallel_loop3A_817, %parallel_loop3A_820 : vector<16xf32>
        %parallel_loop3A_822 = arith.addf %parallel_loop3A_806, %parallel_loop3A_821 : vector<16xf32>
        %parallel_loop3A_823 = arith.addf %parallel_loop3A_814, %parallel_loop3A_822 : vector<16xf32>
        %parallel_loop3A_824 = arith.constant 16 : i32
        %parallel_loop3A_825 = arith.muli %parallel_loop3A_153, %parallel_loop3A_824 : i32
        %parallel_loop3A_826 = arith.constant 10 : i32
        %parallel_loop3A_827 = arith.addi %parallel_loop3A_825, %parallel_loop3A_826 : i32
        %parallel_loop3A_828 = arith.index_cast %parallel_loop3A_827 : i32 to index
        %parallel_loop3A_829 = arith.constant 0 : index
        %parallel_loop3A_830 = tpu.vector_load %arg12[%parallel_loop3A_828, %parallel_loop3A_829] {strides = array<i32>} : memref<128x128xf32, #tpu.memory_space<vmem>>, vector<16xf32>,
        %parallel_loop3A_831 = arith.index_cast %parallel_loop3A_827 : i32 to index
        %parallel_loop3A_832 = arith.constant 0 : index
        %parallel_loop3A_833 = tpu.vector_load %arg14[%parallel_loop3A_831, %parallel_loop3A_832] {strides = array<i32>} : memref<128x128xf32, #tpu.memory_space<vmem>>, vector<16xf32>,
        %parallel_loop3A_834 = arith.mulf %parallel_loop3A_830, %parallel_loop3A_833 : vector<16xf32>
        %parallel_loop3A_835 = arith.index_cast %parallel_loop3A_827 : i32 to index
        %parallel_loop3A_836 = arith.constant 16 : index
        %parallel_loop3A_837 = tpu.vector_load %arg12[%parallel_loop3A_835, %parallel_loop3A_836] {strides = array<i32>} : memref<128x128xf32, #tpu.memory_space<vmem>>, vector<16xf32>,
        %parallel_loop3A_838 = arith.index_cast %parallel_loop3A_827 : i32 to index
        %parallel_loop3A_839 = arith.constant 16 : index
        %parallel_loop3A_840 = tpu.vector_load %arg14[%parallel_loop3A_838, %parallel_loop3A_839] {strides = array<i32>} : memref<128x128xf32, #tpu.memory_space<vmem>>, vector<16xf32>,
        %parallel_loop3A_841 = arith.mulf %parallel_loop3A_837, %parallel_loop3A_840 : vector<16xf32>
        %parallel_loop3A_842 = arith.index_cast %parallel_loop3A_827 : i32 to index
        %parallel_loop3A_843 = arith.constant 32 : index
        %parallel_loop3A_844 = tpu.vector_load %arg12[%parallel_loop3A_842, %parallel_loop3A_843] {strides = array<i32>} : memref<128x128xf32, #tpu.memory_space<vmem>>, vector<16xf32>,
        %parallel_loop3A_845 = arith.index_cast %parallel_loop3A_827 : i32 to index
        %parallel_loop3A_846 = arith.constant 32 : index
        %parallel_loop3A_847 = tpu.vector_load %arg14[%parallel_loop3A_845, %parallel_loop3A_846] {strides = array<i32>} : memref<128x128xf32, #tpu.memory_space<vmem>>, vector<16xf32>,
        %parallel_loop3A_848 = arith.mulf %parallel_loop3A_844, %parallel_loop3A_847 : vector<16xf32>
        %parallel_loop3A_849 = arith.addf %parallel_loop3A_834, %parallel_loop3A_848 : vector<16xf32>
        %parallel_loop3A_850 = arith.index_cast %parallel_loop3A_827 : i32 to index
        %parallel_loop3A_851 = arith.constant 48 : index
        %parallel_loop3A_852 = tpu.vector_load %arg12[%parallel_loop3A_850, %parallel_loop3A_851] {strides = array<i32>} : memref<128x128xf32, #tpu.memory_space<vmem>>, vector<16xf32>,
        %parallel_loop3A_853 = arith.index_cast %parallel_loop3A_827 : i32 to index
        %parallel_loop3A_854 = arith.constant 48 : index
        %parallel_loop3A_855 = tpu.vector_load %arg14[%parallel_loop3A_853, %parallel_loop3A_854] {strides = array<i32>} : memref<128x128xf32, #tpu.memory_space<vmem>>, vector<16xf32>,
        %parallel_loop3A_856 = arith.mulf %parallel_loop3A_852, %parallel_loop3A_855 : vector<16xf32>
        %parallel_loop3A_857 = arith.addf %parallel_loop3A_841, %parallel_loop3A_856 : vector<16xf32>
        %parallel_loop3A_858 = arith.index_cast %parallel_loop3A_827 : i32 to index
        %parallel_loop3A_859 = arith.constant 64 : index
        %parallel_loop3A_860 = tpu.vector_load %arg12[%parallel_loop3A_858, %parallel_loop3A_859] {strides = array<i32>} : memref<128x128xf32, #tpu.memory_space<vmem>>, vector<16xf32>,
        %parallel_loop3A_861 = arith.index_cast %parallel_loop3A_827 : i32 to index
        %parallel_loop3A_862 = arith.constant 64 : index
        %parallel_loop3A_863 = tpu.vector_load %arg14[%parallel_loop3A_861, %parallel_loop3A_862] {strides = array<i32>} : memref<128x128xf32, #tpu.memory_space<vmem>>, vector<16xf32>,
        %parallel_loop3A_864 = arith.mulf %parallel_loop3A_860, %parallel_loop3A_863 : vector<16xf32>
        %parallel_loop3A_865 = arith.addf %parallel_loop3A_849, %parallel_loop3A_864 : vector<16xf32>
        %parallel_loop3A_866 = arith.index_cast %parallel_loop3A_827 : i32 to index
        %parallel_loop3A_867 = arith.constant 80 : index
        %parallel_loop3A_868 = tpu.vector_load %arg12[%parallel_loop3A_866, %parallel_loop3A_867] {strides = array<i32>} : memref<128x128xf32, #tpu.memory_space<vmem>>, vector<16xf32>,
        %parallel_loop3A_869 = arith.index_cast %parallel_loop3A_827 : i32 to index
        %parallel_loop3A_870 = arith.constant 80 : index
        %parallel_loop3A_871 = tpu.vector_load %arg14[%parallel_loop3A_869, %parallel_loop3A_870] {strides = array<i32>} : memref<128x128xf32, #tpu.memory_space<vmem>>, vector<16xf32>,
        %parallel_loop3A_872 = arith.mulf %parallel_loop3A_868, %parallel_loop3A_871 : vector<16xf32>
        %parallel_loop3A_873 = arith.addf %parallel_loop3A_857, %parallel_loop3A_872 : vector<16xf32>
        %parallel_loop3A_874 = arith.index_cast %parallel_loop3A_827 : i32 to index
        %parallel_loop3A_875 = arith.constant 96 : index
        %parallel_loop3A_876 = tpu.vector_load %arg12[%parallel_loop3A_874, %parallel_loop3A_875] {strides = array<i32>} : memref<128x128xf32, #tpu.memory_space<vmem>>, vector<16xf32>,
        %parallel_loop3A_877 = arith.index_cast %parallel_loop3A_827 : i32 to index
        %parallel_loop3A_878 = arith.constant 96 : index
        %parallel_loop3A_879 = tpu.vector_load %arg14[%parallel_loop3A_877, %parallel_loop3A_878] {strides = array<i32>} : memref<128x128xf32, #tpu.memory_space<vmem>>, vector<16xf32>,
        %parallel_loop3A_880 = arith.mulf %parallel_loop3A_876, %parallel_loop3A_879 : vector<16xf32>
        %parallel_loop3A_881 = arith.addf %parallel_loop3A_865, %parallel_loop3A_880 : vector<16xf32>
        %parallel_loop3A_882 = arith.index_cast %parallel_loop3A_827 : i32 to index
        %parallel_loop3A_883 = arith.constant 112 : index
        %parallel_loop3A_884 = tpu.vector_load %arg12[%parallel_loop3A_882, %parallel_loop3A_883] {strides = array<i32>} : memref<128x128xf32, #tpu.memory_space<vmem>>, vector<16xf32>,
        %parallel_loop3A_885 = arith.index_cast %parallel_loop3A_827 : i32 to index
        %parallel_loop3A_886 = arith.constant 112 : index
        %parallel_loop3A_887 = tpu.vector_load %arg14[%parallel_loop3A_885, %parallel_loop3A_886] {strides = array<i32>} : memref<128x128xf32, #tpu.memory_space<vmem>>, vector<16xf32>,
        %parallel_loop3A_888 = arith.mulf %parallel_loop3A_884, %parallel_loop3A_887 : vector<16xf32>
        %parallel_loop3A_889 = arith.addf %parallel_loop3A_873, %parallel_loop3A_888 : vector<16xf32>
        %parallel_loop3A_890 = arith.addf %parallel_loop3A_881, %parallel_loop3A_889 : vector<16xf32>
        %parallel_loop3A_891 = arith.constant 16 : i32
        %parallel_loop3A_892 = arith.muli %parallel_loop3A_153, %parallel_loop3A_891 : i32
        %parallel_loop3A_893 = arith.constant 11 : i32
        %parallel_loop3A_894 = arith.addi %parallel_loop3A_892, %parallel_loop3A_893 : i32
        %parallel_loop3A_895 = arith.index_cast %parallel_loop3A_894 : i32 to index
        %parallel_loop3A_896 = arith.constant 0 : index
        %parallel_loop3A_897 = tpu.vector_load %arg12[%parallel_loop3A_895, %parallel_loop3A_896] {strides = array<i32>} : memref<128x128xf32, #tpu.memory_space<vmem>>, vector<16xf32>,
        %parallel_loop3A_898 = arith.index_cast %parallel_loop3A_894 : i32 to index
        %parallel_loop3A_899 = arith.constant 0 : index
        %parallel_loop3A_900 = tpu.vector_load %arg14[%parallel_loop3A_898, %parallel_loop3A_899] {strides = array<i32>} : memref<128x128xf32, #tpu.memory_space<vmem>>, vector<16xf32>,
        %parallel_loop3A_901 = arith.mulf %parallel_loop3A_897, %parallel_loop3A_900 : vector<16xf32>
        %parallel_loop3A_902 = arith.index_cast %parallel_loop3A_894 : i32 to index
        %parallel_loop3A_903 = arith.constant 16 : index
        %parallel_loop3A_904 = tpu.vector_load %arg12[%parallel_loop3A_902, %parallel_loop3A_903] {strides = array<i32>} : memref<128x128xf32, #tpu.memory_space<vmem>>, vector<16xf32>,
        %parallel_loop3A_905 = arith.index_cast %parallel_loop3A_894 : i32 to index
        %parallel_loop3A_906 = arith.constant 16 : index
        %parallel_loop3A_907 = tpu.vector_load %arg14[%parallel_loop3A_905, %parallel_loop3A_906] {strides = array<i32>} : memref<128x128xf32, #tpu.memory_space<vmem>>, vector<16xf32>,
        %parallel_loop3A_908 = arith.mulf %parallel_loop3A_904, %parallel_loop3A_907 : vector<16xf32>
        %parallel_loop3A_909 = arith.index_cast %parallel_loop3A_894 : i32 to index
        %parallel_loop3A_910 = arith.constant 32 : index
        %parallel_loop3A_911 = tpu.vector_load %arg12[%parallel_loop3A_909, %parallel_loop3A_910] {strides = array<i32>} : memref<128x128xf32, #tpu.memory_space<vmem>>, vector<16xf32>,
        %parallel_loop3A_912 = arith.index_cast %parallel_loop3A_894 : i32 to index
        %parallel_loop3A_913 = arith.constant 32 : index
        %parallel_loop3A_914 = tpu.vector_load %arg14[%parallel_loop3A_912, %parallel_loop3A_913] {strides = array<i32>} : memref<128x128xf32, #tpu.memory_space<vmem>>, vector<16xf32>,
        %parallel_loop3A_915 = arith.mulf %parallel_loop3A_911, %parallel_loop3A_914 : vector<16xf32>
        %parallel_loop3A_916 = arith.addf %parallel_loop3A_901, %parallel_loop3A_915 : vector<16xf32>
        %parallel_loop3A_917 = arith.index_cast %parallel_loop3A_894 : i32 to index
        %parallel_loop3A_918 = arith.constant 48 : index
        %parallel_loop3A_919 = tpu.vector_load %arg12[%parallel_loop3A_917, %parallel_loop3A_918] {strides = array<i32>} : memref<128x128xf32, #tpu.memory_space<vmem>>, vector<16xf32>,
        %parallel_loop3A_920 = arith.index_cast %parallel_loop3A_894 : i32 to index
        %parallel_loop3A_921 = arith.constant 48 : index
        %parallel_loop3A_922 = tpu.vector_load %arg14[%parallel_loop3A_920, %parallel_loop3A_921] {strides = array<i32>} : memref<128x128xf32, #tpu.memory_space<vmem>>, vector<16xf32>,
        %parallel_loop3A_923 = arith.mulf %parallel_loop3A_919, %parallel_loop3A_922 : vector<16xf32>
        %parallel_loop3A_924 = arith.addf %parallel_loop3A_908, %parallel_loop3A_923 : vector<16xf32>
        %parallel_loop3A_925 = arith.index_cast %parallel_loop3A_894 : i32 to index
        %parallel_loop3A_926 = arith.constant 64 : index
        %parallel_loop3A_927 = tpu.vector_load %arg12[%parallel_loop3A_925, %parallel_loop3A_926] {strides = array<i32>} : memref<128x128xf32, #tpu.memory_space<vmem>>, vector<16xf32>,
        %parallel_loop3A_928 = arith.index_cast %parallel_loop3A_894 : i32 to index
        %parallel_loop3A_929 = arith.constant 64 : index
        %parallel_loop3A_930 = tpu.vector_load %arg14[%parallel_loop3A_928, %parallel_loop3A_929] {strides = array<i32>} : memref<128x128xf32, #tpu.memory_space<vmem>>, vector<16xf32>,
        %parallel_loop3A_931 = arith.mulf %parallel_loop3A_927, %parallel_loop3A_930 : vector<16xf32>
        %parallel_loop3A_932 = arith.addf %parallel_loop3A_916, %parallel_loop3A_931 : vector<16xf32>
        %parallel_loop3A_933 = arith.index_cast %parallel_loop3A_894 : i32 to index
        %parallel_loop3A_934 = arith.constant 80 : index
        %parallel_loop3A_935 = tpu.vector_load %arg12[%parallel_loop3A_933, %parallel_loop3A_934] {strides = array<i32>} : memref<128x128xf32, #tpu.memory_space<vmem>>, vector<16xf32>,
        %parallel_loop3A_936 = arith.index_cast %parallel_loop3A_894 : i32 to index
        %parallel_loop3A_937 = arith.constant 80 : index
        %parallel_loop3A_938 = tpu.vector_load %arg14[%parallel_loop3A_936, %parallel_loop3A_937] {strides = array<i32>} : memref<128x128xf32, #tpu.memory_space<vmem>>, vector<16xf32>,
        %parallel_loop3A_939 = arith.mulf %parallel_loop3A_935, %parallel_loop3A_938 : vector<16xf32>
        %parallel_loop3A_940 = arith.addf %parallel_loop3A_924, %parallel_loop3A_939 : vector<16xf32>
        %parallel_loop3A_941 = arith.index_cast %parallel_loop3A_894 : i32 to index
        %parallel_loop3A_942 = arith.constant 96 : index
        %parallel_loop3A_943 = tpu.vector_load %arg12[%parallel_loop3A_941, %parallel_loop3A_942] {strides = array<i32>} : memref<128x128xf32, #tpu.memory_space<vmem>>, vector<16xf32>,
        %parallel_loop3A_944 = arith.index_cast %parallel_loop3A_894 : i32 to index
        %parallel_loop3A_945 = arith.constant 96 : index
        %parallel_loop3A_946 = tpu.vector_load %arg14[%parallel_loop3A_944, %parallel_loop3A_945] {strides = array<i32>} : memref<128x128xf32, #tpu.memory_space<vmem>>, vector<16xf32>,
        %parallel_loop3A_947 = arith.mulf %parallel_loop3A_943, %parallel_loop3A_946 : vector<16xf32>
        %parallel_loop3A_948 = arith.addf %parallel_loop3A_932, %parallel_loop3A_947 : vector<16xf32>
        %parallel_loop3A_949 = arith.index_cast %parallel_loop3A_894 : i32 to index
        %parallel_loop3A_950 = arith.constant 112 : index
        %parallel_loop3A_951 = tpu.vector_load %arg12[%parallel_loop3A_949, %parallel_loop3A_950] {strides = array<i32>} : memref<128x128xf32, #tpu.memory_space<vmem>>, vector<16xf32>,
        %parallel_loop3A_952 = arith.index_cast %parallel_loop3A_894 : i32 to index
        %parallel_loop3A_953 = arith.constant 112 : index
        %parallel_loop3A_954 = tpu.vector_load %arg14[%parallel_loop3A_952, %parallel_loop3A_953] {strides = array<i32>} : memref<128x128xf32, #tpu.memory_space<vmem>>, vector<16xf32>,
        %parallel_loop3A_955 = arith.mulf %parallel_loop3A_951, %parallel_loop3A_954 : vector<16xf32>
        %parallel_loop3A_956 = arith.addf %parallel_loop3A_940, %parallel_loop3A_955 : vector<16xf32>
        %parallel_loop3A_957 = arith.addf %parallel_loop3A_948, %parallel_loop3A_956 : vector<16xf32>
        %parallel_loop3A_958 = arith.constant 16 : i32
        %parallel_loop3A_959 = arith.muli %parallel_loop3A_153, %parallel_loop3A_958 : i32
        %parallel_loop3A_960 = arith.constant 12 : i32
        %parallel_loop3A_961 = arith.addi %parallel_loop3A_959, %parallel_loop3A_960 : i32
        %parallel_loop3A_962 = arith.index_cast %parallel_loop3A_961 : i32 to index
        %parallel_loop3A_963 = arith.constant 0 : index
        %parallel_loop3A_964 = tpu.vector_load %arg12[%parallel_loop3A_962, %parallel_loop3A_963] {strides = array<i32>} : memref<128x128xf32, #tpu.memory_space<vmem>>, vector<16xf32>,
        %parallel_loop3A_965 = arith.index_cast %parallel_loop3A_961 : i32 to index
        %parallel_loop3A_966 = arith.constant 0 : index
        %parallel_loop3A_967 = tpu.vector_load %arg14[%parallel_loop3A_965, %parallel_loop3A_966] {strides = array<i32>} : memref<128x128xf32, #tpu.memory_space<vmem>>, vector<16xf32>,
        %parallel_loop3A_968 = arith.mulf %parallel_loop3A_964, %parallel_loop3A_967 : vector<16xf32>
        %parallel_loop3A_969 = arith.index_cast %parallel_loop3A_961 : i32 to index
        %parallel_loop3A_970 = arith.constant 16 : index
        %parallel_loop3A_971 = tpu.vector_load %arg12[%parallel_loop3A_969, %parallel_loop3A_970] {strides = array<i32>} : memref<128x128xf32, #tpu.memory_space<vmem>>, vector<16xf32>,
        %parallel_loop3A_972 = arith.index_cast %parallel_loop3A_961 : i32 to index
        %parallel_loop3A_973 = arith.constant 16 : index
        %parallel_loop3A_974 = tpu.vector_load %arg14[%parallel_loop3A_972, %parallel_loop3A_973] {strides = array<i32>} : memref<128x128xf32, #tpu.memory_space<vmem>>, vector<16xf32>,
        %parallel_loop3A_975 = arith.mulf %parallel_loop3A_971, %parallel_loop3A_974 : vector<16xf32>
        %parallel_loop3A_976 = arith.index_cast %parallel_loop3A_961 : i32 to index
        %parallel_loop3A_977 = arith.constant 32 : index
        %parallel_loop3A_978 = tpu.vector_load %arg12[%parallel_loop3A_976, %parallel_loop3A_977] {strides = array<i32>} : memref<128x128xf32, #tpu.memory_space<vmem>>, vector<16xf32>,
        %parallel_loop3A_979 = arith.index_cast %parallel_loop3A_961 : i32 to index
        %parallel_loop3A_980 = arith.constant 32 : index
        %parallel_loop3A_981 = tpu.vector_load %arg14[%parallel_loop3A_979, %parallel_loop3A_980] {strides = array<i32>} : memref<128x128xf32, #tpu.memory_space<vmem>>, vector<16xf32>,
        %parallel_loop3A_982 = arith.mulf %parallel_loop3A_978, %parallel_loop3A_981 : vector<16xf32>
        %parallel_loop3A_983 = arith.addf %parallel_loop3A_968, %parallel_loop3A_982 : vector<16xf32>
        %parallel_loop3A_984 = arith.index_cast %parallel_loop3A_961 : i32 to index
        %parallel_loop3A_985 = arith.constant 48 : index
        %parallel_loop3A_986 = tpu.vector_load %arg12[%parallel_loop3A_984, %parallel_loop3A_985] {strides = array<i32>} : memref<128x128xf32, #tpu.memory_space<vmem>>, vector<16xf32>,
        %parallel_loop3A_987 = arith.index_cast %parallel_loop3A_961 : i32 to index
        %parallel_loop3A_988 = arith.constant 48 : index
        %parallel_loop3A_989 = tpu.vector_load %arg14[%parallel_loop3A_987, %parallel_loop3A_988] {strides = array<i32>} : memref<128x128xf32, #tpu.memory_space<vmem>>, vector<16xf32>,
        %parallel_loop3A_990 = arith.mulf %parallel_loop3A_986, %parallel_loop3A_989 : vector<16xf32>
        %parallel_loop3A_991 = arith.addf %parallel_loop3A_975, %parallel_loop3A_990 : vector<16xf32>
        %parallel_loop3A_992 = arith.index_cast %parallel_loop3A_961 : i32 to index
        %parallel_loop3A_993 = arith.constant 64 : index
        %parallel_loop3A_994 = tpu.vector_load %arg12[%parallel_loop3A_992, %parallel_loop3A_993] {strides = array<i32>} : memref<128x128xf32, #tpu.memory_space<vmem>>, vector<16xf32>,
        %parallel_loop3A_995 = arith.index_cast %parallel_loop3A_961 : i32 to index
        %parallel_loop3A_996 = arith.constant 64 : index
        %parallel_loop3A_997 = tpu.vector_load %arg14[%parallel_loop3A_995, %parallel_loop3A_996] {strides = array<i32>} : memref<128x128xf32, #tpu.memory_space<vmem>>, vector<16xf32>,
        %parallel_loop3A_998 = arith.mulf %parallel_loop3A_994, %parallel_loop3A_997 : vector<16xf32>
        %parallel_loop3A_999 = arith.addf %parallel_loop3A_983, %parallel_loop3A_998 : vector<16xf32>
        %parallel_loop3A_1000 = arith.index_cast %parallel_loop3A_961 : i32 to index
        %parallel_loop3A_1001 = arith.constant 80 : index
        %parallel_loop3A_1002 = tpu.vector_load %arg12[%parallel_loop3A_1000, %parallel_loop3A_1001] {strides = array<i32>} : memref<128x128xf32, #tpu.memory_space<vmem>>, vector<16xf32>,
        %parallel_loop3A_1003 = arith.index_cast %parallel_loop3A_961 : i32 to index
        %parallel_loop3A_1004 = arith.constant 80 : index
        %parallel_loop3A_1005 = tpu.vector_load %arg14[%parallel_loop3A_1003, %parallel_loop3A_1004] {strides = array<i32>} : memref<128x128xf32, #tpu.memory_space<vmem>>, vector<16xf32>,
        %parallel_loop3A_1006 = arith.mulf %parallel_loop3A_1002, %parallel_loop3A_1005 : vector<16xf32>
        %parallel_loop3A_1007 = arith.addf %parallel_loop3A_991, %parallel_loop3A_1006 : vector<16xf32>
        %parallel_loop3A_1008 = arith.index_cast %parallel_loop3A_961 : i32 to index
        %parallel_loop3A_1009 = arith.constant 96 : index
        %parallel_loop3A_1010 = tpu.vector_load %arg12[%parallel_loop3A_1008, %parallel_loop3A_1009] {strides = array<i32>} : memref<128x128xf32, #tpu.memory_space<vmem>>, vector<16xf32>,
        %parallel_loop3A_1011 = arith.index_cast %parallel_loop3A_961 : i32 to index
        %parallel_loop3A_1012 = arith.constant 96 : index
        %parallel_loop3A_1013 = tpu.vector_load %arg14[%parallel_loop3A_1011, %parallel_loop3A_1012] {strides = array<i32>} : memref<128x128xf32, #tpu.memory_space<vmem>>, vector<16xf32>,
        %parallel_loop3A_1014 = arith.mulf %parallel_loop3A_1010, %parallel_loop3A_1013 : vector<16xf32>
        %parallel_loop3A_1015 = arith.addf %parallel_loop3A_999, %parallel_loop3A_1014 : vector<16xf32>
        %parallel_loop3A_1016 = arith.index_cast %parallel_loop3A_961 : i32 to index
        %parallel_loop3A_1017 = arith.constant 112 : index
        %parallel_loop3A_1018 = tpu.vector_load %arg12[%parallel_loop3A_1016, %parallel_loop3A_1017] {strides = array<i32>} : memref<128x128xf32, #tpu.memory_space<vmem>>, vector<16xf32>,
        %parallel_loop3A_1019 = arith.index_cast %parallel_loop3A_961 : i32 to index
        %parallel_loop3A_1020 = arith.constant 112 : index
        %parallel_loop3A_1021 = tpu.vector_load %arg14[%parallel_loop3A_1019, %parallel_loop3A_1020] {strides = array<i32>} : memref<128x128xf32, #tpu.memory_space<vmem>>, vector<16xf32>,
        %parallel_loop3A_1022 = arith.mulf %parallel_loop3A_1018, %parallel_loop3A_1021 : vector<16xf32>
        %parallel_loop3A_1023 = arith.addf %parallel_loop3A_1007, %parallel_loop3A_1022 : vector<16xf32>
        %parallel_loop3A_1024 = arith.addf %parallel_loop3A_1015, %parallel_loop3A_1023 : vector<16xf32>
        %parallel_loop3A_1025 = arith.constant 16 : i32
        %parallel_loop3A_1026 = arith.muli %parallel_loop3A_153, %parallel_loop3A_1025 : i32
        %parallel_loop3A_1027 = arith.constant 13 : i32
        %parallel_loop3A_1028 = arith.addi %parallel_loop3A_1026, %parallel_loop3A_1027 : i32
        %parallel_loop3A_1029 = arith.index_cast %parallel_loop3A_1028 : i32 to index
        %parallel_loop3A_1030 = arith.constant 0 : index
        %parallel_loop3A_1031 = tpu.vector_load %arg12[%parallel_loop3A_1029, %parallel_loop3A_1030] {strides = array<i32>} : memref<128x128xf32, #tpu.memory_space<vmem>>, vector<16xf32>,
        %parallel_loop3A_1032 = arith.index_cast %parallel_loop3A_1028 : i32 to index
        %parallel_loop3A_1033 = arith.constant 0 : index
        %parallel_loop3A_1034 = tpu.vector_load %arg14[%parallel_loop3A_1032, %parallel_loop3A_1033] {strides = array<i32>} : memref<128x128xf32, #tpu.memory_space<vmem>>, vector<16xf32>,
        %parallel_loop3A_1035 = arith.mulf %parallel_loop3A_1031, %parallel_loop3A_1034 : vector<16xf32>
        %parallel_loop3A_1036 = arith.index_cast %parallel_loop3A_1028 : i32 to index
        %parallel_loop3A_1037 = arith.constant 16 : index
        %parallel_loop3A_1038 = tpu.vector_load %arg12[%parallel_loop3A_1036, %parallel_loop3A_1037] {strides = array<i32>} : memref<128x128xf32, #tpu.memory_space<vmem>>, vector<16xf32>,
        %parallel_loop3A_1039 = arith.index_cast %parallel_loop3A_1028 : i32 to index
        %parallel_loop3A_1040 = arith.constant 16 : index
        %parallel_loop3A_1041 = tpu.vector_load %arg14[%parallel_loop3A_1039, %parallel_loop3A_1040] {strides = array<i32>} : memref<128x128xf32, #tpu.memory_space<vmem>>, vector<16xf32>,
        %parallel_loop3A_1042 = arith.mulf %parallel_loop3A_1038, %parallel_loop3A_1041 : vector<16xf32>
        %parallel_loop3A_1043 = arith.index_cast %parallel_loop3A_1028 : i32 to index
        %parallel_loop3A_1044 = arith.constant 32 : index
        %parallel_loop3A_1045 = tpu.vector_load %arg12[%parallel_loop3A_1043, %parallel_loop3A_1044] {strides = array<i32>} : memref<128x128xf32, #tpu.memory_space<vmem>>, vector<16xf32>,
        %parallel_loop3A_1046 = arith.index_cast %parallel_loop3A_1028 : i32 to index
        %parallel_loop3A_1047 = arith.constant 32 : index
        %parallel_loop3A_1048 = tpu.vector_load %arg14[%parallel_loop3A_1046, %parallel_loop3A_1047] {strides = array<i32>} : memref<128x128xf32, #tpu.memory_space<vmem>>, vector<16xf32>,
        %parallel_loop3A_1049 = arith.mulf %parallel_loop3A_1045, %parallel_loop3A_1048 : vector<16xf32>
        %parallel_loop3A_1050 = arith.addf %parallel_loop3A_1035, %parallel_loop3A_1049 : vector<16xf32>
        %parallel_loop3A_1051 = arith.index_cast %parallel_loop3A_1028 : i32 to index
        %parallel_loop3A_1052 = arith.constant 48 : index
        %parallel_loop3A_1053 = tpu.vector_load %arg12[%parallel_loop3A_1051, %parallel_loop3A_1052] {strides = array<i32>} : memref<128x128xf32, #tpu.memory_space<vmem>>, vector<16xf32>,
        %parallel_loop3A_1054 = arith.index_cast %parallel_loop3A_1028 : i32 to index
        %parallel_loop3A_1055 = arith.constant 48 : index
        %parallel_loop3A_1056 = tpu.vector_load %arg14[%parallel_loop3A_1054, %parallel_loop3A_1055] {strides = array<i32>} : memref<128x128xf32, #tpu.memory_space<vmem>>, vector<16xf32>,
        %parallel_loop3A_1057 = arith.mulf %parallel_loop3A_1053, %parallel_loop3A_1056 : vector<16xf32>
        %parallel_loop3A_1058 = arith.addf %parallel_loop3A_1042, %parallel_loop3A_1057 : vector<16xf32>
        %parallel_loop3A_1059 = arith.index_cast %parallel_loop3A_1028 : i32 to index
        %parallel_loop3A_1060 = arith.constant 64 : index
        %parallel_loop3A_1061 = tpu.vector_load %arg12[%parallel_loop3A_1059, %parallel_loop3A_1060] {strides = array<i32>} : memref<128x128xf32, #tpu.memory_space<vmem>>, vector<16xf32>,
        %parallel_loop3A_1062 = arith.index_cast %parallel_loop3A_1028 : i32 to index
        %parallel_loop3A_1063 = arith.constant 64 : index
        %parallel_loop3A_1064 = tpu.vector_load %arg14[%parallel_loop3A_1062, %parallel_loop3A_1063] {strides = array<i32>} : memref<128x128xf32, #tpu.memory_space<vmem>>, vector<16xf32>,
        %parallel_loop3A_1065 = arith.mulf %parallel_loop3A_1061, %parallel_loop3A_1064 : vector<16xf32>
        %parallel_loop3A_1066 = arith.addf %parallel_loop3A_1050, %parallel_loop3A_1065 : vector<16xf32>
        %parallel_loop3A_1067 = arith.index_cast %parallel_loop3A_1028 : i32 to index
        %parallel_loop3A_1068 = arith.constant 80 : index
        %parallel_loop3A_1069 = tpu.vector_load %arg12[%parallel_loop3A_1067, %parallel_loop3A_1068] {strides = array<i32>} : memref<128x128xf32, #tpu.memory_space<vmem>>, vector<16xf32>,
        %parallel_loop3A_1070 = arith.index_cast %parallel_loop3A_1028 : i32 to index
        %parallel_loop3A_1071 = arith.constant 80 : index
        %parallel_loop3A_1072 = tpu.vector_load %arg14[%parallel_loop3A_1070, %parallel_loop3A_1071] {strides = array<i32>} : memref<128x128xf32, #tpu.memory_space<vmem>>, vector<16xf32>,
        %parallel_loop3A_1073 = arith.mulf %parallel_loop3A_1069, %parallel_loop3A_1072 : vector<16xf32>
        %parallel_loop3A_1074 = arith.addf %parallel_loop3A_1058, %parallel_loop3A_1073 : vector<16xf32>
        %parallel_loop3A_1075 = arith.index_cast %parallel_loop3A_1028 : i32 to index
        %parallel_loop3A_1076 = arith.constant 96 : index
        %parallel_loop3A_1077 = tpu.vector_load %arg12[%parallel_loop3A_1075, %parallel_loop3A_1076] {strides = array<i32>} : memref<128x128xf32, #tpu.memory_space<vmem>>, vector<16xf32>,
        %parallel_loop3A_1078 = arith.index_cast %parallel_loop3A_1028 : i32 to index
        %parallel_loop3A_1079 = arith.constant 96 : index
        %parallel_loop3A_1080 = tpu.vector_load %arg14[%parallel_loop3A_1078, %parallel_loop3A_1079] {strides = array<i32>} : memref<128x128xf32, #tpu.memory_space<vmem>>, vector<16xf32>,
        %parallel_loop3A_1081 = arith.mulf %parallel_loop3A_1077, %parallel_loop3A_1080 : vector<16xf32>
        %parallel_loop3A_1082 = arith.addf %parallel_loop3A_1066, %parallel_loop3A_1081 : vector<16xf32>
        %parallel_loop3A_1083 = arith.index_cast %parallel_loop3A_1028 : i32 to index
        %parallel_loop3A_1084 = arith.constant 112 : index
        %parallel_loop3A_1085 = tpu.vector_load %arg12[%parallel_loop3A_1083, %parallel_loop3A_1084] {strides = array<i32>} : memref<128x128xf32, #tpu.memory_space<vmem>>, vector<16xf32>,
        %parallel_loop3A_1086 = arith.index_cast %parallel_loop3A_1028 : i32 to index
        %parallel_loop3A_1087 = arith.constant 112 : index
        %parallel_loop3A_1088 = tpu.vector_load %arg14[%parallel_loop3A_1086, %parallel_loop3A_1087] {strides = array<i32>} : memref<128x128xf32, #tpu.memory_space<vmem>>, vector<16xf32>,
        %parallel_loop3A_1089 = arith.mulf %parallel_loop3A_1085, %parallel_loop3A_1088 : vector<16xf32>
        %parallel_loop3A_1090 = arith.addf %parallel_loop3A_1074, %parallel_loop3A_1089 : vector<16xf32>
        %parallel_loop3A_1091 = arith.addf %parallel_loop3A_1082, %parallel_loop3A_1090 : vector<16xf32>
        %parallel_loop3A_1092 = arith.constant 16 : i32
        %parallel_loop3A_1093 = arith.muli %parallel_loop3A_153, %parallel_loop3A_1092 : i32
        %parallel_loop3A_1094 = arith.constant 14 : i32
        %parallel_loop3A_1095 = arith.addi %parallel_loop3A_1093, %parallel_loop3A_1094 : i32
        %parallel_loop3A_1096 = arith.index_cast %parallel_loop3A_1095 : i32 to index
        %parallel_loop3A_1097 = arith.constant 0 : index
        %parallel_loop3A_1098 = tpu.vector_load %arg12[%parallel_loop3A_1096, %parallel_loop3A_1097] {strides = array<i32>} : memref<128x128xf32, #tpu.memory_space<vmem>>, vector<16xf32>,
        %parallel_loop3A_1099 = arith.index_cast %parallel_loop3A_1095 : i32 to index
        %parallel_loop3A_1100 = arith.constant 0 : index
        %parallel_loop3A_1101 = tpu.vector_load %arg14[%parallel_loop3A_1099, %parallel_loop3A_1100] {strides = array<i32>} : memref<128x128xf32, #tpu.memory_space<vmem>>, vector<16xf32>,
        %parallel_loop3A_1102 = arith.mulf %parallel_loop3A_1098, %parallel_loop3A_1101 : vector<16xf32>
        %parallel_loop3A_1103 = arith.index_cast %parallel_loop3A_1095 : i32 to index
        %parallel_loop3A_1104 = arith.constant 16 : index
        %parallel_loop3A_1105 = tpu.vector_load %arg12[%parallel_loop3A_1103, %parallel_loop3A_1104] {strides = array<i32>} : memref<128x128xf32, #tpu.memory_space<vmem>>, vector<16xf32>,
        %parallel_loop3A_1106 = arith.index_cast %parallel_loop3A_1095 : i32 to index
        %parallel_loop3A_1107 = arith.constant 16 : index
        %parallel_loop3A_1108 = tpu.vector_load %arg14[%parallel_loop3A_1106, %parallel_loop3A_1107] {strides = array<i32>} : memref<128x128xf32, #tpu.memory_space<vmem>>, vector<16xf32>,
        %parallel_loop3A_1109 = arith.mulf %parallel_loop3A_1105, %parallel_loop3A_1108 : vector<16xf32>
        %parallel_loop3A_1110 = arith.index_cast %parallel_loop3A_1095 : i32 to index
        %parallel_loop3A_1111 = arith.constant 32 : index
        %parallel_loop3A_1112 = tpu.vector_load %arg12[%parallel_loop3A_1110, %parallel_loop3A_1111] {strides = array<i32>} : memref<128x128xf32, #tpu.memory_space<vmem>>, vector<16xf32>,
        %parallel_loop3A_1113 = arith.index_cast %parallel_loop3A_1095 : i32 to index
        %parallel_loop3A_1114 = arith.constant 32 : index
        %parallel_loop3A_1115 = tpu.vector_load %arg14[%parallel_loop3A_1113, %parallel_loop3A_1114] {strides = array<i32>} : memref<128x128xf32, #tpu.memory_space<vmem>>, vector<16xf32>,
        %parallel_loop3A_1116 = arith.mulf %parallel_loop3A_1112, %parallel_loop3A_1115 : vector<16xf32>
        %parallel_loop3A_1117 = arith.addf %parallel_loop3A_1102, %parallel_loop3A_1116 : vector<16xf32>
        %parallel_loop3A_1118 = arith.index_cast %parallel_loop3A_1095 : i32 to index
        %parallel_loop3A_1119 = arith.constant 48 : index
        %parallel_loop3A_1120 = tpu.vector_load %arg12[%parallel_loop3A_1118, %parallel_loop3A_1119] {strides = array<i32>} : memref<128x128xf32, #tpu.memory_space<vmem>>, vector<16xf32>,
        %parallel_loop3A_1121 = arith.index_cast %parallel_loop3A_1095 : i32 to index
        %parallel_loop3A_1122 = arith.constant 48 : index
        %parallel_loop3A_1123 = tpu.vector_load %arg14[%parallel_loop3A_1121, %parallel_loop3A_1122] {strides = array<i32>} : memref<128x128xf32, #tpu.memory_space<vmem>>, vector<16xf32>,
        %parallel_loop3A_1124 = arith.mulf %parallel_loop3A_1120, %parallel_loop3A_1123 : vector<16xf32>
        %parallel_loop3A_1125 = arith.addf %parallel_loop3A_1109, %parallel_loop3A_1124 : vector<16xf32>
        %parallel_loop3A_1126 = arith.index_cast %parallel_loop3A_1095 : i32 to index
        %parallel_loop3A_1127 = arith.constant 64 : index
        %parallel_loop3A_1128 = tpu.vector_load %arg12[%parallel_loop3A_1126, %parallel_loop3A_1127] {strides = array<i32>} : memref<128x128xf32, #tpu.memory_space<vmem>>, vector<16xf32>,
        %parallel_loop3A_1129 = arith.index_cast %parallel_loop3A_1095 : i32 to index
        %parallel_loop3A_1130 = arith.constant 64 : index
        %parallel_loop3A_1131 = tpu.vector_load %arg14[%parallel_loop3A_1129, %parallel_loop3A_1130] {strides = array<i32>} : memref<128x128xf32, #tpu.memory_space<vmem>>, vector<16xf32>,
        %parallel_loop3A_1132 = arith.mulf %parallel_loop3A_1128, %parallel_loop3A_1131 : vector<16xf32>
        %parallel_loop3A_1133 = arith.addf %parallel_loop3A_1117, %parallel_loop3A_1132 : vector<16xf32>
        %parallel_loop3A_1134 = arith.index_cast %parallel_loop3A_1095 : i32 to index
        %parallel_loop3A_1135 = arith.constant 80 : index
        %parallel_loop3A_1136 = tpu.vector_load %arg12[%parallel_loop3A_1134, %parallel_loop3A_1135] {strides = array<i32>} : memref<128x128xf32, #tpu.memory_space<vmem>>, vector<16xf32>,
        %parallel_loop3A_1137 = arith.index_cast %parallel_loop3A_1095 : i32 to index
        %parallel_loop3A_1138 = arith.constant 80 : index
        %parallel_loop3A_1139 = tpu.vector_load %arg14[%parallel_loop3A_1137, %parallel_loop3A_1138] {strides = array<i32>} : memref<128x128xf32, #tpu.memory_space<vmem>>, vector<16xf32>,
        %parallel_loop3A_1140 = arith.mulf %parallel_loop3A_1136, %parallel_loop3A_1139 : vector<16xf32>
        %parallel_loop3A_1141 = arith.addf %parallel_loop3A_1125, %parallel_loop3A_1140 : vector<16xf32>
        %parallel_loop3A_1142 = arith.index_cast %parallel_loop3A_1095 : i32 to index
        %parallel_loop3A_1143 = arith.constant 96 : index
        %parallel_loop3A_1144 = tpu.vector_load %arg12[%parallel_loop3A_1142, %parallel_loop3A_1143] {strides = array<i32>} : memref<128x128xf32, #tpu.memory_space<vmem>>, vector<16xf32>,
        %parallel_loop3A_1145 = arith.index_cast %parallel_loop3A_1095 : i32 to index
        %parallel_loop3A_1146 = arith.constant 96 : index
        %parallel_loop3A_1147 = tpu.vector_load %arg14[%parallel_loop3A_1145, %parallel_loop3A_1146] {strides = array<i32>} : memref<128x128xf32, #tpu.memory_space<vmem>>, vector<16xf32>,
        %parallel_loop3A_1148 = arith.mulf %parallel_loop3A_1144, %parallel_loop3A_1147 : vector<16xf32>
        %parallel_loop3A_1149 = arith.addf %parallel_loop3A_1133, %parallel_loop3A_1148 : vector<16xf32>
        %parallel_loop3A_1150 = arith.index_cast %parallel_loop3A_1095 : i32 to index
        %parallel_loop3A_1151 = arith.constant 112 : index
        %parallel_loop3A_1152 = tpu.vector_load %arg12[%parallel_loop3A_1150, %parallel_loop3A_1151] {strides = array<i32>} : memref<128x128xf32, #tpu.memory_space<vmem>>, vector<16xf32>,
        %parallel_loop3A_1153 = arith.index_cast %parallel_loop3A_1095 : i32 to index
        %parallel_loop3A_1154 = arith.constant 112 : index
        %parallel_loop3A_1155 = tpu.vector_load %arg14[%parallel_loop3A_1153, %parallel_loop3A_1154] {strides = array<i32>} : memref<128x128xf32, #tpu.memory_space<vmem>>, vector<16xf32>,
        %parallel_loop3A_1156 = arith.mulf %parallel_loop3A_1152, %parallel_loop3A_1155 : vector<16xf32>
        %parallel_loop3A_1157 = arith.addf %parallel_loop3A_1141, %parallel_loop3A_1156 : vector<16xf32>
        %parallel_loop3A_1158 = arith.addf %parallel_loop3A_1149, %parallel_loop3A_1157 : vector<16xf32>
        %parallel_loop3A_1159 = arith.constant 16 : i32
        %parallel_loop3A_1160 = arith.muli %parallel_loop3A_153, %parallel_loop3A_1159 : i32
        %parallel_loop3A_1161 = arith.constant 15 : i32
        %parallel_loop3A_1162 = arith.addi %parallel_loop3A_1160, %parallel_loop3A_1161 : i32
        %parallel_loop3A_1163 = arith.index_cast %parallel_loop3A_1162 : i32 to index
        %parallel_loop3A_1164 = arith.constant 0 : index
        %parallel_loop3A_1165 = tpu.vector_load %arg12[%parallel_loop3A_1163, %parallel_loop3A_1164] {strides = array<i32>} : memref<128x128xf32, #tpu.memory_space<vmem>>, vector<16xf32>,
        %parallel_loop3A_1166 = arith.index_cast %parallel_loop3A_1162 : i32 to index
        %parallel_loop3A_1167 = arith.constant 0 : index
        %parallel_loop3A_1168 = tpu.vector_load %arg14[%parallel_loop3A_1166, %parallel_loop3A_1167] {strides = array<i32>} : memref<128x128xf32, #tpu.memory_space<vmem>>, vector<16xf32>,
        %parallel_loop3A_1169 = arith.mulf %parallel_loop3A_1165, %parallel_loop3A_1168 : vector<16xf32>
        %parallel_loop3A_1170 = arith.index_cast %parallel_loop3A_1162 : i32 to index
        %parallel_loop3A_1171 = arith.constant 16 : index
        %parallel_loop3A_1172 = tpu.vector_load %arg12[%parallel_loop3A_1170, %parallel_loop3A_1171] {strides = array<i32>} : memref<128x128xf32, #tpu.memory_space<vmem>>, vector<16xf32>,
        %parallel_loop3A_1173 = arith.index_cast %parallel_loop3A_1162 : i32 to index
        %parallel_loop3A_1174 = arith.constant 16 : index
        %parallel_loop3A_1175 = tpu.vector_load %arg14[%parallel_loop3A_1173, %parallel_loop3A_1174] {strides = array<i32>} : memref<128x128xf32, #tpu.memory_space<vmem>>, vector<16xf32>,
        %parallel_loop3A_1176 = arith.mulf %parallel_loop3A_1172, %parallel_loop3A_1175 : vector<16xf32>
        %parallel_loop3A_1177 = arith.index_cast %parallel_loop3A_1162 : i32 to index
        %parallel_loop3A_1178 = arith.constant 32 : index
        %parallel_loop3A_1179 = tpu.vector_load %arg12[%parallel_loop3A_1177, %parallel_loop3A_1178] {strides = array<i32>} : memref<128x128xf32, #tpu.memory_space<vmem>>, vector<16xf32>,
        %parallel_loop3A_1180 = arith.index_cast %parallel_loop3A_1162 : i32 to index
        %parallel_loop3A_1181 = arith.constant 32 : index
        %parallel_loop3A_1182 = tpu.vector_load %arg14[%parallel_loop3A_1180, %parallel_loop3A_1181] {strides = array<i32>} : memref<128x128xf32, #tpu.memory_space<vmem>>, vector<16xf32>,
        %parallel_loop3A_1183 = arith.mulf %parallel_loop3A_1179, %parallel_loop3A_1182 : vector<16xf32>
        %parallel_loop3A_1184 = arith.addf %parallel_loop3A_1169, %parallel_loop3A_1183 : vector<16xf32>
        %parallel_loop3A_1185 = arith.index_cast %parallel_loop3A_1162 : i32 to index
        %parallel_loop3A_1186 = arith.constant 48 : index
        %parallel_loop3A_1187 = tpu.vector_load %arg12[%parallel_loop3A_1185, %parallel_loop3A_1186] {strides = array<i32>} : memref<128x128xf32, #tpu.memory_space<vmem>>, vector<16xf32>,
        %parallel_loop3A_1188 = arith.index_cast %parallel_loop3A_1162 : i32 to index
        %parallel_loop3A_1189 = arith.constant 48 : index
        %parallel_loop3A_1190 = tpu.vector_load %arg14[%parallel_loop3A_1188, %parallel_loop3A_1189] {strides = array<i32>} : memref<128x128xf32, #tpu.memory_space<vmem>>, vector<16xf32>,
        %parallel_loop3A_1191 = arith.mulf %parallel_loop3A_1187, %parallel_loop3A_1190 : vector<16xf32>
        %parallel_loop3A_1192 = arith.addf %parallel_loop3A_1176, %parallel_loop3A_1191 : vector<16xf32>
        %parallel_loop3A_1193 = arith.index_cast %parallel_loop3A_1162 : i32 to index
        %parallel_loop3A_1194 = arith.constant 64 : index
        %parallel_loop3A_1195 = tpu.vector_load %arg12[%parallel_loop3A_1193, %parallel_loop3A_1194] {strides = array<i32>} : memref<128x128xf32, #tpu.memory_space<vmem>>, vector<16xf32>,
        %parallel_loop3A_1196 = arith.index_cast %parallel_loop3A_1162 : i32 to index
        %parallel_loop3A_1197 = arith.constant 64 : index
        %parallel_loop3A_1198 = tpu.vector_load %arg14[%parallel_loop3A_1196, %parallel_loop3A_1197] {strides = array<i32>} : memref<128x128xf32, #tpu.memory_space<vmem>>, vector<16xf32>,
        %parallel_loop3A_1199 = arith.mulf %parallel_loop3A_1195, %parallel_loop3A_1198 : vector<16xf32>
        %parallel_loop3A_1200 = arith.addf %parallel_loop3A_1184, %parallel_loop3A_1199 : vector<16xf32>
        %parallel_loop3A_1201 = arith.index_cast %parallel_loop3A_1162 : i32 to index
        %parallel_loop3A_1202 = arith.constant 80 : index
        %parallel_loop3A_1203 = tpu.vector_load %arg12[%parallel_loop3A_1201, %parallel_loop3A_1202] {strides = array<i32>} : memref<128x128xf32, #tpu.memory_space<vmem>>, vector<16xf32>,
        %parallel_loop3A_1204 = arith.index_cast %parallel_loop3A_1162 : i32 to index
        %parallel_loop3A_1205 = arith.constant 80 : index
        %parallel_loop3A_1206 = tpu.vector_load %arg14[%parallel_loop3A_1204, %parallel_loop3A_1205] {strides = array<i32>} : memref<128x128xf32, #tpu.memory_space<vmem>>, vector<16xf32>,
        %parallel_loop3A_1207 = arith.mulf %parallel_loop3A_1203, %parallel_loop3A_1206 : vector<16xf32>
        %parallel_loop3A_1208 = arith.addf %parallel_loop3A_1192, %parallel_loop3A_1207 : vector<16xf32>
        %parallel_loop3A_1209 = arith.index_cast %parallel_loop3A_1162 : i32 to index
        %parallel_loop3A_1210 = arith.constant 96 : index
        %parallel_loop3A_1211 = tpu.vector_load %arg12[%parallel_loop3A_1209, %parallel_loop3A_1210] {strides = array<i32>} : memref<128x128xf32, #tpu.memory_space<vmem>>, vector<16xf32>,
        %parallel_loop3A_1212 = arith.index_cast %parallel_loop3A_1162 : i32 to index
        %parallel_loop3A_1213 = arith.constant 96 : index
        %parallel_loop3A_1214 = tpu.vector_load %arg14[%parallel_loop3A_1212, %parallel_loop3A_1213] {strides = array<i32>} : memref<128x128xf32, #tpu.memory_space<vmem>>, vector<16xf32>,
        %parallel_loop3A_1215 = arith.mulf %parallel_loop3A_1211, %parallel_loop3A_1214 : vector<16xf32>
        %parallel_loop3A_1216 = arith.addf %parallel_loop3A_1200, %parallel_loop3A_1215 : vector<16xf32>
        %parallel_loop3A_1217 = arith.index_cast %parallel_loop3A_1162 : i32 to index
        %parallel_loop3A_1218 = arith.constant 112 : index
        %parallel_loop3A_1219 = tpu.vector_load %arg12[%parallel_loop3A_1217, %parallel_loop3A_1218] {strides = array<i32>} : memref<128x128xf32, #tpu.memory_space<vmem>>, vector<16xf32>,
        %parallel_loop3A_1220 = arith.index_cast %parallel_loop3A_1162 : i32 to index
        %parallel_loop3A_1221 = arith.constant 112 : index
        %parallel_loop3A_1222 = tpu.vector_load %arg14[%parallel_loop3A_1220, %parallel_loop3A_1221] {strides = array<i32>} : memref<128x128xf32, #tpu.memory_space<vmem>>, vector<16xf32>,
        %parallel_loop3A_1223 = arith.mulf %parallel_loop3A_1219, %parallel_loop3A_1222 : vector<16xf32>
        %parallel_loop3A_1224 = arith.addf %parallel_loop3A_1208, %parallel_loop3A_1223 : vector<16xf32>
        %parallel_loop3A_1225 = arith.addf %parallel_loop3A_1216, %parallel_loop3A_1224 : vector<16xf32>
        %parallel_loop3A_1226 = arith.constant 1 : i32
        %parallel_loop3A_1227 = vector.broadcast %parallel_loop3A_1226 : i32 to vector<16xi32>
        %parallel_loop3A_1228 = arith.andi %iota3A, %parallel_loop3A_1227 : vector<16xi32>
        %parallel_loop3A_1229 = arith.constant 0 : i32
        %parallel_loop3A_1230 = vector.broadcast %parallel_loop3A_1229 : i32 to vector<16xi32>
        %parallel_loop3A_1231 = arith.cmpi eq, %parallel_loop3A_1228, %parallel_loop3A_1230 : vector<16xi32>
        %parallel_loop3A_1232 = arith.constant 1 : i32
        %parallel_loop3A_1233 = vector.broadcast %parallel_loop3A_1232 : i32 to vector<16xi32>
        %parallel_loop3A_1234 = arith.xori %iota3A, %parallel_loop3A_1233 : vector<16xi32>
        %parallel_loop3A_1235 = arith.constant 0 : i32
        %parallel_loop3A_1236 = vector.broadcast %parallel_loop3A_1235 : i32 to vector<16xi32>
        %parallel_loop3A_1237 = arith.cmpi slt, %parallel_loop3A_1234, %parallel_loop3A_1236 : vector<16xi32>
        %parallel_loop3A_1238 = arith.constant 16 : i32
        %parallel_loop3A_1239 = vector.broadcast %parallel_loop3A_1238 : i32 to vector<16xi32>
        %parallel_loop3A_1240 = arith.addi %parallel_loop3A_1234, %parallel_loop3A_1239 : vector<16xi32>
        %parallel_loop3A_1241 = arith.select %parallel_loop3A_1237, %parallel_loop3A_1240, %parallel_loop3A_1234 : vector<16xi1>, vector<16xi32>
        %parallel_loop3A_1242 = vector.shape_cast %parallel_loop3A_1241 : vector<16xi32> to vector<16x1xi32>
        %parallel_loop3A_1243 = vector.shape_cast %parallel_loop3A_1242 : vector<16x1xi32> to vector<16xi32>
        %parallel_loop3A_1244 = tpu.dynamic_gather %parallel_loop3A_220[%parallel_loop3A_1243] in [0] : vector<16xf32>, vector<16xi32> -> vector<16xf32>
        %parallel_loop3A_1245 = arith.constant 0 : i32
        %parallel_loop3A_1246 = vector.broadcast %parallel_loop3A_1245 : i32 to vector<16xi32>
        %parallel_loop3A_1247 = arith.cmpi slt, %parallel_loop3A_1234, %parallel_loop3A_1246 : vector<16xi32>
        %parallel_loop3A_1248 = arith.constant 16 : i32
        %parallel_loop3A_1249 = vector.broadcast %parallel_loop3A_1248 : i32 to vector<16xi32>
        %parallel_loop3A_1250 = arith.addi %parallel_loop3A_1234, %parallel_loop3A_1249 : vector<16xi32>
        %parallel_loop3A_1251 = arith.select %parallel_loop3A_1247, %parallel_loop3A_1250, %parallel_loop3A_1234 : vector<16xi1>, vector<16xi32>
        %parallel_loop3A_1252 = vector.shape_cast %parallel_loop3A_1251 : vector<16xi32> to vector<16x1xi32>
        %parallel_loop3A_1253 = vector.shape_cast %parallel_loop3A_1252 : vector<16x1xi32> to vector<16xi32>
        %parallel_loop3A_1254 = tpu.dynamic_gather %parallel_loop3A_287[%parallel_loop3A_1253] in [0] : vector<16xf32>, vector<16xi32> -> vector<16xf32>
        %parallel_loop3A_1255 = arith.select %parallel_loop3A_1231, %parallel_loop3A_220, %parallel_loop3A_1254 : vector<16xi1>, vector<16xf32>
        %parallel_loop3A_1256 = arith.select %parallel_loop3A_1231, %parallel_loop3A_1244, %parallel_loop3A_287 : vector<16xi1>, vector<16xf32>
        %parallel_loop3A_1257 = arith.addf %parallel_loop3A_1255, %parallel_loop3A_1256 : vector<16xf32>
        %parallel_loop3A_1258 = arith.constant 0 : i32
        %parallel_loop3A_1259 = vector.broadcast %parallel_loop3A_1258 : i32 to vector<16xi32>
        %parallel_loop3A_1260 = arith.cmpi slt, %parallel_loop3A_1234, %parallel_loop3A_1259 : vector<16xi32>
        %parallel_loop3A_1261 = arith.constant 16 : i32
        %parallel_loop3A_1262 = vector.broadcast %parallel_loop3A_1261 : i32 to vector<16xi32>
        %parallel_loop3A_1263 = arith.addi %parallel_loop3A_1234, %parallel_loop3A_1262 : vector<16xi32>
        %parallel_loop3A_1264 = arith.select %parallel_loop3A_1260, %parallel_loop3A_1263, %parallel_loop3A_1234 : vector<16xi1>, vector<16xi32>
        %parallel_loop3A_1265 = vector.shape_cast %parallel_loop3A_1264 : vector<16xi32> to vector<16x1xi32>
        %parallel_loop3A_1266 = vector.shape_cast %parallel_loop3A_1265 : vector<16x1xi32> to vector<16xi32>
        %parallel_loop3A_1267 = tpu.dynamic_gather %parallel_loop3A_354[%parallel_loop3A_1266] in [0] : vector<16xf32>, vector<16xi32> -> vector<16xf32>
        %parallel_loop3A_1268 = arith.constant 0 : i32
        %parallel_loop3A_1269 = vector.broadcast %parallel_loop3A_1268 : i32 to vector<16xi32>
        %parallel_loop3A_1270 = arith.cmpi slt, %parallel_loop3A_1234, %parallel_loop3A_1269 : vector<16xi32>
        %parallel_loop3A_1271 = arith.constant 16 : i32
        %parallel_loop3A_1272 = vector.broadcast %parallel_loop3A_1271 : i32 to vector<16xi32>
        %parallel_loop3A_1273 = arith.addi %parallel_loop3A_1234, %parallel_loop3A_1272 : vector<16xi32>
        %parallel_loop3A_1274 = arith.select %parallel_loop3A_1270, %parallel_loop3A_1273, %parallel_loop3A_1234 : vector<16xi1>, vector<16xi32>
        %parallel_loop3A_1275 = vector.shape_cast %parallel_loop3A_1274 : vector<16xi32> to vector<16x1xi32>
        %parallel_loop3A_1276 = vector.shape_cast %parallel_loop3A_1275 : vector<16x1xi32> to vector<16xi32>
        %parallel_loop3A_1277 = tpu.dynamic_gather %parallel_loop3A_421[%parallel_loop3A_1276] in [0] : vector<16xf32>, vector<16xi32> -> vector<16xf32>
        %parallel_loop3A_1278 = arith.select %parallel_loop3A_1231, %parallel_loop3A_354, %parallel_loop3A_1277 : vector<16xi1>, vector<16xf32>
        %parallel_loop3A_1279 = arith.select %parallel_loop3A_1231, %parallel_loop3A_1267, %parallel_loop3A_421 : vector<16xi1>, vector<16xf32>
        %parallel_loop3A_1280 = arith.addf %parallel_loop3A_1278, %parallel_loop3A_1279 : vector<16xf32>
        %parallel_loop3A_1281 = arith.constant 0 : i32
        %parallel_loop3A_1282 = vector.broadcast %parallel_loop3A_1281 : i32 to vector<16xi32>
        %parallel_loop3A_1283 = arith.cmpi slt, %parallel_loop3A_1234, %parallel_loop3A_1282 : vector<16xi32>
        %parallel_loop3A_1284 = arith.constant 16 : i32
        %parallel_loop3A_1285 = vector.broadcast %parallel_loop3A_1284 : i32 to vector<16xi32>
        %parallel_loop3A_1286 = arith.addi %parallel_loop3A_1234, %parallel_loop3A_1285 : vector<16xi32>
        %parallel_loop3A_1287 = arith.select %parallel_loop3A_1283, %parallel_loop3A_1286, %parallel_loop3A_1234 : vector<16xi1>, vector<16xi32>
        %parallel_loop3A_1288 = vector.shape_cast %parallel_loop3A_1287 : vector<16xi32> to vector<16x1xi32>
        %parallel_loop3A_1289 = vector.shape_cast %parallel_loop3A_1288 : vector<16x1xi32> to vector<16xi32>
        %parallel_loop3A_1290 = tpu.dynamic_gather %parallel_loop3A_488[%parallel_loop3A_1289] in [0] : vector<16xf32>, vector<16xi32> -> vector<16xf32>
        %parallel_loop3A_1291 = arith.constant 0 : i32
        %parallel_loop3A_1292 = vector.broadcast %parallel_loop3A_1291 : i32 to vector<16xi32>
        %parallel_loop3A_1293 = arith.cmpi slt, %parallel_loop3A_1234, %parallel_loop3A_1292 : vector<16xi32>
        %parallel_loop3A_1294 = arith.constant 16 : i32
        %parallel_loop3A_1295 = vector.broadcast %parallel_loop3A_1294 : i32 to vector<16xi32>
        %parallel_loop3A_1296 = arith.addi %parallel_loop3A_1234, %parallel_loop3A_1295 : vector<16xi32>
        %parallel_loop3A_1297 = arith.select %parallel_loop3A_1293, %parallel_loop3A_1296, %parallel_loop3A_1234 : vector<16xi1>, vector<16xi32>
        %parallel_loop3A_1298 = vector.shape_cast %parallel_loop3A_1297 : vector<16xi32> to vector<16x1xi32>
        %parallel_loop3A_1299 = vector.shape_cast %parallel_loop3A_1298 : vector<16x1xi32> to vector<16xi32>
        %parallel_loop3A_1300 = tpu.dynamic_gather %parallel_loop3A_555[%parallel_loop3A_1299] in [0] : vector<16xf32>, vector<16xi32> -> vector<16xf32>
        %parallel_loop3A_1301 = arith.select %parallel_loop3A_1231, %parallel_loop3A_488, %parallel_loop3A_1300 : vector<16xi1>, vector<16xf32>
        %parallel_loop3A_1302 = arith.select %parallel_loop3A_1231, %parallel_loop3A_1290, %parallel_loop3A_555 : vector<16xi1>, vector<16xf32>
        %parallel_loop3A_1303 = arith.addf %parallel_loop3A_1301, %parallel_loop3A_1302 : vector<16xf32>
        %parallel_loop3A_1304 = arith.constant 0 : i32
        %parallel_loop3A_1305 = vector.broadcast %parallel_loop3A_1304 : i32 to vector<16xi32>
        %parallel_loop3A_1306 = arith.cmpi slt, %parallel_loop3A_1234, %parallel_loop3A_1305 : vector<16xi32>
        %parallel_loop3A_1307 = arith.constant 16 : i32
        %parallel_loop3A_1308 = vector.broadcast %parallel_loop3A_1307 : i32 to vector<16xi32>
        %parallel_loop3A_1309 = arith.addi %parallel_loop3A_1234, %parallel_loop3A_1308 : vector<16xi32>
        %parallel_loop3A_1310 = arith.select %parallel_loop3A_1306, %parallel_loop3A_1309, %parallel_loop3A_1234 : vector<16xi1>, vector<16xi32>
        %parallel_loop3A_1311 = vector.shape_cast %parallel_loop3A_1310 : vector<16xi32> to vector<16x1xi32>
        %parallel_loop3A_1312 = vector.shape_cast %parallel_loop3A_1311 : vector<16x1xi32> to vector<16xi32>
        %parallel_loop3A_1313 = tpu.dynamic_gather %parallel_loop3A_622[%parallel_loop3A_1312] in [0] : vector<16xf32>, vector<16xi32> -> vector<16xf32>
        %parallel_loop3A_1314 = arith.constant 0 : i32
        %parallel_loop3A_1315 = vector.broadcast %parallel_loop3A_1314 : i32 to vector<16xi32>
        %parallel_loop3A_1316 = arith.cmpi slt, %parallel_loop3A_1234, %parallel_loop3A_1315 : vector<16xi32>
        %parallel_loop3A_1317 = arith.constant 16 : i32
        %parallel_loop3A_1318 = vector.broadcast %parallel_loop3A_1317 : i32 to vector<16xi32>
        %parallel_loop3A_1319 = arith.addi %parallel_loop3A_1234, %parallel_loop3A_1318 : vector<16xi32>
        %parallel_loop3A_1320 = arith.select %parallel_loop3A_1316, %parallel_loop3A_1319, %parallel_loop3A_1234 : vector<16xi1>, vector<16xi32>
        %parallel_loop3A_1321 = vector.shape_cast %parallel_loop3A_1320 : vector<16xi32> to vector<16x1xi32>
        %parallel_loop3A_1322 = vector.shape_cast %parallel_loop3A_1321 : vector<16x1xi32> to vector<16xi32>
        %parallel_loop3A_1323 = tpu.dynamic_gather %parallel_loop3A_689[%parallel_loop3A_1322] in [0] : vector<16xf32>, vector<16xi32> -> vector<16xf32>
        %parallel_loop3A_1324 = arith.select %parallel_loop3A_1231, %parallel_loop3A_622, %parallel_loop3A_1323 : vector<16xi1>, vector<16xf32>
        %parallel_loop3A_1325 = arith.select %parallel_loop3A_1231, %parallel_loop3A_1313, %parallel_loop3A_689 : vector<16xi1>, vector<16xf32>
        %parallel_loop3A_1326 = arith.addf %parallel_loop3A_1324, %parallel_loop3A_1325 : vector<16xf32>
        %parallel_loop3A_1327 = arith.constant 0 : i32
        %parallel_loop3A_1328 = vector.broadcast %parallel_loop3A_1327 : i32 to vector<16xi32>
        %parallel_loop3A_1329 = arith.cmpi slt, %parallel_loop3A_1234, %parallel_loop3A_1328 : vector<16xi32>
        %parallel_loop3A_1330 = arith.constant 16 : i32
        %parallel_loop3A_1331 = vector.broadcast %parallel_loop3A_1330 : i32 to vector<16xi32>
        %parallel_loop3A_1332 = arith.addi %parallel_loop3A_1234, %parallel_loop3A_1331 : vector<16xi32>
        %parallel_loop3A_1333 = arith.select %parallel_loop3A_1329, %parallel_loop3A_1332, %parallel_loop3A_1234 : vector<16xi1>, vector<16xi32>
        %parallel_loop3A_1334 = vector.shape_cast %parallel_loop3A_1333 : vector<16xi32> to vector<16x1xi32>
        %parallel_loop3A_1335 = vector.shape_cast %parallel_loop3A_1334 : vector<16x1xi32> to vector<16xi32>
        %parallel_loop3A_1336 = tpu.dynamic_gather %parallel_loop3A_756[%parallel_loop3A_1335] in [0] : vector<16xf32>, vector<16xi32> -> vector<16xf32>
        %parallel_loop3A_1337 = arith.constant 0 : i32
        %parallel_loop3A_1338 = vector.broadcast %parallel_loop3A_1337 : i32 to vector<16xi32>
        %parallel_loop3A_1339 = arith.cmpi slt, %parallel_loop3A_1234, %parallel_loop3A_1338 : vector<16xi32>
        %parallel_loop3A_1340 = arith.constant 16 : i32
        %parallel_loop3A_1341 = vector.broadcast %parallel_loop3A_1340 : i32 to vector<16xi32>
        %parallel_loop3A_1342 = arith.addi %parallel_loop3A_1234, %parallel_loop3A_1341 : vector<16xi32>
        %parallel_loop3A_1343 = arith.select %parallel_loop3A_1339, %parallel_loop3A_1342, %parallel_loop3A_1234 : vector<16xi1>, vector<16xi32>
        %parallel_loop3A_1344 = vector.shape_cast %parallel_loop3A_1343 : vector<16xi32> to vector<16x1xi32>
        %parallel_loop3A_1345 = vector.shape_cast %parallel_loop3A_1344 : vector<16x1xi32> to vector<16xi32>
        %parallel_loop3A_1346 = tpu.dynamic_gather %parallel_loop3A_823[%parallel_loop3A_1345] in [0] : vector<16xf32>, vector<16xi32> -> vector<16xf32>
        %parallel_loop3A_1347 = arith.select %parallel_loop3A_1231, %parallel_loop3A_756, %parallel_loop3A_1346 : vector<16xi1>, vector<16xf32>
        %parallel_loop3A_1348 = arith.select %parallel_loop3A_1231, %parallel_loop3A_1336, %parallel_loop3A_823 : vector<16xi1>, vector<16xf32>
        %parallel_loop3A_1349 = arith.addf %parallel_loop3A_1347, %parallel_loop3A_1348 : vector<16xf32>
        %parallel_loop3A_1350 = arith.constant 0 : i32
        %parallel_loop3A_1351 = vector.broadcast %parallel_loop3A_1350 : i32 to vector<16xi32>
        %parallel_loop3A_1352 = arith.cmpi slt, %parallel_loop3A_1234, %parallel_loop3A_1351 : vector<16xi32>
        %parallel_loop3A_1353 = arith.constant 16 : i32
        %parallel_loop3A_1354 = vector.broadcast %parallel_loop3A_1353 : i32 to vector<16xi32>
        %parallel_loop3A_1355 = arith.addi %parallel_loop3A_1234, %parallel_loop3A_1354 : vector<16xi32>
        %parallel_loop3A_1356 = arith.select %parallel_loop3A_1352, %parallel_loop3A_1355, %parallel_loop3A_1234 : vector<16xi1>, vector<16xi32>
        %parallel_loop3A_1357 = vector.shape_cast %parallel_loop3A_1356 : vector<16xi32> to vector<16x1xi32>
        %parallel_loop3A_1358 = vector.shape_cast %parallel_loop3A_1357 : vector<16x1xi32> to vector<16xi32>
        %parallel_loop3A_1359 = tpu.dynamic_gather %parallel_loop3A_890[%parallel_loop3A_1358] in [0] : vector<16xf32>, vector<16xi32> -> vector<16xf32>
        %parallel_loop3A_1360 = arith.constant 0 : i32
        %parallel_loop3A_1361 = vector.broadcast %parallel_loop3A_1360 : i32 to vector<16xi32>
        %parallel_loop3A_1362 = arith.cmpi slt, %parallel_loop3A_1234, %parallel_loop3A_1361 : vector<16xi32>
        %parallel_loop3A_1363 = arith.constant 16 : i32
        %parallel_loop3A_1364 = vector.broadcast %parallel_loop3A_1363 : i32 to vector<16xi32>
        %parallel_loop3A_1365 = arith.addi %parallel_loop3A_1234, %parallel_loop3A_1364 : vector<16xi32>
        %parallel_loop3A_1366 = arith.select %parallel_loop3A_1362, %parallel_loop3A_1365, %parallel_loop3A_1234 : vector<16xi1>, vector<16xi32>
        %parallel_loop3A_1367 = vector.shape_cast %parallel_loop3A_1366 : vector<16xi32> to vector<16x1xi32>
        %parallel_loop3A_1368 = vector.shape_cast %parallel_loop3A_1367 : vector<16x1xi32> to vector<16xi32>
        %parallel_loop3A_1369 = tpu.dynamic_gather %parallel_loop3A_957[%parallel_loop3A_1368] in [0] : vector<16xf32>, vector<16xi32> -> vector<16xf32>
        %parallel_loop3A_1370 = arith.select %parallel_loop3A_1231, %parallel_loop3A_890, %parallel_loop3A_1369 : vector<16xi1>, vector<16xf32>
        %parallel_loop3A_1371 = arith.select %parallel_loop3A_1231, %parallel_loop3A_1359, %parallel_loop3A_957 : vector<16xi1>, vector<16xf32>
        %parallel_loop3A_1372 = arith.addf %parallel_loop3A_1370, %parallel_loop3A_1371 : vector<16xf32>
        %parallel_loop3A_1373 = arith.constant 0 : i32
        %parallel_loop3A_1374 = vector.broadcast %parallel_loop3A_1373 : i32 to vector<16xi32>
        %parallel_loop3A_1375 = arith.cmpi slt, %parallel_loop3A_1234, %parallel_loop3A_1374 : vector<16xi32>
        %parallel_loop3A_1376 = arith.constant 16 : i32
        %parallel_loop3A_1377 = vector.broadcast %parallel_loop3A_1376 : i32 to vector<16xi32>
        %parallel_loop3A_1378 = arith.addi %parallel_loop3A_1234, %parallel_loop3A_1377 : vector<16xi32>
        %parallel_loop3A_1379 = arith.select %parallel_loop3A_1375, %parallel_loop3A_1378, %parallel_loop3A_1234 : vector<16xi1>, vector<16xi32>
        %parallel_loop3A_1380 = vector.shape_cast %parallel_loop3A_1379 : vector<16xi32> to vector<16x1xi32>
        %parallel_loop3A_1381 = vector.shape_cast %parallel_loop3A_1380 : vector<16x1xi32> to vector<16xi32>
        %parallel_loop3A_1382 = tpu.dynamic_gather %parallel_loop3A_1024[%parallel_loop3A_1381] in [0] : vector<16xf32>, vector<16xi32> -> vector<16xf32>
        %parallel_loop3A_1383 = arith.constant 0 : i32
        %parallel_loop3A_1384 = vector.broadcast %parallel_loop3A_1383 : i32 to vector<16xi32>
        %parallel_loop3A_1385 = arith.cmpi slt, %parallel_loop3A_1234, %parallel_loop3A_1384 : vector<16xi32>
        %parallel_loop3A_1386 = arith.constant 16 : i32
        %parallel_loop3A_1387 = vector.broadcast %parallel_loop3A_1386 : i32 to vector<16xi32>
        %parallel_loop3A_1388 = arith.addi %parallel_loop3A_1234, %parallel_loop3A_1387 : vector<16xi32>
        %parallel_loop3A_1389 = arith.select %parallel_loop3A_1385, %parallel_loop3A_1388, %parallel_loop3A_1234 : vector<16xi1>, vector<16xi32>
        %parallel_loop3A_1390 = vector.shape_cast %parallel_loop3A_1389 : vector<16xi32> to vector<16x1xi32>
        %parallel_loop3A_1391 = vector.shape_cast %parallel_loop3A_1390 : vector<16x1xi32> to vector<16xi32>
        %parallel_loop3A_1392 = tpu.dynamic_gather %parallel_loop3A_1091[%parallel_loop3A_1391] in [0] : vector<16xf32>, vector<16xi32> -> vector<16xf32>
        %parallel_loop3A_1393 = arith.select %parallel_loop3A_1231, %parallel_loop3A_1024, %parallel_loop3A_1392 : vector<16xi1>, vector<16xf32>
        %parallel_loop3A_1394 = arith.select %parallel_loop3A_1231, %parallel_loop3A_1382, %parallel_loop3A_1091 : vector<16xi1>, vector<16xf32>
        %parallel_loop3A_1395 = arith.addf %parallel_loop3A_1393, %parallel_loop3A_1394 : vector<16xf32>
        %parallel_loop3A_1396 = arith.constant 0 : i32
        %parallel_loop3A_1397 = vector.broadcast %parallel_loop3A_1396 : i32 to vector<16xi32>
        %parallel_loop3A_1398 = arith.cmpi slt, %parallel_loop3A_1234, %parallel_loop3A_1397 : vector<16xi32>
        %parallel_loop3A_1399 = arith.constant 16 : i32
        %parallel_loop3A_1400 = vector.broadcast %parallel_loop3A_1399 : i32 to vector<16xi32>
        %parallel_loop3A_1401 = arith.addi %parallel_loop3A_1234, %parallel_loop3A_1400 : vector<16xi32>
        %parallel_loop3A_1402 = arith.select %parallel_loop3A_1398, %parallel_loop3A_1401, %parallel_loop3A_1234 : vector<16xi1>, vector<16xi32>
        %parallel_loop3A_1403 = vector.shape_cast %parallel_loop3A_1402 : vector<16xi32> to vector<16x1xi32>
        %parallel_loop3A_1404 = vector.shape_cast %parallel_loop3A_1403 : vector<16x1xi32> to vector<16xi32>
        %parallel_loop3A_1405 = tpu.dynamic_gather %parallel_loop3A_1158[%parallel_loop3A_1404] in [0] : vector<16xf32>, vector<16xi32> -> vector<16xf32>
        %parallel_loop3A_1406 = arith.constant 0 : i32
        %parallel_loop3A_1407 = vector.broadcast %parallel_loop3A_1406 : i32 to vector<16xi32>
        %parallel_loop3A_1408 = arith.cmpi slt, %parallel_loop3A_1234, %parallel_loop3A_1407 : vector<16xi32>
        %parallel_loop3A_1409 = arith.constant 16 : i32
        %parallel_loop3A_1410 = vector.broadcast %parallel_loop3A_1409 : i32 to vector<16xi32>
        %parallel_loop3A_1411 = arith.addi %parallel_loop3A_1234, %parallel_loop3A_1410 : vector<16xi32>
        %parallel_loop3A_1412 = arith.select %parallel_loop3A_1408, %parallel_loop3A_1411, %parallel_loop3A_1234 : vector<16xi1>, vector<16xi32>
        %parallel_loop3A_1413 = vector.shape_cast %parallel_loop3A_1412 : vector<16xi32> to vector<16x1xi32>
        %parallel_loop3A_1414 = vector.shape_cast %parallel_loop3A_1413 : vector<16x1xi32> to vector<16xi32>
        %parallel_loop3A_1415 = tpu.dynamic_gather %parallel_loop3A_1225[%parallel_loop3A_1414] in [0] : vector<16xf32>, vector<16xi32> -> vector<16xf32>
        %parallel_loop3A_1416 = arith.select %parallel_loop3A_1231, %parallel_loop3A_1158, %parallel_loop3A_1415 : vector<16xi1>, vector<16xf32>
        %parallel_loop3A_1417 = arith.select %parallel_loop3A_1231, %parallel_loop3A_1405, %parallel_loop3A_1225 : vector<16xi1>, vector<16xf32>
        %parallel_loop3A_1418 = arith.addf %parallel_loop3A_1416, %parallel_loop3A_1417 : vector<16xf32>
        %parallel_loop3A_1419 = arith.constant 2 : i32
        %parallel_loop3A_1420 = vector.broadcast %parallel_loop3A_1419 : i32 to vector<16xi32>
        %parallel_loop3A_1421 = arith.andi %iota3A, %parallel_loop3A_1420 : vector<16xi32>
        %parallel_loop3A_1422 = arith.constant 0 : i32
        %parallel_loop3A_1423 = vector.broadcast %parallel_loop3A_1422 : i32 to vector<16xi32>
        %parallel_loop3A_1424 = arith.cmpi eq, %parallel_loop3A_1421, %parallel_loop3A_1423 : vector<16xi32>
        %parallel_loop3A_1425 = arith.constant 2 : i32
        %parallel_loop3A_1426 = vector.broadcast %parallel_loop3A_1425 : i32 to vector<16xi32>
        %parallel_loop3A_1427 = arith.xori %iota3A, %parallel_loop3A_1426 : vector<16xi32>
        %parallel_loop3A_1428 = arith.constant 0 : i32
        %parallel_loop3A_1429 = vector.broadcast %parallel_loop3A_1428 : i32 to vector<16xi32>
        %parallel_loop3A_1430 = arith.cmpi slt, %parallel_loop3A_1427, %parallel_loop3A_1429 : vector<16xi32>
        %parallel_loop3A_1431 = arith.constant 16 : i32
        %parallel_loop3A_1432 = vector.broadcast %parallel_loop3A_1431 : i32 to vector<16xi32>
        %parallel_loop3A_1433 = arith.addi %parallel_loop3A_1427, %parallel_loop3A_1432 : vector<16xi32>
        %parallel_loop3A_1434 = arith.select %parallel_loop3A_1430, %parallel_loop3A_1433, %parallel_loop3A_1427 : vector<16xi1>, vector<16xi32>
        %parallel_loop3A_1435 = vector.shape_cast %parallel_loop3A_1434 : vector<16xi32> to vector<16x1xi32>
        %parallel_loop3A_1436 = vector.shape_cast %parallel_loop3A_1435 : vector<16x1xi32> to vector<16xi32>
        %parallel_loop3A_1437 = tpu.dynamic_gather %parallel_loop3A_1257[%parallel_loop3A_1436] in [0] : vector<16xf32>, vector<16xi32> -> vector<16xf32>
        %parallel_loop3A_1438 = arith.constant 0 : i32
        %parallel_loop3A_1439 = vector.broadcast %parallel_loop3A_1438 : i32 to vector<16xi32>
        %parallel_loop3A_1440 = arith.cmpi slt, %parallel_loop3A_1427, %parallel_loop3A_1439 : vector<16xi32>
        %parallel_loop3A_1441 = arith.constant 16 : i32
        %parallel_loop3A_1442 = vector.broadcast %parallel_loop3A_1441 : i32 to vector<16xi32>
        %parallel_loop3A_1443 = arith.addi %parallel_loop3A_1427, %parallel_loop3A_1442 : vector<16xi32>
        %parallel_loop3A_1444 = arith.select %parallel_loop3A_1440, %parallel_loop3A_1443, %parallel_loop3A_1427 : vector<16xi1>, vector<16xi32>
        %parallel_loop3A_1445 = vector.shape_cast %parallel_loop3A_1444 : vector<16xi32> to vector<16x1xi32>
        %parallel_loop3A_1446 = vector.shape_cast %parallel_loop3A_1445 : vector<16x1xi32> to vector<16xi32>
        %parallel_loop3A_1447 = tpu.dynamic_gather %parallel_loop3A_1280[%parallel_loop3A_1446] in [0] : vector<16xf32>, vector<16xi32> -> vector<16xf32>
        %parallel_loop3A_1448 = arith.select %parallel_loop3A_1424, %parallel_loop3A_1257, %parallel_loop3A_1447 : vector<16xi1>, vector<16xf32>
        %parallel_loop3A_1449 = arith.select %parallel_loop3A_1424, %parallel_loop3A_1437, %parallel_loop3A_1280 : vector<16xi1>, vector<16xf32>
        %parallel_loop3A_1450 = arith.addf %parallel_loop3A_1448, %parallel_loop3A_1449 : vector<16xf32>
        %parallel_loop3A_1451 = arith.constant 0 : i32
        %parallel_loop3A_1452 = vector.broadcast %parallel_loop3A_1451 : i32 to vector<16xi32>
        %parallel_loop3A_1453 = arith.cmpi slt, %parallel_loop3A_1427, %parallel_loop3A_1452 : vector<16xi32>
        %parallel_loop3A_1454 = arith.constant 16 : i32
        %parallel_loop3A_1455 = vector.broadcast %parallel_loop3A_1454 : i32 to vector<16xi32>
        %parallel_loop3A_1456 = arith.addi %parallel_loop3A_1427, %parallel_loop3A_1455 : vector<16xi32>
        %parallel_loop3A_1457 = arith.select %parallel_loop3A_1453, %parallel_loop3A_1456, %parallel_loop3A_1427 : vector<16xi1>, vector<16xi32>
        %parallel_loop3A_1458 = vector.shape_cast %parallel_loop3A_1457 : vector<16xi32> to vector<16x1xi32>
        %parallel_loop3A_1459 = vector.shape_cast %parallel_loop3A_1458 : vector<16x1xi32> to vector<16xi32>
        %parallel_loop3A_1460 = tpu.dynamic_gather %parallel_loop3A_1303[%parallel_loop3A_1459] in [0] : vector<16xf32>, vector<16xi32> -> vector<16xf32>
        %parallel_loop3A_1461 = arith.constant 0 : i32
        %parallel_loop3A_1462 = vector.broadcast %parallel_loop3A_1461 : i32 to vector<16xi32>
        %parallel_loop3A_1463 = arith.cmpi slt, %parallel_loop3A_1427, %parallel_loop3A_1462 : vector<16xi32>
        %parallel_loop3A_1464 = arith.constant 16 : i32
        %parallel_loop3A_1465 = vector.broadcast %parallel_loop3A_1464 : i32 to vector<16xi32>
        %parallel_loop3A_1466 = arith.addi %parallel_loop3A_1427, %parallel_loop3A_1465 : vector<16xi32>
        %parallel_loop3A_1467 = arith.select %parallel_loop3A_1463, %parallel_loop3A_1466, %parallel_loop3A_1427 : vector<16xi1>, vector<16xi32>
        %parallel_loop3A_1468 = vector.shape_cast %parallel_loop3A_1467 : vector<16xi32> to vector<16x1xi32>
        %parallel_loop3A_1469 = vector.shape_cast %parallel_loop3A_1468 : vector<16x1xi32> to vector<16xi32>
        %parallel_loop3A_1470 = tpu.dynamic_gather %parallel_loop3A_1326[%parallel_loop3A_1469] in [0] : vector<16xf32>, vector<16xi32> -> vector<16xf32>
        %parallel_loop3A_1471 = arith.select %parallel_loop3A_1424, %parallel_loop3A_1303, %parallel_loop3A_1470 : vector<16xi1>, vector<16xf32>
        %parallel_loop3A_1472 = arith.select %parallel_loop3A_1424, %parallel_loop3A_1460, %parallel_loop3A_1326 : vector<16xi1>, vector<16xf32>
        %parallel_loop3A_1473 = arith.addf %parallel_loop3A_1471, %parallel_loop3A_1472 : vector<16xf32>
        %parallel_loop3A_1474 = arith.constant 0 : i32
        %parallel_loop3A_1475 = vector.broadcast %parallel_loop3A_1474 : i32 to vector<16xi32>
        %parallel_loop3A_1476 = arith.cmpi slt, %parallel_loop3A_1427, %parallel_loop3A_1475 : vector<16xi32>
        %parallel_loop3A_1477 = arith.constant 16 : i32
        %parallel_loop3A_1478 = vector.broadcast %parallel_loop3A_1477 : i32 to vector<16xi32>
        %parallel_loop3A_1479 = arith.addi %parallel_loop3A_1427, %parallel_loop3A_1478 : vector<16xi32>
        %parallel_loop3A_1480 = arith.select %parallel_loop3A_1476, %parallel_loop3A_1479, %parallel_loop3A_1427 : vector<16xi1>, vector<16xi32>
        %parallel_loop3A_1481 = vector.shape_cast %parallel_loop3A_1480 : vector<16xi32> to vector<16x1xi32>
        %parallel_loop3A_1482 = vector.shape_cast %parallel_loop3A_1481 : vector<16x1xi32> to vector<16xi32>
        %parallel_loop3A_1483 = tpu.dynamic_gather %parallel_loop3A_1349[%parallel_loop3A_1482] in [0] : vector<16xf32>, vector<16xi32> -> vector<16xf32>
        %parallel_loop3A_1484 = arith.constant 0 : i32
        %parallel_loop3A_1485 = vector.broadcast %parallel_loop3A_1484 : i32 to vector<16xi32>
        %parallel_loop3A_1486 = arith.cmpi slt, %parallel_loop3A_1427, %parallel_loop3A_1485 : vector<16xi32>
        %parallel_loop3A_1487 = arith.constant 16 : i32
        %parallel_loop3A_1488 = vector.broadcast %parallel_loop3A_1487 : i32 to vector<16xi32>
        %parallel_loop3A_1489 = arith.addi %parallel_loop3A_1427, %parallel_loop3A_1488 : vector<16xi32>
        %parallel_loop3A_1490 = arith.select %parallel_loop3A_1486, %parallel_loop3A_1489, %parallel_loop3A_1427 : vector<16xi1>, vector<16xi32>
        %parallel_loop3A_1491 = vector.shape_cast %parallel_loop3A_1490 : vector<16xi32> to vector<16x1xi32>
        %parallel_loop3A_1492 = vector.shape_cast %parallel_loop3A_1491 : vector<16x1xi32> to vector<16xi32>
        %parallel_loop3A_1493 = tpu.dynamic_gather %parallel_loop3A_1372[%parallel_loop3A_1492] in [0] : vector<16xf32>, vector<16xi32> -> vector<16xf32>
        %parallel_loop3A_1494 = arith.select %parallel_loop3A_1424, %parallel_loop3A_1349, %parallel_loop3A_1493 : vector<16xi1>, vector<16xf32>
        %parallel_loop3A_1495 = arith.select %parallel_loop3A_1424, %parallel_loop3A_1483, %parallel_loop3A_1372 : vector<16xi1>, vector<16xf32>
        %parallel_loop3A_1496 = arith.addf %parallel_loop3A_1494, %parallel_loop3A_1495 : vector<16xf32>
        %parallel_loop3A_1497 = arith.constant 0 : i32
        %parallel_loop3A_1498 = vector.broadcast %parallel_loop3A_1497 : i32 to vector<16xi32>
        %parallel_loop3A_1499 = arith.cmpi slt, %parallel_loop3A_1427, %parallel_loop3A_1498 : vector<16xi32>
        %parallel_loop3A_1500 = arith.constant 16 : i32
        %parallel_loop3A_1501 = vector.broadcast %parallel_loop3A_1500 : i32 to vector<16xi32>
        %parallel_loop3A_1502 = arith.addi %parallel_loop3A_1427, %parallel_loop3A_1501 : vector<16xi32>
        %parallel_loop3A_1503 = arith.select %parallel_loop3A_1499, %parallel_loop3A_1502, %parallel_loop3A_1427 : vector<16xi1>, vector<16xi32>
        %parallel_loop3A_1504 = vector.shape_cast %parallel_loop3A_1503 : vector<16xi32> to vector<16x1xi32>
        %parallel_loop3A_1505 = vector.shape_cast %parallel_loop3A_1504 : vector<16x1xi32> to vector<16xi32>
        %parallel_loop3A_1506 = tpu.dynamic_gather %parallel_loop3A_1395[%parallel_loop3A_1505] in [0] : vector<16xf32>, vector<16xi32> -> vector<16xf32>
        %parallel_loop3A_1507 = arith.constant 0 : i32
        %parallel_loop3A_1508 = vector.broadcast %parallel_loop3A_1507 : i32 to vector<16xi32>
        %parallel_loop3A_1509 = arith.cmpi slt, %parallel_loop3A_1427, %parallel_loop3A_1508 : vector<16xi32>
        %parallel_loop3A_1510 = arith.constant 16 : i32
        %parallel_loop3A_1511 = vector.broadcast %parallel_loop3A_1510 : i32 to vector<16xi32>
        %parallel_loop3A_1512 = arith.addi %parallel_loop3A_1427, %parallel_loop3A_1511 : vector<16xi32>
        %parallel_loop3A_1513 = arith.select %parallel_loop3A_1509, %parallel_loop3A_1512, %parallel_loop3A_1427 : vector<16xi1>, vector<16xi32>
        %parallel_loop3A_1514 = vector.shape_cast %parallel_loop3A_1513 : vector<16xi32> to vector<16x1xi32>
        %parallel_loop3A_1515 = vector.shape_cast %parallel_loop3A_1514 : vector<16x1xi32> to vector<16xi32>
        %parallel_loop3A_1516 = tpu.dynamic_gather %parallel_loop3A_1418[%parallel_loop3A_1515] in [0] : vector<16xf32>, vector<16xi32> -> vector<16xf32>
        %parallel_loop3A_1517 = arith.select %parallel_loop3A_1424, %parallel_loop3A_1395, %parallel_loop3A_1516 : vector<16xi1>, vector<16xf32>
        %parallel_loop3A_1518 = arith.select %parallel_loop3A_1424, %parallel_loop3A_1506, %parallel_loop3A_1418 : vector<16xi1>, vector<16xf32>
        %parallel_loop3A_1519 = arith.addf %parallel_loop3A_1517, %parallel_loop3A_1518 : vector<16xf32>
        %parallel_loop3A_1520 = arith.constant 4 : i32
        %parallel_loop3A_1521 = vector.broadcast %parallel_loop3A_1520 : i32 to vector<16xi32>
        %parallel_loop3A_1522 = arith.andi %iota3A, %parallel_loop3A_1521 : vector<16xi32>
        %parallel_loop3A_1523 = arith.constant 0 : i32
        %parallel_loop3A_1524 = vector.broadcast %parallel_loop3A_1523 : i32 to vector<16xi32>
        %parallel_loop3A_1525 = arith.cmpi eq, %parallel_loop3A_1522, %parallel_loop3A_1524 : vector<16xi32>
        %parallel_loop3A_1526 = arith.constant 4 : i32
        %parallel_loop3A_1527 = vector.broadcast %parallel_loop3A_1526 : i32 to vector<16xi32>
        %parallel_loop3A_1528 = arith.xori %iota3A, %parallel_loop3A_1527 : vector<16xi32>
        %parallel_loop3A_1529 = arith.constant 0 : i32
        %parallel_loop3A_1530 = vector.broadcast %parallel_loop3A_1529 : i32 to vector<16xi32>
        %parallel_loop3A_1531 = arith.cmpi slt, %parallel_loop3A_1528, %parallel_loop3A_1530 : vector<16xi32>
        %parallel_loop3A_1532 = arith.constant 16 : i32
        %parallel_loop3A_1533 = vector.broadcast %parallel_loop3A_1532 : i32 to vector<16xi32>
        %parallel_loop3A_1534 = arith.addi %parallel_loop3A_1528, %parallel_loop3A_1533 : vector<16xi32>
        %parallel_loop3A_1535 = arith.select %parallel_loop3A_1531, %parallel_loop3A_1534, %parallel_loop3A_1528 : vector<16xi1>, vector<16xi32>
        %parallel_loop3A_1536 = vector.shape_cast %parallel_loop3A_1535 : vector<16xi32> to vector<16x1xi32>
        %parallel_loop3A_1537 = vector.shape_cast %parallel_loop3A_1536 : vector<16x1xi32> to vector<16xi32>
        %parallel_loop3A_1538 = tpu.dynamic_gather %parallel_loop3A_1450[%parallel_loop3A_1537] in [0] : vector<16xf32>, vector<16xi32> -> vector<16xf32>
        %parallel_loop3A_1539 = arith.constant 0 : i32
        %parallel_loop3A_1540 = vector.broadcast %parallel_loop3A_1539 : i32 to vector<16xi32>
        %parallel_loop3A_1541 = arith.cmpi slt, %parallel_loop3A_1528, %parallel_loop3A_1540 : vector<16xi32>
        %parallel_loop3A_1542 = arith.constant 16 : i32
        %parallel_loop3A_1543 = vector.broadcast %parallel_loop3A_1542 : i32 to vector<16xi32>
        %parallel_loop3A_1544 = arith.addi %parallel_loop3A_1528, %parallel_loop3A_1543 : vector<16xi32>
        %parallel_loop3A_1545 = arith.select %parallel_loop3A_1541, %parallel_loop3A_1544, %parallel_loop3A_1528 : vector<16xi1>, vector<16xi32>
        %parallel_loop3A_1546 = vector.shape_cast %parallel_loop3A_1545 : vector<16xi32> to vector<16x1xi32>
        %parallel_loop3A_1547 = vector.shape_cast %parallel_loop3A_1546 : vector<16x1xi32> to vector<16xi32>
        %parallel_loop3A_1548 = tpu.dynamic_gather %parallel_loop3A_1473[%parallel_loop3A_1547] in [0] : vector<16xf32>, vector<16xi32> -> vector<16xf32>
        %parallel_loop3A_1549 = arith.select %parallel_loop3A_1525, %parallel_loop3A_1450, %parallel_loop3A_1548 : vector<16xi1>, vector<16xf32>
        %parallel_loop3A_1550 = arith.select %parallel_loop3A_1525, %parallel_loop3A_1538, %parallel_loop3A_1473 : vector<16xi1>, vector<16xf32>
        %parallel_loop3A_1551 = arith.addf %parallel_loop3A_1549, %parallel_loop3A_1550 : vector<16xf32>
        %parallel_loop3A_1552 = arith.constant 0 : i32
        %parallel_loop3A_1553 = vector.broadcast %parallel_loop3A_1552 : i32 to vector<16xi32>
        %parallel_loop3A_1554 = arith.cmpi slt, %parallel_loop3A_1528, %parallel_loop3A_1553 : vector<16xi32>
        %parallel_loop3A_1555 = arith.constant 16 : i32
        %parallel_loop3A_1556 = vector.broadcast %parallel_loop3A_1555 : i32 to vector<16xi32>
        %parallel_loop3A_1557 = arith.addi %parallel_loop3A_1528, %parallel_loop3A_1556 : vector<16xi32>
        %parallel_loop3A_1558 = arith.select %parallel_loop3A_1554, %parallel_loop3A_1557, %parallel_loop3A_1528 : vector<16xi1>, vector<16xi32>
        %parallel_loop3A_1559 = vector.shape_cast %parallel_loop3A_1558 : vector<16xi32> to vector<16x1xi32>
        %parallel_loop3A_1560 = vector.shape_cast %parallel_loop3A_1559 : vector<16x1xi32> to vector<16xi32>
        %parallel_loop3A_1561 = tpu.dynamic_gather %parallel_loop3A_1496[%parallel_loop3A_1560] in [0] : vector<16xf32>, vector<16xi32> -> vector<16xf32>
        %parallel_loop3A_1562 = arith.constant 0 : i32
        %parallel_loop3A_1563 = vector.broadcast %parallel_loop3A_1562 : i32 to vector<16xi32>
        %parallel_loop3A_1564 = arith.cmpi slt, %parallel_loop3A_1528, %parallel_loop3A_1563 : vector<16xi32>
        %parallel_loop3A_1565 = arith.constant 16 : i32
        %parallel_loop3A_1566 = vector.broadcast %parallel_loop3A_1565 : i32 to vector<16xi32>
        %parallel_loop3A_1567 = arith.addi %parallel_loop3A_1528, %parallel_loop3A_1566 : vector<16xi32>
        %parallel_loop3A_1568 = arith.select %parallel_loop3A_1564, %parallel_loop3A_1567, %parallel_loop3A_1528 : vector<16xi1>, vector<16xi32>
        %parallel_loop3A_1569 = vector.shape_cast %parallel_loop3A_1568 : vector<16xi32> to vector<16x1xi32>
        %parallel_loop3A_1570 = vector.shape_cast %parallel_loop3A_1569 : vector<16x1xi32> to vector<16xi32>
        %parallel_loop3A_1571 = tpu.dynamic_gather %parallel_loop3A_1519[%parallel_loop3A_1570] in [0] : vector<16xf32>, vector<16xi32> -> vector<16xf32>
        %parallel_loop3A_1572 = arith.select %parallel_loop3A_1525, %parallel_loop3A_1496, %parallel_loop3A_1571 : vector<16xi1>, vector<16xf32>
        %parallel_loop3A_1573 = arith.select %parallel_loop3A_1525, %parallel_loop3A_1561, %parallel_loop3A_1519 : vector<16xi1>, vector<16xf32>
        %parallel_loop3A_1574 = arith.addf %parallel_loop3A_1572, %parallel_loop3A_1573 : vector<16xf32>
        %parallel_loop3A_1575 = arith.constant 8 : i32
        %parallel_loop3A_1576 = vector.broadcast %parallel_loop3A_1575 : i32 to vector<16xi32>
        %parallel_loop3A_1577 = arith.andi %iota3A, %parallel_loop3A_1576 : vector<16xi32>
        %parallel_loop3A_1578 = arith.constant 0 : i32
        %parallel_loop3A_1579 = vector.broadcast %parallel_loop3A_1578 : i32 to vector<16xi32>
        %parallel_loop3A_1580 = arith.cmpi eq, %parallel_loop3A_1577, %parallel_loop3A_1579 : vector<16xi32>
        %parallel_loop3A_1581 = arith.constant 8 : i32
        %parallel_loop3A_1582 = vector.broadcast %parallel_loop3A_1581 : i32 to vector<16xi32>
        %parallel_loop3A_1583 = arith.xori %iota3A, %parallel_loop3A_1582 : vector<16xi32>
        %parallel_loop3A_1584 = arith.constant 0 : i32
        %parallel_loop3A_1585 = vector.broadcast %parallel_loop3A_1584 : i32 to vector<16xi32>
        %parallel_loop3A_1586 = arith.cmpi slt, %parallel_loop3A_1583, %parallel_loop3A_1585 : vector<16xi32>
        %parallel_loop3A_1587 = arith.constant 16 : i32
        %parallel_loop3A_1588 = vector.broadcast %parallel_loop3A_1587 : i32 to vector<16xi32>
        %parallel_loop3A_1589 = arith.addi %parallel_loop3A_1583, %parallel_loop3A_1588 : vector<16xi32>
        %parallel_loop3A_1590 = arith.select %parallel_loop3A_1586, %parallel_loop3A_1589, %parallel_loop3A_1583 : vector<16xi1>, vector<16xi32>
        %parallel_loop3A_1591 = vector.shape_cast %parallel_loop3A_1590 : vector<16xi32> to vector<16x1xi32>
        %parallel_loop3A_1592 = vector.shape_cast %parallel_loop3A_1591 : vector<16x1xi32> to vector<16xi32>
        %parallel_loop3A_1593 = tpu.dynamic_gather %parallel_loop3A_1551[%parallel_loop3A_1592] in [0] : vector<16xf32>, vector<16xi32> -> vector<16xf32>
        %parallel_loop3A_1594 = arith.constant 0 : i32
        %parallel_loop3A_1595 = vector.broadcast %parallel_loop3A_1594 : i32 to vector<16xi32>
        %parallel_loop3A_1596 = arith.cmpi slt, %parallel_loop3A_1583, %parallel_loop3A_1595 : vector<16xi32>
        %parallel_loop3A_1597 = arith.constant 16 : i32
        %parallel_loop3A_1598 = vector.broadcast %parallel_loop3A_1597 : i32 to vector<16xi32>
        %parallel_loop3A_1599 = arith.addi %parallel_loop3A_1583, %parallel_loop3A_1598 : vector<16xi32>
        %parallel_loop3A_1600 = arith.select %parallel_loop3A_1596, %parallel_loop3A_1599, %parallel_loop3A_1583 : vector<16xi1>, vector<16xi32>
        %parallel_loop3A_1601 = vector.shape_cast %parallel_loop3A_1600 : vector<16xi32> to vector<16x1xi32>
        %parallel_loop3A_1602 = vector.shape_cast %parallel_loop3A_1601 : vector<16x1xi32> to vector<16xi32>
        %parallel_loop3A_1603 = tpu.dynamic_gather %parallel_loop3A_1574[%parallel_loop3A_1602] in [0] : vector<16xf32>, vector<16xi32> -> vector<16xf32>
        %parallel_loop3A_1604 = arith.select %parallel_loop3A_1580, %parallel_loop3A_1551, %parallel_loop3A_1603 : vector<16xi1>, vector<16xf32>
        %parallel_loop3A_1605 = arith.select %parallel_loop3A_1580, %parallel_loop3A_1593, %parallel_loop3A_1574 : vector<16xi1>, vector<16xf32>
        %parallel_loop3A_1606 = arith.addf %parallel_loop3A_1604, %parallel_loop3A_1605 : vector<16xf32>
        %parallel_loop3A_1607 = arith.constant 16 : i32
        %parallel_loop3A_1608 = arith.muli %parallel_loop3A_153, %parallel_loop3A_1607 : i32
        %parallel_loop3A_1609 = arith.index_cast %parallel_loop3A_1608 : i32 to index
        %parallel_loop3A_1610 = tpu.vector_load %arg16[%parallel_loop3A_1609] {strides = array<i32>} : memref<128xf32, #tpu.memory_space<vmem>>, vector<16xf32>,
        %parallel_loop3A_1611 = arith.addf %parallel_loop3A_1606, %parallel_loop3A_1610 : vector<16xf32>
        %parallel_loop3A_1612 = arith.constant 16 : i32
        %parallel_loop3A_1613 = arith.muli %parallel_loop3A_153, %parallel_loop3A_1612 : i32
        %parallel_loop3A_1614 = arith.index_cast %parallel_loop3A_1613 : i32 to index
        %parallel_loop3A_1615 = tpu.vector_load %arg18[%parallel_loop3A_1614] {strides = array<i32>} : memref<128xf32, #tpu.memory_space<vmem>>, vector<16xf32>,
        %parallel_loop3A_1616 = arith.addf %parallel_loop3A_1611, %parallel_loop3A_1615 : vector<16xf32>
        %parallel_loop3A_1617 = arith.constant 16 : i32
        %parallel_loop3A_1618 = arith.muli %parallel_loop3A_153, %parallel_loop3A_1617 : i32
        %parallel_loop3A_1619 = arith.index_cast %parallel_loop3A_1618 : i32 to index
        %parallel_loop3A_1620 = tpu.vector_load %arg19[%parallel_loop3A_1619] {strides = array<i32>} : memref<128xf32, #tpu.memory_space<vmem>>, vector<16xf32>,
        tpu.vector_store %arg19[%parallel_loop3A_1619], %parallel_loop3A_1616 {strides = array<i32>} : memref<128xf32, #tpu.memory_space<vmem>>, vector<16xf32>,
      } {sc.loop_unroll_factor = 2 : i64, sc.parallel_access}
      %eq3A_148 = arith.constant 0 : i32
      "tpu.trace_stop"() : () -> ()
      %eq3A_149 = arith.cmpi eq, %scan3A_73, %eq3A_148 : i32
      %convert_element_type3A_150 = arith.extui %eq3A_149 : i1 to i32
      %cond3A_151 = arith.constant 0 : i32
      %cond3A_152 = arith.cmpi ne, %convert_element_type3A_150, %cond3A_151 : i32
      scf.if %cond3A_152 {
        %add3A_153 = arith.constant 2 : i32
        %add3A_154 = arith.addi %add3A_114, %add3A_153 : i32
        %dma_start3A_155 = arith.constant 0 : i32
        %dma_start3A_156 = tpu.memref_slice %arg9[%add3A_154, %dma_start3A_155] : memref<4x128xi32, #tpu.memory_space<vmem>> -> memref<1x128xi32, #tpu.memory_space<vmem>>
        %dma_start3A_157 = tpu.memref_squeeze %dma_start3A_156 : memref<1x128xi32, #tpu.memory_space<vmem>> -> memref<128xi32, #tpu.memory_space<vmem>>
        %dma_start3A_158 = arith.constant 0 : i32
        %dma_start3A_159 = arith.constant 0 : i32
        %dma_start3A_160 = tpu.memref_slice %arg4[%dma_start3A_158, %dma_start3A_159] : memref<100000x128xf32, #tpu.memory_space<hbm>> -> memref<100000x128xf32, #tpu.memory_space<hbm>>
        tpu.enqueue_indirect_dma source(%dma_start3A_160 : memref<100000x128xf32, #tpu.memory_space<hbm>>) target(%arg12 : memref<128x128xf32, #tpu.memory_space<vmem>>) offsets(%dma_start3A_157 : memref<128xi32, #tpu.memory_space<vmem>>) semaphore(%arg21 : memref<!tpu.dma_semaphore, #tpu.memory_space<semaphore_mem>>)
        %dma_start3A_161 = arith.constant 0 : i32
        %dma_start3A_162 = tpu.memref_slice %arg10[%add3A_154, %dma_start3A_161] : memref<4x128xi32, #tpu.memory_space<vmem>> -> memref<1x128xi32, #tpu.memory_space<vmem>>
        %dma_start3A_163 = tpu.memref_squeeze %dma_start3A_162 : memref<1x128xi32, #tpu.memory_space<vmem>> -> memref<128xi32, #tpu.memory_space<vmem>>
        %dma_start3A_164 = arith.constant 0 : i32
        %dma_start3A_165 = arith.constant 0 : i32
        %dma_start3A_166 = tpu.memref_slice %arg5[%dma_start3A_164, %dma_start3A_165] : memref<1000000x128xf32, #tpu.memory_space<hbm>> -> memref<1000000x128xf32, #tpu.memory_space<hbm>>
        tpu.enqueue_indirect_dma source(%dma_start3A_166 : memref<1000000x128xf32, #tpu.memory_space<hbm>>) target(%arg14 : memref<128x128xf32, #tpu.memory_space<vmem>>) offsets(%dma_start3A_163 : memref<128xi32, #tpu.memory_space<vmem>>) semaphore(%arg23 : memref<!tpu.dma_semaphore, #tpu.memory_space<semaphore_mem>>)
        %dma_start3A_167 = arith.constant 0 : i32
        %dma_start3A_168 = arith.constant 0 : i32
        %dma_start3A_169 = tpu.memref_slice %arg9[%add3A_154, %dma_start3A_168] : memref<4x128xi32, #tpu.memory_space<vmem>> -> memref<1x128xi32, #tpu.memory_space<vmem>>
        %dma_start3A_170 = tpu.memref_squeeze %dma_start3A_169 : memref<1x128xi32, #tpu.memory_space<vmem>> -> memref<128xi32, #tpu.memory_space<vmem>>
        %dma_start3A_171 = arith.constant 0 : i32
        %dma_start3A_172 = tpu.memref_slice %arg6[%dma_start3A_167, %dma_start3A_171] : memref<1x100000xf32, #tpu.memory_space<hbm>> -> memref<1x100000xf32, #tpu.memory_space<hbm>>
        %dma_start3A_173 = tpu.memref_squeeze %dma_start3A_172 : memref<1x100000xf32, #tpu.memory_space<hbm>> -> memref<100000xf32, #tpu.memory_space<hbm>>
        %dma_start3A_174 = arith.constant 0 : i32
        %dma_start3A_175 = tpu.memref_slice %dma_start3A_173[%dma_start3A_174] : memref<100000xf32, #tpu.memory_space<hbm>> -> memref<100000xf32, #tpu.memory_space<hbm>>
        tpu.enqueue_indirect_dma source(%dma_start3A_175 : memref<100000xf32, #tpu.memory_space<hbm>>) target(%arg16 : memref<128xf32, #tpu.memory_space<vmem>>) offsets(%dma_start3A_170 : memref<128xi32, #tpu.memory_space<vmem>>) semaphore(%arg25 : memref<!tpu.dma_semaphore, #tpu.memory_space<semaphore_mem>>)
        %dma_start3A_176 = arith.constant 0 : i32
        %dma_start3A_177 = arith.constant 0 : i32
        %dma_start3A_178 = tpu.memref_slice %arg10[%add3A_154, %dma_start3A_177] : memref<4x128xi32, #tpu.memory_space<vmem>> -> memref<1x128xi32, #tpu.memory_space<vmem>>
        %dma_start3A_179 = tpu.memref_squeeze %dma_start3A_178 : memref<1x128xi32, #tpu.memory_space<vmem>> -> memref<128xi32, #tpu.memory_space<vmem>>
        %dma_start3A_180 = arith.constant 0 : i32
        %dma_start3A_181 = tpu.memref_slice %arg7[%dma_start3A_176, %dma_start3A_180] : memref<1x1000000xf32, #tpu.memory_space<hbm>> -> memref<1x1000000xf32, #tpu.memory_space<hbm>>
        %dma_start3A_182 = tpu.memref_squeeze %dma_start3A_181 : memref<1x1000000xf32, #tpu.memory_space<hbm>> -> memref<1000000xf32, #tpu.memory_space<hbm>>
        %dma_start3A_183 = arith.constant 0 : i32
        %dma_start3A_184 = tpu.memref_slice %dma_start3A_182[%dma_start3A_183] : memref<1000000xf32, #tpu.memory_space<hbm>> -> memref<1000000xf32, #tpu.memory_space<hbm>>
        tpu.enqueue_indirect_dma source(%dma_start3A_184 : memref<1000000xf32, #tpu.memory_space<hbm>>) target(%arg18 : memref<128xf32, #tpu.memory_space<vmem>>) offsets(%dma_start3A_179 : memref<128xi32, #tpu.memory_space<vmem>>) semaphore(%arg25 : memref<!tpu.dma_semaphore, #tpu.memory_space<semaphore_mem>>)
      } else {
      }
      "tpu.region"() ({
        %run_scoped3A = tpu.sem_alloc : memref<!tpu.dma_semaphore, #tpu.memory_space<semaphore_mem>>
        %dma_start3A_153 = arith.constant 0 : i32
        %dma_start3A_154 = tpu.memref_slice %arg8[%add3A, %add3A_114, %dma_start3A_153] : memref<32x4x128xf32, #tpu.memory_space<hbm>> -> memref<1x1x128xf32, #tpu.memory_space<hbm>>
        %dma_start3A_155 = tpu.memref_squeeze %dma_start3A_154 : memref<1x1x128xf32, #tpu.memory_space<hbm>> -> memref<128xf32, #tpu.memory_space<hbm>>
        %dma_start3A_156 = arith.constant 0 : i32
        %dma_start3A_157 = tpu.memref_slice %arg8[%add3A, %add3A_114, %dma_start3A_156] : memref<32x4x128xf32, #tpu.memory_space<hbm>> -> memref<1x1x128xf32, #tpu.memory_space<hbm>>
        %dma_start3A_158 = tpu.memref_squeeze %dma_start3A_157 : memref<1x1x128xf32, #tpu.memory_space<hbm>> -> memref<128xf32, #tpu.memory_space<hbm>>
        tpu.enqueue_dma source(%arg19 : memref<128xf32, #tpu.memory_space<vmem>>) target(%dma_start3A_158 : memref<128xf32, #tpu.memory_space<hbm>>) target_semaphore(%run_scoped3A : memref<!tpu.dma_semaphore, #tpu.memory_space<semaphore_mem>>)
        %dma_wait3A_159 = arith.constant 0 : i32
        %dma_wait3A_160 = tpu.memref_slice %arg8[%add3A, %add3A_114, %dma_wait3A_159] : memref<32x4x128xf32, #tpu.memory_space<hbm>> -> memref<1x1x128xf32, #tpu.memory_space<hbm>>
        %dma_wait3A_161 = tpu.memref_squeeze %dma_wait3A_160 : memref<1x1x128xf32, #tpu.memory_space<hbm>> -> memref<128xf32, #tpu.memory_space<hbm>>
        %dma_wait3A_162 = arith.constant 0 : i32
        %dma_wait3A_163 = tpu.memref_slice %arg8[%add3A, %add3A_114, %dma_wait3A_162] : memref<32x4x128xf32, #tpu.memory_space<hbm>> -> memref<1x1x128xf32, #tpu.memory_space<hbm>>
        %dma_wait3A_164 = tpu.memref_squeeze %dma_wait3A_163 : memref<1x1x128xf32, #tpu.memory_space<hbm>> -> memref<128xf32, #tpu.memory_space<hbm>>
        tpu.wait_dma2 semaphore(%run_scoped3A : memref<!tpu.dma_semaphore, #tpu.memory_space<semaphore_mem>>) src(%arg19 : memref<128xf32, #tpu.memory_space<vmem>>) dst(%dma_wait3A_164 : memref<128xf32, #tpu.memory_space<hbm>>)
        tpu.yield
      }) : () -> ()
    }
    %scan3A_72 = arith.constant 2 : i32
    return
  }
}

</mosaic_0001>

<sc_bundles>
// kernel: _sc_call.3.cloned.1.call-start
scs
__scs_entry_jumppad:
0x0: {  	(pc) =	sbr.rel $0x88, $3  }
0x1: {  	(tag) =	ssettag $0x0;
	lr =	simm.s32 $0x1  }
0x2: {  	[smem:$0x3F9B] =	sst lr;
	_ =	strace $0xD0000000  }
0x3: {  	_ = 	snop  }
0x4: {  	_ = 	snop  }
0x5: {  	_ = 	snop  }
0x6: {  	_ = 	snop  }
0x7: {  	_ = 	snop  }
__scs_overlays_trampoline_lowered:
0x8: {  	[smem:$0x3FAA] =	sst s0  }
0x9: {  	[smem:$0x3FAB] =	sst s1  }
0xa: {  	[smem:$0x3FAC] =	sst s2  }
0xb: {  	[smem:$0x3FAD] =	sst s3  }
0xc: {  	[smem:$0x3FAE] =	sst s4  }
0xd: {  	[smem:$0x3FAF] =	sst s5  }
0xe: {  	[smem:$0x3FB0] =	sst s6  }
0xf: {  	[smem:$0x3FB1] =	sst s7  }
0x10: {  	[smem:$0x3FB2] =	sst s8  }
0x11: {  	[smem:$0x3FB3] =	sst s9;
	s0 =	simm.s32 @!p0 $0x0  }
0x12: {  	s1 =	sld [smem:$0x3F99];
	s0 =	simm.s32 @p0 $0x1  }
0x13: {  	[smem:$0x3FB4] =	sst s0;
	s0 =	simm.s32 @!p1 $0x0  }
0x14: {  	s2 =	sld [smem:$0x3F98];
	s0 =	simm.s32 @p1 $0x1  }
0x15: {  	[smem:$0x3FB5] =	sst s0;
	s0 =	simm.s32 @!p2 $0x0  }
0x16: {  	s3 =	sld [smem:$0x3FDB];
	s0 =	simm.s32 @p2 $0x1  }
0x17: {  	s4 =	simm.s32 $0x1BF5;
	[smem:$0x3FB7] =	sst s0  }
0x18: {  	s0 =	sld [smem:$0x3F9A];
	_ =	swait.ge [sflag:s4], $0x0  }
0x19: {  	s7 =	sld [smem:$0x3F9B]  }
0x1a: {  	s8 =	sadd.s32 $0xFFFFE003, lr  }
0x1b: {  	s9 =	sadd.s32 $0xFFFFFEF7, lr;
	s5 =	simm.s32 $0xFFFFFFFF;
	p2 =	slt.u32 s8, $0xFFFFF086  }
0x1c: {  	p1 =	slt.u32 s9, $0xF7A;
	s5 =	simm.s32 @!p2 $0x0  }
0x1d: {  	s5 =	simm.s32 @p1 $0x1;
	p0 =	seq.s32 s7, s2  }
0x1e: {  	s7 =	smul.u32 @!p0 $0xF7A, s2;
	p2 =	seq.s32 @!p0 s5, $0x0  }
0x1f: {  	s9 =	smul.u32 $0xF7A, s1;
	s8 =	simm.s32 @!p0 $0x1BF5;
	p2 =	por !p2, p0  }
0x20: {  	[sflag:s8] =	ssyncset.s32 @!p0 $0xFFFFF086;
	s6 =	sadd.s32 @!p0 s3, s7;
	s7 =	simm.s32 @!p0 $0x108  }
0x21: {  	s3 =	sadd.s32 s3, s9;
	s6 =	sadd.s32 @!p0 $0x88, s6;
	s7 =	simm.s32 @p2 $0x1082  }
0x22: {  	[simem:s7], [sflag:s8] =	dma.local @!p0 [hbm:s6], $0xF7A  }
0x23: {  	s9 =	sor.u32 $0xD0000000, s2;
	s6 =	simm.s32 $0x108;
	_ =	swait.ge @!p0 [sflag:s8], $0x0  }
0x24: {  	s3 =	sadd.s32 $0x88, s3;
	s6 =	simm.s32 @!p1 $0x1082;
	[sflag:s4] =	ssyncset.s32 $0xFFFFF086  }
0x25: {  	[simem:s6], [sflag:s4] =	dma.local [hbm:s3], $0xF7A  }
0x26: {  	[smem:$0x3F9B] =	sst s1;
	(tag) =	ssettag s2;
	_ =	strace s9  }
0x27: {  	s1 =	sld [smem:$0x3FAB]  }
0x28: {  	s2 =	sld [smem:$0x3FAC]  }
0x29: {  	s4 =	sld [smem:$0x3FAE]  }
0x2a: {  	p0 =	seq.s32 s5, $0x0;
	s5 =	sld [smem:$0x3FAF]  }
0x2b: {  	s6 =	sld [smem:$0x3FB0]  }
0x2c: {  	s7 =	sld [smem:$0x3FB1]  }
0x2d: {  	s3 =	simm.s32 $0x108;
	s8 =	sld [smem:$0x3FB2]  }
0x2e: {  	s3 =	simm.s32 @!p0 $0x1082;
	s9 =	sld [smem:$0x3FB3]  }
0x2f: {  	lr =	sadd.s32 s0, s3;
	s0 =	sld [smem:$0x3FAA]  }
0x30: {  	s3 =	sld [smem:$0x3FAD]  }
0x31: {  	[smem:$0x3FB6] =	sst s10  }
0x32: {  	s10 =	sld [smem:$0x3FB4];
	_ =	sdelay $0x3  }
0x33: {  	p0 =	seq.s32 s10, $0x1;
	s10 =	sld [smem:$0x3FB6];
	_ =	sdelay $0x3  }
0x34: {  	[smem:$0x3FB6] =	sst s10  }
0x35: {  	s10 =	sld [smem:$0x3FB5];
	_ =	sdelay $0x3  }
0x36: {  	p1 =	seq.s32 s10, $0x1;
	s10 =	sld [smem:$0x3FB6];
	_ =	sdelay $0x3  }
0x37: {  	[smem:$0x3FB6] =	sst s10  }
0x38: {  	s10 =	sld [smem:$0x3FB7]  }
0x39: {  	_ = 	snop;
	(pc) =	sbr.ind lr, $3  }
0x3a: {  	_ = 	snop  }
0x3b: {  	_ = 	snop  }
0x3c: {  	p2 =	seq.s32 s10, $0x1;
	s10 =	sld [smem:$0x3FB6]  }
0x3d: {  	_ =	shalt  }
0x3e: {  	_ =	shalt  }
0x3f: {  	_ =	shalt  }
0x40: {  	_ =	shalt  }
0x41: {  	_ =	shalt  }
0x42: {  	_ =	shalt  }
0x43: {  	_ =	shalt  }
0x44: {  	_ =	shalt  }
0x45: {  	_ =	shalt  }
0x46: {  	_ =	shalt  }
0x47: {  	_ =	shalt  }
0x48: {  	_ =	shalt  }
0x49: {  	_ =	shalt  }
0x4a: {  	_ =	shalt  }
0x4b: {  	_ =	shalt  }
0x4c: {  	_ =	shalt  }
0x4d: {  	_ =	shalt  }
0x4e: {  	_ =	shalt  }
0x4f: {  	_ =	shalt  }
0x50: {  	_ =	shalt  }
0x51: {  	_ =	shalt  }
0x52: {  	_ =	shalt  }
0x53: {  	_ =	shalt  }
0x54: {  	_ =	shalt  }
0x55: {  	_ =	shalt  }
0x56: {  	_ =	shalt  }
0x57: {  	_ =	shalt  }
0x58: {  	_ =	shalt  }
0x59: {  	_ =	shalt  }
0x5a: {  	_ =	shalt  }
0x5b: {  	_ =	shalt  }
0x5c: {  	_ =	shalt  }
0x5d: {  	_ =	shalt  }
0x5e: {  	_ =	shalt  }
0x5f: {  	_ =	shalt  }
0x60: {  	_ =	shalt  }
0x61: {  	_ =	shalt  }
0x62: {  	_ =	shalt  }
0x63: {  	_ =	shalt  }
0x64: {  	_ =	shalt  }
0x65: {  	_ =	shalt  }
0x66: {  	_ =	shalt  }
0x67: {  	_ =	shalt  }
0x68: {  	_ =	shalt  }
0x69: {  	_ =	shalt  }
0x6a: {  	_ =	shalt  }
0x6b: {  	_ =	shalt  }
0x6c: {  	_ =	shalt  }
0x6d: {  	_ =	shalt  }
0x6e: {  	_ =	shalt  }
0x6f: {  	_ =	shalt  }
0x70: {  	_ =	shalt  }
0x71: {  	_ =	shalt  }
0x72: {  	_ =	shalt  }
0x73: {  	_ =	shalt  }
0x74: {  	_ =	shalt  }
0x75: {  	_ =	shalt  }
0x76: {  	_ =	shalt  }
0x77: {  	_ =	shalt  }
0x78: {  	_ =	shalt  }
0x79: {  	_ =	shalt  }
0x7a: {  	_ =	shalt  }
0x7b: {  	_ =	shalt  }
0x7c: {  	_ =	shalt  }
0x7d: {  	_ =	shalt  }
0x7e: {  	_ =	shalt  }
0x7f: {  	_ =	shalt  }
0x80: {  	_ =	shalt  }
0x81: {  	_ =	shalt  }
0x82: {  	_ =	shalt  }
0x83: {  	_ =	shalt  }
0x84: {  	_ =	shalt  }
0x85: {  	_ =	shalt  }
0x86: {  	_ =	shalt  }
0x87: {  	_ =	shalt  }
.Lfunc_end0:
.L_simem_size_0:
called_computation_lowered:
.L_overlay_start_0:
0x88: {  	s2 =	sld [smem:$0x3FD9]  }
0x89: {  	s3 =	sld [smem:$0x3FFE];
	_ =	sdelay $0x1  }
0x8a: {  	s1 =	srdreg.scid  }
0x8b: {  	s0 =	sand.u32 $0x1, s1  }
0x8c: {  	s18 =	sshll.u32 s0, $0xA;
	s2 =	sadd.s32 s3, s2  }
0x8d: {  	s2 =	sadd.s32 s2, s18  }
0x8e: {  	[smem:$0x3FC2] =	sst s2  }
0x8f: {  	_ = 	snop  }
0x90: {  	s2 =	sld [smem:$0x3FC9]  }
0x91: {  	s19 =	sld [smem:$0x3FC8]  }
0x92: {  	s4 =	sld [smem:$0x3FC7]  }
0x93: {  	s5 =	sld [smem:$0x3FC6]  }
0x94: {  	s6 =	sld [smem:$0x3FC5]  }
0x95: {  	s7 =	sld [smem:$0x3FC4]  }
0x96: {  	s8 =	sld [smem:$0x3FD0];
	(tm) =	ssettm $0x1  }
0x97: {  	s9 =	sld [smem:$0x3FFB];
	_ =	sdelay $0x3  }
0x98: {  	_ =	strace s9  }
0x99: {  	s9 =	sld [smem:$0x3FFC];
	_ =	sdelay $0x3  }
0x9a: {  	_ =	strace s9  }
0x9b: {  	s9 =	sld [smem:$0x3FFD];
	_ =	sdelay $0x3  }
0x9c: {  	_ =	strace s9  }
0x9d: {  	_ =	strace $0x8FFFFFFF  }
0x9e: {  	s20 =	sld [smem:$0x3FDB];
	_ =	sdelay $0x1  }
0x9f: {  	s10 =	simm.s32 $_scs_section_size  }
0xa0: {  	s11 =	simm.s32 $_size__tile_overlayer_lowered;
	s12 =	simm.s32 $_tile_overlayer_lowered  }
0xa1: {  	s23 =	simm.s32 $0x1BFF;
	s22 =	sshll.u32 s12, $0x1;
	s9 =	sadd.s32 s10, s20  }
0xa2: {  	s13 =	simm.s32 $0x0;
	s21 =	sshll.u32 s11, $0x1;
	s11 =	sadd.s32 s22, s9  }
0xa3: {  	[timem:s13], [sflag:s23] =	dma.local [hbm:s11], s21  }
0xa4: {  	_ =	swait.ge [sflag:s23], s21  }
0xa5: {  	s10 =	ssub.s32 $0x0, s21;
	[sflag:s23] =	ssyncset.done $0x0  }
0xa6: {  	[sflag:s23] =	ssyncadd.s32 s10;
	_ =	sdelay $0x1  }
0xa7: {  	s24 =	simm.s32 $0x1B8B  }
0xa8: {  	_ =	swait.ge [sflag:s24], $0x1  }
0xa9: {  	[sflag:s24] =	ssyncset.done $0x0  }
0xaa: {  	s25 =	simm.s32 $0x1B8E;
	[sflag:s24] =	ssyncadd.s32 $0xFFFFFFFF  }
0xab: {  	s26 =	simm.s32 $execute0_lowered;
	[smem:$0x3FD2] =	sst s25  }
0xac: {  	s10 =	sshll.u32 s26, $0x1;
	_ =	strace $0x80000046;
	[dreg:$0x1] =	wrdreg $0xFFFFFFFF  }
0xad: {  	s28 =	simm.s32 $_size_execute0_lowered;
	s9 =	sadd.s32 s9, s10;
	[dreg:$0x0] =	wrdreg $0x0  }
0xae: {  	s10 =	sshll.u32 s28, $0x1;
	[dreg:$0x2] =	wrdreg s9  }
0xaf: {  	[dreg:$0x3] =	wrdreg s10  }
0xb0: {  	[dreg:$0x4] =	wrdreg $0xC0  }
0xb1: {  	_ =	task [dreg:s13], $0x5FFFF  }
0xb2: {  	[dreg:$0x1] =	wrdreg $0xFFFFFFFF  }
0xb3: {  	[dreg:$0x0] =	wrdreg $0x60  }
0xb4: {  	[dreg:$0x2] =	wrdreg s2  }
0xb5: {  	[dreg:$0x3] =	wrdreg s19  }
0xb6: {  	[dreg:$0x4] =	wrdreg s4  }
0xb7: {  	[dreg:$0x5] =	wrdreg s5  }
0xb8: {  	[dreg:$0x6] =	wrdreg s6  }
0xb9: {  	[dreg:$0x7] =	wrdreg s7  }
0xba: {  	[dreg:$0x8] =	wrdreg s8  }
0xbb: {  	[dreg:$0x9] =	wrdreg $0x9  }
0xbc: {  	_ =	task.clear_ibuf [dreg:s13], $0xAFFFF;
	_ =	strace $0x90000046  }
0xbd: {  	s29 =	simm.s32 $0x9;
	_ =	strace $0x8000004C  }
0xbe: {  	_ =	swait.ge [sflag:s29], $0x1  }
0xbf: {  	[sflag:s29] =	ssyncadd.s32 $0xFFFFFFFF  }
0xc0: {  	_ =	strace $0x9000004C  }
0xc1: {  	_ =	sfence  }
0xc2: {  	s30 =	sld [smem:$0x0];
	_ =	sdelay $0x2  }
0xc3: {  	s31 =	sshll.u32 s1, $0xD;
	s1 =	sshrl.u32 s1, $0x2  }
0xc4: {  	s3 =	sand.u32 $0x4000, s31;
	s1 =	sadd.s32 s1, s30  }
0xc5: {  	s0 =	sor.u32 s3, s0;
	s1 =	sshll.u32 s1, $0x11  }
0xc6: {  	s0 =	sor.u32 s1, s0  }
0xc7: {  	s0 =	sadd.s32 $0x8F2B, s0  }
0xc8: {  	[sflag:s0] =	ssyncadd.remote.s32 $0x1  }
0xc9: {  	_ =	sfence.sel $0xFFFF  }
0xca: {  	[dreg:$0x0] =	wrdreg $0xFFFFFFFF;
	(pc) =	sbr.abs _section_cstart, $3  }
0xcb: {  	[dreg:$0x1] =	wrdreg $0xFFFFFFFF  }
0xcc: {  	_ =	task.clear_ibuf [dreg:s13], $0x2FFFF;
	_ =	strace $0x9FFFFFFF  }
0xcd: {  	(tm) =	ssettm $0x7FFFFFFF  }
tec
execute0_lowered:
.L_overlay_start_1:
0x0: {  	(tag) =	ssettag $0x1  }
0x1: {  	v0 =	vimm.s32 $0xEFCDAB89  }
0x2: {  	vm0 =	vcmask $0xB08;
	vm1 =	vcmask $0x300;
	v1 =	vimm.s32 $0x67452301  }
0x3: {  	s4 =	rddreg [dreg:$0x0];
	v2 =	vimm.s32 $0xDCFE98BA;
	v3 =	vimm.s32 $0x54761032;
	vm2 =	vcmask $0x700  }
0x4: {  	s5 =	rddreg [dreg:$0x1];
	vm3 =	vcmask $0x3B38;
	v57 =	vimm.s32 $0xBA98FEDC;
	v58 =	vimm.s32 $0x32107654  }
0x5: {  	s0 =	rddreg [dreg:$0x2];
	v4 =	vimm.s32 $0xFEDCBA98;
	v5 =	vimm.s32 $0x76543210;
	v0 =	vunpack.c.l.s4.s8 v0  }
0x6: {  	s1 =	rddreg [dreg:$0x3];
	vm0 =	vmor vm1, vm0;
	vm1 =	vcmask $0x1310;
	v1 =	vunpack.c.l.s4.s8 v1  }
0x7: {  	s2 =	rddreg [dreg:$0x4];
	v2 =	vunpack.c.l.s4.s8 v2;
	v3 =	vunpack.c.l.s4.s8 v3;
	v4 =	vunpack.c.l.s4.s8 v4  }
0x8: {  	s3 =	rddreg [dreg:$0x5];
	s7 =	srdreg.scid;
	v5 =	vunpack.c.l.s4.s8 v5;
	vm0 =	vmor vm0, vm1;
	vm1 =	vcmask $0x1B18  }
0x9: {  	s6 =	rddreg [dreg:$0x6];
	s9 =	stileid.u32;
	v0 =	vunpack.c.0.s8.s32 v0;
	vm0 =	vmor vm0, vm1;
	vm1 =	vcmask $0x2320  }
0xa: {  	s12 =	simm.s32 $0x7;
	s13 =	simm.s32 $0x200;
	s14 =	simm.s32 $0x80;
	v1 =	vunpack.c.0.s8.s32 v1;
	v55 =	vunpack.c.0.s8.s32 v2;
	v56 =	vunpack.c.0.s8.s32 v3  }
0xb: {  	s19 =	simm.s32 $0x4400;
	s21 =	simm.s32 $0xC400;
	s22 =	simm.s32 $0x10480;
	v2 =	vunpack.c.l.s4.s8 v57;
	v3 =	vunpack.c.l.s4.s8 v58;
	v4 =	vunpack.c.0.s8.s32 v4  }
0xc: {  	s23 =	simm.s32 $0x10580;
	s24 =	simm.s32 $0x1;
	s25 =	simm.s32 $0x3;
	v59 =	vunpack.c.0.s8.s32 v5;
	vm0 =	vmor vm0, vm1;
	vm1 =	vcmask $0x2B28  }
0xd: {  	s28 =	simm.s32 $0x10600;
	s29 =	simm.s32 $0x2;
	s30 =	simm.s32 $0x4;
	vm0 =	vmor vm0, vm1;
	vm1 =	vcmask $0x3330;
	v0 =	vcombine.low v1, v0  }
0xe: {  	s31 =	simm.s32 $0x6;
	s15 =	simm.s32 $0x0;
	s8 =	sand.u32 $0x1, s7;
	v1 =	vcombine.low v56, v55;
	v2 =	vunpack.c.0.s8.s32 v2;
	v3 =	vunpack.c.0.s8.s32 v3  }
0xf: {  	s9 =	sshll.u32 s9, $0xA;
	s7 =	simm.s32 $0x0;
	s10 =	sshll.u32 s8, $0x9;
	v62 =	vand.u32 $0xF, v4;
	vm0 =	vmor vm0, vm1;
	vm1 =	vcmask $0x1710  }
.Ltmp0:
0x10: {  	s11 =	ssub.s32 $0x2, s8;
	[smem:$0x7FF] =	sst s7;
	v11 =	vcombine.low v62, v59;
	vm1 =	vmor vm2, vm1;
	vm2 =	vcmask $0x2720;
	(pc) =	sbr.rel .LBB2_1-.Ltmp0, $4  }
0x11: {  	s8 =	sor.u32 s10, s9;
	s26 =	sshrl.u32 s11, $0x1;
	_ =	strace $0x80000047;
	vm0 =	vmor vm0, vm3;
	v2 =	vcombine.low v3, v2;
	v63 =	vand.u32 $0xF, v1  }
0x12: {  	s10 =	sshrl.u32 s8, $0x3;
	s11 =	ssub.s32 s11, s26;
	s26 =	simm.s32 $0x5;
	vm3 =	vcmask $0xF00;
	vm1 =	vmor vm1, vm2;
	vm2 =	vcmask $0x3730;
	[tilespmem:$0x1FFD0] =	vst v63  }
0x13: {  	s4 =	sadd.s32 s4, s10;
	s10 =	sadd.s32 s5, s10;
	s11 =	smax.u32 s11, $0x1;
	[tilespmem:$0x1FFF0] =	vst v11;
	vm1 =	vmor vm1, vm2;
	vm2 =	vcmask $0x2F20;
	v22 =	vand.u32 $0xF, v2  }
0x14: {  	s5 =	simm.s32 $0x180;
	[dreg:$0x8] =	wrdreg s4;
	s4 =	simm.s32 $0x380;
	v48 =	vand.u32 $0xF, v0;
	vm2 =	vmor vm3, vm2;
	vm3 =	vmmov $0xff;
	[tilespmem:$0x1FFE0] =	vst v22  }
.LBB2_8:
0x15: {  	s15 =	sadd.s32 $0x1, s15  }
0x16: {  	s9 =	sadd.s32 s16, s6;
	p0 =	sne.s32 s15, s11  }
.Ltmp1:
0x17: {  	s9 =	sadd.s32 $0x10, s9;
	(pc) =	sbr.rel @!p0 .LBB2_9-.Ltmp1, $4  }
0x18: {  	[hbm4b:s9+s7] =	stream.linear.scatter [tilespmem:s28], [sflag:$0x7], $0x80, $0x38;
	[tilespmem:$0x10680] =	vst v63  }
0x19: {  	_ =	swait.ge [sflag:s12], $0x80  }
0x1a: {  	[sflag:s12] =	ssyncset.done $0x0  }
0x1b: {  	[sflag:s12] =	ssyncadd.s32 $0xFFFFFF80  }
.LBB2_1:
0x1c: {  	s9 =	rddreg [dreg:$0x8]  }
0x1d: {  	[tilespmem:s7], [sflag:$0x7] =	stream.linear.gather [hbm4b:s9+s7], $0x200, $0x38;
	[tilespmem:$0x10680] =	vst v63  }
0x1e: {  	_ =	swait.ge [sflag:s12], $0x200  }
0x1f: {  	[sflag:s12] =	ssyncset.done $0x0  }
0x20: {  	[sflag:s12] =	ssyncadd.s32 $0xFFFFFE00  }
0x21: {  	[tilespmem:s13], [sflag:$0x7] =	stream.linear.gather [hbm4b:s10+s7], $0x200, $0x38;
	[tilespmem:$0x10680] =	vst v63  }
0x22: {  	_ =	swait.ge [sflag:s12], $0x200  }
0x23: {  	[sflag:s12] =	ssyncset.done $0x0  }
0x24: {  	s20 =	simm.s32 $0x400;
	[sflag:s12] =	ssyncadd.s32 $0xFFFFFE00  }
0x25: {  	[tilespmem:s20], [sflag:$0x1] =	stream.indirect.gather [hbm4b:s0+s14], $0x80, s7, s14, $0xb8;
	[tilespmem:$0x10680] =	vst v63  }
0x26: {  	s16 =	simm.s32 $0x8400  }
0x27: {  	[tilespmem:s16], [sflag:$0x3] =	stream.indirect.gather [hbm4b:s1+s14], $0x80, s13, s14, $0xb8;
	[tilespmem:$0x10680] =	vst v63  }
0x28: {  	s17 =	simm.s32 $0x10400  }
0x29: {  	[tilespmem:s17], [sflag:$0x5] =	stream.indirect.gather [hbm4b:s2+s14], $0x1, s7, s14, $0xb8;
	[tilespmem:$0x10680] =	vst v63  }
0x2a: {  	s18 =	simm.s32 $0x10500  }
0x2b: {  	[tilespmem:s18], [sflag:$0x5] =	stream.indirect.gather [hbm4b:s3+s14], $0x1, s13, s14, $0xb8;
	[tilespmem:$0x10680] =	vst v63  }
0x2c: {  	_ = 	snop  }
0x2d: {  	[tilespmem:s19], [sflag:$0x2] =	stream.indirect.gather [hbm4b:s0+s14], $0x80, s14, s14, $0xb8;
	[tilespmem:$0x10680] =	vst v63  }
0x2e: {  	s20 =	simm.s32 $0x280  }
0x2f: {  	[tilespmem:s21], [sflag:$0x4] =	stream.indirect.gather [hbm4b:s1+s14], $0x80, s20, s14, $0xb8;
	[tilespmem:$0x10680] =	vst v63  }
0x30: {  	_ = 	snop  }
0x31: {  	[tilespmem:s22], [sflag:$0x6] =	stream.indirect.gather [hbm4b:s2+s14], $0x1, s14, s14, $0xb8;
	[tilespmem:$0x10680] =	vst v63  }
0x32: {  	p0 =	por $0x1, $0x1;
	s16 =	simm.s32 $0x0  }
0x33: {  	[tilespmem:s23], [sflag:$0x6] =	stream.indirect.gather [hbm4b:s3+s14], $0x1, s20, s14, $0xb8;
	[tilespmem:$0x10680] =	vst v63  }
.LBB2_2:
0x34: {  	_ =	strace $0x80000048  }
0x35: {  	_ =	swait.ge [sflag:s24], $0x4000  }
0x36: {  	[sflag:s24] =	ssyncset.done $0x0  }
0x37: {  	[sflag:s24] =	ssyncadd.s32 $0xFFFFC000  }
0x38: {  	_ =	swait.ge [sflag:s25], $0x4000  }
0x39: {  	[sflag:s25] =	ssyncset.done $0x0  }
0x3a: {  	[sflag:s25] =	ssyncadd.s32 $0xFFFFC000  }
0x3b: {  	_ =	swait.ge [sflag:s26], $0x80  }
0x3c: {  	[sflag:s26] =	ssyncset.done $0x0  }
0x3d: {  	[sflag:s26] =	ssyncadd.s32 $0xFFFFFF80  }
0x3e: {  	_ =	swait.ge [sflag:s26], $0x80  }
0x3f: {  	[sflag:s26] =	ssyncset.done $0x0  }
0x40: {  	[sflag:s26] =	ssyncadd.s32 $0xFFFFFF80  }
0x41: {  	_ =	strace $0x90000048  }
0x42: {  	s17 =	simm.s32 $0x0;
	_ =	strace $0x80000049  }
.LBB2_3:
0x43: {  	s18 =	sshll.u32 s17, $0xB  }
0x44: {  	v59 =	vld [tilespmem:s18+$0x8600];
	_ =	sdelay $0x4  }
0x45: {  	[tilespmem:$0x1E990] =	vst v59;
	v59 =	vld [tilespmem:s18+$0x610];
	_ =	sdelay $0x4  }
0x46: {  	[tilespmem:$0x1E9C0] =	vst v59;
	v59 =	vld [tilespmem:s18+$0x8610];
	_ =	sdelay $0x4  }
0x47: {  	[tilespmem:$0x1E9D0] =	vst v59;
	v59 =	vld [tilespmem:s18+$0x620];
	_ =	sdelay $0x4  }
0x48: {  	[tilespmem:$0x1E9A0] =	vst v59;
	v59 =	vld [tilespmem:s18+$0x8620];
	_ =	sdelay $0x4  }
0x49: {  	[tilespmem:$0x1E9B0] =	vst v59;
	v59 =	vld [tilespmem:s18+$0x630];
	_ =	sdelay $0x4  }
0x4a: {  	[tilespmem:$0x1E9E0] =	vst v59;
	v59 =	vld [tilespmem:s18+$0x8630];
	_ =	sdelay $0x4  }
0x4b: {  	[tilespmem:$0x1E9F0] =	vst v59;
	v59 =	vld [tilespmem:s18+$0x640];
	_ =	sdelay $0x4  }
0x4c: {  	[tilespmem:$0x1EA00] =	vst v59;
	v59 =	vld [tilespmem:s18+$0x8640];
	_ =	sdelay $0x4  }
0x4d: {  	[tilespmem:$0x1EA10] =	vst v59;
	v59 =	vld [tilespmem:s18+$0x650];
	_ =	sdelay $0x4  }
0x4e: {  	[tilespmem:$0x1EA20] =	vst v59;
	v59 =	vld [tilespmem:s18+$0x8650];
	_ =	sdelay $0x4  }
0x4f: {  	[tilespmem:$0x1EA30] =	vst v59;
	v59 =	vld [tilespmem:s18+$0x660];
	_ =	sdelay $0x4  }
0x50: {  	[tilespmem:$0x1EAD0] =	vst v59;
	v59 =	vld [tilespmem:s18+$0x8660];
	_ =	sdelay $0x4  }
0x51: {  	[tilespmem:$0x1EAE0] =	vst v59;
	v59 =	vld [tilespmem:s18+$0x670];
	_ =	sdelay $0x4  }
0x52: {  	[tilespmem:$0x1EB10] =	vst v59;
	v59 =	vld [tilespmem:s18+$0x8670];
	_ =	sdelay $0x4  }
0x53: {  	[tilespmem:$0x1EB20] =	vst v59;
	v59 =	vld [tilespmem:s18+$0x680];
	_ =	sdelay $0x4  }
0x54: {  	[tilespmem:$0x1EA40] =	vst v59;
	v59 =	vld [tilespmem:s18+$0x8680];
	_ =	sdelay $0x4  }
0x55: {  	[tilespmem:$0x1EA50] =	vst v59;
	v59 =	vld [tilespmem:s18+$0x690];
	_ =	sdelay $0x4  }
0x56: {  	[tilespmem:$0x1EA70] =	vst v59;
	v59 =	vld [tilespmem:s18+$0x8690];
	_ =	sdelay $0x4  }
0x57: {  	[tilespmem:$0x1EA80] =	vst v59;
	v59 =	vld [tilespmem:s18+$0x6A0];
	_ =	sdelay $0x4  }
0x58: {  	[tilespmem:$0x1EA60] =	vst v59;
	v59 =	vld [tilespmem:s18+$0x6B0];
	_ =	sdelay $0x4  }
0x59: {  	[tilespmem:$0x1EA90] =	vst v59;
	v59 =	vld [tilespmem:s18+$0x86B0];
	_ =	sdelay $0x4  }
0x5a: {  	[tilespmem:$0x1EAA0] =	vst v59;
	v59 =	vld [tilespmem:s18+$0x6C0];
	_ =	sdelay $0x4  }
0x5b: {  	[tilespmem:$0x1EAB0] =	vst v59;
	v59 =	vld [tilespmem:s18+$0x86C0];
	_ =	sdelay $0x4  }
0x5c: {  	[tilespmem:$0x1EAC0] =	vst v59;
	v59 =	vld [tilespmem:s18+$0x6D0];
	_ =	sdelay $0x4  }
0x5d: {  	[tilespmem:$0x1EAF0] =	vst v59;
	v59 =	vld [tilespmem:s18+$0x86D0];
	_ =	sdelay $0x4  }
0x5e: {  	[tilespmem:$0x1EB00] =	vst v59;
	v59 =	vld [tilespmem:s18+$0x6E0];
	_ =	sdelay $0x4  }
0x5f: {  	[tilespmem:$0x1EB30] =	vst v59;
	v59 =	vld [tilespmem:s18+$0x86E0];
	_ =	sdelay $0x4  }
0x60: {  	[tilespmem:$0x1EB40] =	vst v59;
	v59 =	vld [tilespmem:s18+$0x6F0];
	_ =	sdelay $0x4  }
0x61: {  	[tilespmem:$0x1EB50] =	vst v59;
	v59 =	vld [tilespmem:s18+$0x86F0];
	_ =	sdelay $0x4  }
0x62: {  	[tilespmem:$0x1EB60] =	vst v59;
	v59 =	vld [tilespmem:s18+$0x700];
	_ =	sdelay $0x4  }
0x63: {  	[tilespmem:$0x1EB70] =	vst v59;
	v59 =	vld [tilespmem:s18+$0x8700];
	_ =	sdelay $0x4  }
0x64: {  	[tilespmem:$0x1EB80] =	vst v59;
	v59 =	vld [tilespmem:s18+$0x710];
	_ =	sdelay $0x4  }
0x65: {  	[tilespmem:$0x1EB90] =	vst v59;
	v59 =	vld [tilespmem:s18+$0x8710];
	_ =	sdelay $0x4  }
0x66: {  	[tilespmem:$0x1EBA0] =	vst v59;
	v59 =	vld [tilespmem:s18+$0x720];
	_ =	sdelay $0x4  }
0x67: {  	[tilespmem:$0x1EBB0] =	vst v59;
	v59 =	vld [tilespmem:s18+$0x8720];
	_ =	sdelay $0x4  }
0x68: {  	[tilespmem:$0x1EBC0] =	vst v59;
	v59 =	vld [tilespmem:s18+$0x730];
	_ =	sdelay $0x4  }
0x69: {  	[tilespmem:$0x1EBD0] =	vst v59;
	v59 =	vld [tilespmem:s18+$0x8730];
	_ =	sdelay $0x4  }
0x6a: {  	[tilespmem:$0x1EBE0] =	vst v59;
	v59 =	vld [tilespmem:s18+$0x740];
	_ =	sdelay $0x4  }
0x6b: {  	[tilespmem:$0x1EBF0] =	vst v59;
	v59 =	vld [tilespmem:s18+$0x8740];
	_ =	sdelay $0x4  }
0x6c: {  	[tilespmem:$0x1EC00] =	vst v59;
	v59 =	vld [tilespmem:s18+$0x750];
	_ =	sdelay $0x4  }
0x6d: {  	[tilespmem:$0x1EC10] =	vst v59;
	v59 =	vld [tilespmem:s18+$0x8750];
	_ =	sdelay $0x4  }
0x6e: {  	[tilespmem:$0x1EC20] =	vst v59;
	v59 =	vld [tilespmem:s18+$0x760];
	_ =	sdelay $0x4  }
0x6f: {  	[tilespmem:$0x1ECF0] =	vst v59;
	v59 =	vld [tilespmem:s18+$0x8760];
	_ =	sdelay $0x4  }
0x70: {  	[tilespmem:$0x1ED00] =	vst v59;
	v59 =	vld [tilespmem:s18+$0x770];
	_ =	sdelay $0x4  }
0x71: {  	[tilespmem:$0x1ED10] =	vst v59;
	v59 =	vld [tilespmem:s18+$0x8770];
	_ =	sdelay $0x4  }
0x72: {  	[tilespmem:$0x1ED20] =	vst v59;
	v59 =	vld [tilespmem:s18+$0x780];
	_ =	sdelay $0x4  }
0x73: {  	[tilespmem:$0x1EC30] =	vst v59;
	v59 =	vld [tilespmem:s18+$0x8780];
	_ =	sdelay $0x4  }
0x74: {  	[tilespmem:$0x1EC40] =	vst v59;
	v59 =	vld [tilespmem:s18+$0x790];
	_ =	sdelay $0x4  }
0x75: {  	[tilespmem:$0x1EC70] =	vst v59;
	v59 =	vld [tilespmem:s18+$0x8790];
	_ =	sdelay $0x4  }
0x76: {  	[tilespmem:$0x1EC80] =	vst v59;
	v59 =	vld [tilespmem:s18+$0x7A0];
	_ =	sdelay $0x4  }
0x77: {  	[tilespmem:$0x1EC50] =	vst v59;
	v59 =	vld [tilespmem:s18+$0x87A0];
	_ =	sdelay $0x4  }
0x78: {  	[tilespmem:$0x1EC60] =	vst v59;
	v59 =	vld [tilespmem:s18+$0x7B0];
	_ =	sdelay $0x4  }
0x79: {  	[tilespmem:$0x1EC90] =	vst v59;
	v59 =	vld [tilespmem:s18+$0x87B0];
	_ =	sdelay $0x4  }
0x7a: {  	[tilespmem:$0x1ECA0] =	vst v59;
	v59 =	vld [tilespmem:s18+$0x7C0];
	_ =	sdelay $0x4  }
0x7b: {  	[tilespmem:$0x1ECB0] =	vst v59;
	v59 =	vld [tilespmem:s18+$0x87C0];
	_ =	sdelay $0x4  }
0x7c: {  	[tilespmem:$0x1ECC0] =	vst v59;
	v59 =	vld [tilespmem:s18+$0x7D0];
	_ =	sdelay $0x4  }
0x7d: {  	[tilespmem:$0x1ECD0] =	vst v59;
	v59 =	vld [tilespmem:s18+$0x87D0];
	_ =	sdelay $0x4  }
0x7e: {  	[tilespmem:$0x1ECE0] =	vst v59;
	v59 =	vld [tilespmem:s18+$0x7E0];
	_ =	sdelay $0x4  }
0x7f: {  	[tilespmem:$0x1ED30] =	vst v59;
	v59 =	vld [tilespmem:s18+$0x87E0];
	_ =	sdelay $0x4  }
0x80: {  	[tilespmem:$0x1ED40] =	vst v59;
	v59 =	vld [tilespmem:s18+$0x7F0];
	_ =	sdelay $0x4  }
0x81: {  	[tilespmem:$0x1ED50] =	vst v59;
	v59 =	vld [tilespmem:s18+$0x87F0];
	_ =	sdelay $0x4  }
0x82: {  	[tilespmem:$0x1ED60] =	vst v59;
	v59 =	vld [tilespmem:s18+$0x800];
	_ =	sdelay $0x4  }
0x83: {  	[tilespmem:$0x1ED70] =	vst v59;
	v59 =	vld [tilespmem:s18+$0x8800];
	_ =	sdelay $0x4  }
0x84: {  	[tilespmem:$0x1ED80] =	vst v59;
	v59 =	vld [tilespmem:s18+$0x810];
	_ =	sdelay $0x4  }
0x85: {  	[tilespmem:$0x1EDB0] =	vst v59;
	v59 =	vld [tilespmem:s18+$0x8810];
	_ =	sdelay $0x4  }
0x86: {  	[tilespmem:$0x1EDC0] =	vst v59;
	v59 =	vld [tilespmem:s18+$0x820];
	_ =	sdelay $0x4  }
0x87: {  	[tilespmem:$0x1ED90] =	vst v59;
	v59 =	vld [tilespmem:s18+$0x8820];
	_ =	sdelay $0x4  }
0x88: {  	[tilespmem:$0x1EDA0] =	vst v59;
	v59 =	vld [tilespmem:s18+$0x830];
	_ =	sdelay $0x4  }
0x89: {  	[tilespmem:$0x1EDD0] =	vst v59;
	v59 =	vld [tilespmem:s18+$0x8830];
	_ =	sdelay $0x3  }
0x8a: {  	v31 =	vld [tilespmem:s18+$0x400]  }
0x8b: {  	[tilespmem:$0x1EDE0] =	vst v59;
	v59 =	vld [tilespmem:s18+$0x840]  }
0x8c: {  	v18 =	vld [tilespmem:s18+$0x8400]  }
0x8d: {  	v2 =	vld [tilespmem:s18+$0x410]  }
0x8e: {  	v24 =	vld [tilespmem:s18+$0x8410]  }
0x8f: {  	v11 =	vld [tilespmem:s18+$0x420]  }
0x90: {  	[tilespmem:$0x1EDF0] =	vst v59;
	v59 =	vld [tilespmem:s18+$0x8840]  }
0x91: {  	v8 =	vld [tilespmem:s18+$0x8420]  }
0x92: {  	v14 =	vld [tilespmem:s18+$0x430]  }
0x93: {  	v10 =	vld [tilespmem:s18+$0x8430]  }
0x94: {  	v25 =	vld [tilespmem:s18+$0x440]  }
0x95: {  	[tilespmem:$0x1EE00] =	vst v59;
	v59 =	vld [tilespmem:s18+$0x850]  }
0x96: {  	v19 =	vld [tilespmem:s18+$0x8440]  }
0x97: {  	v20 =	vld [tilespmem:s18+$0x450]  }
0x98: {  	v16 =	vld [tilespmem:s18+$0x8450]  }
0x99: {  	v61 =	vld [tilespmem:s18+$0x460]  }
0x9a: {  	[tilespmem:$0x1EE10] =	vst v59;
	v59 =	vld [tilespmem:s18+$0x8850]  }
0x9b: {  	v56 =	vld [tilespmem:s18+$0x8460]  }
0x9c: {  	v50 =	vld [tilespmem:s18+$0x470]  }
0x9d: {  	v52 =	vld [tilespmem:s18+$0x8470]  }
0x9e: {  	v17 =	vld [tilespmem:s18+$0x480]  }
0x9f: {  	[tilespmem:$0x1EE20] =	vst v59;
	v59 =	vld [tilespmem:s18+$0x860]  }
0xa0: {  	v6 =	vld [tilespmem:s18+$0x8480]  }
0xa1: {  	v15 =	vld [tilespmem:s18+$0x490]  }
0xa2: {  	v27 =	vld [tilespmem:s18+$0x8490]  }
0xa3: {  	v4 =	vld [tilespmem:s18+$0x4A0]  }
0xa4: {  	[tilespmem:$0x1EED0] =	vst v59;
	v59 =	vld [tilespmem:s18+$0x8860]  }
0xa5: {  	v3 =	vld [tilespmem:s18+$0x84A0]  }
0xa6: {  	v9 =	vld [tilespmem:s18+$0x4B0]  }
0xa7: {  	v32 =	vld [tilespmem:s18+$0x84B0]  }
0xa8: {  	v13 =	vld [tilespmem:s18+$0x4C0]  }
0xa9: {  	[tilespmem:$0x1EEE0] =	vst v59;
	v59 =	vld [tilespmem:s18+$0x870]  }
0xaa: {  	v38 =	vld [tilespmem:s18+$0x84C0]  }
0xab: {  	v35 =	vld [tilespmem:s18+$0x4D0]  }
0xac: {  	v34 =	vld [tilespmem:s18+$0x84D0]  }
0xad: {  	v41 =	vld [tilespmem:s18+$0x4E0]  }
0xae: {  	[tilespmem:$0x1EF10] =	vst v59;
	v59 =	vld [tilespmem:s18+$0x8870]  }
0xaf: {  	v26 =	vld [tilespmem:s18+$0x84E0]  }
0xb0: {  	v62 =	vld [tilespmem:s18+$0x4F0]  }
0xb1: {  	v29 =	vld [tilespmem:s18+$0x84F0]  }
0xb2: {  	v57 =	vld [tilespmem:s18+$0x500]  }
0xb3: {  	[tilespmem:$0x1EF20] =	vst v59;
	v59 =	vld [tilespmem:s18+$0x880]  }
0xb4: {  	v54 =	vld [tilespmem:s18+$0x8500]  }
0xb5: {  	v44 =	vld [tilespmem:s18+$0x510]  }
0xb6: {  	v39 =	vld [tilespmem:s18+$0x8510]  }
0xb7: {  	v40 =	vld [tilespmem:s18+$0x520]  }
0xb8: {  	[tilespmem:$0x1EE30] =	vst v59;
	v59 =	vld [tilespmem:s18+$0x8880]  }
0xb9: {  	v45 =	vld [tilespmem:s18+$0x8520]  }
0xba: {  	v46 =	vld [tilespmem:s18+$0x530]  }
0xbb: {  	v36 =	vld [tilespmem:s18+$0x8530]  }
0xbc: {  	v60 =	vld [tilespmem:s18+$0x540]  }
0xbd: {  	[tilespmem:$0x1EE40] =	vst v59;
	v59 =	vld [tilespmem:s18+$0x890]  }
0xbe: {  	v58 =	vld [tilespmem:s18+$0x8540]  }
0xbf: {  	v47 =	vld [tilespmem:s18+$0x550]  }
0xc0: {  	v1 =	vld [tilespmem:s18+$0x8550]  }
0xc1: {  	v0 =	vld [tilespmem:s18+$0x560]  }
0xc2: {  	[tilespmem:$0x1EE70] =	vst v59;
	v59 =	vld [tilespmem:s18+$0x8890]  }
0xc3: {  	v51 =	vld [tilespmem:s18+$0x8560]  }
0xc4: {  	v53 =	vld [tilespmem:s18+$0x570]  }
0xc5: {  	v55 =	vld [tilespmem:s18+$0x8570]  }
0xc6: {  	v28 =	vld [tilespmem:s18+$0x580]  }
0xc7: {  	[tilespmem:$0x1EE80] =	vst v59;
	v59 =	vld [tilespmem:s18+$0x8A0]  }
0xc8: {  	v7 =	vld [tilespmem:s18+$0x8580]  }
0xc9: {  	v42 =	vld [tilespmem:s18+$0x590]  }
0xca: {  	v22 =	vld [tilespmem:s18+$0x8590]  }
0xcb: {  	v12 =	vld [tilespmem:s18+$0x5A0]  }
0xcc: {  	[tilespmem:$0x1EE50] =	vst v59;
	v59 =	vld [tilespmem:s18+$0x88A0]  }
0xcd: {  	v23 =	vld [tilespmem:s18+$0x85A0]  }
0xce: {  	v37 =	vld [tilespmem:s18+$0x5B0]  }
0xcf: {  	v5 =	vld [tilespmem:s18+$0x85B0]  }
0xd0: {  	v49 =	vld [tilespmem:s18+$0x5C0]  }
0xd1: {  	[tilespmem:$0x1EE60] =	vst v59;
	v59 =	vld [tilespmem:s18+$0x8B0]  }
0xd2: {  	v30 =	vld [tilespmem:s18+$0x85C0]  }
0xd3: {  	v43 =	vld [tilespmem:s18+$0x5D0]  }
0xd4: {  	v33 =	vld [tilespmem:s18+$0x85E0]  }
0xd5: {  	[tilespmem:$0x1E970] =	vst v55;
	v55 =	vld [tilespmem:s18+$0x600]  }
0xd6: {  	[tilespmem:$0x1EE90] =	vst v59;
	v59 =	vld [tilespmem:s18+$0x88B0]  }
0xd7: {  	v21 =	vld [tilespmem:s18+$0x5F0];
	[tilespmem:$0x1E940] =	vst v0  }
0xd8: {  	[tilespmem:$0x1E960] =	vst v53;
	v53 =	vld [tilespmem:s18+$0x85D0]  }
0xd9: {  	[tilespmem:$0x1E950] =	vst v51;
	v0 =	vld [tilespmem:s18+$0x5E0]  }
0xda: {  	v51 =	vld [tilespmem:s18+$0x85F0];
	[tilespmem:$0x1E980] =	vst v55  }
0xdb: {  	v55 =	vld [tilespmem:s18+$0x86A0];
	[tilespmem:$0x1EEA0] =	vst v59  }
0xdc: {  	v59 =	vld [tilespmem:s18+$0x8C0];
	_ =	sdelay $0x4  }
0xdd: {  	[tilespmem:$0x1EEB0] =	vst v59;
	v59 =	vld [tilespmem:s18+$0x88C0];
	_ =	sdelay $0x4  }
0xde: {  	[tilespmem:$0x1EEC0] =	vst v59;
	v59 =	vld [tilespmem:s18+$0x8D0];
	_ =	sdelay $0x4  }
0xdf: {  	[tilespmem:$0x1EEF0] =	vst v59;
	v59 =	vld [tilespmem:s18+$0x88D0];
	_ =	sdelay $0x4  }
0xe0: {  	[tilespmem:$0x1EF00] =	vst v59;
	v59 =	vld [tilespmem:s18+$0x8E0];
	_ =	sdelay $0x4  }
0xe1: {  	[tilespmem:$0x1EF30] =	vst v59;
	v59 =	vld [tilespmem:s18+$0x88E0];
	_ =	sdelay $0x4  }
0xe2: {  	[tilespmem:$0x1EF40] =	vst v59;
	v59 =	vld [tilespmem:s18+$0x8F0];
	_ =	sdelay $0x4  }
0xe3: {  	[tilespmem:$0x1EF50] =	vst v59;
	v59 =	vld [tilespmem:s18+$0x88F0];
	_ =	sdelay $0x4  }
0xe4: {  	[tilespmem:$0x1EF60] =	vst v59;
	v59 =	vld [tilespmem:s18+$0x900];
	_ =	sdelay $0x4  }
0xe5: {  	[tilespmem:$0x1EF70] =	vst v59;
	v59 =	vld [tilespmem:s18+$0x8900];
	_ =	sdelay $0x4  }
0xe6: {  	[tilespmem:$0x1EF80] =	vst v59;
	v59 =	vld [tilespmem:s18+$0x910];
	_ =	sdelay $0x4  }
0xe7: {  	[tilespmem:$0x1EF90] =	vst v59;
	v59 =	vld [tilespmem:s18+$0x8910];
	_ =	sdelay $0x4  }
0xe8: {  	[tilespmem:$0x1EFA0] =	vst v59;
	v59 =	vld [tilespmem:s18+$0x920];
	_ =	sdelay $0x4  }
0xe9: {  	[tilespmem:$0x1EFB0] =	vst v59;
	v59 =	vld [tilespmem:s18+$0x8920];
	_ =	sdelay $0x4  }
0xea: {  	[tilespmem:$0x1EFC0] =	vst v59;
	v59 =	vld [tilespmem:s18+$0x930];
	_ =	sdelay $0x4  }
0xeb: {  	[tilespmem:$0x1EFD0] =	vst v59;
	v59 =	vld [tilespmem:s18+$0x8930];
	_ =	sdelay $0x4  }
0xec: {  	[tilespmem:$0x1EFE0] =	vst v59;
	v59 =	vld [tilespmem:s18+$0x940];
	_ =	sdelay $0x4  }
0xed: {  	[tilespmem:$0x1EFF0] =	vst v59;
	v59 =	vld [tilespmem:s18+$0x8940];
	_ =	sdelay $0x4  }
0xee: {  	[tilespmem:$0x1F000] =	vst v59;
	v59 =	vld [tilespmem:s18+$0x950];
	_ =	sdelay $0x4  }
0xef: {  	[tilespmem:$0x1F010] =	vst v59;
	v59 =	vld [tilespmem:s18+$0x8950];
	_ =	sdelay $0x4  }
0xf0: {  	[tilespmem:$0x1F020] =	vst v59;
	v59 =	vld [tilespmem:s18+$0x960];
	_ =	sdelay $0x4  }
0xf1: {  	[tilespmem:$0x1F0F0] =	vst v59;
	v59 =	vld [tilespmem:s18+$0x8960];
	_ =	sdelay $0x4  }
0xf2: {  	[tilespmem:$0x1F100] =	vst v59;
	v59 =	vld [tilespmem:s18+$0x970];
	_ =	sdelay $0x4  }
0xf3: {  	[tilespmem:$0x1F110] =	vst v59;
	v59 =	vld [tilespmem:s18+$0x8970];
	_ =	sdelay $0x4  }
0xf4: {  	[tilespmem:$0x1F120] =	vst v59;
	v59 =	vld [tilespmem:s18+$0x980];
	_ =	sdelay $0x4  }
0xf5: {  	[tilespmem:$0x1F030] =	vst v59;
	v59 =	vld [tilespmem:s18+$0x8980];
	_ =	sdelay $0x4  }
0xf6: {  	[tilespmem:$0x1F040] =	vst v59;
	v59 =	vld [tilespmem:s18+$0x990];
	_ =	sdelay $0x4  }
0xf7: {  	[tilespmem:$0x1F070] =	vst v59;
	v59 =	vld [tilespmem:s18+$0x8990];
	_ =	sdelay $0x4  }
0xf8: {  	[tilespmem:$0x1F080] =	vst v59;
	v59 =	vld [tilespmem:s18+$0x9A0];
	_ =	sdelay $0x4  }
0xf9: {  	[tilespmem:$0x1F050] =	vst v59;
	v59 =	vld [tilespmem:s18+$0x89A0];
	_ =	sdelay $0x4  }
0xfa: {  	[tilespmem:$0x1F060] =	vst v59;
	v59 =	vld [tilespmem:s18+$0x9B0];
	_ =	sdelay $0x4  }
0xfb: {  	[tilespmem:$0x1F090] =	vst v59;
	v59 =	vld [tilespmem:s18+$0x89B0];
	_ =	sdelay $0x4  }
0xfc: {  	[tilespmem:$0x1F0A0] =	vst v59;
	v59 =	vld [tilespmem:s18+$0x9C0];
	_ =	sdelay $0x4  }
0xfd: {  	[tilespmem:$0x1F0B0] =	vst v59;
	v59 =	vld [tilespmem:s18+$0x89C0];
	_ =	sdelay $0x4  }
0xfe: {  	[tilespmem:$0x1F0C0] =	vst v59;
	v59 =	vld [tilespmem:s18+$0x9D0];
	_ =	sdelay $0x4  }
0xff: {  	[tilespmem:$0x1F0D0] =	vst v59;
	v59 =	vld [tilespmem:s18+$0x89D0];
	_ =	sdelay $0x4  }
0x100: {  	[tilespmem:$0x1F0E0] =	vst v59;
	v59 =	vld [tilespmem:s18+$0x9E0];
	_ =	sdelay $0x4  }
0x101: {  	[tilespmem:$0x1F130] =	vst v59;
	v59 =	vld [tilespmem:s18+$0x89E0];
	_ =	sdelay $0x4  }
0x102: {  	[tilespmem:$0x1F140] =	vst v59;
	v59 =	vld [tilespmem:s18+$0x9F0];
	_ =	sdelay $0x4  }
0x103: {  	[tilespmem:$0x1F150] =	vst v59;
	v59 =	vld [tilespmem:s18+$0x89F0];
	_ =	sdelay $0x4  }
0x104: {  	[tilespmem:$0x1F160] =	vst v59;
	v59 =	vld [tilespmem:s18+$0xA00];
	_ =	sdelay $0x4  }
0x105: {  	[tilespmem:$0x1F170] =	vst v59;
	v59 =	vld [tilespmem:s18+$0x8A00];
	_ =	sdelay $0x4  }
0x106: {  	[tilespmem:$0x1F180] =	vst v59;
	v59 =	vld [tilespmem:s18+$0xA10];
	_ =	sdelay $0x4  }
0x107: {  	[tilespmem:$0x1F1B0] =	vst v59;
	v59 =	vld [tilespmem:s18+$0x8A10];
	_ =	sdelay $0x4  }
0x108: {  	[tilespmem:$0x1F1C0] =	vst v59;
	v59 =	vld [tilespmem:s18+$0xA20];
	_ =	sdelay $0x4  }
0x109: {  	[tilespmem:$0x1F190] =	vst v59;
	v59 =	vld [tilespmem:s18+$0x8A20];
	_ =	sdelay $0x4  }
0x10a: {  	[tilespmem:$0x1F1A0] =	vst v59;
	v59 =	vld [tilespmem:s18+$0xA30];
	_ =	sdelay $0x4  }
0x10b: {  	[tilespmem:$0x1F1D0] =	vst v59;
	v59 =	vld [tilespmem:s18+$0x8A30];
	_ =	sdelay $0x4  }
0x10c: {  	[tilespmem:$0x1F1E0] =	vst v59;
	v59 =	vld [tilespmem:s18+$0xA40];
	_ =	sdelay $0x4  }
0x10d: {  	[tilespmem:$0x1F1F0] =	vst v59;
	v59 =	vld [tilespmem:s18+$0x8A40];
	_ =	sdelay $0x4  }
0x10e: {  	[tilespmem:$0x1F200] =	vst v59;
	v59 =	vld [tilespmem:s18+$0xA50];
	_ =	sdelay $0x4  }
0x10f: {  	[tilespmem:$0x1F210] =	vst v59;
	v59 =	vld [tilespmem:s18+$0x8A50];
	_ =	sdelay $0x4  }
0x110: {  	[tilespmem:$0x1F220] =	vst v59;
	v59 =	vld [tilespmem:s18+$0xA60];
	_ =	sdelay $0x4  }
0x111: {  	[tilespmem:$0x1F2D0] =	vst v59;
	v59 =	vld [tilespmem:s18+$0x8A60];
	_ =	sdelay $0x4  }
0x112: {  	[tilespmem:$0x1F2E0] =	vst v59;
	v59 =	vld [tilespmem:s18+$0xA70];
	_ =	sdelay $0x4  }
0x113: {  	[tilespmem:$0x1F310] =	vst v59;
	v59 =	vld [tilespmem:s18+$0x8A70];
	_ =	sdelay $0x4  }
0x114: {  	[tilespmem:$0x1F320] =	vst v59;
	v59 =	vld [tilespmem:s18+$0xA80];
	_ =	sdelay $0x4  }
0x115: {  	[tilespmem:$0x1F230] =	vst v59;
	v59 =	vld [tilespmem:s18+$0x8A80];
	_ =	sdelay $0x4  }
0x116: {  	[tilespmem:$0x1F240] =	vst v59;
	v59 =	vld [tilespmem:s18+$0xA90];
	_ =	sdelay $0x4  }
0x117: {  	[tilespmem:$0x1F270] =	vst v59;
	v59 =	vld [tilespmem:s18+$0x8A90];
	_ =	sdelay $0x4  }
0x118: {  	[tilespmem:$0x1F280] =	vst v59;
	v59 =	vld [tilespmem:s18+$0xAA0];
	_ =	sdelay $0x4  }
0x119: {  	[tilespmem:$0x1F250] =	vst v59;
	v59 =	vld [tilespmem:s18+$0x8AA0];
	_ =	sdelay $0x4  }
0x11a: {  	[tilespmem:$0x1F260] =	vst v59;
	v59 =	vld [tilespmem:s18+$0xAB0];
	_ =	sdelay $0x4  }
0x11b: {  	[tilespmem:$0x1F290] =	vst v59;
	v59 =	vld [tilespmem:s18+$0x8AB0];
	_ =	sdelay $0x4  }
0x11c: {  	[tilespmem:$0x1F2A0] =	vst v59;
	v59 =	vld [tilespmem:s18+$0xAC0];
	_ =	sdelay $0x4  }
0x11d: {  	[tilespmem:$0x1F2B0] =	vst v59;
	v59 =	vld [tilespmem:s18+$0x8AC0];
	_ =	sdelay $0x4  }
0x11e: {  	[tilespmem:$0x1F2C0] =	vst v59;
	v59 =	vld [tilespmem:s18+$0xAD0];
	_ =	sdelay $0x4  }
0x11f: {  	[tilespmem:$0x1F2F0] =	vst v59;
	v59 =	vld [tilespmem:s18+$0x8AD0];
	_ =	sdelay $0x4  }
0x120: {  	[tilespmem:$0x1F300] =	vst v59;
	v59 =	vld [tilespmem:s18+$0xAE0];
	_ =	sdelay $0x4  }
0x121: {  	[tilespmem:$0x1F330] =	vst v59;
	v59 =	vld [tilespmem:s18+$0x8AE0];
	_ =	sdelay $0x4  }
0x122: {  	[tilespmem:$0x1F340] =	vst v59;
	v59 =	vld [tilespmem:s18+$0xAF0];
	_ =	sdelay $0x4  }
0x123: {  	[tilespmem:$0x1F350] =	vst v59;
	v59 =	vld [tilespmem:s18+$0x8AF0];
	_ =	sdelay $0x4  }
0x124: {  	[tilespmem:$0x1F360] =	vst v59;
	v59 =	vld [tilespmem:s18+$0xB00];
	_ =	sdelay $0x4  }
0x125: {  	[tilespmem:$0x1F370] =	vst v59;
	v59 =	vld [tilespmem:s18+$0x8B00];
	_ =	sdelay $0x4  }
0x126: {  	[tilespmem:$0x1F380] =	vst v59;
	v59 =	vld [tilespmem:s18+$0xB10];
	_ =	sdelay $0x4  }
0x127: {  	[tilespmem:$0x1F390] =	vst v59;
	v59 =	vld [tilespmem:s18+$0x8B10];
	_ =	sdelay $0x4  }
0x128: {  	[tilespmem:$0x1F3A0] =	vst v59;
	v59 =	vld [tilespmem:s18+$0xB20];
	_ =	sdelay $0x4  }
0x129: {  	[tilespmem:$0x1F3B0] =	vst v59;
	v59 =	vld [tilespmem:s18+$0x8B20];
	_ =	sdelay $0x4  }
0x12a: {  	[tilespmem:$0x1F3C0] =	vst v59;
	v59 =	vld [tilespmem:s18+$0xB30];
	_ =	sdelay $0x4  }
0x12b: {  	[tilespmem:$0x1F3D0] =	vst v59;
	v59 =	vld [tilespmem:s18+$0x8B30];
	_ =	sdelay $0x4  }
0x12c: {  	[tilespmem:$0x1F3E0] =	vst v59;
	v59 =	vld [tilespmem:s18+$0xB40];
	_ =	sdelay $0x4  }
0x12d: {  	[tilespmem:$0x1F3F0] =	vst v59;
	v59 =	vld [tilespmem:s18+$0x8B40];
	_ =	sdelay $0x4  }
0x12e: {  	[tilespmem:$0x1F400] =	vst v59;
	v59 =	vld [tilespmem:s18+$0xB50];
	_ =	sdelay $0x4  }
0x12f: {  	[tilespmem:$0x1F410] =	vst v59;
	v59 =	vld [tilespmem:s18+$0x8B50];
	_ =	sdelay $0x4  }
0x130: {  	[tilespmem:$0x1F420] =	vst v59;
	v59 =	vld [tilespmem:s18+$0xB60];
	_ =	sdelay $0x4  }
0x131: {  	[tilespmem:$0x1F4F0] =	vst v59;
	v59 =	vld [tilespmem:s18+$0x8B60];
	_ =	sdelay $0x4  }
0x132: {  	[tilespmem:$0x1F500] =	vst v59;
	v59 =	vld [tilespmem:s18+$0xB70];
	_ =	sdelay $0x4  }
0x133: {  	[tilespmem:$0x1F510] =	vst v59;
	v59 =	vld [tilespmem:s18+$0x8B70];
	_ =	sdelay $0x4  }
0x134: {  	[tilespmem:$0x1F520] =	vst v59;
	v59 =	vld [tilespmem:s18+$0xB80];
	_ =	sdelay $0x4  }
0x135: {  	[tilespmem:$0x1F430] =	vst v59;
	v59 =	vld [tilespmem:s18+$0x8B80];
	_ =	sdelay $0x4  }
0x136: {  	[tilespmem:$0x1F440] =	vst v59;
	v59 =	vld [tilespmem:s18+$0xB90];
	_ =	sdelay $0x4  }
0x137: {  	[tilespmem:$0x1F470] =	vst v59;
	v59 =	vld [tilespmem:s18+$0x8B90];
	_ =	sdelay $0x4  }
0x138: {  	[tilespmem:$0x1F480] =	vst v59;
	v59 =	vld [tilespmem:s18+$0xBA0];
	_ =	sdelay $0x4  }
0x139: {  	[tilespmem:$0x1F450] =	vst v59;
	v59 =	vld [tilespmem:s18+$0x8BA0];
	_ =	sdelay $0x4  }
0x13a: {  	[tilespmem:$0x1F460] =	vst v59;
	v59 =	vld [tilespmem:s18+$0xBB0];
	_ =	sdelay $0x4  }
0x13b: {  	[tilespmem:$0x1F490] =	vst v59;
	v59 =	vld [tilespmem:s18+$0x8BB0];
	_ =	sdelay $0x4  }
0x13c: {  	[tilespmem:$0x1F4A0] =	vst v59;
	v59 =	vld [tilespmem:s18+$0xBC0];
	_ =	sdelay $0x4  }
0x13d: {  	[tilespmem:$0x1F4B0] =	vst v59;
	v59 =	vld [tilespmem:s18+$0x8BC0];
	_ =	sdelay $0x4  }
0x13e: {  	[tilespmem:$0x1F4C0] =	vst v59;
	v59 =	vld [tilespmem:s18+$0xBD0];
	_ =	sdelay $0x4  }
0x13f: {  	[tilespmem:$0x1F4D0] =	vst v59;
	v59 =	vld [tilespmem:s18+$0x8BD0];
	_ =	sdelay $0x4  }
0x140: {  	[tilespmem:$0x1F4E0] =	vst v59;
	v59 =	vld [tilespmem:s18+$0xBE0];
	_ =	sdelay $0x4  }
0x141: {  	[tilespmem:$0x1F530] =	vst v59;
	v59 =	vld [tilespmem:s18+$0x8BE0];
	_ =	sdelay $0x4  }
0x142: {  	[tilespmem:$0x1F540] =	vst v59;
	v59 =	vld [tilespmem:s18+$0xBF0];
	_ =	sdelay $0x4  }
0x143: {  	[tilespmem:$0x1F550] =	vst v59;
	v59 =	vld [tilespmem:s18+$0x8BF0];
	_ =	sdelay $0x3  }
0x144: {  	s20 =	sor.u32 $0xC00, s18  }
0x145: {  	[tilespmem:$0x1F560] =	vst v59;
	v59 =	vld [tilespmem:s20+$0x0];
	_ =	sdelay $0x4  }
0x146: {  	[tilespmem:$0x1F570] =	vst v59;
	v59 =	vld [tilespmem:s18+$0x8C00];
	_ =	sdelay $0x3  }
0x147: {  	s9 =	sor.u32 $0xC10, s18  }
0x148: {  	[tilespmem:$0x1F580] =	vst v59;
	v59 =	vld [tilespmem:s9+$0x0];
	_ =	sdelay $0x4  }
0x149: {  	[tilespmem:$0x1F5B0] =	vst v59;
	v59 =	vld [tilespmem:s18+$0x8C10];
	_ =	sdelay $0x3  }
0x14a: {  	s9 =	sor.u32 $0xC20, s18  }
0x14b: {  	[tilespmem:$0x1F5C0] =	vst v59;
	v59 =	vld [tilespmem:s9+$0x0];
	_ =	sdelay $0x4  }
0x14c: {  	[tilespmem:$0x1F590] =	vst v59;
	v59 =	vld [tilespmem:s18+$0x8C20];
	_ =	sdelay $0x3  }
0x14d: {  	s9 =	sor.u32 $0xC30, s18  }
0x14e: {  	[tilespmem:$0x1F5A0] =	vst v59;
	v59 =	vld [tilespmem:s9+$0x0];
	_ =	sdelay $0x4  }
0x14f: {  	[tilespmem:$0x1F5D0] =	vst v59;
	v59 =	vld [tilespmem:s18+$0x8C30];
	_ =	sdelay $0x3  }
0x150: {  	s9 =	sor.u32 $0xC40, s18  }
0x151: {  	[tilespmem:$0x1F5E0] =	vst v59;
	v59 =	vld [tilespmem:s9+$0x0];
	_ =	sdelay $0x4  }
0x152: {  	[tilespmem:$0x1F5F0] =	vst v59;
	v59 =	vld [tilespmem:s18+$0x8C40];
	_ =	sdelay $0x3  }
0x153: {  	s9 =	sor.u32 $0xC50, s18  }
0x154: {  	[tilespmem:$0x1F600] =	vst v59;
	v59 =	vld [tilespmem:s9+$0x0];
	_ =	sdelay $0x4  }
0x155: {  	[tilespmem:$0x1F610] =	vst v59;
	v59 =	vld [tilespmem:s18+$0x8C50];
	_ =	sdelay $0x3  }
0x156: {  	s9 =	sor.u32 $0xC60, s18  }
0x157: {  	[tilespmem:$0x1F620] =	vst v59;
	v59 =	vld [tilespmem:s9+$0x0];
	_ =	sdelay $0x4  }
0x158: {  	[tilespmem:$0x1F6D0] =	vst v59;
	v59 =	vld [tilespmem:s18+$0x8C60];
	_ =	sdelay $0x3  }
0x159: {  	s9 =	sor.u32 $0xC70, s18  }
0x15a: {  	[tilespmem:$0x1F6E0] =	vst v59;
	v59 =	vld [tilespmem:s9+$0x0];
	_ =	sdelay $0x4  }
0x15b: {  	[tilespmem:$0x1F710] =	vst v59;
	v59 =	vld [tilespmem:s18+$0x8C70];
	_ =	sdelay $0x3  }
0x15c: {  	s9 =	sor.u32 $0xC80, s18  }
0x15d: {  	[tilespmem:$0x1F720] =	vst v59;
	v59 =	vld [tilespmem:s9+$0x0];
	_ =	sdelay $0x4  }
0x15e: {  	[tilespmem:$0x1F630] =	vst v59;
	v59 =	vld [tilespmem:s18+$0x8C80];
	_ =	sdelay $0x3  }
0x15f: {  	s9 =	sor.u32 $0xC90, s18  }
0x160: {  	[tilespmem:$0x1F640] =	vst v59;
	v59 =	vld [tilespmem:s9+$0x0];
	_ =	sdelay $0x4  }
0x161: {  	[tilespmem:$0x1F670] =	vst v59;
	v59 =	vld [tilespmem:s18+$0x8C90];
	_ =	sdelay $0x3  }
0x162: {  	s20 =	sor.u32 $0xCA0, s18  }
0x163: {  	[tilespmem:$0x1F680] =	vst v59;
	v59 =	vld [tilespmem:s20+$0x0];
	_ =	sdelay $0x3  }
0x164: {  	s9 =	sor.u32 $0xDE0, s18  }
0x165: {  	[tilespmem:$0x1F650] =	vst v59;
	v59 =	vld [tilespmem:s9+$0x0];
	_ =	sdelay $0x4  }
0x166: {  	[tilespmem:$0x1F930] =	vst v59;
	v59 =	vld [tilespmem:s18+$0x8CA0];
	_ =	sdelay $0x3  }
0x167: {  	s20 =	sor.u32 $0xCB0, s18  }
0x168: {  	[tilespmem:$0x1F660] =	vst v59;
	v59 =	vld [tilespmem:s20+$0x0];
	_ =	sdelay $0x4  }
0x169: {  	[tilespmem:$0x1F690] =	vst v59;
	v59 =	vld [tilespmem:s18+$0x8CB0];
	_ =	sdelay $0x3  }
0x16a: {  	s20 =	sor.u32 $0xCC0, s18  }
0x16b: {  	[tilespmem:$0x1F6A0] =	vst v59;
	v59 =	vld [tilespmem:s20+$0x0];
	_ =	sdelay $0x4  }
0x16c: {  	[tilespmem:$0x1F6B0] =	vst v59;
	v59 =	vld [tilespmem:s18+$0x8CC0];
	_ =	sdelay $0x3  }
0x16d: {  	s20 =	sor.u32 $0xCD0, s18  }
0x16e: {  	[tilespmem:$0x1F6C0] =	vst v59;
	v59 =	vld [tilespmem:s20+$0x0];
	_ =	sdelay $0x4  }
0x16f: {  	[tilespmem:$0x1F6F0] =	vst v59;
	v59 =	vld [tilespmem:s18+$0x8CD0];
	_ =	sdelay $0x4  }
0x170: {  	[tilespmem:$0x1F700] =	vst v59;
	v59 =	vld [tilespmem:s18+$0x8D60];
	_ =	sdelay $0x3  }
0x171: {  	s20 =	sor.u32 $0xCE0, s18  }
0x172: {  	[tilespmem:$0x1F8F0] =	vst v59;
	v59 =	vld [tilespmem:s20+$0x0];
	_ =	sdelay $0x4  }
0x173: {  	[tilespmem:$0x1F730] =	vst v59;
	v59 =	vld [tilespmem:s18+$0x8CE0];
	_ =	sdelay $0x3  }
0x174: {  	s20 =	sor.u32 $0xCF0, s18  }
0x175: {  	[tilespmem:$0x1F740] =	vst v59;
	v59 =	vld [tilespmem:s20+$0x0];
	_ =	sdelay $0x4  }
0x176: {  	[tilespmem:$0x1F750] =	vst v59;
	v59 =	vld [tilespmem:s18+$0x8CF0];
	_ =	sdelay $0x3  }
0x177: {  	s9 =	sor.u32 $0xD00, s18  }
0x178: {  	[tilespmem:$0x1F760] =	vst v59;
	v59 =	vld [tilespmem:s9+$0x0];
	_ =	sdelay $0x3  }
0x179: {  	s20 =	sor.u32 $0xE30, s18  }
0x17a: {  	[tilespmem:$0x1F770] =	vst v59;
	v59 =	vld [tilespmem:s20+$0x0];
	_ =	sdelay $0x4  }
0x17b: {  	[tilespmem:$0x1F9A0] =	vst v59;
	v59 =	vld [tilespmem:s18+$0x8D00];
	_ =	sdelay $0x3  }
0x17c: {  	s20 =	sor.u32 $0xD10, s18  }
0x17d: {  	[tilespmem:$0x1F780] =	vst v59;
	v59 =	vld [tilespmem:s20+$0x0];
	_ =	sdelay $0x4  }
0x17e: {  	[tilespmem:$0x1F790] =	vst v59;
	v59 =	vld [tilespmem:s18+$0x8D10];
	_ =	sdelay $0x3  }
0x17f: {  	s20 =	sor.u32 $0xD20, s18  }
0x180: {  	[tilespmem:$0x1F7A0] =	vst v59;
	v59 =	vld [tilespmem:s20+$0x0];
	_ =	sdelay $0x4  }
0x181: {  	[tilespmem:$0x1F7B0] =	vst v59;
	v59 =	vld [tilespmem:s18+$0x8D20];
	_ =	sdelay $0x3  }
0x182: {  	s20 =	sor.u32 $0xD30, s18  }
0x183: {  	[tilespmem:$0x1F7C0] =	vst v59;
	v59 =	vld [tilespmem:s20+$0x0];
	_ =	sdelay $0x4  }
0x184: {  	[tilespmem:$0x1F7D0] =	vst v59;
	v59 =	vld [tilespmem:s18+$0x8F10];
	_ =	sdelay $0x4  }
0x185: {  	[tilespmem:$0x1FA10] =	vst v59;
	v59 =	vld [tilespmem:s18+$0x8D30];
	_ =	sdelay $0x3  }
0x186: {  	s20 =	sor.u32 $0xD40, s18  }
0x187: {  	[tilespmem:$0x1F7E0] =	vst v59;
	v59 =	vld [tilespmem:s20+$0x0];
	_ =	sdelay $0x4  }
0x188: {  	[tilespmem:$0x1F7F0] =	vst v59;
	v59 =	vld [tilespmem:s18+$0x8D40];
	_ =	sdelay $0x3  }
0x189: {  	s20 =	sor.u32 $0xD50, s18  }
0x18a: {  	[tilespmem:$0x1F800] =	vst v59;
	v59 =	vld [tilespmem:s20+$0x0];
	_ =	sdelay $0x4  }
0x18b: {  	[tilespmem:$0x1F810] =	vst v59;
	v59 =	vld [tilespmem:s18+$0x8D50];
	_ =	sdelay $0x3  }
0x18c: {  	s9 =	sor.u32 $0xD60, s18  }
0x18d: {  	[tilespmem:$0x1F820] =	vst v59;
	v59 =	vld [tilespmem:s9+$0x0];
	_ =	sdelay $0x3  }
0x18e: {  	s20 =	sor.u32 $0xD70, s18  }
0x18f: {  	v18 =	vmul.f32 v18, v31;
	v8 =	vmul.f32 v8, v11;
	[tilespmem:$0x1F900] =	vst v59;
	v59 =	vld [tilespmem:s20+$0x0]  }
0x190: {  	v2 =	vmul.f32 v24, v2  }
0x191: {  	v10 =	vmul.f32 v10, v14;
	v19 =	vmul.f32 v19, v25;
	v8 =	vadd.f32 v8, v18;
	v14 =	vld [tilespmem:s18+$0x8DF0]  }
0x192: {  	v6 =	vmul.f32 v6, v17;
	v3 =	vmul.f32 v3, v4;
	v25 =	vld [tilespmem:s18+$0x8E10]  }
0x193: {  	v16 =	vmul.f32 v16, v20;
	v9 =	vmul.f32 v32, v9;
	v17 =	vadd.f32 v19, v8;
	v19 =	vld [tilespmem:s18+$0x8E20]  }
0x194: {  	v20 =	vmul.f32 v38, v13;
	v38 =	vmul.f32 v34, v35;
	v3 =	vadd.f32 v3, v6;
	[tilespmem:$0x1F910] =	vst v59;
	v59 =	vld [tilespmem:s18+$0x8D70]  }
0x195: {  	v52 =	vmul.f32 v52, v50;
	v2 =	vadd.f32 v10, v2;
	v18 =	vmul.f32 v27, v15;
	v32 =	vld [tilespmem:s18+$0x8E40]  }
0x196: {  	v27 =	vmul.f32 v56, v61;
	v56 =	vmul.f32 v26, v41;
	v3 =	vadd.f32 v20, v3;
	v35 =	vld [tilespmem:s18+$0x8E50]  }
0x197: {  	v2 =	vadd.f32 v16, v2;
	v20 =	vmul.f32 v45, v40;
	v40 =	vmul.f32 v36, v46;
	v36 =	vld [tilespmem:s18+$0x8E80]  }
0x198: {  	v3 =	vadd.f32 v56, v3;
	v56 =	vld [tilespmem:$0x1E940];
	s20 =	sor.u32 $0xD80, s18  }
0x199: {  	v13 =	vmul.f32 v54, v57;
	v4 =	vadd.f32 v27, v17;
	v2 =	vadd.f32 v52, v2;
	[tilespmem:$0x1F920] =	vst v59;
	v59 =	vld [tilespmem:s20+$0x0]  }
0x19a: {  	v57 =	vld [tilespmem:$0x1E950]  }
0x19b: {  	v41 =	vmul.f32 v58, v60;
	v11 =	vadd.f32 v2, v4;
	v2 =	vadd.f32 v20, v13;
	v58 =	vld [tilespmem:$0x1E960]  }
0x19c: {  	v60 =	vld [tilespmem:$0x1E970]  }
0x19d: {  	v2 =	vadd.f32 v41, v2;
	v41 =	vld [tilespmem:s18+$0x8ED0]  }
0x19e: {  	[tilespmem:$0x1F830] =	vst v59;
	v59 =	vld [tilespmem:s18+$0x8E70]  }
0x19f: {  	v54 =	vmul.f32 v53, v43;
	v43 =	vld [tilespmem:s18+$0x8EE0]  }
0x1a0: {  	v8 =	vadd.f32 v9, v18;
	v9 =	vld [tilespmem:$0x1E990]  }
0x1a1: {  	v10 =	vld [tilespmem:$0x1E9A0]  }
0x1a2: {  	v45 =	vmul.f32 v23, v12;
	v12 =	vld [tilespmem:$0x1E9B0]  }
0x1a3: {  	[tilespmem:$0x1FA00] =	vst v59;
	v59 =	vld [tilespmem:s18+$0x8D80]  }
0x1a4: {  	v13 =	vld [tilespmem:$0x1E9C0]  }
0x1a5: {  	v5 =	vmul.f32 v5, v37;
	v46 =	vmul.f32 v22, v42;
	v15 =	vld [tilespmem:$0x1E9E0]  }
0x1a6: {  	v17 =	vld [tilespmem:$0x1E9F0]  }
0x1a7: {  	v61 =	vmul.f32 v29, v62;
	v8 =	vadd.f32 v38, v8;
	v52 =	vadd.f32 v5, v46;
	v46 =	vld [tilespmem:s18+$0x8EF0];
	s20 =	sor.u32 $0xD90, s18  }
0x1a8: {  	[tilespmem:$0x1F840] =	vst v59;
	v59 =	vld [tilespmem:s20+$0x0]  }
0x1a9: {  	v62 =	vadd.f32 v61, v8;
	v18 =	vld [tilespmem:$0x1EA00]  }
0x1aa: {  	v20 =	vld [tilespmem:$0x1EA20]  }
0x1ab: {  	v16 =	vadd.f32 v62, v3;
	v62 =	vmul.f32 v51, v21;
	v21 =	vld [tilespmem:$0x1EA30]  }
0x1ac: {  	v42 =	vld [tilespmem:$0x1EA40]  }
0x1ad: {  	[tilespmem:$0x1F870] =	vst v59;
	v59 =	vld [tilespmem:s18+$0x8D90]  }
0x1ae: {  	v50 =	vmul.f32 v30, v49;
	v49 =	vld [tilespmem:$0x1EA60]  }
0x1af: {  	v51 =	vld [tilespmem:$0x1EBA0]  }
0x1b0: {  	[tilespmem:$0x1F950] =	vst v14;
	v14 =	vmul.f32 v39, v44;
	v44 =	vmul.f32 v7, v28;
	v28 =	vld [tilespmem:s18+$0x8EA0]  }
0x1b1: {  	[tilespmem:$0x1F990] =	vst v19;
	v19 =	vld [tilespmem:$0x1EA10];
	s20 =	sor.u32 $0xDA0, s18  }
0x1b2: {  	[tilespmem:$0x1F880] =	vst v59;
	v59 =	vld [tilespmem:s20+$0x0]  }
0x1b3: {  	v7 =	vmul.f32 v57, v56;
	v57 =	vld [tilespmem:$0x1EA70]  }
0x1b4: {  	v8 =	vmul.f32 v60, v58;
	v58 =	vld [tilespmem:$0x1EA80]  }
0x1b5: {  	v60 =	vld [tilespmem:$0x1EA90]  }
0x1b6: {  	v5 =	vmul.f32 v21, v20;
	v20 =	vld [tilespmem:$0x1EB60]  }
0x1b7: {  	[tilespmem:$0x1F850] =	vst v59;
	v59 =	vld [tilespmem:s18+$0x8DA0]  }
0x1b8: {  	v21 =	vld [tilespmem:s18+$0x8F30]  }
0x1b9: {  	v56 =	vld [tilespmem:s18+$0x8F40]  }
0x1ba: {  	v4 =	vadd.f32 v40, v14;
	v40 =	vld [tilespmem:s18+$0x8EB0]  }
0x1bb: {  	v1 =	vmul.f32 v1, v47;
	v47 =	vadd.f32 v45, v44;
	v14 =	vld [tilespmem:$0x1E9D0]  }
0x1bc: {  	[tilespmem:$0x1F860] =	vst v59;
	v59 =	vld [tilespmem:s18+$0x8EC0]  }
0x1bd: {  	v3 =	vadd.f32 v50, v47;
	v47 =	vld [tilespmem:$0x1EA50]  }
0x1be: {  	v1 =	vadd.f32 v1, v4;
	v4 =	vadd.f32 v54, v52;
	v54 =	vld [tilespmem:s18+$0x8F00]  }
0x1bf: {  	v50 =	vmul.f32 v55, v49;
	v49 =	vld [tilespmem:$0x1EB80]  }
0x1c0: {  	[tilespmem:$0x1FA20] =	vst v21;
	v21 =	vld [tilespmem:$0x1EC70]  }
0x1c1: {  	[tilespmem:$0x1F9E0] =	vst v59;
	v59 =	vld [tilespmem:s18+$0x8E60]  }
0x1c2: {  	v61 =	vmul.f32 v33, v0;
	[tilespmem:$0x1FA40] =	vst v56;
	v56 =	vld [tilespmem:$0x1ECC0]  }
0x1c3: {  	v1 =	vadd.f32 v8, v1;
	v8 =	vld [tilespmem:$0x1E980]  }
0x1c4: {  	v3 =	vadd.f32 v61, v3;
	v61 =	vld [tilespmem:$0x1EAA0]  }
0x1c5: {  	v2 =	vadd.f32 v7, v2;
	v4 =	vadd.f32 v62, v4;
	v62 =	vld [tilespmem:$0x1EAB0]  }
0x1c6: {  	[tilespmem:$0x1F9F0] =	vst v59;
	v59 =	vld [tilespmem:s18+$0x8E00]  }
0x1c7: {  	v23 =	vadd.f32 v1, v2;
	v2 =	vmul.f32 v12, v10;
	v10 =	vld [tilespmem:$0x1EAE0]  }
0x1c8: {  	v12 =	vld [tilespmem:$0x1EAF0]  }
0x1c9: {  	v22 =	vadd.f32 v4, v3;
	v3 =	vmul.f32 v14, v13;
	v13 =	vld [tilespmem:$0x1EB00]  }
0x1ca: {  	v14 =	vld [tilespmem:$0x1EB10];
	s20 =	sor.u32 $0xDB0, s18  }
0x1cb: {  	[tilespmem:$0x1F960] =	vst v59;
	v59 =	vld [tilespmem:s20+$0x0]  }
0x1cc: {  	v4 =	vmul.f32 v17, v15;
	v15 =	vld [tilespmem:$0x1EB20]  }
0x1cd: {  	v17 =	vld [tilespmem:$0x1EB30]  }
0x1ce: {  	v3 =	vadd.f32 v4, v3;
	v4 =	vmul.f32 v47, v42;
	v47 =	vld [tilespmem:$0x1EB70]  }
0x1cf: {  	v1 =	vmul.f32 v9, v8;
	v8 =	vld [tilespmem:$0x1EAC0]  }
0x1d0: {  	[tilespmem:$0x1F890] =	vst v59;
	v59 =	vld [tilespmem:s18+$0x8E30]  }
0x1d1: {  	v9 =	vld [tilespmem:$0x1EAD0]  }
0x1d2: {  	v7 =	vmul.f32 v61, v60;
	v60 =	vld [tilespmem:$0x1EBB0]  }
0x1d3: {  	v61 =	vld [tilespmem:$0x1EBC0]  }
0x1d4: {  	v4 =	vadd.f32 v50, v4;
	v50 =	vld [tilespmem:$0x1EB90]  }
0x1d5: {  	[tilespmem:$0x1F9B0] =	vst v59;
	v59 =	vld [tilespmem:s18+$0x8E90]  }
0x1d6: {  	v1 =	vadd.f32 v2, v1;
	v2 =	vmul.f32 v19, v18;
	v18 =	vld [tilespmem:$0x1EB40]  }
0x1d7: {  	v19 =	vld [tilespmem:$0x1EB50]  }
0x1d8: {  	v1 =	vadd.f32 v2, v1;
	v2 =	vmul.f32 v58, v57;
	v57 =	vld [tilespmem:s18+$0x8F20]  }
0x1d9: {  	v3 =	vadd.f32 v5, v3;
	v5 =	vmul.f32 v8, v62;
	v62 =	vld [tilespmem:$0x1EBD0];
	s20 =	sor.u32 $0xEA0, s18  }
0x1da: {  	[tilespmem:$0x1F9D0] =	vst v59;
	v59 =	vld [tilespmem:s20+$0x0]  }
0x1db: {  	v6 =	vmul.f32 v10, v9;
	v10 =	vld [tilespmem:$0x1EBF0]  }
0x1dc: {  	v8 =	vmul.f32 v15, v14;
	v14 =	vld [tilespmem:$0x1EC20]  }
0x1dd: {  	v15 =	vld [tilespmem:s18+$0x8F50]  }
0x1de: {  	v2 =	vadd.f32 v7, v2;
	v7 =	vmul.f32 v13, v12;
	v12 =	vld [tilespmem:$0x1EC00]  }
0x1df: {  	[tilespmem:$0x1F9C0] =	vst v59;
	v59 =	vld [tilespmem:s18+$0x8DB0]  }
0x1e0: {  	v13 =	vld [tilespmem:$0x1EC10]  }
0x1e1: {  	v53 =	vmul.f32 v51, v50;
	v50 =	vld [tilespmem:s18+$0x8F60]  }
0x1e2: {  	v3 =	vadd.f32 v8, v3;
	v8 =	vld [tilespmem:$0x1EBE0]  }
0x1e3: {  	v4 =	vadd.f32 v5, v4;
	v5 =	vmul.f32 v18, v17;
	v17 =	vld [tilespmem:$0x1EC30];
	s9 =	sor.u32 $0xDC0, s18  }
0x1e4: {  	[tilespmem:$0x1F8A0] =	vst v59;
	v59 =	vld [tilespmem:s9+$0x0]  }
0x1e5: {  	v18 =	vld [tilespmem:$0x1EC40]  }
0x1e6: {  	v1 =	vadd.f32 v6, v1;
	v6 =	vmul.f32 v20, v19;
	v19 =	vld [tilespmem:$0x1EC50]  }
0x1e7: {  	v20 =	vld [tilespmem:$0x1EC60]  }
0x1e8: {  	v2 =	vadd.f32 v7, v2;
	v4 =	vadd.f32 v5, v4;
	v5 =	vmul.f32 v49, v47;
	v47 =	vld [tilespmem:$0x1EC90];
	s20 =	sor.u32 $0xE00, s18  }
0x1e9: {  	[tilespmem:$0x1F8B0] =	vst v59;
	v59 =	vld [tilespmem:s20+$0x0]  }
0x1ea: {  	v49 =	vld [tilespmem:$0x1ECA0];
	v2 =	vadd.f32 v6, v2  }
0x1eb: {  	v6 =	vadd.f32 v3, v1;
	[tilespmem:$0x1FA60] =	vst v15;
	v15 =	vld [tilespmem:$0x1ED00]  }
0x1ec: {  	v3 =	vmul.f32 v8, v62;
	v8 =	vadd.f32 v2, v4;
	v2 =	vmul.f32 v12, v10;
	v12 =	vld [tilespmem:$0x1ECE0]  }
0x1ed: {  	v4 =	vmul.f32 v14, v13;
	v13 =	vld [tilespmem:s18+$0x8F70]  }
0x1ee: {  	v1 =	vmul.f32 v61, v60;
	[tilespmem:$0x1F970] =	vst v59;
	v59 =	vld [tilespmem:s18+$0x8DC0]  }
0x1ef: {  	v14 =	vld [tilespmem:$0x1ECF0]  }
0x1f0: {  	v1 =	vadd.f32 v1, v5;
	v5 =	vmul.f32 v18, v17;
	v17 =	vld [tilespmem:$0x1ED10]  }
0x1f1: {  	v18 =	vld [tilespmem:$0x1ED20]  }
0x1f2: {  	v10 =	vmul.f32 v49, v47;
	v49 =	vld [tilespmem:s18+$0x8F80];
	s9 =	sor.u32 $0xDD0, s18  }
0x1f3: {  	[tilespmem:$0x1F8C0] =	vst v59;
	v59 =	vld [tilespmem:s9+$0x0]  }
0x1f4: {  	v3 =	vadd.f32 v3, v53;
	v53 =	vld [tilespmem:$0x1ECB0]  }
0x1f5: {  	v47 =	vld [tilespmem:$0x1ED60]  }
0x1f6: {  	[tilespmem:$0x1FB50] =	vst v13;
	v13 =	vld [tilespmem:$0x1EDD0]  }
0x1f7: {  	[tilespmem:$0x1FA80] =	vst v49;
	v49 =	vld [tilespmem:$0x1EE50];
	s20 =	sor.u32 $0xE20, s18  }
0x1f8: {  	[tilespmem:$0x1F8D0] =	vst v59;
	v59 =	vld [tilespmem:s20+$0x0];
	s20 =	sor.u32 $0xDF0, s18  }
0x1f9: {  	v31 =	vld [tilespmem:s20+$0x0];
	s20 =	sor.u32 $0xE10, s18  }
0x1fa: {  	v24 =	vld [tilespmem:s20+$0x0];
	s20 =	sor.u32 $0xE50, s18  }
0x1fb: {  	v34 =	vld [tilespmem:s20+$0x0];
	s20 =	sor.u32 $0xE70, s18  }
0x1fc: {  	v27 =	vld [tilespmem:s20+$0x0]  }
0x1fd: {  	s20 =	sor.u32 $0xE90, s18;
	[tilespmem:$0x1F980] =	vst v59;
	v59 =	vld [tilespmem:s18+$0x8DD0]  }
0x1fe: {  	v38 =	vld [tilespmem:s20+$0x0];
	s20 =	sor.u32 $0xEC0, s18  }
0x1ff: {  	v30 =	vld [tilespmem:s20+$0x0];
	s20 =	sor.u32 $0xED0, s18  }
0x200: {  	v39 =	vld [tilespmem:s20+$0x0];
	s20 =	sor.u32 $0xEE0, s18  }
0x201: {  	v33 =	vld [tilespmem:s20+$0x0];
	s20 =	sor.u32 $0xEF0, s18  }
0x202: {  	v44 =	vld [tilespmem:s20+$0x0]  }
0x203: {  	s20 =	sor.u32 $0xF10, s18;
	[tilespmem:$0x1F8E0] =	vst v59;
	v59 =	vld [tilespmem:s18+$0x8DE0]  }
0x204: {  	v52 =	vld [tilespmem:s20+$0x0];
	s20 =	sor.u32 $0xF20, s18  }
0x205: {  	v55 =	vld [tilespmem:s20+$0x0];
	s20 =	sor.u32 $0xF30, s18  }
0x206: {  	v58 =	vld [tilespmem:s20+$0x0];
	s20 =	sor.u32 $0xF40, s18  }
0x207: {  	v42 =	vld [tilespmem:s20+$0x0];
	s20 =	sor.u32 $0xF50, s18  }
0x208: {  	s9 =	sor.u32 $0xE40, s18;
	v9 =	vld [tilespmem:s20+$0x0]  }
0x209: {  	s20 =	sor.u32 $0xF60, s18;
	[tilespmem:$0x1F940] =	vst v59;
	v59 =	vld [tilespmem:s9+$0x0]  }
0x20a: {  	s9 =	sor.u32 $0xE60, s18;
	v62 =	vld [tilespmem:s20+$0x0]  }
0x20b: {  	s20 =	sor.u32 $0xF70, s18;
	v26 =	vld [tilespmem:s9+$0x0]  }
0x20c: {  	s9 =	sor.u32 $0xE80, s18;
	v60 =	vld [tilespmem:s20+$0x0]  }
0x20d: {  	v29 =	vld [tilespmem:s9+$0x0];
	s9 =	sor.u32 $0xEB0, s18  }
0x20e: {  	v37 =	vld [tilespmem:s9+$0x0]  }
0x20f: {  	s9 =	sor.u32 $0xF00, s18;
	[tilespmem:$0x1FA30] =	vst v42;
	v42 =	vld [tilespmem:$0x1EC80]  }
0x210: {  	s20 =	sor.u32 $0xF80, s18;
	v45 =	vld [tilespmem:s9+$0x0]  }
0x211: {  	[tilespmem:$0x1FA50] =	vst v9;
	v9 =	vmul.f32 v20, v19;
	v19 =	vld [tilespmem:s20+$0x0]  }
0x212: {  	v20 =	vld [tilespmem:$0x1ED30];
	s20 =	sor.u32 $0xF90, s18  }
0x213: {  	[tilespmem:$0x1FB30] =	vst v50;
	v50 =	vld [tilespmem:s20+$0x0]  }
0x214: {  	v51 =	vadd.f32 v9, v5;
	v5 =	vmul.f32 v56, v53;
	v53 =	vld [tilespmem:$0x1ED70]  }
0x215: {  	v56 =	vld [tilespmem:$0x1ED80]  }
0x216: {  	[tilespmem:$0x1FB40] =	vst v60;
	v60 =	vld [tilespmem:$0x1ED90]  }
0x217: {  	v9 =	vmul.f32 v15, v14;
	v14 =	vld [tilespmem:$0x1EDE0]  }
0x218: {  	v15 =	vld [tilespmem:s18+$0x8FA0]  }
0x219: {  	v7 =	vmul.f32 v42, v21;
	v21 =	vld [tilespmem:$0x1ED40]  }
0x21a: {  	v1 =	vadd.f32 v2, v1;
	v42 =	vld [tilespmem:$0x1ED50]  }
0x21b: {  	s20 =	sor.u32 $0xFA0, s18;
	v2 =	vadd.f32 v5, v51;
	v51 =	vld [tilespmem:s18+$0x8F90]  }
0x21c: {  	v1 =	vadd.f32 v9, v1;
	v9 =	vld [tilespmem:s20+$0x0]  }
0x21d: {  	v61 =	vadd.f32 v10, v7;
	v10 =	vld [tilespmem:$0x1ECD0]  }
0x21e: {  	[tilespmem:$0x1FA70] =	vst v19;
	v19 =	vld [tilespmem:$0x1EE10]  }
0x21f: {  	[tilespmem:$0x1FAB0] =	vst v50;
	v50 =	vld [tilespmem:$0x1EE60]  }
0x220: {  	s20 =	sor.u32 $0xFB0, s18;
	v5 =	vmul.f32 v21, v20;
	v20 =	vld [tilespmem:$0x1EE20]  }
0x221: {  	v21 =	vld [tilespmem:s20+$0x0]  }
0x222: {  	v7 =	vmul.f32 v12, v10;
	v12 =	vld [tilespmem:$0x1EDC0]  }
0x223: {  	v10 =	vmul.f32 v18, v17;
	v17 =	vld [tilespmem:$0x1EDF0]  }
0x224: {  	v3 =	vadd.f32 v4, v3;
	v18 =	vld [tilespmem:$0x1EE00]  }
0x225: {  	[tilespmem:$0x1FAA0] =	vst v15;
	v4 =	vadd.f32 v7, v61;
	v61 =	vld [tilespmem:$0x1EDA0]  }
0x226: {  	[tilespmem:$0x1FAC0] =	vst v51;
	v3 =	vadd.f32 v10, v3;
	v10 =	vld [tilespmem:$0x1EDB0]  }
0x227: {  	[tilespmem:$0x1FA90] =	vst v9;
	v7 =	vmul.f32 v47, v42;
	v42 =	vld [tilespmem:$0x1EE30]  }
0x228: {  	v47 =	vld [tilespmem:$0x1EE40];
	[tilespmem:$0x1FAD0] =	vst v21  }
0x229: {  	v51 =	vld [tilespmem:s18+$0x8FB0]  }
0x22a: {  	v1 =	vadd.f32 v3, v1;
	v3 =	vmul.f32 v56, v53;
	v53 =	vld [tilespmem:$0x1EE70]  }
0x22b: {  	s20 =	sor.u32 $0xFC0, s18;
	v56 =	vld [tilespmem:$0x1EE80]  }
0x22c: {  	v4 =	vadd.f32 v7, v4;
	v7 =	vmul.f32 v14, v13;
	v13 =	vld [tilespmem:s20+$0x0]  }
0x22d: {  	v14 =	vld [tilespmem:$0x1EEB0]  }
0x22e: {  	v15 =	vld [tilespmem:$0x1EEC0]  }
0x22f: {  	v9 =	vmul.f32 v20, v19;
	v19 =	vld [tilespmem:$0x1EEE0]  }
0x230: {  	v20 =	vld [tilespmem:$0x1EEF0]  }
0x231: {  	v21 =	vld [tilespmem:$0x1EF00]  }
0x232: {  	v0 =	vld [tilespmem:s18+$0x9110]  }
0x233: {  	v2 =	vadd.f32 v5, v2;
	v5 =	vmul.f32 v61, v60;
	v60 =	vld [tilespmem:$0x1EE90]  }
0x234: {  	v61 =	vld [tilespmem:$0x1EEA0]  }
0x235: {  	v2 =	vadd.f32 v4, v2;
	v4 =	vmul.f32 v12, v10;
	v10 =	vmul.f32 v50, v49;
	v49 =	vld [tilespmem:$0x1EF20]  }
0x236: {  	v50 =	vld [tilespmem:$0x1EF30]  }
0x237: {  	v3 =	vadd.f32 v5, v3;
	v5 =	vmul.f32 v18, v17;
	v17 =	vld [tilespmem:s18+$0x8FC0]  }
0x238: {  	s20 =	sor.u32 $0xFD0, s18;
	v18 =	vld [tilespmem:$0x1EED0]  }
0x239: {  	v4 =	vadd.f32 v7, v4;
	v7 =	vmul.f32 v47, v42;
	v42 =	vld [tilespmem:s20+$0x0]  }
0x23a: {  	v47 =	vld [tilespmem:$0x1EF10]  }
0x23b: {  	[tilespmem:$0x1FAE0] =	vst v51;
	v51 =	vld [tilespmem:$0x1EF40]  }
0x23c: {  	v3 =	vadd.f32 v5, v3;
	v5 =	vmul.f32 v56, v53;
	v53 =	vld [tilespmem:s18+$0x8FD0]  }
0x23d: {  	v56 =	vld [tilespmem:$0x1EF50]  }
0x23e: {  	v4 =	vadd.f32 v9, v4;
	v9 =	vmul.f32 v15, v14;
	v14 =	vld [tilespmem:$0x1EF90]  }
0x23f: {  	v15 =	vld [tilespmem:$0x1EFA0]  }
0x240: {  	s20 =	sor.u32 $0xFE0, s18;
	v12 =	vmul.f32 v61, v60;
	v60 =	vld [tilespmem:$0x1EF60]  }
0x241: {  	v61 =	vld [tilespmem:s20+$0x0];
	s20 =	sor.u32 $0xFF0, s18  }
0x242: {  	[tilespmem:$0x1FB00] =	vst v17;
	v17 =	vld [tilespmem:s20+$0x0]  }
0x243: {  	v7 =	vadd.f32 v10, v7;
	v10 =	vmul.f32 v19, v18;
	v18 =	vld [tilespmem:$0x1EFB0]  }
0x244: {  	v19 =	vld [tilespmem:$0x1EFC0]  }
0x245: {  	v5 =	vadd.f32 v12, v5;
	v12 =	vmul.f32 v21, v20;
	v21 =	vld [tilespmem:$0x1EFD0]  }
0x246: {  	[tilespmem:$0x1FB10] =	vst v42;
	v42 =	vld [tilespmem:$0x1EFE0]  }
0x247: {  	[tilespmem:$0x1FAF0] =	vst v13;
	v13 =	vmul.f32 v49, v47;
	v49 =	vld [tilespmem:s18+$0x8FF0]  }
0x248: {  	v7 =	vadd.f32 v9, v7;
	v9 =	vmul.f32 v51, v50;
	v50 =	vld [tilespmem:$0x1EFF0]  }
0x249: {  	v51 =	vld [tilespmem:$0x1F000]  }
0x24a: {  	v7 =	vadd.f32 v9, v7;
	v9 =	vld [tilespmem:s18+$0x8FE0]  }
0x24b: {  	v5 =	vadd.f32 v12, v5;
	v12 =	vld [tilespmem:$0x1EF70]  }
0x24c: {  	v4 =	vadd.f32 v13, v4;
	v13 =	vld [tilespmem:$0x1EF80]  }
0x24d: {  	[tilespmem:$0x1FB20] =	vst v53;
	v53 =	vld [tilespmem:$0x1F010]  }
0x24e: {  	v3 =	vadd.f32 v10, v3;
	v10 =	vmul.f32 v60, v56;
	v56 =	vld [tilespmem:$0x1F020]  }
0x24f: {  	v60 =	vld [tilespmem:s18+$0x1000]  }
0x250: {  	[tilespmem:$0x1FB60] =	vst v61;
	v61 =	vld [tilespmem:$0x1F030]  }
0x251: {  	[tilespmem:$0x1FB80] =	vst v17;
	v17 =	vld [tilespmem:$0x1F040]  }
0x252: {  	v20 =	vmul.f32 v19, v18;
	v18 =	vld [tilespmem:$0x1F050]  }
0x253: {  	v19 =	vld [tilespmem:$0x1F060]  }
0x254: {  	v47 =	vmul.f32 v42, v21;
	v21 =	vld [tilespmem:$0x1F070]  }
0x255: {  	v5 =	vadd.f32 v10, v5;
	v10 =	vmul.f32 v15, v14;
	v42 =	vld [tilespmem:$0x1F080]  }
0x256: {  	[tilespmem:$0x1FB90] =	vst v49;
	v49 =	vld [tilespmem:$0x1F0A0]  }
0x257: {  	v10 =	vadd.f32 v47, v10;
	v47 =	vld [tilespmem:$0x1F090]  }
0x258: {  	v3 =	vadd.f32 v4, v3;
	v4 =	vadd.f32 v5, v7;
	v5 =	vmul.f32 v51, v50;
	v50 =	vld [tilespmem:s18+$0x1010]  }
0x259: {  	v7 =	vmul.f32 v56, v53;
	v53 =	vld [tilespmem:$0x1F0B0]  }
0x25a: {  	[tilespmem:$0x1FB70] =	vst v9;
	v9 =	vmul.f32 v13, v12;
	v56 =	vld [tilespmem:$0x1F0C0]  }
0x25b: {  	[tilespmem:$0x1FBA0] =	vst v60;
	v60 =	vld [tilespmem:s18+$0x9010]  }
0x25c: {  	v9 =	vadd.f32 v20, v9;
	v20 =	vld [tilespmem:s18+$0x9000]  }
0x25d: {  	v14 =	vmul.f32 v19, v18;
	v18 =	vld [tilespmem:$0x1F0D0]  }
0x25e: {  	v19 =	vld [tilespmem:$0x1F0E0]  }
0x25f: {  	v13 =	vmul.f32 v42, v21;
	v21 =	vld [tilespmem:$0x1F0F0]  }
0x260: {  	v42 =	vld [tilespmem:$0x1F100]  }
0x261: {  	v12 =	vmul.f32 v17, v61;
	v17 =	vld [tilespmem:s18+$0x9030]  }
0x262: {  	v15 =	vmul.f32 v49, v47;
	v47 =	vld [tilespmem:$0x1F110]  }
0x263: {  	v49 =	vld [tilespmem:$0x1F120]  }
0x264: {  	[tilespmem:$0x1FBE0] =	vst v50;
	v50 =	vld [tilespmem:s18+$0x9020]  }
0x265: {  	v51 =	vadd.f32 v14, v12;
	v12 =	vmul.f32 v56, v53;
	v53 =	vld [tilespmem:$0x1F140]  }
0x266: {  	v56 =	vld [tilespmem:$0x1F150]  }
0x267: {  	[tilespmem:$0x1FBF0] =	vst v60;
	v60 =	vld [tilespmem:$0x1F160]  }
0x268: {  	[tilespmem:$0x1FBB0] =	vst v20;
	v20 =	vld [tilespmem:s18+$0x1020]  }
0x269: {  	v5 =	vadd.f32 v5, v9;
	v9 =	vadd.f32 v12, v51;
	v51 =	vld [tilespmem:$0x1F130]  }
0x26a: {  	v61 =	vadd.f32 v15, v13;
	v13 =	vmul.f32 v19, v18;
	v18 =	vld [tilespmem:s18+$0x1040]  }
0x26b: {  	v19 =	vld [tilespmem:$0x1F170]  }
0x26c: {  	v14 =	vmul.f32 v42, v21;
	v21 =	vld [tilespmem:$0x1F190]  }
0x26d: {  	v42 =	vld [tilespmem:$0x1F1A0]  }
0x26e: {  	[tilespmem:$0x1FC10] =	vst v17;
	v17 =	vld [tilespmem:$0x1F210]  }
0x26f: {  	v7 =	vadd.f32 v7, v10;
	v10 =	vadd.f32 v13, v61;
	v61 =	vld [tilespmem:s18+$0x1030]  }
0x270: {  	v15 =	vmul.f32 v49, v47;
	v47 =	vld [tilespmem:s18+$0x9040]  }
0x271: {  	v49 =	vld [tilespmem:$0x1F1B0]  }
0x272: {  	[tilespmem:$0x1FBD0] =	vst v50;
	v50 =	vld [tilespmem:$0x1F1C0]  }
0x273: {  	v13 =	vmul.f32 v60, v56;
	v56 =	vld [tilespmem:s18+$0x1050]  }
0x274: {  	v60 =	vld [tilespmem:$0x1F1F0]  }
0x275: {  	[tilespmem:$0x1FBC0] =	vst v20;
	v20 =	vld [tilespmem:$0x1F180]  }
0x276: {  	v12 =	vmul.f32 v53, v51;
	v51 =	vld [tilespmem:$0x1F1D0]  }
0x277: {  	v53 =	vld [tilespmem:$0x1F1E0]  }
0x278: {  	[tilespmem:$0x1FC20] =	vst v18;
	v18 =	vld [tilespmem:$0x1F220]  }
0x279: {  	[tilespmem:$0x1FC00] =	vst v61;
	v61 =	vld [tilespmem:$0x1F200]  }
0x27a: {  	v9 =	vadd.f32 v12, v9;
	v12 =	vmul.f32 v42, v21;
	v21 =	vld [tilespmem:$0x1F240]  }
0x27b: {  	v42 =	vld [tilespmem:$0x1F250]  }
0x27c: {  	v5 =	vadd.f32 v14, v5;
	v7 =	vadd.f32 v15, v7;
	[tilespmem:$0x1FC30] =	vst v47;
	v47 =	vld [tilespmem:$0x1F260]  }
0x27d: {  	[tilespmem:$0x1FC40] =	vst v56;
	v56 =	vld [tilespmem:$0x1F2A0]  }
0x27e: {  	v10 =	vadd.f32 v13, v10;
	v5 =	vadd.f32 v7, v5;
	v7 =	vmul.f32 v20, v19;
	v19 =	vld [tilespmem:s18+$0x9050]  }
0x27f: {  	v20 =	vld [tilespmem:$0x1F230]  }
0x280: {  	v9 =	vadd.f32 v10, v9;
	v10 =	vmul.f32 v50, v49;
	v49 =	vld [tilespmem:s18+$0x1060]  }
0x281: {  	v50 =	vld [tilespmem:$0x1F270]  }
0x282: {  	v13 =	vmul.f32 v53, v51;
	v51 =	vld [tilespmem:$0x1F280]  }
0x283: {  	v53 =	vld [tilespmem:$0x1F290]  }
0x284: {  	v14 =	vmul.f32 v18, v17;
	v18 =	vld [tilespmem:$0x1F2C0]  }
0x285: {  	v7 =	vadd.f32 v12, v7;
	v12 =	vmul.f32 v61, v60;
	v60 =	vld [tilespmem:s18+$0x9060]  }
0x286: {  	v61 =	vld [tilespmem:$0x1F2B0]  }
0x287: {  	v15 =	vmul.f32 v47, v42;
	v42 =	vld [tilespmem:$0x1F2F0]  }
0x288: {  	v47 =	vld [tilespmem:$0x1F300]  }
0x289: {  	[tilespmem:$0x1FC50] =	vst v19;
	v19 =	vld [tilespmem:s18+$0x1070]  }
0x28a: {  	v10 =	vadd.f32 v13, v10;
	v13 =	vmul.f32 v21, v20;
	v20 =	vld [tilespmem:$0x1F2D0]  }
0x28b: {  	v21 =	vld [tilespmem:$0x1F2E0]  }
0x28c: {  	[tilespmem:$0x1FD00] =	vst v49;
	v49 =	vld [tilespmem:s18+$0x9070]  }
0x28d: {  	v7 =	vadd.f32 v12, v7;
	v12 =	vmul.f32 v51, v50;
	v50 =	vld [tilespmem:$0x1F310]  }
0x28e: {  	v51 =	vld [tilespmem:$0x1F320]  }
0x28f: {  	v17 =	vmul.f32 v56, v53;
	v53 =	vld [tilespmem:$0x1F330]  }
0x290: {  	v56 =	vld [tilespmem:$0x1F340]  }
0x291: {  	[tilespmem:$0x1FD10] =	vst v60;
	v60 =	vld [tilespmem:s18+$0x1080]  }
0x292: {  	v10 =	vadd.f32 v14, v10;
	v14 =	vmul.f32 v18, v61;
	v61 =	vld [tilespmem:$0x1F350]  }
0x293: {  	v12 =	vadd.f32 v17, v12;
	v17 =	vmul.f32 v47, v42;
	v42 =	vld [tilespmem:$0x1F370]  }
0x294: {  	v47 =	vld [tilespmem:$0x1F380]  }
0x295: {  	[tilespmem:$0x1FD40] =	vst v19;
	v19 =	vld [tilespmem:$0x1F360]  }
0x296: {  	v13 =	vadd.f32 v15, v13;
	v15 =	vmul.f32 v21, v20;
	v20 =	vld [tilespmem:s18+$0x9080]  }
0x297: {  	v21 =	vld [tilespmem:s18+$0x1090]  }
0x298: {  	[tilespmem:$0x1FD50] =	vst v49;
	v49 =	vld [tilespmem:$0x1F390]  }
0x299: {  	v18 =	vmul.f32 v51, v50;
	v50 =	vld [tilespmem:$0x1F3A0]  }
0x29a: {  	v51 =	vld [tilespmem:s18+$0x9090]  }
0x29b: {  	v13 =	vadd.f32 v14, v13;
	v14 =	vmul.f32 v56, v53;
	v53 =	vld [tilespmem:$0x1F3B0]  }
0x29c: {  	v56 =	vld [tilespmem:$0x1F3C0]  }
0x29d: {  	[tilespmem:$0x1FC60] =	vst v60;
	v60 =	vld [tilespmem:$0x1F3D0]  }
0x29e: {  	v13 =	vadd.f32 v14, v13;
	v14 =	vmul.f32 v47, v42;
	v42 =	vld [tilespmem:$0x1F400]  }
0x29f: {  	v47 =	vld [tilespmem:$0x1F410]  }
0x2a0: {  	v7 =	vadd.f32 v15, v7;
	v15 =	vmul.f32 v19, v61;
	v61 =	vld [tilespmem:$0x1F3E0]  }
0x2a1: {  	[tilespmem:$0x1FC70] =	vst v20;
	v20 =	vld [tilespmem:s18+$0x10A0]  }
0x2a2: {  	v10 =	vadd.f32 v18, v10;
	[tilespmem:$0x1FCA0] =	vst v21;
	v21 =	vld [tilespmem:$0x1F3F0]  }
0x2a3: {  	[tilespmem:$0x1FCB0] =	vst v51;
	v51 =	vld [tilespmem:$0x1F430]  }
0x2a4: {  	v12 =	vadd.f32 v17, v12;
	v7 =	vadd.f32 v10, v7;
	v10 =	vmul.f32 v56, v53;
	v53 =	vld [tilespmem:$0x1F440]  }
0x2a5: {  	v56 =	vld [tilespmem:$0x1F450]  }
0x2a6: {  	v12 =	vadd.f32 v15, v12;
	v15 =	vmul.f32 v50, v49;
	v49 =	vld [tilespmem:$0x1F420]  }
0x2a7: {  	v50 =	vld [tilespmem:s18+$0x90A0]  }
0x2a8: {  	v17 =	vmul.f32 v61, v60;
	v60 =	vld [tilespmem:$0x1F460]  }
0x2a9: {  	v61 =	vld [tilespmem:s18+$0x10B0]  }
0x2aa: {  	[tilespmem:$0x1FC80] =	vst v20;
	v20 =	vld [tilespmem:$0x1F470]  }
0x2ab: {  	v12 =	vadd.f32 v12, v13;
	v13 =	vmul.f32 v42, v21;
	v21 =	vld [tilespmem:$0x1F480]  }
0x2ac: {  	v42 =	vld [tilespmem:$0x1F490]  }
0x2ad: {  	v10 =	vadd.f32 v10, v14;
	v14 =	vmul.f32 v53, v51;
	v51 =	vld [tilespmem:$0x1F4B0]  }
0x2ae: {  	v53 =	vld [tilespmem:$0x1F4C0]  }
0x2af: {  	v18 =	vmul.f32 v49, v47;
	v47 =	vld [tilespmem:$0x1F4A0]  }
0x2b0: {  	v49 =	vld [tilespmem:s18+$0x90B0]  }
0x2b1: {  	v19 =	vmul.f32 v60, v56;
	v56 =	vld [tilespmem:s18+$0x10C0]  }
0x2b2: {  	v60 =	vld [tilespmem:$0x1F4D0]  }
0x2b3: {  	[tilespmem:$0x1FCC0] =	vst v61;
	v61 =	vld [tilespmem:$0x1F4E0]  }
0x2b4: {  	v15 =	vadd.f32 v17, v15;
	v17 =	vmul.f32 v21, v20;
	v21 =	vld [tilespmem:$0x1F4F0]  }
0x2b5: {  	v20 =	vmul.f32 v47, v42;
	v42 =	vld [tilespmem:$0x1F500]  }
0x2b6: {  	v47 =	vld [tilespmem:$0x1F510]  }
0x2b7: {  	[tilespmem:$0x1FCD0] =	vst v49;
	v49 =	vld [tilespmem:$0x1F520]  }
0x2b8: {  	[tilespmem:$0x1FC90] =	vst v50;
	v50 =	vadd.f32 v19, v14;
	v14 =	vmul.f32 v53, v51;
	v53 =	vld [tilespmem:$0x1F530]  }
0x2b9: {  	v17 =	vadd.f32 v20, v17;
	v20 =	vld [tilespmem:s18+$0x90C0]  }
0x2ba: {  	v10 =	vadd.f32 v13, v10;
	v13 =	vadd.f32 v14, v50;
	v50 =	vld [tilespmem:s18+$0x10D0]  }
0x2bb: {  	[tilespmem:$0x1FCE0] =	vst v56;
	v56 =	vld [tilespmem:$0x1F540]  }
0x2bc: {  	v15 =	vadd.f32 v18, v15;
	v18 =	vmul.f32 v61, v60;
	v60 =	vld [tilespmem:$0x1F550]  }
0x2bd: {  	v61 =	vld [tilespmem:$0x1F560]  }
0x2be: {  	v19 =	vmul.f32 v42, v21;
	v21 =	vld [tilespmem:s18+$0x90D0]  }
0x2bf: {  	v42 =	vld [tilespmem:s18+$0x10E0]  }
0x2c0: {  	[tilespmem:$0x1FCF0] =	vst v20;
	v20 =	vmul.f32 v49, v47;
	v47 =	vld [tilespmem:s18+$0x90E0]  }
0x2c1: {  	v10 =	vadd.f32 v19, v10;
	v19 =	vld [tilespmem:s18+$0x9150]  }
0x2c2: {  	v51 =	vadd.f32 v18, v17;
	v18 =	vmul.f32 v61, v60;
	v60 =	vld [tilespmem:s18+$0x90F0]  }
0x2c3: {  	v17 =	vmul.f32 v56, v53;
	v56 =	vperm.xlane v22, v48;
	v15 =	vadd.f32 v20, v15;
	v20 =	vld [tilespmem:s18+$0x1100]  }
0x2c4: {  	[tilespmem:$0x1FD20] =	vst v50;
	v14 =	vadd.f32 v18, v51;
	v51 =	vld [tilespmem:s18+$0x10F0]  }
0x2c5: {  	v53 =	vperm.xlane v23, v48;
	[tilespmem:$0x1FD30] =	vst v21;
	v21 =	vsel vm0, v23, v56;
	v23 =	vld [tilespmem:s18+$0x9100]  }
0x2c6: {  	v50 =	vperm.xlane v16, v48;
	[tilespmem:$0x1FD60] =	vst v42;
	v13 =	vadd.f32 v17, v13;
	v42 =	vld [tilespmem:s18+$0x1110]  }
0x2c7: {  	v49 =	vperm.xlane v11, v48;
	v61 =	vperm.xlane v8, v48;
	v17 =	vld [tilespmem:s18+$0x1150]  }
0x2c8: {  	v11 =	vsel vm0, v11, v50;
	v13 =	vadd.f32 v14, v13;
	v14 =	vsel vm0, v53, v22;
	v53 =	vld [tilespmem:s18+$0x1120]  }
0x2c9: {  	v10 =	vadd.f32 v15, v10;
	v15 =	vsel vm0, v49, v16;
	v49 =	vperm.xlane v2, v48;
	[tilespmem:$0x1FE30] =	vst v19;
	v19 =	vld [tilespmem:$0x1F5A0]  }
0x2ca: {  	v22 =	vperm.xlane v6, v48;
	v6 =	vsel vm0, v6, v61;
	v61 =	vperm.xlane v5, v48;
	[tilespmem:$0x1FD90] =	vst v60;
	v60 =	vld [tilespmem:s18+$0x9120]  }
0x2cb: {  	v11 =	vadd.f32 v11, v15;
	v14 =	vadd.f32 v21, v14;
	v21 =	vld [tilespmem:s18+$0x9130]  }
0x2cc: {  	[tilespmem:$0x1FD70] =	vst v47;
	v47 =	vperm.xlane v1, v48;
	v1 =	vsel vm0, v1, v49;
	v49 =	vsel vm0, v61, v9;
	v61 =	vld [tilespmem:s18+$0x9140]  }
0x2cd: {  	v8 =	vsel vm0, v22, v8;
	v22 =	vld [tilespmem:s18+$0x1160]  }
0x2ce: {  	v18 =	vperm.xlane v11, v63;
	[tilespmem:$0x1FDC0] =	vst v42;
	v42 =	vld [tilespmem:s18+$0x1130]  }
0x2cf: {  	[tilespmem:$0x1FE20] =	vst v17;
	v17 =	vld [tilespmem:$0x1F580]  }
0x2d0: {  	v56 =	vperm.xlane v9, v48;
	[tilespmem:$0x1FDB0] =	vst v23;
	v16 =	vperm.xlane v14, v63;
	v23 =	vsel vm1, v18, v14;
	v14 =	vld [tilespmem:s18+$0x9180]  }
0x2d1: {  	v50 =	vperm.xlane v3, v48;
	[tilespmem:$0x1FD80] =	vst v51;
	v18 =	vld [tilespmem:$0x1F590]  }
0x2d2: {  	v2 =	vsel vm0, v47, v2;
	v47 =	vsel vm0, v5, v56;
	v51 =	vperm.xlane v4, v48;
	[tilespmem:$0x1FDD0] =	vst v53;
	v53 =	vld [tilespmem:s18+$0x1140]  }
0x2d3: {  	[tilespmem:$0x1FDA0] =	vst v20;
	v4 =	vsel vm0, v50, v4;
	v1 =	vadd.f32 v1, v2;
	v20 =	vsel vm1, v11, v16;
	v16 =	vld [tilespmem:$0x1F570]  }
0x2d4: {  	v50 =	vperm.xlane v7, v48;
	v3 =	vsel vm0, v3, v51;
	v51 =	vperm.xlane v12, v48;
	v11 =	vld [tilespmem:s18+$0x91A0]  }
0x2d5: {  	[tilespmem:$0x1FDE0] =	vst v60;
	v2 =	vadd.f32 v3, v4;
	v3 =	vadd.f32 v47, v49;
	v60 =	vperm.xlane v13, v48;
	v49 =	vld [tilespmem:s18+$0x9160]  }
0x2d6: {  	v6 =	vadd.f32 v6, v8;
	[tilespmem:$0x1FF00] =	vst v22;
	v22 =	vld [tilespmem:$0x1F5B0]  }
0x2d7: {  	v5 =	vsel vm0, v50, v12;
	v7 =	vsel vm0, v7, v51;
	v9 =	vsel vm0, v10, v60;
	v60 =	vld [tilespmem:s18+$0x9170]  }
0x2d8: {  	v47 =	vperm.xlane v1, v63;
	v5 =	vadd.f32 v7, v5;
	v7 =	vadd.f32 v20, v23;
	v20 =	vld [tilespmem:s18+$0x1190]  }
0x2d9: {  	v56 =	vperm.xlane v10, v48;
	v23 =	vld [tilespmem:$0x1F5C0]  }
0x2da: {  	[tilespmem:$0x1FDF0] =	vst v42;
	v42 =	vperm.xlane v6, v63;
	v6 =	vsel vm1, v6, v47;
	v47 =	vld [tilespmem:$0x1F5E0]  }
0x2db: {  	v4 =	vsel vm0, v56, v13;
	v10 =	vld [tilespmem:$0x1F660]  }
0x2dc: {  	v4 =	vadd.f32 v9, v4;
	v9 =	vld [tilespmem:$0x1F650]  }
0x2dd: {  	[tilespmem:$0x1FE50] =	vst v14;
	v14 =	vld [tilespmem:$0x1F690]  }
0x2de: {  	v50 =	vperm.xlane v2, v63;
	[tilespmem:$0x1FE00] =	vst v53;
	v53 =	vld [tilespmem:s18+$0x1170]  }
0x2df: {  	v51 =	vperm.xlane v3, v63;
	v1 =	vsel vm1, v42, v1;
	v42 =	vld [tilespmem:$0x1F5D0]  }
0x2e0: {  	v3 =	vsel vm1, v50, v3;
	v50 =	vld [tilespmem:$0x1F5F0]  }
0x2e1: {  	v2 =	vsel vm1, v2, v51;
	v51 =	vld [tilespmem:$0x1F600]  }
0x2e2: {  	[tilespmem:$0x1FE70] =	vst v11;
	v11 =	vld [tilespmem:$0x1F790]  }
0x2e3: {  	[tilespmem:$0x1FE10] =	vst v61;
	v61 =	vperm.xlane v5, v63;
	v56 =	vperm.xlane v4, v63;
	v63 =	vld [tilespmem:s18+$0x1180]  }
0x2e4: {  	[tilespmem:$0x1FF10] =	vst v49;
	v49 =	vld [tilespmem:s18+$0x9190]  }
0x2e5: {  	v12 =	vadd.f32 v2, v3;
	v3 =	vmul.f32 v17, v16;
	v16 =	vld [tilespmem:s18+$0x11B0]  }
0x2e6: {  	v17 =	vld [tilespmem:$0x1F6B0]  }
0x2e7: {  	v15 =	vsel vm1, v61, v4;
	v61 =	vld [tilespmem:$0x1F630]  }
0x2e8: {  	v4 =	vmul.f32 v19, v18;
	v18 =	vld [tilespmem:$0x1F6C0]  }
0x2e9: {  	v19 =	vld [tilespmem:s18+$0x91B0]  }
0x2ea: {  	v13 =	vsel vm1, v5, v56;
	v56 =	vld [tilespmem:$0x1F620]  }
0x2eb: {  	[tilespmem:$0x1FF30] =	vst v60;
	v60 =	vld [tilespmem:s18+$0x11A0]  }
0x2ec: {  	v1 =	vadd.f32 v6, v1;
	[tilespmem:$0x1FFC0] =	vst v12;
	v12 =	vld [tilespmem:$0x1F670]  }
0x2ed: {  	[tilespmem:$0x1FE80] =	vst v20;
	v20 =	vld [tilespmem:$0x1F6D0]  }
0x2ee: {  	[tilespmem:$0x1FF90] =	vst v1;
	v1 =	vadd.f32 v13, v15;
	v13 =	vld [tilespmem:$0x1F680]  }
0x2ef: {  	v15 =	vld [tilespmem:$0x1F6A0]  }
0x2f0: {  	v6 =	vmul.f32 v10, v9;
	v9 =	vld [tilespmem:$0x1F770]  }
0x2f1: {  	v10 =	vld [tilespmem:$0x1F780]  }
0x2f2: {  	[tilespmem:$0x1FF20] =	vst v53;
	v53 =	vld [tilespmem:$0x1F610]  }
0x2f3: {  	v2 =	vmul.f32 v47, v42;
	v42 =	vld [tilespmem:$0x1F700]  }
0x2f4: {  	v47 =	vld [tilespmem:s18+$0x11C0]  }
0x2f5: {  	v3 =	vadd.f32 v4, v3;
	v4 =	vmul.f32 v51, v50;
	v50 =	vld [tilespmem:$0x1F720]  }
0x2f6: {  	v51 =	vld [tilespmem:$0x1F730]  }
0x2f7: {  	[tilespmem:$0x1FE40] =	vst v63;
	v63 =	vld [tilespmem:$0x1F640]  }
0x2f8: {  	[tilespmem:$0x1FFB0] =	vst v1;
	v1 =	vmul.f32 v23, v22;
	v22 =	vld [tilespmem:$0x1F6E0]  }
0x2f9: {  	v23 =	vld [tilespmem:$0x1F6F0]  }
0x2fa: {  	[tilespmem:$0x1FE90] =	vst v49;
	v49 =	vld [tilespmem:$0x1F710]  }
0x2fb: {  	[tilespmem:$0x1FEA0] =	vst v16;
	v16 =	vld [tilespmem:$0x1F7D0]  }
0x2fc: {  	[tilespmem:$0x1FEB0] =	vst v19;
	v19 =	vld [tilespmem:$0x1F7F0]  }
0x2fd: {  	[tilespmem:$0x1FE60] =	vst v60;
	v60 =	vld [tilespmem:$0x1F750]  }
0x2fe: {  	v3 =	vadd.f32 v4, v3;
	v4 =	vmul.f32 v13, v12;
	v12 =	vld [tilespmem:$0x1F7A0]  }
0x2ff: {  	v13 =	vld [tilespmem:s18+$0x11E0]  }
0x300: {  	[tilespmem:$0x1FFA0] =	vst v7;
	v7 =	vmul.f32 v15, v14;
	v14 =	vld [tilespmem:$0x1F7B0]  }
0x301: {  	v15 =	vld [tilespmem:$0x1F7C0]  }
0x302: {  	v5 =	vmul.f32 v56, v53;
	v53 =	vld [tilespmem:$0x1F740]  }
0x303: {  	v56 =	vld [tilespmem:s18+$0x91C0]  }
0x304: {  	v1 =	vadd.f32 v2, v1;
	v2 =	vmul.f32 v63, v61;
	v61 =	vld [tilespmem:$0x1F760]  }
0x305: {  	v63 =	vld [tilespmem:s18+$0x11D0]  }
0x306: {  	v4 =	vadd.f32 v7, v4;
	v7 =	vmul.f32 v42, v23;
	v23 =	vld [tilespmem:$0x1F820]  }
0x307: {  	v42 =	vld [tilespmem:s18+$0x11F0]  }
0x308: {  	v8 =	vmul.f32 v50, v49;
	v49 =	vld [tilespmem:$0x1F830]  }
0x309: {  	v50 =	vld [tilespmem:$0x1F840]  }
0x30a: {  	v1 =	vadd.f32 v5, v1;
	v5 =	vmul.f32 v18, v17;
	v17 =	vld [tilespmem:$0x1F7E0]  }
0x30b: {  	v18 =	vld [tilespmem:s18+$0x91E0]  }
0x30c: {  	v2 =	vadd.f32 v6, v2;
	v6 =	vmul.f32 v22, v20;
	v20 =	vld [tilespmem:$0x1F800]  }
0x30d: {  	v22 =	vld [tilespmem:$0x1F810]  }
0x30e: {  	v1 =	vadd.f32 v8, v1;
	v8 =	vld [tilespmem:s18+$0x91D0]  }
0x30f: {  	[tilespmem:$0x1FF40] =	vst v13;
	v13 =	vld [tilespmem:s18+$0x1200]  }
0x310: {  	v2 =	vadd.f32 v5, v2;
	v5 =	vmul.f32 v53, v51;
	v51 =	vld [tilespmem:$0x1F850]  }
0x311: {  	v53 =	vld [tilespmem:$0x1F860]  }
0x312: {  	v3 =	vadd.f32 v6, v3;
	v6 =	vmul.f32 v61, v60;
	v60 =	vld [tilespmem:$0x1F870]  }
0x313: {  	v61 =	vld [tilespmem:$0x1F880]  }
0x314: {  	[tilespmem:$0x1FEE0] =	vst v63;
	v63 =	vld [tilespmem:$0x1F890]  }
0x315: {  	[tilespmem:$0x1FF60] =	vst v42;
	v42 =	vld [tilespmem:$0x1F8E0]  }
0x316: {  	[tilespmem:$0x1FED0] =	vst v56;
	v56 =	vadd.f32 v1, v3;
	v1 =	vmul.f32 v15, v14;
	v15 =	vld [tilespmem:$0x1F8B0]  }
0x317: {  	v3 =	vmul.f32 v17, v16;
	v16 =	vld [tilespmem:$0x1F8C0]  }
0x318: {  	v4 =	vadd.f32 v7, v4;
	[tilespmem:$0x1FF50] =	vst v18;
	v18 =	vld [tilespmem:s18+$0x1230]  }
0x319: {  	v2 =	vadd.f32 v5, v2;
	v5 =	vmul.f32 v10, v9;
	v9 =	vld [tilespmem:$0x1FA00]  }
0x31a: {  	v4 =	vadd.f32 v6, v4;
	v6 =	vmul.f32 v12, v11;
	v12 =	vld [tilespmem:$0x1F8A0]  }
0x31b: {  	v11 =	vld [tilespmem:$0x1F930]  }
0x31c: {  	v1 =	vadd.f32 v1, v5;
	v5 =	vmul.f32 v50, v49;
	v49 =	vld [tilespmem:s18+$0x91F0]  }
0x31d: {  	v50 =	vld [tilespmem:s18+$0x1210]  }
0x31e: {  	[tilespmem:$0x1FF70] =	vst v13;
	v13 =	vld [tilespmem:$0x1F950]  }
0x31f: {  	v7 =	vmul.f32 v53, v51;
	v53 =	vld [tilespmem:s18+$0x9200]  }
0x320: {  	[tilespmem:$0x1FEC0] =	vst v47;
	v47 =	vadd.f32 v4, v2;
	v4 =	vmul.f32 v23, v22;
	v23 =	vld [tilespmem:$0x1F8D0]  }
0x321: {  	v51 =	vld [tilespmem:$0x1F8F0]  }
0x322: {  	v2 =	vmul.f32 v20, v19;
	v20 =	vld [tilespmem:s18+$0x9210]  }
0x323: {  	v19 =	vld [tilespmem:s18+$0x1220]  }
0x324: {  	v22 =	vld [tilespmem:$0x1F990]  }
0x325: {  	v3 =	vadd.f32 v3, v6;
	v6 =	vmul.f32 v61, v60;
	v60 =	vld [tilespmem:$0x1F900]  }
0x326: {  	v61 =	vld [tilespmem:$0x1F910]  }
0x327: {  	v14 =	vadd.f32 v7, v5;
	v5 =	vmul.f32 v16, v15;
	v15 =	vld [tilespmem:$0x1F970]  }
0x328: {  	v16 =	vld [tilespmem:$0x1F980]  }
0x329: {  	[tilespmem:$0x1FEF0] =	vst v8;
	v8 =	vmul.f32 v12, v63;
	v63 =	vld [tilespmem:$0x1F920]  }
0x32a: {  	v12 =	vld [tilespmem:$0x1F940]  }
0x32b: {  	v1 =	vadd.f32 v2, v1;
	v2 =	vadd.f32 v5, v14;
	v14 =	vld [tilespmem:$0x1F960]  }
0x32c: {  	[tilespmem:$0x1FF80] =	vst v50;
	v50 =	vmul.f32 v40, v37;
	v37 =	vld [tilespmem:$0x1FA50]  }
0x32d: {  	v17 =	vadd.f32 v8, v6;
	v6 =	vmul.f32 v42, v23;
	v23 =	vmul.f32 v25, v24;
	v24 =	vld [tilespmem:$0x1F9A0]  }
0x32e: {  	v25 =	vld [tilespmem:$0x1F9B0]  }
0x32f: {  	v42 =	vld [tilespmem:$0x1F9D0]  }
0x330: {  	v7 =	vmul.f32 v51, v60;
	v51 =	vld [tilespmem:$0x1F9E0]  }
0x331: {  	v60 =	vld [tilespmem:$0x1F9F0]  }
0x332: {  	v3 =	vadd.f32 v4, v3;
	v4 =	vadd.f32 v6, v17;
	v17 =	vld [tilespmem:s18+$0x9220]  }
0x333: {  	v6 =	vmul.f32 v13, v31;
	v13 =	vld [tilespmem:s18+$0x9240]  }
0x334: {  	v31 =	vmul.f32 v32, v59;
	v32 =	vmul.f32 v35, v34;
	v35 =	vld [tilespmem:$0x1F9C0]  }
0x335: {  	v34 =	vmul.f32 v36, v29;
	v29 =	vld [tilespmem:$0x1FA10]  }
0x336: {  	v5 =	vmul.f32 v12, v11;
	v11 =	vld [tilespmem:s18+$0x1250]  }
0x337: {  	v1 =	vadd.f32 v7, v1;
	v7 =	vld [tilespmem:s18+$0x9250]  }
0x338: {  	v8 =	vmul.f32 v63, v61;
	v63 =	vmul.f32 v41, v39;
	v41 =	vld [tilespmem:$0x1FBF0]  }
0x339: {  	v4 =	vadd.f32 v6, v4;
	v6 =	vld [tilespmem:s18+$0x9270]  }
0x33a: {  	v3 =	vadd.f32 v8, v3;
	v8 =	vld [tilespmem:s18+$0x9260]  }
0x33b: {  	v2 =	vadd.f32 v5, v2;
	v5 =	vld [tilespmem:s18+$0x1280]  }
0x33c: {  	v59 =	vmul.f32 v51, v30;
	v51 =	vld [tilespmem:s18+$0x9290]  }
0x33d: {  	v61 =	vmul.f32 v60, v26;
	v60 =	vld [tilespmem:$0x1FA70]  }
0x33e: {  	v12 =	vadd.f32 v3, v1;
	v3 =	vmul.f32 v22, v16;
	v16 =	vld [tilespmem:s18+$0x9230]  }
0x33f: {  	v1 =	vmul.f32 v14, v15;
	v15 =	vld [tilespmem:s18+$0x1240]  }
0x340: {  	v14 =	vld [tilespmem:s18+$0x1260]  }
0x341: {  	v22 =	vmul.f32 v9, v27;
	v9 =	vld [tilespmem:s18+$0x1270]  }
0x342: {  	v36 =	vmul.f32 v28, v35;
	v35 =	vld [tilespmem:$0x1FA40]  }
0x343: {  	v30 =	vmul.f32 v29, v52;
	v29 =	vld [tilespmem:$0x1FAB0]  }
0x344: {  	v28 =	vmul.f32 v54, v45;
	v45 =	vld [tilespmem:s18+$0x92A0]  }
0x345: {  	v54 =	vld [tilespmem:$0x1FAF0]  }
0x346: {  	v10 =	vadd.f32 v4, v2;
	v4 =	vmul.f32 v25, v24;
	v24 =	vmul.f32 v46, v44;
	v46 =	vld [tilespmem:$0x1FBB0]  }
0x347: {  	v52 =	vld [tilespmem:$0x1FBC0]  }
0x348: {  	v17 =	vmul.f32 v17, v19;
	v19 =	vld [tilespmem:s18+$0x9380]  }
0x349: {  	v7 =	vmul.f32 v7, v11;
	v11 =	vld [tilespmem:s18+$0x9390]  }
0x34a: {  	v2 =	vadd.f32 v4, v23;
	v4 =	vadd.f32 v36, v34;
	v34 =	vld [tilespmem:$0x1FA30]  }
0x34b: {  	v1 =	vadd.f32 v3, v1;
	v3 =	vmul.f32 v42, v38;
	v38 =	vld [tilespmem:$0x1FA60]  }
0x34c: {  	v23 =	vmul.f32 v43, v33;
	v43 =	vld [tilespmem:$0x1FBA0]  }
0x34d: {  	v2 =	vadd.f32 v32, v2;
	v32 =	vld [tilespmem:$0x1FA20]  }
0x34e: {  	v1 =	vadd.f32 v31, v1;
	v31 =	vmul.f32 v57, v55;
	v57 =	vld [tilespmem:$0x1FB00]  }
0x34f: {  	v4 =	vadd.f32 v59, v4;
	v16 =	vmul.f32 v16, v18;
	v18 =	vld [tilespmem:s18+$0x1390]  }
0x350: {  	v3 =	vadd.f32 v50, v3;
	v13 =	vmul.f32 v13, v15;
	v15 =	vld [tilespmem:s18+$0x13B0]  }
0x351: {  	v26 =	vadd.f32 v23, v4;
	v4 =	vld [tilespmem:s18+$0x9280]  }
0x352: {  	v1 =	vadd.f32 v61, v1;
	v3 =	vadd.f32 v63, v3;
	v61 =	vld [tilespmem:$0x1FB10]  }
0x353: {  	v63 =	vld [tilespmem:$0x1FB20]  }
0x354: {  	v27 =	vadd.f32 v24, v3;
	v24 =	vld [tilespmem:$0x1FA80]  }
0x355: {  	v33 =	vmul.f32 v32, v58;
	v32 =	vld [tilespmem:$0x1FAD0]  }
0x356: {  	v25 =	vadd.f32 v22, v2;
	v2 =	vadd.f32 v27, v26;
	v26 =	vld [tilespmem:$0x1FA90]  }
0x357: {  	v27 =	vld [tilespmem:$0x1FAA0]  }
0x358: {  	v55 =	vadd.f32 v33, v30;
	v30 =	vld [tilespmem:$0x1FAC0]  }
0x359: {  	v33 =	vld [tilespmem:$0x1FAE0]  }
0x35a: {  	v22 =	vld [tilespmem:s18+$0x1310]  }
0x35b: {  	v59 =	vmul.f32 v57, v54;
	v57 =	vld [tilespmem:$0x1FBD0]  }
0x35c: {  	v42 =	vadd.f32 v31, v28;
	v28 =	vmul.f32 v27, v26;
	v27 =	vld [tilespmem:$0x1FB40]  }
0x35d: {  	v40 =	vadd.f32 v25, v1;
	v25 =	vmul.f32 v24, v60;
	v31 =	vmul.f32 v30, v29;
	v30 =	vld [tilespmem:$0x1FB60]  }
0x35e: {  	v36 =	vmul.f32 v35, v34;
	v34 =	vmul.f32 v33, v32;
	v33 =	vld [tilespmem:$0x1FB80]  }
0x35f: {  	v35 =	vadd.f32 v28, v25;
	v25 =	vld [tilespmem:$0x1FB30]  }
0x360: {  	v28 =	vld [tilespmem:$0x1FB50]  }
0x361: {  	v44 =	vadd.f32 v34, v31;
	v31 =	vld [tilespmem:$0x1FB70]  }
0x362: {  	v34 =	vld [tilespmem:$0x1FB90]  }
0x363: {  	v39 =	vmul.f32 v38, v37;
	v38 =	vld [tilespmem:s18+$0x92C0]  }
0x364: {  	v3 =	vld [tilespmem:s18+$0x1290];
	v42 =	vadd.f32 v36, v42  }
0x365: {  	v58 =	vld [tilespmem:s18+$0x12A0];
	v24 =	vmul.f32 v63, v61;
	v50 =	vadd.f32 v59, v35;
	v59 =	vmul.f32 v57, v52  }
0x366: {  	v54 =	vld [tilespmem:s18+$0x12C0];
	v55 =	vadd.f32 v39, v55;
	v26 =	vmul.f32 v25, v62;
	v29 =	vmul.f32 v28, v27  }
0x367: {  	v57 =	vld [tilespmem:$0x1FC20];
	v44 =	vadd.f32 v24, v44;
	v32 =	vmul.f32 v31, v30;
	v35 =	vmul.f32 v34, v33  }
0x368: {  	v28 =	vld [tilespmem:$0x1FC50];
	v39 =	vadd.f32 v26, v42;
	v36 =	vadd.f32 v29, v55  }
0x369: {  	v30 =	vld [tilespmem:$0x1FC70];
	v50 =	vadd.f32 v32, v50;
	v37 =	vadd.f32 v35, v44  }
0x36a: {  	v29 =	vld [tilespmem:$0x1FC60];
	v42 =	vadd.f32 v36, v39;
	v36 =	vmul.f32 v46, v43  }
0x36b: {  	v50 =	vadd.f32 v37, v50;
	v37 =	vld [tilespmem:$0x1FBE0]  }
0x36c: {  	v36 =	vadd.f32 v59, v36;
	v59 =	vld [tilespmem:$0x1FC30]  }
0x36d: {  	v43 =	vld [tilespmem:$0x1FC00]  }
0x36e: {  	v46 =	vld [tilespmem:$0x1FC10]  }
0x36f: {  	v35 =	vld [tilespmem:$0x1FC80]  }
0x370: {  	v37 =	vmul.f32 v41, v37;
	v41 =	vld [tilespmem:$0x1FC90]  }
0x371: {  	v62 =	vmul.f32 v59, v57;
	v57 =	vld [tilespmem:$0x1FCC0]  }
0x372: {  	v59 =	vld [tilespmem:$0x1FCD0]  }
0x373: {  	v26 =	vld [tilespmem:$0x1FC40];
	v52 =	vmul.f32 v46, v43  }
0x374: {  	v46 =	vld [tilespmem:$0x1FCA0]  }
0x375: {  	v32 =	vadd.f32 v52, v37;
	v52 =	vld [tilespmem:$0x1FCB0]  }
0x376: {  	v43 =	vmul.f32 v41, v35;
	v41 =	vld [tilespmem:$0x1FCE0]  }
0x377: {  	v33 =	vmul.f32 v30, v29;
	v36 =	vadd.f32 v62, v36;
	v62 =	vmul.f32 v59, v57;
	v57 =	vld [tilespmem:$0x1FD20]  }
0x378: {  	v59 =	vld [tilespmem:$0x1FD30]  }
0x379: {  	v29 =	vadd.f32 v43, v33;
	v43 =	vld [tilespmem:$0x1FCF0]  }
0x37a: {  	v39 =	vmul.f32 v52, v46;
	v46 =	vld [tilespmem:$0x1FD00]  }
0x37b: {  	v52 =	vld [tilespmem:$0x1FD10]  }
0x37c: {  	v60 =	vld [tilespmem:s18+$0x12B0]  }
0x37d: {  	v63 =	vld [tilespmem:s18+$0x92B0];
	v31 =	vmul.f32 v28, v26  }
0x37e: {  	v25 =	vadd.f32 v62, v39;
	v62 =	vmul.f32 v59, v57;
	v59 =	vld [tilespmem:$0x1FD80]  }
0x37f: {  	v31 =	vadd.f32 v31, v32;
	v32 =	vmul.f32 v43, v41;
	v41 =	vld [tilespmem:$0x1FD40]  }
0x380: {  	v23 =	vmul.f32 v52, v46;
	v46 =	vld [tilespmem:$0x1FD60]  }
0x381: {  	v52 =	vld [tilespmem:$0x1FD70]  }
0x382: {  	v43 =	vld [tilespmem:$0x1FD50]  }
0x383: {  	v25 =	vadd.f32 v62, v25;
	v62 =	vld [tilespmem:$0x1FD90]  }
0x384: {  	v61 =	vld [tilespmem:s18+$0x12E0]  }
0x385: {  	v24 =	vld [tilespmem:s18+$0x1300]  }
0x386: {  	v57 =	vmul.f32 v52, v46;
	v46 =	vld [tilespmem:$0x1FDB0]  }
0x387: {  	v43 =	vmul.f32 v43, v41;
	v52 =	vld [tilespmem:$0x1FDC0]  }
0x388: {  	v29 =	vadd.f32 v32, v29;
	v1 =	vmul.f32 v62, v59;
	v59 =	vld [tilespmem:$0x1FDE0]  }
0x389: {  	v31 =	vadd.f32 v43, v31;
	v43 =	vld [tilespmem:$0x1FDA0]  }
0x38a: {  	v29 =	vadd.f32 v57, v29;
	v57 =	vld [tilespmem:$0x1FDD0]  }
0x38b: {  	v62 =	vld [tilespmem:$0x1FDF0]  }
0x38c: {  	v28 =	vld [tilespmem:$0x1FE00]  }
0x38d: {  	v30 =	vld [tilespmem:$0x1FE20];
	v23 =	vadd.f32 v23, v36;
	v25 =	vadd.f32 v1, v25  }
0x38e: {  	v35 =	vld [tilespmem:$0x1FE30];
	v36 =	vmul.f32 v46, v43;
	v43 =	vmul.f32 v0, v52  }
0x38f: {  	v52 =	vadd.f32 v31, v23;
	v23 =	vmul.f32 v59, v57;
	v57 =	vadd.f32 v25, v29;
	v29 =	vld [tilespmem:$0x1FE10]  }
0x390: {  	v31 =	vmul.f32 v21, v62;
	v62 =	vld [tilespmem:$0x1FE50]  }
0x391: {  	v21 =	vld [tilespmem:$0x1FE60]  }
0x392: {  	v23 =	vadd.f32 v23, v36;
	v36 =	vld [tilespmem:$0x1FE40]  }
0x393: {  	v31 =	vadd.f32 v31, v43;
	v43 =	vld [tilespmem:$0x1FE90]  }
0x394: {  	v25 =	vmul.f32 v29, v28;
	v28 =	vld [tilespmem:$0x1FE70]  }
0x395: {  	v29 =	vmul.f32 v35, v30;
	v30 =	vld [tilespmem:$0x1FE80]  }
0x396: {  	v27 =	vld [tilespmem:s18+$0x92E0]  }
0x397: {  	v34 =	vld [tilespmem:s18+$0x12F0]  }
0x398: {  	v36 =	vmul.f32 v62, v36;
	v62 =	vld [tilespmem:$0x1FEA0]  }
0x399: {  	v28 =	vmul.f32 v28, v21;
	v21 =	vld [tilespmem:$0x1FEB0]  }
0x39a: {  	v43 =	vmul.f32 v43, v30;
	v30 =	vld [tilespmem:$0x1FED0]  }
0x39b: {  	v23 =	vadd.f32 v25, v23;
	v25 =	vadd.f32 v28, v36;
	v28 =	vld [tilespmem:$0x1FEC0]  }
0x39c: {  	v55 =	vld [tilespmem:s18+$0x12D0]  }
0x39d: {  	v44 =	vld [tilespmem:s18+$0x92D0]  }
0x39e: {  	v26 =	vld [tilespmem:s18+$0x92F0]  }
0x39f: {  	v0 =	vld [tilespmem:$0x1FF00]  }
0x3a0: {  	v21 =	vmul.f32 v21, v62;
	v28 =	vmul.f32 v30, v28;
	v30 =	vld [tilespmem:$0x1FF10]  }
0x3a1: {  	v29 =	vadd.f32 v29, v31;
	v31 =	vld [tilespmem:$0x1FEE0]  }
0x3a2: {  	v21 =	vadd.f32 v21, v43;
	v43 =	vld [tilespmem:$0x1FEF0]  }
0x3a3: {  	v37 =	vld [tilespmem:s18+$0x9300]  }
0x3a4: {  	v1 =	vld [tilespmem:$0x1FF30]  }
0x3a5: {  	v30 =	vmul.f32 v30, v0;
	v0 =	vld [tilespmem:$0x1FF20]  }
0x3a6: {  	v33 =	vld [tilespmem:s18+$0x9310]  }
0x3a7: {  	v39 =	vld [tilespmem:s18+$0x1320];
	v31 =	vmul.f32 v43, v31  }
0x3a8: {  	v32 =	vld [tilespmem:s18+$0x9320]  }
0x3a9: {  	v21 =	vadd.f32 v31, v21;
	v31 =	vld [tilespmem:$0x1FF50]  }
0x3aa: {  	v0 =	vmul.f32 v1, v0;
	v1 =	vld [tilespmem:$0x1FF40]  }
0x3ab: {  	v41 =	vld [tilespmem:s18+$0x1340]  }
0x3ac: {  	v35 =	vld [tilespmem:s18+$0x9340]  }
0x3ad: {  	v36 =	vld [tilespmem:s18+$0x9350]  }
0x3ae: {  	v8 =	vmul.f32 v8, v14;
	v62 =	vld [tilespmem:s18+$0x1350]  }
0x3af: {  	v25 =	vadd.f32 v28, v25;
	v23 =	vadd.f32 v30, v23;
	v30 =	vld [tilespmem:s18+$0x1380];
	v31 =	vmul.f32 v31, v1  }
0x3b0: {  	v6 =	vmul.f32 v6, v9;
	v11 =	vmul.f32 v11, v18;
	v1 =	vld [tilespmem:$0x1FF60]  }
0x3b1: {  	v4 =	vmul.f32 v4, v5;
	v58 =	vmul.f32 v45, v58;
	v25 =	vadd.f32 v31, v25;
	v31 =	vld [tilespmem:$0x1FF70]  }
0x3b2: {  	v3 =	vmul.f32 v51, v3;
	v45 =	vmul.f32 v27, v61;
	v28 =	vld [tilespmem:s18+$0x9360]  }
0x3b3: {  	v4 =	vadd.f32 v58, v4;
	v51 =	vmul.f32 v26, v34;
	v61 =	vmul.f32 v33, v22;
	v43 =	vld [tilespmem:s18+$0x1360]  }
0x3b4: {  	v22 =	vld [tilespmem:$0x1FFE0];
	v58 =	vmul.f32 v32, v39;
	v34 =	vmul.f32 v35, v41;
	v0 =	vadd.f32 v0, v29  }
0x3b5: {  	v46 =	vld [tilespmem:s18+$0x1330];
	v36 =	vmul.f32 v36, v62;
	v49 =	vmul.f32 v49, v1  }
0x3b6: {  	v59 =	vld [tilespmem:s18+$0x9330];
	v39 =	vmul.f32 v19, v30;
	v0 =	vadd.f32 v0, v23;
	v23 =	vmul.f32 v53, v31  }
0x3b7: {  	v29 =	vld [tilespmem:s18+$0x9370];
	v21 =	vadd.f32 v49, v21;
	v31 =	vmul.f32 v38, v54;
	v38 =	vmul.f32 v44, v55  }
0x3b8: {  	v1 =	vld [tilespmem:s18+$0x1370];
	v55 =	vmul.f32 v37, v24;
	v37 =	vmul.f32 v28, v43  }
0x3b9: {  	v49 =	vld [tilespmem:$0x1FF80];
	v24 =	vperm.xlane v52, v48;
	v28 =	vperm.xlane v0, v48;
	v21 =	vadd.f32 v21, v25  }
0x3ba: {  	v44 =	vld [tilespmem:s18+$0x93B0];
	v17 =	vadd.f32 v17, v23;
	v25 =	vmul.f32 v63, v60;
	v4 =	vadd.f32 v31, v4  }
0x3bb: {  	v43 =	vld [tilespmem:$0x1FF90];
	v31 =	vmul.f32 v59, v46;
	v33 =	vadd.f32 v58, v55;
	v55 =	vperm.xlane v10, v48  }
0x3bc: {  	v54 =	vld [tilespmem:s18+$0x13D0];
	v58 =	vperm.xlane v12, v48;
	v59 =	vperm.xlane v40, v48  }
0x3bd: {  	v60 =	vld [tilespmem:s18+$0x93D0];
	v1 =	vmul.f32 v29, v1;
	v13 =	vadd.f32 v13, v17;
	v3 =	vadd.f32 v25, v3  }
0x3be: {  	v41 =	vld [tilespmem:s18+$0x93F0];
	v4 =	vadd.f32 v45, v4;
	v25 =	vperm.xlane v57, v48;
	v26 =	vperm.xlane v21, v48  }
0x3bf: {  	v45 =	vld [tilespmem:$0x1FFA0];
	v30 =	vsel vm0, v28, v21;
	v20 =	vmul.f32 v20, v49;
	v15 =	vmul.f32 v44, v15  }
0x3c0: {  	v44 =	vperm.xlane v43, v22;
	v8 =	vadd.f32 v8, v13;
	v3 =	vadd.f32 v38, v3;
	v38 =	vld [tilespmem:s18+$0x13F0]  }
0x3c1: {  	v27 =	vsel vm0, v52, v25;
	v0 =	vsel vm0, v0, v26;
	v53 =	vadd.f32 v16, v20;
	v16 =	vld [tilespmem:s18+$0x13A0]  }
0x3c2: {  	v20 =	vld [tilespmem:s18+$0x93A0];
	v11 =	vadd.f32 v15, v11;
	v5 =	vmul.f32 v60, v54;
	v54 =	vperm.xlane v56, v48  }
0x3c3: {  	v32 =	vld [tilespmem:s18+$0x13E0];
	v60 =	vperm.xlane v2, v48;
	v2 =	vsel vm0, v59, v2;
	v3 =	vadd.f32 v51, v3  }
0x3c4: {  	v49 =	vld [tilespmem:s18+$0x13C0];
	v0 =	vadd.f32 v0, v30;
	v7 =	vadd.f32 v7, v53;
	v46 =	vperm.xlane v45, v22  }
0x3c5: {  	v53 =	vld [tilespmem:s18+$0x93C0];
	v5 =	vadd.f32 v5, v11;
	v11 =	vsel vm0, v12, v55;
	v3 =	vadd.f32 v3, v4  }
0x3c6: {  	v35 =	vld [tilespmem:s18+$0x93E0];
	v12 =	vsel vm0, v24, v57;
	v4 =	vadd.f32 v34, v33;
	v6 =	vadd.f32 v6, v7  }
0x3c7: {  	v33 =	vld [tilespmem:$0x1FFB0];
	v51 =	vmul.f32 v41, v38;
	v14 =	vsel vm2, v46, v43;
	v16 =	vmul.f32 v20, v16  }
0x3c8: {  	v63 =	vld [tilespmem:$0x1FFD0];
	v4 =	vadd.f32 v37, v4;
	v20 =	vperm.xlane v42, v48;
	v6 =	vadd.f32 v6, v8  }
0x3c9: {  	v8 =	vadd.f32 v31, v61;
	v5 =	vadd.f32 v51, v5;
	v61 =	vperm.xlane v50, v48  }
0x3ca: {  	v31 =	vperm.xlane v3, v48;
	v7 =	vadd.f32 v16, v39;
	v9 =	vmul.f32 v53, v49  }
0x3cb: {  	v49 =	vmul.f32 v35, v32;
	v53 =	vperm.xlane v47, v48;
	v8 =	vadd.f32 v36, v8  }
0x3cc: {  	v23 =	vsel vm0, v42, v61;
	v29 =	vperm.xlane v6, v48;
	v34 =	vperm.xlane v33, v22  }
0x3cd: {  	v6 =	vsel vm0, v6, v31;
	v42 =	vperm.xlane v0, v63;
	v7 =	vadd.f32 v9, v7  }
0x3ce: {  	v9 =	vsel vm2, v45, v44;
	v56 =	vsel vm0, v56, v53;
	v1 =	vadd.f32 v1, v8  }
0x3cf: {  	v8 =	vsel vm0, v58, v10;
	v10 =	vsel vm0, v40, v60;
	v7 =	vadd.f32 v49, v7  }
0x3d0: {  	v3 =	vsel vm0, v29, v3;
	v62 =	vadd.f32 v11, v8;
	v2 =	vadd.f32 v10, v2  }
0x3d1: {  	v8 =	vsel vm0, v20, v50;
	v1 =	vadd.f32 v1, v4;
	v5 =	vadd.f32 v5, v7  }
0x3d2: {  	v11 =	vadd.f32 v27, v12;
	v3 =	vadd.f32 v6, v3;
	v4 =	vsel vm0, v54, v47  }
0x3d3: {  	v8 =	vadd.f32 v23, v8;
	v35 =	vperm.xlane v1, v48;
	v32 =	vperm.xlane v5, v48  }
0x3d4: {  	v4 =	vadd.f32 v56, v4;
	v37 =	vperm.xlane v62, v63;
	v40 =	vperm.xlane v2, v63  }
0x3d5: {  	v41 =	vperm.xlane v11, v63;
	v5 =	vsel vm0, v35, v5;
	v1 =	vsel vm0, v1, v32  }
0x3d6: {  	v47 =	vld [tilespmem:$0x1FFC0];
	v43 =	vperm.xlane v3, v63;
	v38 =	vperm.xlane v8, v63;
	v1 =	vadd.f32 v1, v5  }
0x3d7: {  	v45 =	vsel vm1, v11, v42;
	v36 =	vperm.xlane v4, v63;
	v4 =	vsel vm1, v4, v37  }
0x3d8: {  	v7 =	vsel vm1, v40, v8;
	v2 =	vsel vm1, v2, v38;
	v44 =	vperm.xlane v1, v63  }
0x3d9: {  	v0 =	vsel vm1, v41, v0;
	v39 =	vsel vm1, v36, v62;
	v2 =	vadd.f32 v2, v7  }
0x3da: {  	v4 =	vadd.f32 v4, v39;
	v1 =	vsel vm1, v43, v1;
	v3 =	vsel vm1, v3, v44  }
0x3db: {  	v0 =	vadd.f32 v45, v0;
	v49 =	vperm.xlane v47, v22;
	v1 =	vadd.f32 v3, v1  }
0x3dc: {  	v46 =	vld [tilespmem:$0x1FFF0];
	v9 =	vadd.f32 v9, v14;
	v52 =	vperm.xlane v2, v22;
	v51 =	vperm.xlane v4, v22  }
0x3dd: {  	v50 =	vsel vm2, v47, v34;
	v53 =	vperm.xlane v0, v22;
	v54 =	vperm.xlane v1, v22  }
0x3de: {  	v5 =	vsel vm2, v49, v33;
	v4 =	vsel vm2, v4, v52;
	v2 =	vsel vm2, v51, v2  }
0x3df: {  	v3 =	vadd.f32 v50, v5;
	v1 =	vsel vm2, v53, v1;
	v0 =	vsel vm2, v0, v54  }
0x3e0: {  	s18 =	sshll.u32 s17, $0x4;
	v2 =	vadd.f32 v4, v2;
	v0 =	vadd.f32 v0, v1  }
0x3e1: {  	v57 =	vld [tilespmem:s18+$0x10400];
	v55 =	vperm.xlane v9, v46;
	v56 =	vperm.xlane v3, v46  }
0x3e2: {  	v60 =	vld [tilespmem:s18+$0x10410];
	v58 =	vperm.xlane v2, v46;
	v59 =	vperm.xlane v0, v46  }
0x3e3: {  	v61 =	vld [tilespmem:s18+$0x10500];
	v4 =	vsel vm3, v9, v56;
	v1 =	vsel vm3, v55, v3  }
0x3e4: {  	v62 =	vld [tilespmem:s18+$0x10510];
	v1 =	vadd.f32 v1, v4;
	v0 =	vsel vm3, v58, v0;
	v2 =	vsel vm3, v2, v59  }
0x3e5: {  	v0 =	vadd.f32 v0, v2  }
0x3e6: {  	p1 =	slt.u32 s17, $0x6;
	v1 =	vadd.f32 v1, v57  }
.Ltmp2:
0x3e7: {  	v0 =	vadd.f32 v0, v60;
	(pc) =	sbr.rel @p1 .LBB2_3-.Ltmp2, $4  }
0x3e8: {  	v1 =	vadd.f32 v1, v61  }
0x3e9: {  	v0 =	vadd.f32 v0, v62  }
0x3ea: {  	s20 =	sadd.s32 $0x2, s17;
	[tilespmem:s18+$0x10600] =	vst v1  }
0x3eb: {  	s17 =	smov.u32 s20;
	[tilespmem:s18+$0x10610] =	vst v0  }
0x3ec: {  	_ =	strace $0x90000049  }
0x3ed: {  	s9 =	simm.s32 @p0 $0x80;
	s17 =	simm.s32 @p0 $0x100;
	s18 =	simm.s32 @p0 $0x400  }
0x3ee: {  	[tilespmem:s18], [sflag:$0x1] =	stream.indirect.gather @p0 [hbm4b:s0+s9], $0x80, s17, s9, $0xb8;
	[tilespmem:$0x10680] =	vst v63  }
0x3ef: {  	s20 =	simm.s32 @p0 $0x8400;
	s18 =	simm.s32 @p0 $0x300  }
0x3f0: {  	[tilespmem:s20], [sflag:$0x3] =	stream.indirect.gather @p0 [hbm4b:s1+s9], $0x80, s18, s9, $0xb8;
	[tilespmem:$0x10680] =	vst v63  }
0x3f1: {  	s20 =	simm.s32 @p0 $0x10400  }
0x3f2: {  	[tilespmem:s20], [sflag:$0x5] =	stream.indirect.gather @p0 [hbm4b:s2+s9], $0x1, s17, s9, $0xb8;
	[tilespmem:$0x10680] =	vst v63  }
0x3f3: {  	s20 =	sor.u32 s8, s16  }
0x3f4: {  	s17 =	simm.s32 @p0 $0x10500;
	s16 =	sshrl.u32 s20, $0x3  }
0x3f5: {  	[tilespmem:s17], [sflag:$0x5] =	stream.indirect.gather @p0 [hbm4b:s3+s9], $0x1, s18, s9, $0xb8;
	[tilespmem:$0x10680] =	vst v63  }
0x3f6: {  	s9 =	sadd.s32 s6, s16;
	s17 =	simm.s32 $0x0  }
0x3f7: {  	[hbm4b:s9+s17] =	stream.linear.scatter [tilespmem:s28], [sflag:$0x7], $0x80, $0x38;
	[tilespmem:$0x10680] =	vst v63  }
0x3f8: {  	_ =	swait.ge [sflag:s12], $0x80  }
0x3f9: {  	[sflag:s12] =	ssyncset.done $0x0  }
0x3fa: {  	[sflag:s12] =	ssyncadd.s32 $0xFFFFFF80  }
0x3fb: {  	_ =	strace $0x8000004A  }
0x3fc: {  	_ =	swait.ge [sflag:s29], $0x4000  }
0x3fd: {  	[sflag:s29] =	ssyncset.done $0x0  }
0x3fe: {  	[sflag:s29] =	ssyncadd.s32 $0xFFFFC000  }
0x3ff: {  	_ =	swait.ge [sflag:s30], $0x4000  }
0x400: {  	[sflag:s30] =	ssyncset.done $0x0  }
0x401: {  	[sflag:s30] =	ssyncadd.s32 $0xFFFFC000  }
0x402: {  	_ =	swait.ge [sflag:s31], $0x80  }
0x403: {  	[sflag:s31] =	ssyncset.done $0x0  }
0x404: {  	[sflag:s31] =	ssyncadd.s32 $0xFFFFFF80  }
0x405: {  	_ =	swait.ge [sflag:s31], $0x80  }
0x406: {  	[sflag:s31] =	ssyncset.done $0x0  }
0x407: {  	[sflag:s31] =	ssyncadd.s32 $0xFFFFFF80  }
0x408: {  	_ =	strace $0x9000004A  }
0x409: {  	_ =	strace $0x8000004B  }
.LBB2_5:
0x40a: {  	s18 =	sshll.u32 s17, $0xB  }
0x40b: {  	v41 =	vld [tilespmem:s18+$0x4610];
	_ =	sdelay $0x4  }
0x40c: {  	[tilespmem:$0x1D330] =	vst v41;
	v41 =	vld [tilespmem:s18+$0xC620];
	_ =	sdelay $0x4  }
0x40d: {  	[tilespmem:$0x1D320] =	vst v41;
	v41 =	vld [tilespmem:s18+$0x4640];
	_ =	sdelay $0x4  }
0x40e: {  	[tilespmem:$0x1D370] =	vst v41;
	v41 =	vld [tilespmem:s18+$0xC650];
	_ =	sdelay $0x4  }
0x40f: {  	[tilespmem:$0x1D3A0] =	vst v41;
	v41 =	vld [tilespmem:s18+$0x4670];
	_ =	sdelay $0x4  }
0x410: {  	[tilespmem:$0x1D460] =	vst v41;
	v41 =	vld [tilespmem:s18+$0xC680];
	_ =	sdelay $0x4  }
0x411: {  	[tilespmem:$0x1D3C0] =	vst v41;
	v41 =	vld [tilespmem:s18+$0x46B0];
	_ =	sdelay $0x4  }
0x412: {  	[tilespmem:$0x1D3F0] =	vst v41;
	v41 =	vld [tilespmem:s18+$0x46C0];
	_ =	sdelay $0x4  }
0x413: {  	[tilespmem:$0x1D400] =	vst v41;
	v41 =	vld [tilespmem:s18+$0xC6C0];
	_ =	sdelay $0x4  }
0x414: {  	[tilespmem:$0x1D410] =	vst v41;
	v41 =	vld [tilespmem:s18+$0x46D0];
	_ =	sdelay $0x4  }
0x415: {  	[tilespmem:$0x1D440] =	vst v41;
	v41 =	vld [tilespmem:s18+$0xC6D0];
	_ =	sdelay $0x4  }
0x416: {  	[tilespmem:$0x1D450] =	vst v41;
	v41 =	vld [tilespmem:s18+$0x46E0];
	_ =	sdelay $0x4  }
0x417: {  	[tilespmem:$0x1D480] =	vst v41;
	v41 =	vld [tilespmem:s18+$0xC6E0];
	_ =	sdelay $0x4  }
0x418: {  	[tilespmem:$0x1D490] =	vst v41;
	v41 =	vld [tilespmem:s18+$0x46F0];
	_ =	sdelay $0x4  }
0x419: {  	[tilespmem:$0x1D4A0] =	vst v41;
	v41 =	vld [tilespmem:s18+$0xC6F0];
	_ =	sdelay $0x4  }
0x41a: {  	[tilespmem:$0x1D4B0] =	vst v41;
	v41 =	vld [tilespmem:s18+$0x4700];
	_ =	sdelay $0x4  }
0x41b: {  	[tilespmem:$0x1D4C0] =	vst v41;
	v41 =	vld [tilespmem:s18+$0xC700];
	_ =	sdelay $0x4  }
0x41c: {  	[tilespmem:$0x1D4D0] =	vst v41;
	v41 =	vld [tilespmem:s18+$0x4710];
	_ =	sdelay $0x4  }
0x41d: {  	[tilespmem:$0x1D4E0] =	vst v41;
	v41 =	vld [tilespmem:s18+$0xC710];
	_ =	sdelay $0x4  }
0x41e: {  	[tilespmem:$0x1D4F0] =	vst v41;
	v41 =	vld [tilespmem:s18+$0x4720];
	_ =	sdelay $0x4  }
0x41f: {  	[tilespmem:$0x1D500] =	vst v41;
	v41 =	vld [tilespmem:s18+$0xC720];
	_ =	sdelay $0x4  }
0x420: {  	[tilespmem:$0x1D510] =	vst v41;
	v41 =	vld [tilespmem:s18+$0x4730];
	_ =	sdelay $0x4  }
0x421: {  	[tilespmem:$0x1D520] =	vst v41;
	v41 =	vld [tilespmem:s18+$0xC730];
	_ =	sdelay $0x4  }
0x422: {  	[tilespmem:$0x1D530] =	vst v41;
	v41 =	vld [tilespmem:s18+$0x4740];
	_ =	sdelay $0x4  }
0x423: {  	[tilespmem:$0x1D540] =	vst v41;
	v41 =	vld [tilespmem:s18+$0xC740];
	_ =	sdelay $0x4  }
0x424: {  	[tilespmem:$0x1D550] =	vst v41;
	v41 =	vld [tilespmem:s18+$0x4750];
	_ =	sdelay $0x4  }
0x425: {  	[tilespmem:$0x1D560] =	vst v41;
	v41 =	vld [tilespmem:s18+$0xC750];
	_ =	sdelay $0x4  }
0x426: {  	[tilespmem:$0x1D570] =	vst v41;
	v41 =	vld [tilespmem:s18+$0x4760];
	_ =	sdelay $0x4  }
0x427: {  	[tilespmem:$0x1D640] =	vst v41;
	v41 =	vld [tilespmem:s18+$0xC760];
	_ =	sdelay $0x4  }
0x428: {  	[tilespmem:$0x1D650] =	vst v41;
	v41 =	vld [tilespmem:s18+$0x4770];
	_ =	sdelay $0x4  }
0x429: {  	[tilespmem:$0x1D660] =	vst v41;
	v41 =	vld [tilespmem:s18+$0xC770];
	_ =	sdelay $0x4  }
0x42a: {  	[tilespmem:$0x1D670] =	vst v41;
	v41 =	vld [tilespmem:s18+$0x4780];
	_ =	sdelay $0x4  }
0x42b: {  	[tilespmem:$0x1D580] =	vst v41;
	v41 =	vld [tilespmem:s18+$0xC780];
	_ =	sdelay $0x4  }
0x42c: {  	[tilespmem:$0x1D590] =	vst v41;
	v41 =	vld [tilespmem:s18+$0x4790];
	_ =	sdelay $0x4  }
0x42d: {  	[tilespmem:$0x1D5C0] =	vst v41;
	v41 =	vld [tilespmem:s18+$0xC790];
	_ =	sdelay $0x4  }
0x42e: {  	[tilespmem:$0x1D5D0] =	vst v41;
	v41 =	vld [tilespmem:s18+$0x47A0];
	_ =	sdelay $0x4  }
0x42f: {  	[tilespmem:$0x1D5A0] =	vst v41;
	v41 =	vld [tilespmem:s18+$0xC7A0];
	_ =	sdelay $0x4  }
0x430: {  	[tilespmem:$0x1D5B0] =	vst v41;
	v41 =	vld [tilespmem:s18+$0x47B0];
	_ =	sdelay $0x4  }
0x431: {  	[tilespmem:$0x1D5E0] =	vst v41;
	v41 =	vld [tilespmem:s18+$0xC7B0];
	_ =	sdelay $0x4  }
0x432: {  	[tilespmem:$0x1D5F0] =	vst v41;
	v41 =	vld [tilespmem:s18+$0x47C0];
	_ =	sdelay $0x4  }
0x433: {  	[tilespmem:$0x1D600] =	vst v41;
	v41 =	vld [tilespmem:s18+$0xC7C0];
	_ =	sdelay $0x4  }
0x434: {  	[tilespmem:$0x1D610] =	vst v41;
	v41 =	vld [tilespmem:s18+$0x47D0];
	_ =	sdelay $0x4  }
0x435: {  	[tilespmem:$0x1D620] =	vst v41;
	v41 =	vld [tilespmem:s18+$0xC7D0];
	_ =	sdelay $0x4  }
0x436: {  	[tilespmem:$0x1D630] =	vst v41;
	v41 =	vld [tilespmem:s18+$0x47E0];
	_ =	sdelay $0x4  }
0x437: {  	[tilespmem:$0x1D680] =	vst v41;
	v41 =	vld [tilespmem:s18+$0xC7E0];
	_ =	sdelay $0x4  }
0x438: {  	[tilespmem:$0x1D690] =	vst v41;
	v41 =	vld [tilespmem:s18+$0x47F0];
	_ =	sdelay $0x4  }
0x439: {  	[tilespmem:$0x1D6A0] =	vst v41;
	v41 =	vld [tilespmem:s18+$0xC7F0];
	_ =	sdelay $0x4  }
0x43a: {  	[tilespmem:$0x1D6B0] =	vst v41;
	v41 =	vld [tilespmem:s18+$0x4800];
	_ =	sdelay $0x4  }
0x43b: {  	[tilespmem:$0x1D6C0] =	vst v41;
	v41 =	vld [tilespmem:s18+$0xC800];
	_ =	sdelay $0x4  }
0x43c: {  	[tilespmem:$0x1D6D0] =	vst v41;
	v41 =	vld [tilespmem:s18+$0x4810];
	_ =	sdelay $0x4  }
0x43d: {  	[tilespmem:$0x1D700] =	vst v41;
	v41 =	vld [tilespmem:s18+$0xC810];
	_ =	sdelay $0x4  }
0x43e: {  	[tilespmem:$0x1D710] =	vst v41;
	v41 =	vld [tilespmem:s18+$0x4820];
	_ =	sdelay $0x4  }
0x43f: {  	[tilespmem:$0x1D6E0] =	vst v41;
	v41 =	vld [tilespmem:s18+$0xC820];
	_ =	sdelay $0x4  }
0x440: {  	[tilespmem:$0x1D6F0] =	vst v41;
	v41 =	vld [tilespmem:s18+$0x4830]  }
0x441: {  	v2 =	vld [tilespmem:s18+$0x4400]  }
0x442: {  	v31 =	vld [tilespmem:s18+$0xC400]  }
0x443: {  	v62 =	vld [tilespmem:s18+$0x4410]  }
0x444: {  	v30 =	vld [tilespmem:s18+$0xC410]  }
0x445: {  	[tilespmem:$0x1D720] =	vst v41;
	v41 =	vld [tilespmem:s18+$0xC830]  }
0x446: {  	v27 =	vld [tilespmem:s18+$0x4420]  }
0x447: {  	v10 =	vld [tilespmem:s18+$0xC420]  }
0x448: {  	v34 =	vld [tilespmem:s18+$0x4430]  }
0x449: {  	v13 =	vld [tilespmem:s18+$0xC430]  }
0x44a: {  	[tilespmem:$0x1D730] =	vst v41;
	v41 =	vld [tilespmem:s18+$0x4840]  }
0x44b: {  	v24 =	vld [tilespmem:s18+$0x4440]  }
0x44c: {  	v18 =	vld [tilespmem:s18+$0xC440]  }
0x44d: {  	v19 =	vld [tilespmem:s18+$0x4450]  }
0x44e: {  	v14 =	vld [tilespmem:s18+$0xC450]  }
0x44f: {  	[tilespmem:$0x1D740] =	vst v41;
	v41 =	vld [tilespmem:s18+$0xC840]  }
0x450: {  	v55 =	vld [tilespmem:s18+$0x4460]  }
0x451: {  	v33 =	vld [tilespmem:s18+$0xC460]  }
0x452: {  	v0 =	vld [tilespmem:s18+$0x4470]  }
0x453: {  	v42 =	vld [tilespmem:s18+$0xC470]  }
0x454: {  	[tilespmem:$0x1D750] =	vst v41;
	v41 =	vld [tilespmem:s18+$0x4850]  }
0x455: {  	v8 =	vld [tilespmem:s18+$0x4480]  }
0x456: {  	v6 =	vld [tilespmem:s18+$0xC480]  }
0x457: {  	v16 =	vld [tilespmem:s18+$0x4490]  }
0x458: {  	v17 =	vld [tilespmem:s18+$0xC490]  }
0x459: {  	[tilespmem:$0x1D760] =	vst v41;
	v41 =	vld [tilespmem:s18+$0xC850]  }
0x45a: {  	v4 =	vld [tilespmem:s18+$0x44A0]  }
0x45b: {  	v3 =	vld [tilespmem:s18+$0xC4A0]  }
0x45c: {  	v9 =	vld [tilespmem:s18+$0x44B0]  }
0x45d: {  	v32 =	vld [tilespmem:s18+$0xC4B0]  }
0x45e: {  	[tilespmem:$0x1D770] =	vst v41;
	v41 =	vld [tilespmem:s18+$0x4860]  }
0x45f: {  	v11 =	vld [tilespmem:s18+$0x44C0]  }
0x460: {  	v38 =	vld [tilespmem:s18+$0xC4C0]  }
0x461: {  	v20 =	vld [tilespmem:s18+$0x44D0]  }
0x462: {  	v15 =	vld [tilespmem:s18+$0xC4D0]  }
0x463: {  	[tilespmem:$0x1D820] =	vst v41;
	v41 =	vld [tilespmem:s18+$0xC860]  }
0x464: {  	v29 =	vld [tilespmem:s18+$0x44E0]  }
0x465: {  	v25 =	vld [tilespmem:s18+$0xC4E0]  }
0x466: {  	v37 =	vld [tilespmem:s18+$0x44F0]  }
0x467: {  	v12 =	vld [tilespmem:s18+$0xC4F0]  }
0x468: {  	[tilespmem:$0x1D830] =	vst v41;
	v41 =	vld [tilespmem:s18+$0x4870]  }
0x469: {  	v61 =	vld [tilespmem:s18+$0x4500]  }
0x46a: {  	v54 =	vld [tilespmem:s18+$0xC500]  }
0x46b: {  	v57 =	vld [tilespmem:s18+$0x4510]  }
0x46c: {  	v22 =	vld [tilespmem:s18+$0xC510]  }
0x46d: {  	[tilespmem:$0x1D860] =	vst v41;
	v41 =	vld [tilespmem:s18+$0xC870]  }
0x46e: {  	v56 =	vld [tilespmem:s18+$0x4520]  }
0x46f: {  	v40 =	vld [tilespmem:s18+$0xC520]  }
0x470: {  	v59 =	vld [tilespmem:s18+$0x4530]  }
0x471: {  	v58 =	vld [tilespmem:s18+$0xC530]  }
0x472: {  	[tilespmem:$0x1D870] =	vst v41;
	v41 =	vld [tilespmem:s18+$0x4880]  }
0x473: {  	v53 =	vld [tilespmem:s18+$0x4540]  }
0x474: {  	v47 =	vld [tilespmem:s18+$0xC540]  }
0x475: {  	v45 =	vld [tilespmem:s18+$0xC550]  }
0x476: {  	v43 =	vld [tilespmem:s18+$0x4560]  }
0x477: {  	[tilespmem:$0x1D780] =	vst v41;
	v41 =	vld [tilespmem:s18+$0xC880]  }
0x478: {  	v44 =	vld [tilespmem:s18+$0xC560]  }
0x479: {  	v46 =	vld [tilespmem:s18+$0x4570]  }
0x47a: {  	v49 =	vld [tilespmem:s18+$0xC570]  }
0x47b: {  	v39 =	vld [tilespmem:s18+$0x4580]  }
0x47c: {  	[tilespmem:$0x1D790] =	vst v41;
	v41 =	vld [tilespmem:s18+$0x4890]  }
0x47d: {  	v7 =	vld [tilespmem:s18+$0xC580]  }
0x47e: {  	v26 =	vld [tilespmem:s18+$0x45A0]  }
0x47f: {  	v35 =	vld [tilespmem:s18+$0xC5A0]  }
0x480: {  	v50 =	vld [tilespmem:s18+$0xC600]  }
0x481: {  	[tilespmem:$0x1D7C0] =	vst v41;
	v41 =	vld [tilespmem:s18+$0xC890]  }
0x482: {  	v5 =	vld [tilespmem:s18+$0x45B0]  }
0x483: {  	v23 =	vld [tilespmem:s18+$0xC5B0]  }
0x484: {  	[tilespmem:$0x1D2B0] =	vst v43;
	v43 =	vld [tilespmem:s18+$0xC610]  }
0x485: {  	[tilespmem:$0x1D300] =	vst v50;
	v50 =	vld [tilespmem:s18+$0x4620]  }
0x486: {  	[tilespmem:$0x1D7D0] =	vst v41;
	v41 =	vld [tilespmem:s18+$0x48A0]  }
0x487: {  	v36 =	vld [tilespmem:s18+$0x45C0]  }
0x488: {  	v28 =	vld [tilespmem:s18+$0xC5C0]  }
0x489: {  	[tilespmem:$0x1D340] =	vst v43;
	v43 =	vld [tilespmem:s18+$0x4630]  }
0x48a: {  	[tilespmem:$0x1D310] =	vst v50;
	v50 =	vld [tilespmem:s18+$0xC630]  }
0x48b: {  	[tilespmem:$0x1D7A0] =	vst v41;
	v41 =	vld [tilespmem:s18+$0xC8A0]  }
0x48c: {  	v1 =	vld [tilespmem:s18+$0xC5D0]  }
0x48d: {  	v51 =	vld [tilespmem:s18+$0xC5E0]  }
0x48e: {  	[tilespmem:$0x1D350] =	vst v43;
	v43 =	vld [tilespmem:s18+$0xC640]  }
0x48f: {  	[tilespmem:$0x1D360] =	vst v50;
	v50 =	vld [tilespmem:s18+$0x4650]  }
0x490: {  	[tilespmem:$0x1D7B0] =	vst v41;
	v41 =	vld [tilespmem:s18+$0x48B0]  }
0x491: {  	v52 =	vld [tilespmem:s18+$0x45F0]  }
0x492: {  	v60 =	vld [tilespmem:s18+$0xC5F0]  }
0x493: {  	[tilespmem:$0x1D380] =	vst v43;
	v43 =	vld [tilespmem:s18+$0x4660]  }
0x494: {  	[tilespmem:$0x1D390] =	vst v50;
	v50 =	vld [tilespmem:s18+$0xC660]  }
0x495: {  	[tilespmem:$0x1D7E0] =	vst v41;
	v41 =	vld [tilespmem:s18+$0xC8B0]  }
0x496: {  	v21 =	vld [tilespmem:s18+$0x4600];
	[tilespmem:$0x1D290] =	vst v0  }
0x497: {  	[tilespmem:$0x1D2A0] =	vst v42;
	v42 =	vld [tilespmem:s18+$0x4550]  }
0x498: {  	[tilespmem:$0x1D420] =	vst v43;
	v43 =	vld [tilespmem:s18+$0xC670]  }
0x499: {  	[tilespmem:$0x1D430] =	vst v50;
	v50 =	vld [tilespmem:s18+$0x4680]  }
0x49a: {  	[tilespmem:$0x1D7F0] =	vst v41;
	v41 =	vld [tilespmem:s18+$0x48C0]  }
0x49b: {  	[tilespmem:$0x1D2D0] =	vst v46;
	v46 =	vld [tilespmem:s18+$0x4590]  }
0x49c: {  	[tilespmem:$0x1D2C0] =	vst v44;
	v44 =	vld [tilespmem:s18+$0xC590]  }
0x49d: {  	[tilespmem:$0x1D470] =	vst v43;
	v43 =	vld [tilespmem:s18+$0x4690]  }
0x49e: {  	[tilespmem:$0x1D3B0] =	vst v50;
	v50 =	vld [tilespmem:s18+$0xC690]  }
0x49f: {  	[tilespmem:$0x1D800] =	vst v41;
	v41 =	vld [tilespmem:s18+$0xC8C0]  }
0x4a0: {  	[tilespmem:$0x1D2E0] =	vst v49;
	v49 =	vld [tilespmem:s18+$0x45D0]  }
0x4a1: {  	v0 =	vld [tilespmem:s18+$0x45E0];
	[tilespmem:$0x1D2F0] =	vst v21  }
0x4a2: {  	v21 =	vld [tilespmem:s18+$0xC6B0];
	[tilespmem:$0x1D3D0] =	vst v43  }
0x4a3: {  	[tilespmem:$0x1D3E0] =	vst v50;
	v50 =	vld [tilespmem:s18+$0x46A0]  }
0x4a4: {  	v43 =	vld [tilespmem:s18+$0xC6A0];
	[tilespmem:$0x1D810] =	vst v41  }
0x4a5: {  	v41 =	vld [tilespmem:s18+$0x48D0];
	_ =	sdelay $0x4  }
0x4a6: {  	[tilespmem:$0x1D840] =	vst v41;
	v41 =	vld [tilespmem:s18+$0xC8D0];
	_ =	sdelay $0x4  }
0x4a7: {  	[tilespmem:$0x1D850] =	vst v41;
	v41 =	vld [tilespmem:s18+$0x48E0];
	_ =	sdelay $0x4  }
0x4a8: {  	[tilespmem:$0x1D880] =	vst v41;
	v41 =	vld [tilespmem:s18+$0xC8E0];
	_ =	sdelay $0x4  }
0x4a9: {  	[tilespmem:$0x1D890] =	vst v41;
	v41 =	vld [tilespmem:s18+$0x48F0];
	_ =	sdelay $0x4  }
0x4aa: {  	[tilespmem:$0x1D8A0] =	vst v41;
	v41 =	vld [tilespmem:s18+$0xC8F0];
	_ =	sdelay $0x4  }
0x4ab: {  	[tilespmem:$0x1D8B0] =	vst v41;
	v41 =	vld [tilespmem:s18+$0x4900];
	_ =	sdelay $0x4  }
0x4ac: {  	[tilespmem:$0x1D8C0] =	vst v41;
	v41 =	vld [tilespmem:s18+$0xC900];
	_ =	sdelay $0x4  }
0x4ad: {  	[tilespmem:$0x1D8D0] =	vst v41;
	v41 =	vld [tilespmem:s18+$0x4910];
	_ =	sdelay $0x4  }
0x4ae: {  	[tilespmem:$0x1D8E0] =	vst v41;
	v41 =	vld [tilespmem:s18+$0xC910];
	_ =	sdelay $0x4  }
0x4af: {  	[tilespmem:$0x1D8F0] =	vst v41;
	v41 =	vld [tilespmem:s18+$0x4920];
	_ =	sdelay $0x4  }
0x4b0: {  	[tilespmem:$0x1D900] =	vst v41;
	v41 =	vld [tilespmem:s18+$0xC920];
	_ =	sdelay $0x4  }
0x4b1: {  	[tilespmem:$0x1D910] =	vst v41;
	v41 =	vld [tilespmem:s18+$0x4930];
	_ =	sdelay $0x4  }
0x4b2: {  	[tilespmem:$0x1D920] =	vst v41;
	v41 =	vld [tilespmem:s18+$0xC930];
	_ =	sdelay $0x4  }
0x4b3: {  	[tilespmem:$0x1D930] =	vst v41;
	v41 =	vld [tilespmem:s18+$0x4940];
	_ =	sdelay $0x4  }
0x4b4: {  	[tilespmem:$0x1D940] =	vst v41;
	v41 =	vld [tilespmem:s18+$0xC940];
	_ =	sdelay $0x4  }
0x4b5: {  	[tilespmem:$0x1D950] =	vst v41;
	v41 =	vld [tilespmem:s18+$0x4950];
	_ =	sdelay $0x4  }
0x4b6: {  	[tilespmem:$0x1D960] =	vst v41;
	v41 =	vld [tilespmem:s18+$0xC950];
	_ =	sdelay $0x4  }
0x4b7: {  	[tilespmem:$0x1D970] =	vst v41;
	v41 =	vld [tilespmem:s18+$0x4960];
	_ =	sdelay $0x4  }
0x4b8: {  	[tilespmem:$0x1DA40] =	vst v41;
	v41 =	vld [tilespmem:s18+$0xC960];
	_ =	sdelay $0x4  }
0x4b9: {  	[tilespmem:$0x1DA50] =	vst v41;
	v41 =	vld [tilespmem:s18+$0x4970];
	_ =	sdelay $0x4  }
0x4ba: {  	[tilespmem:$0x1DA60] =	vst v41;
	v41 =	vld [tilespmem:s18+$0xC970];
	_ =	sdelay $0x4  }
0x4bb: {  	[tilespmem:$0x1DA70] =	vst v41;
	v41 =	vld [tilespmem:s18+$0x4980];
	_ =	sdelay $0x4  }
0x4bc: {  	[tilespmem:$0x1D980] =	vst v41;
	v41 =	vld [tilespmem:s18+$0xC980];
	_ =	sdelay $0x4  }
0x4bd: {  	[tilespmem:$0x1D990] =	vst v41;
	v41 =	vld [tilespmem:s18+$0x4990];
	_ =	sdelay $0x4  }
0x4be: {  	[tilespmem:$0x1D9C0] =	vst v41;
	v41 =	vld [tilespmem:s18+$0xC990];
	_ =	sdelay $0x4  }
0x4bf: {  	[tilespmem:$0x1D9D0] =	vst v41;
	v41 =	vld [tilespmem:s18+$0x49A0];
	_ =	sdelay $0x4  }
0x4c0: {  	[tilespmem:$0x1D9A0] =	vst v41;
	v41 =	vld [tilespmem:s18+$0xC9A0];
	_ =	sdelay $0x4  }
0x4c1: {  	[tilespmem:$0x1D9B0] =	vst v41;
	v41 =	vld [tilespmem:s18+$0x49B0];
	_ =	sdelay $0x4  }
0x4c2: {  	[tilespmem:$0x1D9E0] =	vst v41;
	v41 =	vld [tilespmem:s18+$0xC9B0];
	_ =	sdelay $0x4  }
0x4c3: {  	[tilespmem:$0x1D9F0] =	vst v41;
	v41 =	vld [tilespmem:s18+$0x49C0];
	_ =	sdelay $0x4  }
0x4c4: {  	[tilespmem:$0x1DA00] =	vst v41;
	v41 =	vld [tilespmem:s18+$0xC9C0];
	_ =	sdelay $0x4  }
0x4c5: {  	[tilespmem:$0x1DA10] =	vst v41;
	v41 =	vld [tilespmem:s18+$0x49D0];
	_ =	sdelay $0x4  }
0x4c6: {  	[tilespmem:$0x1DA20] =	vst v41;
	v41 =	vld [tilespmem:s18+$0xC9D0];
	_ =	sdelay $0x4  }
0x4c7: {  	[tilespmem:$0x1DA30] =	vst v41;
	v41 =	vld [tilespmem:s18+$0x49E0];
	_ =	sdelay $0x4  }
0x4c8: {  	[tilespmem:$0x1DA80] =	vst v41;
	v41 =	vld [tilespmem:s18+$0xC9E0];
	_ =	sdelay $0x4  }
0x4c9: {  	[tilespmem:$0x1DA90] =	vst v41;
	v41 =	vld [tilespmem:s18+$0x49F0];
	_ =	sdelay $0x4  }
0x4ca: {  	[tilespmem:$0x1DAA0] =	vst v41;
	v41 =	vld [tilespmem:s18+$0xC9F0];
	_ =	sdelay $0x4  }
0x4cb: {  	[tilespmem:$0x1DAB0] =	vst v41;
	v41 =	vld [tilespmem:s18+$0x4A00];
	_ =	sdelay $0x4  }
0x4cc: {  	[tilespmem:$0x1DAC0] =	vst v41;
	v41 =	vld [tilespmem:s18+$0xCA00];
	_ =	sdelay $0x4  }
0x4cd: {  	[tilespmem:$0x1DAD0] =	vst v41;
	v41 =	vld [tilespmem:s18+$0x4A10];
	_ =	sdelay $0x4  }
0x4ce: {  	[tilespmem:$0x1DB00] =	vst v41;
	v41 =	vld [tilespmem:s18+$0xCA10];
	_ =	sdelay $0x4  }
0x4cf: {  	[tilespmem:$0x1DB10] =	vst v41;
	v41 =	vld [tilespmem:s18+$0x4A20];
	_ =	sdelay $0x4  }
0x4d0: {  	[tilespmem:$0x1DAE0] =	vst v41;
	v41 =	vld [tilespmem:s18+$0xCA20];
	_ =	sdelay $0x4  }
0x4d1: {  	[tilespmem:$0x1DAF0] =	vst v41;
	v41 =	vld [tilespmem:s18+$0x4A30];
	_ =	sdelay $0x4  }
0x4d2: {  	[tilespmem:$0x1DB20] =	vst v41;
	v41 =	vld [tilespmem:s18+$0xCA30];
	_ =	sdelay $0x4  }
0x4d3: {  	[tilespmem:$0x1DB30] =	vst v41;
	v41 =	vld [tilespmem:s18+$0x4A40];
	_ =	sdelay $0x4  }
0x4d4: {  	[tilespmem:$0x1DB40] =	vst v41;
	v41 =	vld [tilespmem:s18+$0xCA40];
	_ =	sdelay $0x4  }
0x4d5: {  	[tilespmem:$0x1DB50] =	vst v41;
	v41 =	vld [tilespmem:s18+$0x4A50];
	_ =	sdelay $0x4  }
0x4d6: {  	[tilespmem:$0x1DB60] =	vst v41;
	v41 =	vld [tilespmem:s18+$0xCA50];
	_ =	sdelay $0x4  }
0x4d7: {  	[tilespmem:$0x1DB70] =	vst v41;
	v41 =	vld [tilespmem:s18+$0x4A60];
	_ =	sdelay $0x4  }
0x4d8: {  	[tilespmem:$0x1DC20] =	vst v41;
	v41 =	vld [tilespmem:s18+$0xCA60];
	_ =	sdelay $0x4  }
0x4d9: {  	[tilespmem:$0x1DC30] =	vst v41;
	v41 =	vld [tilespmem:s18+$0x4A70];
	_ =	sdelay $0x4  }
0x4da: {  	[tilespmem:$0x1DC60] =	vst v41;
	v41 =	vld [tilespmem:s18+$0xCA70];
	_ =	sdelay $0x4  }
0x4db: {  	[tilespmem:$0x1DC70] =	vst v41;
	v41 =	vld [tilespmem:s18+$0x4A80];
	_ =	sdelay $0x4  }
0x4dc: {  	[tilespmem:$0x1DB80] =	vst v41;
	v41 =	vld [tilespmem:s18+$0xCA80];
	_ =	sdelay $0x4  }
0x4dd: {  	[tilespmem:$0x1DB90] =	vst v41;
	v41 =	vld [tilespmem:s18+$0x4A90];
	_ =	sdelay $0x4  }
0x4de: {  	[tilespmem:$0x1DBC0] =	vst v41;
	v41 =	vld [tilespmem:s18+$0xCA90];
	_ =	sdelay $0x4  }
0x4df: {  	[tilespmem:$0x1DBD0] =	vst v41;
	v41 =	vld [tilespmem:s18+$0x4AA0];
	_ =	sdelay $0x4  }
0x4e0: {  	[tilespmem:$0x1DBA0] =	vst v41;
	v41 =	vld [tilespmem:s18+$0xCAA0];
	_ =	sdelay $0x4  }
0x4e1: {  	[tilespmem:$0x1DBB0] =	vst v41;
	v41 =	vld [tilespmem:s18+$0x4AB0];
	_ =	sdelay $0x4  }
0x4e2: {  	[tilespmem:$0x1DBE0] =	vst v41;
	v41 =	vld [tilespmem:s18+$0xCAB0];
	_ =	sdelay $0x4  }
0x4e3: {  	[tilespmem:$0x1DBF0] =	vst v41;
	v41 =	vld [tilespmem:s18+$0x4AC0];
	_ =	sdelay $0x4  }
0x4e4: {  	[tilespmem:$0x1DC00] =	vst v41;
	v41 =	vld [tilespmem:s18+$0xCAC0];
	_ =	sdelay $0x4  }
0x4e5: {  	[tilespmem:$0x1DC10] =	vst v41;
	v41 =	vld [tilespmem:s18+$0x4AD0];
	_ =	sdelay $0x4  }
0x4e6: {  	[tilespmem:$0x1DC40] =	vst v41;
	v41 =	vld [tilespmem:s18+$0xCAD0];
	_ =	sdelay $0x4  }
0x4e7: {  	[tilespmem:$0x1DC50] =	vst v41;
	v41 =	vld [tilespmem:s18+$0x4AE0];
	_ =	sdelay $0x4  }
0x4e8: {  	[tilespmem:$0x1DC80] =	vst v41;
	v41 =	vld [tilespmem:s18+$0xCAE0];
	_ =	sdelay $0x4  }
0x4e9: {  	[tilespmem:$0x1DC90] =	vst v41;
	v41 =	vld [tilespmem:s18+$0x4AF0];
	_ =	sdelay $0x4  }
0x4ea: {  	[tilespmem:$0x1DCA0] =	vst v41;
	v41 =	vld [tilespmem:s18+$0xCAF0];
	_ =	sdelay $0x4  }
0x4eb: {  	[tilespmem:$0x1DCB0] =	vst v41;
	v41 =	vld [tilespmem:s18+$0x4B00];
	_ =	sdelay $0x4  }
0x4ec: {  	[tilespmem:$0x1DCC0] =	vst v41;
	v41 =	vld [tilespmem:s18+$0xCB00];
	_ =	sdelay $0x4  }
0x4ed: {  	[tilespmem:$0x1DCD0] =	vst v41;
	v41 =	vld [tilespmem:s18+$0x4B10];
	_ =	sdelay $0x4  }
0x4ee: {  	[tilespmem:$0x1DCE0] =	vst v41;
	v41 =	vld [tilespmem:s18+$0xCB10];
	_ =	sdelay $0x4  }
0x4ef: {  	[tilespmem:$0x1DCF0] =	vst v41;
	v41 =	vld [tilespmem:s18+$0x4B20];
	_ =	sdelay $0x4  }
0x4f0: {  	[tilespmem:$0x1DD00] =	vst v41;
	v41 =	vld [tilespmem:s18+$0xCB20];
	_ =	sdelay $0x4  }
0x4f1: {  	[tilespmem:$0x1DD10] =	vst v41;
	v41 =	vld [tilespmem:s18+$0x4B30];
	_ =	sdelay $0x4  }
0x4f2: {  	[tilespmem:$0x1DD20] =	vst v41;
	v41 =	vld [tilespmem:s18+$0xCB30];
	_ =	sdelay $0x4  }
0x4f3: {  	[tilespmem:$0x1DD30] =	vst v41;
	v41 =	vld [tilespmem:s18+$0x4B40];
	_ =	sdelay $0x4  }
0x4f4: {  	[tilespmem:$0x1DD40] =	vst v41;
	v41 =	vld [tilespmem:s18+$0xCB40];
	_ =	sdelay $0x4  }
0x4f5: {  	[tilespmem:$0x1DD50] =	vst v41;
	v41 =	vld [tilespmem:s18+$0x4B50];
	_ =	sdelay $0x4  }
0x4f6: {  	[tilespmem:$0x1DD60] =	vst v41;
	v41 =	vld [tilespmem:s18+$0xCB50];
	_ =	sdelay $0x4  }
0x4f7: {  	[tilespmem:$0x1DD70] =	vst v41;
	v41 =	vld [tilespmem:s18+$0x4B60];
	_ =	sdelay $0x4  }
0x4f8: {  	[tilespmem:$0x1DE40] =	vst v41;
	v41 =	vld [tilespmem:s18+$0xCB60];
	_ =	sdelay $0x4  }
0x4f9: {  	[tilespmem:$0x1DE50] =	vst v41;
	v41 =	vld [tilespmem:s18+$0x4B70];
	_ =	sdelay $0x4  }
0x4fa: {  	[tilespmem:$0x1DE60] =	vst v41;
	v41 =	vld [tilespmem:s18+$0xCB70];
	_ =	sdelay $0x4  }
0x4fb: {  	[tilespmem:$0x1DE70] =	vst v41;
	v41 =	vld [tilespmem:s18+$0x4B80];
	_ =	sdelay $0x4  }
0x4fc: {  	[tilespmem:$0x1DD80] =	vst v41;
	v41 =	vld [tilespmem:s18+$0xCB80];
	_ =	sdelay $0x4  }
0x4fd: {  	[tilespmem:$0x1DD90] =	vst v41;
	v41 =	vld [tilespmem:s18+$0x4B90];
	_ =	sdelay $0x4  }
0x4fe: {  	[tilespmem:$0x1DDC0] =	vst v41;
	v41 =	vld [tilespmem:s18+$0xCB90];
	_ =	sdelay $0x4  }
0x4ff: {  	[tilespmem:$0x1DDD0] =	vst v41;
	v41 =	vld [tilespmem:s18+$0x4BA0];
	_ =	sdelay $0x4  }
0x500: {  	[tilespmem:$0x1DDA0] =	vst v41;
	v41 =	vld [tilespmem:s18+$0xCBA0];
	_ =	sdelay $0x4  }
0x501: {  	[tilespmem:$0x1DDB0] =	vst v41;
	v41 =	vld [tilespmem:s18+$0x4BB0];
	_ =	sdelay $0x4  }
0x502: {  	[tilespmem:$0x1DDE0] =	vst v41;
	v41 =	vld [tilespmem:s18+$0xCBB0];
	_ =	sdelay $0x4  }
0x503: {  	[tilespmem:$0x1DDF0] =	vst v41;
	v41 =	vld [tilespmem:s18+$0x4BC0];
	_ =	sdelay $0x4  }
0x504: {  	[tilespmem:$0x1DE00] =	vst v41;
	v41 =	vld [tilespmem:s18+$0xCBC0];
	_ =	sdelay $0x4  }
0x505: {  	[tilespmem:$0x1DE10] =	vst v41;
	v41 =	vld [tilespmem:s18+$0x4BD0];
	_ =	sdelay $0x4  }
0x506: {  	[tilespmem:$0x1DE20] =	vst v41;
	v41 =	vld [tilespmem:s18+$0xCBD0];
	_ =	sdelay $0x4  }
0x507: {  	[tilespmem:$0x1DE30] =	vst v41;
	v41 =	vld [tilespmem:s18+$0x4BE0];
	_ =	sdelay $0x4  }
0x508: {  	[tilespmem:$0x1DE80] =	vst v41;
	v41 =	vld [tilespmem:s18+$0xCBE0];
	_ =	sdelay $0x4  }
0x509: {  	[tilespmem:$0x1DE90] =	vst v41;
	v41 =	vld [tilespmem:s18+$0x4BF0];
	_ =	sdelay $0x4  }
0x50a: {  	[tilespmem:$0x1DEA0] =	vst v41;
	v41 =	vld [tilespmem:s18+$0xCBF0];
	_ =	sdelay $0x4  }
0x50b: {  	[tilespmem:$0x1DEB0] =	vst v41;
	v41 =	vld [tilespmem:s18+$0x4C00];
	_ =	sdelay $0x4  }
0x50c: {  	[tilespmem:$0x1DEC0] =	vst v41;
	v41 =	vld [tilespmem:s18+$0xCC00];
	_ =	sdelay $0x4  }
0x50d: {  	[tilespmem:$0x1DED0] =	vst v41;
	v41 =	vld [tilespmem:s18+$0x4C10];
	_ =	sdelay $0x4  }
0x50e: {  	[tilespmem:$0x1DF00] =	vst v41;
	v41 =	vld [tilespmem:s18+$0xCC10];
	_ =	sdelay $0x4  }
0x50f: {  	[tilespmem:$0x1DF10] =	vst v41;
	v41 =	vld [tilespmem:s18+$0x4C20];
	_ =	sdelay $0x4  }
0x510: {  	[tilespmem:$0x1DEE0] =	vst v41;
	v41 =	vld [tilespmem:s18+$0xCC20];
	_ =	sdelay $0x4  }
0x511: {  	[tilespmem:$0x1DEF0] =	vst v41;
	v41 =	vld [tilespmem:s18+$0x4C30];
	_ =	sdelay $0x4  }
0x512: {  	[tilespmem:$0x1DF20] =	vst v41;
	v41 =	vld [tilespmem:s18+$0xCC30];
	_ =	sdelay $0x4  }
0x513: {  	[tilespmem:$0x1DF30] =	vst v41;
	v41 =	vld [tilespmem:s18+$0x4C40];
	_ =	sdelay $0x4  }
0x514: {  	[tilespmem:$0x1DF40] =	vst v41;
	v41 =	vld [tilespmem:s18+$0xCC40];
	_ =	sdelay $0x4  }
0x515: {  	[tilespmem:$0x1DF50] =	vst v41;
	v41 =	vld [tilespmem:s18+$0x4C50];
	_ =	sdelay $0x4  }
0x516: {  	[tilespmem:$0x1DF60] =	vst v41;
	v41 =	vld [tilespmem:s18+$0xCC50];
	_ =	sdelay $0x4  }
0x517: {  	[tilespmem:$0x1DF70] =	vst v41;
	v41 =	vld [tilespmem:s18+$0x4C60];
	_ =	sdelay $0x4  }
0x518: {  	[tilespmem:$0x1E020] =	vst v41;
	v41 =	vld [tilespmem:s18+$0xCC60];
	_ =	sdelay $0x4  }
0x519: {  	[tilespmem:$0x1E030] =	vst v41;
	v41 =	vld [tilespmem:s18+$0x4C70];
	_ =	sdelay $0x4  }
0x51a: {  	[tilespmem:$0x1E060] =	vst v41;
	v41 =	vld [tilespmem:s18+$0xCC70];
	_ =	sdelay $0x4  }
0x51b: {  	[tilespmem:$0x1E070] =	vst v41;
	v41 =	vld [tilespmem:s18+$0x4C80];
	_ =	sdelay $0x4  }
0x51c: {  	[tilespmem:$0x1DF80] =	vst v41;
	v41 =	vld [tilespmem:s18+$0xCC80];
	_ =	sdelay $0x4  }
0x51d: {  	[tilespmem:$0x1DF90] =	vst v41;
	v41 =	vld [tilespmem:s18+$0x4C90];
	_ =	sdelay $0x4  }
0x51e: {  	[tilespmem:$0x1DFC0] =	vst v41;
	v41 =	vld [tilespmem:s18+$0xCC90];
	_ =	sdelay $0x4  }
0x51f: {  	[tilespmem:$0x1DFD0] =	vst v41;
	v41 =	vld [tilespmem:s18+$0x4CA0];
	_ =	sdelay $0x4  }
0x520: {  	[tilespmem:$0x1DFA0] =	vst v41;
	v41 =	vld [tilespmem:s18+$0x4D90];
	_ =	sdelay $0x4  }
0x521: {  	[tilespmem:$0x1E1C0] =	vst v41;
	v41 =	vld [tilespmem:s18+$0xCCA0];
	_ =	sdelay $0x4  }
0x522: {  	[tilespmem:$0x1DFB0] =	vst v41;
	v41 =	vld [tilespmem:s18+$0x4CB0];
	_ =	sdelay $0x4  }
0x523: {  	[tilespmem:$0x1DFE0] =	vst v41;
	v41 =	vld [tilespmem:s18+$0xCCB0];
	_ =	sdelay $0x4  }
0x524: {  	[tilespmem:$0x1DFF0] =	vst v41;
	v41 =	vld [tilespmem:s18+$0x4CC0];
	_ =	sdelay $0x4  }
0x525: {  	[tilespmem:$0x1E000] =	vst v41;
	v41 =	vld [tilespmem:s18+$0xCCC0];
	_ =	sdelay $0x4  }
0x526: {  	[tilespmem:$0x1E010] =	vst v41;
	v41 =	vld [tilespmem:s18+$0x4CD0];
	_ =	sdelay $0x4  }
0x527: {  	[tilespmem:$0x1E040] =	vst v41;
	v41 =	vld [tilespmem:s18+$0xCCD0];
	_ =	sdelay $0x4  }
0x528: {  	[tilespmem:$0x1E050] =	vst v41;
	v41 =	vld [tilespmem:s18+$0x4D80];
	_ =	sdelay $0x4  }
0x529: {  	[tilespmem:$0x1E180] =	vst v41;
	v41 =	vld [tilespmem:s18+$0x4CE0];
	_ =	sdelay $0x4  }
0x52a: {  	[tilespmem:$0x1E080] =	vst v41;
	v41 =	vld [tilespmem:s18+$0xCCE0];
	_ =	sdelay $0x4  }
0x52b: {  	[tilespmem:$0x1E090] =	vst v41;
	v41 =	vld [tilespmem:s18+$0x4CF0];
	_ =	sdelay $0x4  }
0x52c: {  	[tilespmem:$0x1E0A0] =	vst v41;
	v41 =	vld [tilespmem:s18+$0xCCF0];
	_ =	sdelay $0x4  }
0x52d: {  	[tilespmem:$0x1E0B0] =	vst v41;
	v41 =	vld [tilespmem:s18+$0x4D00];
	_ =	sdelay $0x4  }
0x52e: {  	[tilespmem:$0x1E0C0] =	vst v41;
	v41 =	vld [tilespmem:s18+$0xCD40];
	_ =	sdelay $0x4  }
0x52f: {  	[tilespmem:$0x1E140] =	vst v41;
	v41 =	vld [tilespmem:s18+$0xCD00];
	_ =	sdelay $0x4  }
0x530: {  	[tilespmem:$0x1E0D0] =	vst v41;
	v41 =	vld [tilespmem:s18+$0x4D10];
	_ =	sdelay $0x4  }
0x531: {  	[tilespmem:$0x1E0E0] =	vst v41;
	v41 =	vld [tilespmem:s18+$0xCF00];
	_ =	sdelay $0x4  }
0x532: {  	[tilespmem:$0x1E360] =	vst v41;
	v41 =	vld [tilespmem:s18+$0x4F00];
	_ =	sdelay $0x4  }
0x533: {  	[tilespmem:$0x1E350] =	vst v41;
	v41 =	vld [tilespmem:s18+$0xCD10];
	_ =	sdelay $0x4  }
0x534: {  	[tilespmem:$0x1E0F0] =	vst v41;
	v41 =	vld [tilespmem:s18+$0xCEE0];
	_ =	sdelay $0x4  }
0x535: {  	[tilespmem:$0x1E340] =	vst v41;
	v41 =	vld [tilespmem:s18+$0x4D20];
	_ =	sdelay $0x4  }
0x536: {  	[tilespmem:$0x1E100] =	vst v41;
	v41 =	vld [tilespmem:s18+$0x4E70];
	_ =	sdelay $0x4  }
0x537: {  	[tilespmem:$0x1E320] =	vst v41;
	v41 =	vld [tilespmem:s18+$0x4EE0];
	_ =	sdelay $0x4  }
0x538: {  	[tilespmem:$0x1E330] =	vst v41;
	v41 =	vld [tilespmem:s18+$0xCE60];
	_ =	sdelay $0x4  }
0x539: {  	[tilespmem:$0x1E310] =	vst v41;
	v41 =	vld [tilespmem:s18+$0xCD20];
	_ =	sdelay $0x4  }
0x53a: {  	[tilespmem:$0x1E110] =	vst v41;
	v41 =	vld [tilespmem:s18+$0x4E60];
	_ =	sdelay $0x4  }
0x53b: {  	[tilespmem:$0x1E300] =	vst v41;
	v41 =	vld [tilespmem:s18+$0x4D30];
	_ =	sdelay $0x4  }
0x53c: {  	[tilespmem:$0x1E120] =	vst v41;
	v41 =	vld [tilespmem:s18+$0xCEB0];
	_ =	sdelay $0x4  }
0x53d: {  	[tilespmem:$0x1E2F0] =	vst v41;
	v41 =	vld [tilespmem:s18+$0xCD30];
	_ =	sdelay $0x4  }
0x53e: {  	[tilespmem:$0x1E130] =	vst v41;
	v41 =	vld [tilespmem:s18+$0x4EA0];
	_ =	sdelay $0x4  }
0x53f: {  	[tilespmem:$0x1E2D0] =	vst v41;
	v41 =	vld [tilespmem:s18+$0x4D40];
	_ =	sdelay $0x4  }
0x540: {  	[tilespmem:$0x1E150] =	vst v41;
	v41 =	vld [tilespmem:s18+$0x4E10];
	_ =	sdelay $0x4  }
0x541: {  	[tilespmem:$0x1E2A0] =	vst v41;
	v41 =	vld [tilespmem:s18+$0x4D50];
	_ =	sdelay $0x4  }
0x542: {  	[tilespmem:$0x1E160] =	vst v41;
	v41 =	vld [tilespmem:s18+$0xCD50];
	_ =	sdelay $0x4  }
0x543: {  	[tilespmem:$0x1E170] =	vst v41;
	v41 =	vld [tilespmem:s18+$0x4D60];
	_ =	sdelay $0x4  }
0x544: {  	[tilespmem:$0x1E240] =	vst v41;
	v41 =	vld [tilespmem:s18+$0xCE40];
	_ =	sdelay $0x4  }
0x545: {  	[tilespmem:$0x1E2C0] =	vst v41;
	v41 =	vld [tilespmem:s18+$0x4E90];
	_ =	sdelay $0x4  }
0x546: {  	[tilespmem:$0x1E2E0] =	vst v41;
	v41 =	vld [tilespmem:s18+$0x4E30];
	_ =	sdelay $0x4  }
0x547: {  	[tilespmem:$0x1E2B0] =	vst v41;
	v41 =	vld [tilespmem:s18+$0xCD60];
	_ =	sdelay $0x4  }
0x548: {  	[tilespmem:$0x1E250] =	vst v41;
	v41 =	vld [tilespmem:s18+$0x4DE0];
	_ =	sdelay $0x4  }
0x549: {  	[tilespmem:$0x1E280] =	vst v41;
	v41 =	vld [tilespmem:s18+$0x4DF0];
	_ =	sdelay $0x4  }
0x54a: {  	[tilespmem:$0x1E290] =	vst v41;
	v41 =	vld [tilespmem:s18+$0x4D70];
	_ =	sdelay $0x4  }
0x54b: {  	[tilespmem:$0x1E270] =	vst v41;
	v41 =	vld [tilespmem:s18+$0xCD70];
	_ =	sdelay $0x4  }
0x54c: {  	[tilespmem:$0x1E260] =	vst v41;
	v41 =	vld [tilespmem:s18+$0xCD80];
	_ =	sdelay $0x4  }
0x54d: {  	[tilespmem:$0x1E190] =	vst v41;
	v41 =	vld [tilespmem:s18+$0xCD90];
	_ =	sdelay $0x4  }
0x54e: {  	[tilespmem:$0x1E1D0] =	vst v41;
	v41 =	vld [tilespmem:s18+$0x4DA0];
	_ =	sdelay $0x4  }
0x54f: {  	[tilespmem:$0x1E1A0] =	vst v41;
	v41 =	vld [tilespmem:s18+$0xCDA0];
	_ =	sdelay $0x4  }
0x550: {  	[tilespmem:$0x1E1B0] =	vst v41;
	v41 =	vld [tilespmem:s18+$0xCDC0];
	_ =	sdelay $0x4  }
0x551: {  	[tilespmem:$0x1E200] =	vst v41;
	v41 =	vld [tilespmem:s18+$0x4DD0];
	_ =	sdelay $0x1  }
0x552: {  	v10 =	vmul.f32 v10, v27;
	v27 =	vld [tilespmem:s18+$0xCDE0]  }
0x553: {  	v2 =	vmul.f32 v31, v2;
	v13 =	vmul.f32 v13, v34;
	v34 =	vld [tilespmem:s18+$0xCDF0]  }
0x554: {  	v30 =	vmul.f32 v30, v62;
	v31 =	vmul.f32 v18, v24;
	v24 =	vld [tilespmem:s18+$0x4E00]  }
0x555: {  	v2 =	vadd.f32 v10, v2;
	[tilespmem:$0x1E230] =	vst v41;
	v41 =	vld [tilespmem:s18+$0x4DB0]  }
0x556: {  	v13 =	vadd.f32 v13, v30;
	v30 =	vld [tilespmem:s18+$0xCE00]  }
0x557: {  	v2 =	vadd.f32 v31, v2;
	v31 =	vld [tilespmem:s18+$0xCE10]  }
0x558: {  	v62 =	vmul.f32 v32, v9;
	v32 =	vld [tilespmem:s18+$0x4E20]  }
0x559: {  	v14 =	vmul.f32 v14, v19;
	v19 =	vmul.f32 v15, v20;
	v20 =	vld [tilespmem:$0x1D290]  }
0x55a: {  	[tilespmem:$0x1E1E0] =	vst v41;
	v41 =	vld [tilespmem:s18+$0xCDB0]  }
0x55b: {  	v18 =	vmul.f32 v33, v55;
	v33 =	vld [tilespmem:$0x1D2A0]  }
0x55c: {  	v55 =	vmul.f32 v22, v57;
	v22 =	vld [tilespmem:s18+$0xCE70]  }
0x55d: {  	v5 =	vmul.f32 v23, v5;
	v23 =	vld [tilespmem:s18+$0xCE80]  }
0x55e: {  	v2 =	vadd.f32 v18, v2;
	v18 =	vld [tilespmem:$0x1D2D0]  }
0x55f: {  	[tilespmem:$0x1E1F0] =	vst v41;
	v41 =	vld [tilespmem:s18+$0x4DC0]  }
0x560: {  	v7 =	vmul.f32 v7, v39;
	v39 =	vld [tilespmem:s18+$0x4EB0]  }
0x561: {  	v54 =	vmul.f32 v54, v61;
	v61 =	vmul.f32 v45, v42;
	v42 =	vld [tilespmem:s18+$0xCEC0]  }
0x562: {  	v45 =	vld [tilespmem:s18+$0x4ED0]  }
0x563: {  	v58 =	vmul.f32 v58, v59;
	v59 =	vmul.f32 v47, v53;
	v47 =	vld [tilespmem:$0x1D310]  }
0x564: {  	[tilespmem:$0x1E210] =	vst v41;
	v41 =	vld [tilespmem:s18+$0xCDD0]  }
0x565: {  	v1 =	vmul.f32 v1, v49;
	v49 =	vld [tilespmem:$0x1D320]  }
0x566: {  	v0 =	vmul.f32 v51, v0;
	v51 =	vld [tilespmem:$0x1D330]  }
0x567: {  	v53 =	vld [tilespmem:$0x1D350]  }
0x568: {  	v57 =	vmul.f32 v40, v56;
	v56 =	vld [tilespmem:$0x1D380]  }
0x569: {  	v40 =	vld [tilespmem:$0x1D490];
	[tilespmem:$0x1E220] =	vst v41;
	v41 =	vmul.f32 v17, v16  }
0x56a: {  	v17 =	vmul.f32 v38, v11;
	v38 =	vmul.f32 v25, v29;
	v25 =	vld [tilespmem:s18+$0xCE20]  }
0x56b: {  	v29 =	vld [tilespmem:s18+$0xCE30]  }
0x56c: {  	v11 =	vmul.f32 v33, v20;
	v33 =	vld [tilespmem:s18+$0x4E40]  }
0x56d: {  	v16 =	vadd.f32 v14, v13;
	v14 =	vmul.f32 v28, v36;
	v28 =	vld [tilespmem:s18+$0xCE90]  }
0x56e: {  	v20 =	vmul.f32 v60, v52;
	v52 =	vld [tilespmem:$0x1D340]  }
0x56f: {  	v6 =	vmul.f32 v6, v8;
	v60 =	vld [tilespmem:$0x1D3C0]  }
0x570: {  	v3 =	vmul.f32 v3, v4;
	v4 =	vadd.f32 v62, v41;
	v41 =	vmul.f32 v12, v37;
	v37 =	vld [tilespmem:s18+$0x4E50]  }
0x571: {  	v62 =	vmul.f32 v35, v26;
	v26 =	vld [tilespmem:s18+$0x4E80]  }
0x572: {  	v3 =	vadd.f32 v3, v6;
	v35 =	vld [tilespmem:s18+$0xCEA0]  }
0x573: {  	v9 =	vadd.f32 v11, v16;
	v16 =	vld [tilespmem:$0x1D2B0]  }
0x574: {  	v3 =	vadd.f32 v17, v3;
	v17 =	vld [tilespmem:$0x1D2C0]  }
0x575: {  	v12 =	vmul.f32 v44, v46;
	v44 =	vld [tilespmem:$0x1D2F0]  }
0x576: {  	v46 =	vld [tilespmem:$0x1D300]  }
0x577: {  	v6 =	vadd.f32 v38, v3;
	v38 =	vld [tilespmem:s18+$0xCE50]  }
0x578: {  	v4 =	vadd.f32 v19, v4;
	v19 =	vld [tilespmem:$0x1D2E0]  }
0x579: {  	v3 =	vadd.f32 v9, v2;
	v2 =	vadd.f32 v57, v54;
	v54 =	vld [tilespmem:$0x1D360]  }
0x57a: {  	v9 =	vadd.f32 v58, v55;
	v55 =	vld [tilespmem:$0x1D370]  }
0x57b: {  	v57 =	vld [tilespmem:$0x1D390]  }
0x57c: {  	v58 =	vld [tilespmem:$0x1D3A0]  }
0x57d: {  	v13 =	vadd.f32 v62, v7;
	v62 =	vld [tilespmem:$0x1D3D0]  }
0x57e: {  	v5 =	vadd.f32 v5, v12;
	v12 =	vld [tilespmem:$0x1D3E0]  }
0x57f: {  	v4 =	vadd.f32 v41, v4;
	v41 =	vld [tilespmem:s18+$0x4EC0]  }
0x580: {  	v1 =	vadd.f32 v1, v5;
	v5 =	vmul.f32 v49, v47;
	v47 =	vld [tilespmem:s18+$0xCED0]  }
0x581: {  	v49 =	vld [tilespmem:s18+$0xCEF0]  }
0x582: {  	v2 =	vadd.f32 v59, v2;
	v59 =	vld [tilespmem:$0x1D3B0]  }
0x583: {  	v15 =	vadd.f32 v61, v9;
	v61 =	vmul.f32 v43, v50;
	v43 =	vld [tilespmem:$0x1D4A0]  }
0x584: {  	v50 =	vld [tilespmem:s18+$0xCF30]  }
0x585: {  	v9 =	vmul.f32 v17, v16;
	v16 =	vld [tilespmem:$0x1D420]  }
0x586: {  	v17 =	vld [tilespmem:$0x1D430]  }
0x587: {  	v4 =	vadd.f32 v4, v6;
	v6 =	vadd.f32 v14, v13;
	v13 =	vld [tilespmem:$0x1D3F0]  }
0x588: {  	v14 =	vld [tilespmem:$0x1D400]  }
0x589: {  	v1 =	vadd.f32 v20, v1;
	v20 =	vld [tilespmem:$0x1D460]  }
0x58a: {  	v10 =	vmul.f32 v19, v18;
	v18 =	vld [tilespmem:$0x1D440]  }
0x58b: {  	v19 =	vld [tilespmem:$0x1D450]  }
0x58c: {  	v0 =	vadd.f32 v0, v6;
	v6 =	vmul.f32 v58, v57;
	v57 =	vld [tilespmem:s18+$0x4F20]  }
0x58d: {  	v58 =	vld [tilespmem:s18+$0xCF20]  }
0x58e: {  	v36 =	vadd.f32 v10, v15;
	v15 =	vld [tilespmem:$0x1D410]  }
0x58f: {  	[tilespmem:$0x1E370] =	vst v50;
	v50 =	vld [tilespmem:$0x1D5C0]  }
0x590: {  	v10 =	vadd.f32 v1, v0;
	v0 =	vmul.f32 v52, v51;
	v52 =	vld [tilespmem:s18+$0x4F10]  }
0x591: {  	v51 =	vld [tilespmem:s18+$0x4F40]  }
0x592: {  	v1 =	vmul.f32 v54, v53;
	v53 =	vld [tilespmem:$0x1D4C0]  }
0x593: {  	v54 =	vld [tilespmem:$0x1D4D0]  }
0x594: {  	v2 =	vadd.f32 v9, v2;
	v7 =	vmul.f32 v17, v16;
	v16 =	vld [tilespmem:$0x1D540]  }
0x595: {  	v17 =	vld [tilespmem:$0x1D550]  }
0x596: {  	v9 =	vadd.f32 v36, v2;
	v2 =	vmul.f32 v46, v44;
	v46 =	vld [tilespmem:s18+$0x4EF0]  }
0x597: {  	v8 =	vmul.f32 v21, v13;
	v21 =	vld [tilespmem:$0x1D470]  }
0x598: {  	v36 =	vld [tilespmem:$0x1D480]  }
0x599: {  	v44 =	vld [tilespmem:$0x1D4B0]  }
0x59a: {  	v13 =	vld [tilespmem:$0x1D520]  }
0x59b: {  	v0 =	vadd.f32 v1, v0;
	v1 =	vmul.f32 v60, v59;
	v59 =	vld [tilespmem:s18+$0x4F30]  }
0x59c: {  	v60 =	vld [tilespmem:$0x1D4F0]  }
0x59d: {  	v2 =	vadd.f32 v5, v2;
	v5 =	vmul.f32 v56, v55;
	v56 =	vld [tilespmem:s18+$0xCF10]  }
0x59e: {  	v55 =	vld [tilespmem:$0x1D4E0]  }
0x59f: {  	v1 =	vadd.f32 v61, v1;
	v61 =	vld [tilespmem:s18+$0xCF40]  }
0x5a0: {  	v0 =	vadd.f32 v6, v0;
	v6 =	vmul.f32 v15, v14;
	v14 =	vld [tilespmem:$0x1D530]  }
0x5a1: {  	v15 =	vld [tilespmem:s18+$0x4F50]  }
0x5a2: {  	v2 =	vadd.f32 v5, v2;
	v5 =	vmul.f32 v12, v62;
	v62 =	vld [tilespmem:$0x1D500]  }
0x5a3: {  	v12 =	vld [tilespmem:$0x1D510]  }
0x5a4: {  	[tilespmem:$0x1E380] =	vst v51;
	v51 =	vld [tilespmem:$0x1D5D0]  }
0x5a5: {  	v11 =	vmul.f32 v21, v20;
	v20 =	vld [tilespmem:s18+$0xCF50]  }
0x5a6: {  	v21 =	vld [tilespmem:$0x1D580]  }
0x5a7: {  	v1 =	vadd.f32 v6, v1;
	v6 =	vmul.f32 v40, v36;
	v36 =	vld [tilespmem:$0x1D590]  }
0x5a8: {  	v40 =	vld [tilespmem:$0x1D5A0]  }
0x5a9: {  	v5 =	vadd.f32 v8, v5;
	v8 =	vmul.f32 v19, v18;
	v18 =	vld [tilespmem:$0x1D560]  }
0x5aa: {  	v19 =	vld [tilespmem:$0x1D570]  }
0x5ab: {  	v2 =	vadd.f32 v7, v2;
	v7 =	vmul.f32 v44, v43;
	v43 =	vld [tilespmem:$0x1D5B0]  }
0x5ac: {  	v44 =	vld [tilespmem:s18+$0x4F60]  }
0x5ad: {  	v1 =	vadd.f32 v6, v1;
	v6 =	vmul.f32 v54, v53;
	v53 =	vld [tilespmem:$0x1D5E0]  }
0x5ae: {  	v54 =	vld [tilespmem:$0x1D5F0]  }
0x5af: {  	[tilespmem:$0x1E390] =	vst v61;
	v61 =	vld [tilespmem:$0x1D600]  }
0x5b0: {  	v0 =	vadd.f32 v11, v0;
	v5 =	vadd.f32 v8, v5;
	v8 =	vmul.f32 v14, v13;
	v14 =	vld [tilespmem:s18+$0x4FA0]  }
0x5b1: {  	[tilespmem:$0x1E3A0] =	vst v15;
	v15 =	vld [tilespmem:$0x1D700]  }
0x5b2: {  	v2 =	vadd.f32 v0, v2;
	v0 =	vmul.f32 v12, v62;
	v62 =	vld [tilespmem:$0x1D610]  }
0x5b3: {  	v5 =	vadd.f32 v7, v5;
	v7 =	vmul.f32 v60, v55;
	v55 =	vld [tilespmem:s18+$0xCF60]  }
0x5b4: {  	[tilespmem:$0x1E3B0] =	vst v20;
	v20 =	vld [tilespmem:$0x1D640]  }
0x5b5: {  	v11 =	vmul.f32 v19, v18;
	v18 =	vld [tilespmem:$0x1D630]  }
0x5b6: {  	v19 =	vld [tilespmem:s18+$0xCF70]  }
0x5b7: {  	v0 =	vadd.f32 v0, v6;
	v6 =	vmul.f32 v36, v21;
	v21 =	vld [tilespmem:$0x1D650]  }
0x5b8: {  	v36 =	vld [tilespmem:$0x1D660]  }
0x5b9: {  	v12 =	vmul.f32 v43, v40;
	v40 =	vld [tilespmem:$0x1D670]  }
0x5ba: {  	v43 =	vld [tilespmem:s18+$0x4F80]  }
0x5bb: {  	v5 =	vadd.f32 v5, v1;
	v1 =	vmul.f32 v17, v16;
	v16 =	vld [tilespmem:s18+$0x4F70]  }
0x5bc: {  	v17 =	vld [tilespmem:$0x1D620]  }
0x5bd: {  	v7 =	vadd.f32 v8, v7;
	v8 =	vmul.f32 v51, v50;
	v50 =	vld [tilespmem:$0x1D680]  }
0x5be: {  	v51 =	vld [tilespmem:$0x1D690]  }
0x5bf: {  	v13 =	vmul.f32 v54, v53;
	v53 =	vld [tilespmem:$0x1D6A0]  }
0x5c0: {  	v54 =	vld [tilespmem:$0x1D6B0]  }
0x5c1: {  	v60 =	vadd.f32 v12, v6;
	v6 =	vmul.f32 v62, v61;
	v61 =	vld [tilespmem:s18+$0xCF90]  }
0x5c2: {  	v62 =	vld [tilespmem:$0x1D6C0]  }
0x5c3: {  	[tilespmem:$0x1E490] =	vst v55;
	v55 =	vld [tilespmem:s18+$0xCF80]  }
0x5c4: {  	v0 =	vadd.f32 v1, v0;
	v1 =	vadd.f32 v6, v60;
	v60 =	vld [tilespmem:s18+$0x4F90]  }
0x5c5: {  	[tilespmem:$0x1E4B0] =	vst v19;
	v19 =	vld [tilespmem:s18+$0xCFA0]  }
0x5c6: {  	v12 =	vmul.f32 v21, v20;
	v20 =	vld [tilespmem:$0x1D740]  }
0x5c7: {  	v21 =	vld [tilespmem:$0x1D750]  }
0x5c8: {  	v8 =	vadd.f32 v13, v8;
	v13 =	vmul.f32 v40, v36;
	v36 =	vld [tilespmem:$0x1D760]  }
0x5c9: {  	v40 =	vld [tilespmem:$0x1D770]  }
0x5ca: {  	[tilespmem:$0x1E3C0] =	vst v43;
	v43 =	vld [tilespmem:s18+$0x4FB0]  }
0x5cb: {  	[tilespmem:$0x1E4A0] =	vst v16;
	v16 =	vld [tilespmem:$0x1D710]  }
0x5cc: {  	v7 =	vadd.f32 v11, v7;
	v11 =	vmul.f32 v18, v17;
	v17 =	vld [tilespmem:$0x1D720]  }
0x5cd: {  	v18 =	vld [tilespmem:$0x1D730]  }
0x5ce: {  	v0 =	vadd.f32 v12, v0;
	v12 =	vld [tilespmem:$0x1D6E0]  }
0x5cf: {  	[tilespmem:$0x1E480] =	vst v44;
	v7 =	vadd.f32 v13, v7;
	v13 =	vld [tilespmem:$0x1D6F0]  }
0x5d0: {  	[tilespmem:$0x1E3E0] =	vst v14;
	v44 =	vadd.f32 v11, v8;
	v8 =	vmul.f32 v51, v50;
	v50 =	vld [tilespmem:$0x1D790]  }
0x5d1: {  	v11 =	vmul.f32 v54, v53;
	[tilespmem:$0x1E410] =	vst v61;
	v54 =	vld [tilespmem:s18+$0xCFB0]  }
0x5d2: {  	v51 =	vld [tilespmem:$0x1D7A0];
	[tilespmem:$0x1E3D0] =	vst v55  }
0x5d3: {  	v53 =	vld [tilespmem:$0x1D7B0];
	[tilespmem:$0x1E400] =	vst v60  }
0x5d4: {  	v55 =	vld [tilespmem:$0x1D7C0];
	[tilespmem:$0x1E3F0] =	vst v19  }
0x5d5: {  	v6 =	vadd.f32 v11, v44;
	v11 =	vld [tilespmem:$0x1D6D0];
	[tilespmem:$0x1E420] =	vst v43  }
0x5d6: {  	v44 =	vld [tilespmem:$0x1D780];
	[tilespmem:$0x1E430] =	vst v54  }
0x5d7: {  	v14 =	vld [tilespmem:$0x1D7D0]  }
0x5d8: {  	v8 =	vadd.f32 v8, v1;
	v60 =	vld [tilespmem:$0x1D7E0]  }
0x5d9: {  	v61 =	vld [tilespmem:$0x1D7F0]  }
0x5da: {  	v6 =	vadd.f32 v6, v8;
	v8 =	vmul.f32 v16, v15;
	v16 =	vld [tilespmem:$0x1D800]  }
0x5db: {  	v19 =	vld [tilespmem:$0x1D820]  }
0x5dc: {  	v1 =	vadd.f32 v7, v0;
	v7 =	vmul.f32 v13, v12;
	v12 =	vmul.f32 v40, v36;
	v36 =	vld [tilespmem:$0x1D850]  }
0x5dd: {  	v40 =	vld [tilespmem:s18+$0x4FD0]  }
0x5de: {  	v43 =	vld [tilespmem:$0x1D860]  }
0x5df: {  	v13 =	vmul.f32 v53, v51;
	v51 =	vld [tilespmem:$0x1D890]  }
0x5e0: {  	v53 =	vld [tilespmem:s18+$0xCFD0]  }
0x5e1: {  	v54 =	vld [tilespmem:$0x1D8A0]  }
0x5e2: {  	v24 =	vmul.f32 v30, v24;
	v30 =	vld [tilespmem:$0x1E2A0]  }
0x5e3: {  	v38 =	vmul.f32 v38, v37;
	v37 =	vld [tilespmem:s18+$0xD260]  }
0x5e4: {  	v0 =	vmul.f32 v11, v62;
	v62 =	vld [tilespmem:s18+$0x4FC0]  }
0x5e5: {  	v11 =	vmul.f32 v18, v17;
	v17 =	vld [tilespmem:$0x1D810]  }
0x5e6: {  	v18 =	vld [tilespmem:s18+$0xCFC0]  }
0x5e7: {  	v0 =	vadd.f32 v7, v0;
	v7 =	vmul.f32 v21, v20;
	v20 =	vld [tilespmem:$0x1D830]  }
0x5e8: {  	v21 =	vld [tilespmem:$0x1D840]  }
0x5e9: {  	v8 =	vadd.f32 v11, v8;
	v11 =	vmul.f32 v50, v44;
	v44 =	vld [tilespmem:$0x1D870]  }
0x5ea: {  	v50 =	vld [tilespmem:$0x1D880]  }
0x5eb: {  	v0 =	vadd.f32 v7, v0;
	v7 =	vmul.f32 v14, v55;
	v55 =	vld [tilespmem:$0x1D8B0]  }
0x5ec: {  	v14 =	vmul.f32 v61, v60;
	v60 =	vld [tilespmem:s18+$0x4FE0]  }
0x5ed: {  	v61 =	vld [tilespmem:s18+$0xCFE0]  }
0x5ee: {  	[tilespmem:$0x1E460] =	vst v40;
	v40 =	vld [tilespmem:$0x1D900]  }
0x5ef: {  	[tilespmem:$0x1E470] =	vst v53;
	v53 =	vld [tilespmem:$0x1D940]  }
0x5f0: {  	[tilespmem:$0x1E450] =	vst v18;
	v18 =	vld [tilespmem:$0x1D8C0]  }
0x5f1: {  	v11 =	vadd.f32 v13, v11;
	v13 =	vmul.f32 v20, v19;
	v19 =	vld [tilespmem:$0x1D8D0]  }
0x5f2: {  	v20 =	vld [tilespmem:$0x1D8E0]  }
0x5f3: {  	v7 =	vadd.f32 v14, v7;
	v14 =	vmul.f32 v36, v21;
	v21 =	vld [tilespmem:$0x1D8F0]  }
0x5f4: {  	v36 =	vld [tilespmem:s18+$0x4FF0]  }
0x5f5: {  	v8 =	vadd.f32 v12, v8;
	v12 =	vmul.f32 v17, v16;
	v15 =	vmul.f32 v44, v43;
	v43 =	vld [tilespmem:$0x1D910]  }
0x5f6: {  	v44 =	vld [tilespmem:$0x1D920]  }
0x5f7: {  	v11 =	vadd.f32 v12, v11;
	v12 =	vmul.f32 v51, v50;
	v50 =	vld [tilespmem:$0x1D930]  }
0x5f8: {  	v51 =	vld [tilespmem:s18+$0xCFF0]  }
0x5f9: {  	v0 =	vadd.f32 v13, v0;
	v13 =	vmul.f32 v55, v54;
	v54 =	vld [tilespmem:$0x1D950]  }
0x5fa: {  	v55 =	vld [tilespmem:$0x1D960]  }
0x5fb: {  	[tilespmem:$0x1E4C0] =	vst v60;
	v60 =	vld [tilespmem:$0x1D970]  }
0x5fc: {  	[tilespmem:$0x1E4D0] =	vst v61;
	v61 =	vld [tilespmem:s18+$0x5000]  }
0x5fd: {  	v7 =	vadd.f32 v14, v7;
	v14 =	vmul.f32 v21, v20;
	v20 =	vld [tilespmem:$0x1D990]  }
0x5fe: {  	v8 =	vadd.f32 v15, v8;
	v21 =	vld [tilespmem:$0x1D9A0]  }
0x5ff: {  	[tilespmem:$0x1E4E0] =	vst v36;
	v36 =	vld [tilespmem:$0x1D9B0]  }
0x600: {  	[tilespmem:$0x1E440] =	vst v62;
	v62 =	vadd.f32 v13, v7;
	v7 =	vadd.f32 v8, v0;
	v0 =	vmul.f32 v43, v40;
	v40 =	vld [tilespmem:s18+$0xD000]  }
0x601: {  	v43 =	vld [tilespmem:$0x1D9C0]  }
0x602: {  	v15 =	vmul.f32 v50, v44;
	v44 =	vld [tilespmem:$0x1D9D0]  }
0x603: {  	v11 =	vadd.f32 v12, v11;
	v50 =	vld [tilespmem:$0x1D9E0]  }
0x604: {  	[tilespmem:$0x1E4F0] =	vst v51;
	v51 =	vld [tilespmem:$0x1D9F0]  }
0x605: {  	v8 =	vadd.f32 v62, v11;
	v62 =	vld [tilespmem:$0x1D980]  }
0x606: {  	v11 =	vmul.f32 v54, v53;
	v53 =	vld [tilespmem:s18+$0x5010]  }
0x607: {  	v12 =	vmul.f32 v60, v55;
	v55 =	vld [tilespmem:$0x1DA00]  }
0x608: {  	v60 =	vld [tilespmem:$0x1DA10]  }
0x609: {  	[tilespmem:$0x1E500] =	vst v61;
	v61 =	vld [tilespmem:s18+$0xD010]  }
0x60a: {  	v16 =	vmul.f32 v36, v21;
	v21 =	vld [tilespmem:$0x1DA30]  }
0x60b: {  	v36 =	vld [tilespmem:s18+$0x5020]  }
0x60c: {  	[tilespmem:$0x1E510] =	vst v40;
	v40 =	vld [tilespmem:$0x1DA40]  }
0x60d: {  	v14 =	vadd.f32 v15, v14;
	v15 =	vmul.f32 v44, v43;
	v43 =	vld [tilespmem:$0x1DA50]  }
0x60e: {  	v44 =	vld [tilespmem:$0x1DA60]  }
0x60f: {  	v13 =	vmul.f32 v19, v18;
	v17 =	vmul.f32 v51, v50;
	v50 =	vld [tilespmem:$0x1DA70]  }
0x610: {  	v51 =	vld [tilespmem:s18+$0xD020]  }
0x611: {  	v0 =	vadd.f32 v0, v13;
	v13 =	vmul.f32 v20, v62;
	v20 =	vld [tilespmem:$0x1DA20]  }
0x612: {  	[tilespmem:$0x1E550] =	vst v61;
	v61 =	vld [tilespmem:$0x1DAB0]  }
0x613: {  	v54 =	vadd.f32 v16, v13;
	v13 =	vmul.f32 v60, v55;
	v55 =	vld [tilespmem:$0x1DA90]  }
0x614: {  	v60 =	vld [tilespmem:$0x1DAA0]  }
0x615: {  	v0 =	vadd.f32 v11, v0;
	v11 =	vadd.f32 v13, v54;
	v54 =	vld [tilespmem:$0x1DA80]  }
0x616: {  	[tilespmem:$0x1E520] =	vst v36;
	v36 =	vld [tilespmem:$0x1DAC0]  }
0x617: {  	v16 =	vmul.f32 v43, v40;
	v40 =	vld [tilespmem:$0x1DAD0]  }
0x618: {  	v43 =	vld [tilespmem:$0x1DAE0]  }
0x619: {  	v62 =	vadd.f32 v17, v15;
	v17 =	vmul.f32 v50, v44;
	v44 =	vld [tilespmem:$0x1DAF0]  }
0x61a: {  	v50 =	vld [tilespmem:s18+$0xD040]  }
0x61b: {  	[tilespmem:$0x1E530] =	vst v51;
	v51 =	vld [tilespmem:$0x1DB00]  }
0x61c: {  	v15 =	vmul.f32 v21, v20;
	v20 =	vld [tilespmem:s18+$0xD030]  }
0x61d: {  	v21 =	vld [tilespmem:s18+$0x5040]  }
0x61e: {  	[tilespmem:$0x1E540] =	vst v53;
	v53 =	vadd.f32 v15, v62;
	v62 =	vld [tilespmem:s18+$0x5030]  }
0x61f: {  	v15 =	vmul.f32 v61, v60;
	v60 =	vld [tilespmem:s18+$0x5050]  }
0x620: {  	v12 =	vadd.f32 v12, v14;
	v61 =	vld [tilespmem:$0x1DB40]  }
0x621: {  	v13 =	vadd.f32 v15, v53;
	v53 =	vld [tilespmem:$0x1DB10]  }
0x622: {  	v0 =	vadd.f32 v16, v0;
	v12 =	vadd.f32 v17, v12;
	v14 =	vmul.f32 v55, v54;
	v54 =	vld [tilespmem:$0x1DB20]  }
0x623: {  	v55 =	vld [tilespmem:$0x1DB30]  }
0x624: {  	v0 =	vadd.f32 v12, v0;
	v12 =	vmul.f32 v40, v36;
	v36 =	vld [tilespmem:s18+$0xD050]  }
0x625: {  	v40 =	vld [tilespmem:$0x1DB80]  }
0x626: {  	[tilespmem:$0x1E590] =	vst v50;
	v50 =	vld [tilespmem:$0x1DBB0]  }
0x627: {  	[tilespmem:$0x1E570] =	vst v20;
	v20 =	vld [tilespmem:$0x1DB60]  }
0x628: {  	[tilespmem:$0x1E580] =	vst v21;
	v21 =	vld [tilespmem:$0x1DB70]  }
0x629: {  	v11 =	vadd.f32 v14, v11;
	v14 =	vmul.f32 v44, v43;
	v43 =	vld [tilespmem:$0x1DB90]  }
0x62a: {  	v44 =	vld [tilespmem:$0x1DBA0]  }
0x62b: {  	[tilespmem:$0x1E560] =	vst v62;
	v62 =	vld [tilespmem:$0x1DB50]  }
0x62c: {  	[tilespmem:$0x1E5A0] =	vst v60;
	v60 =	vld [tilespmem:$0x1DBF0]  }
0x62d: {  	v11 =	vadd.f32 v13, v11;
	v13 =	vmul.f32 v53, v51;
	v51 =	vld [tilespmem:s18+$0x5060]  }
0x62e: {  	v53 =	vld [tilespmem:$0x1DBC0]  }
0x62f: {  	v15 =	vmul.f32 v55, v54;
	v54 =	vld [tilespmem:$0x1DBD0]  }
0x630: {  	v55 =	vld [tilespmem:$0x1DBE0]  }
0x631: {  	[tilespmem:$0x1E5B0] =	vst v36;
	v36 =	vld [tilespmem:$0x1DC20]  }
0x632: {  	v16 =	vmul.f32 v21, v20;
	v20 =	vld [tilespmem:$0x1DC10]  }
0x633: {  	v21 =	vld [tilespmem:s18+$0x5070]  }
0x634: {  	v13 =	vadd.f32 v15, v13;
	v15 =	vmul.f32 v43, v40;
	v40 =	vld [tilespmem:$0x1DC30]  }
0x635: {  	v43 =	vld [tilespmem:$0x1DC40]  }
0x636: {  	v17 =	vmul.f32 v50, v44;
	v44 =	vld [tilespmem:$0x1DC50]  }
0x637: {  	v50 =	vld [tilespmem:s18+$0xD070]  }
0x638: {  	v12 =	vadd.f32 v14, v12;
	v14 =	vmul.f32 v62, v61;
	v61 =	vld [tilespmem:s18+$0xD060]  }
0x639: {  	v62 =	vld [tilespmem:$0x1DC00]  }
0x63a: {  	[tilespmem:$0x1E660] =	vst v51;
	v51 =	vld [tilespmem:$0x1DC60]  }
0x63b: {  	v12 =	vadd.f32 v14, v12;
	v14 =	vmul.f32 v54, v53;
	v53 =	vld [tilespmem:$0x1DC70]  }
0x63c: {  	v54 =	vld [tilespmem:$0x1DC80]  }
0x63d: {  	v18 =	vmul.f32 v60, v55;
	v55 =	vld [tilespmem:$0x1DC90]  }
0x63e: {  	v60 =	vld [tilespmem:s18+$0x5080]  }
0x63f: {  	[tilespmem:$0x1E6A0] =	vst v21;
	v21 =	vld [tilespmem:s18+$0xD080]  }
0x640: {  	v15 =	vadd.f32 v17, v15;
	v17 =	vmul.f32 v40, v36;
	v36 =	vld [tilespmem:s18+$0x5090]  }
0x641: {  	v40 =	vld [tilespmem:$0x1DCC0]  }
0x642: {  	v14 =	vadd.f32 v18, v14;
	v18 =	vmul.f32 v44, v43;
	v43 =	vld [tilespmem:$0x1DCD0]  }
0x643: {  	v44 =	vld [tilespmem:$0x1DCE0]  }
0x644: {  	[tilespmem:$0x1E6B0] =	vst v50;
	v50 =	vld [tilespmem:$0x1DCF0]  }
0x645: {  	[tilespmem:$0x1E670] =	vst v61;
	v61 =	vld [tilespmem:$0x1DCA0]  }
0x646: {  	v13 =	vadd.f32 v16, v13;
	v16 =	vmul.f32 v20, v62;
	v62 =	vld [tilespmem:$0x1DCB0]  }
0x647: {  	v19 =	vmul.f32 v53, v51;
	v51 =	vld [tilespmem:s18+$0xD090]  }
0x648: {  	v53 =	vld [tilespmem:$0x1DD00]  }
0x649: {  	v15 =	vadd.f32 v16, v15;
	v16 =	vmul.f32 v55, v54;
	v54 =	vld [tilespmem:$0x1DD10]  }
0x64a: {  	v55 =	vld [tilespmem:$0x1DD20]  }
0x64b: {  	[tilespmem:$0x1E5C0] =	vst v60;
	v60 =	vld [tilespmem:$0x1DD30]  }
0x64c: {  	[tilespmem:$0x1E5D0] =	vst v21;
	v21 =	vld [tilespmem:$0x1DD50]  }
0x64d: {  	[tilespmem:$0x1E600] =	vst v36;
	v36 =	vld [tilespmem:$0x1DD60]  }
0x64e: {  	v15 =	vadd.f32 v16, v15;
	v16 =	vmul.f32 v43, v40;
	v40 =	vld [tilespmem:$0x1DD70]  }
0x64f: {  	v43 =	vld [tilespmem:s18+$0xD0A0]  }
0x650: {  	v12 =	vadd.f32 v17, v12;
	v14 =	vadd.f32 v18, v14;
	v17 =	vmul.f32 v62, v61;
	v61 =	vld [tilespmem:s18+$0x50A0]  }
0x651: {  	v62 =	vld [tilespmem:$0x1DD40]  }
0x652: {  	v14 =	vadd.f32 v17, v14;
	v17 =	vmul.f32 v50, v44;
	v44 =	vld [tilespmem:$0x1DD80]  }
0x653: {  	v13 =	vadd.f32 v19, v13;
	v50 =	vld [tilespmem:$0x1DD90]  }
0x654: {  	[tilespmem:$0x1E610] =	vst v51;
	v51 =	vld [tilespmem:$0x1DDA0]  }
0x655: {  	v12 =	vadd.f32 v13, v12;
	v13 =	vmul.f32 v54, v53;
	v53 =	vld [tilespmem:$0x1DDB0]  }
0x656: {  	v54 =	vld [tilespmem:s18+$0x50B0]  }
0x657: {  	v18 =	vmul.f32 v60, v55;
	v55 =	vld [tilespmem:$0x1DDC0]  }
0x658: {  	v60 =	vld [tilespmem:$0x1DDD0]  }
0x659: {  	v19 =	vmul.f32 v40, v36;
	v40 =	vld [tilespmem:s18+$0xD0B0]  }
0x65a: {  	[tilespmem:$0x1E5E0] =	vst v61;
	v61 =	vld [tilespmem:$0x1DDE0]  }
0x65b: {  	v14 =	vadd.f32 v14, v15;
	v15 =	vmul.f32 v21, v62;
	v62 =	vld [tilespmem:$0x1DDF0]  }
0x65c: {  	v13 =	vadd.f32 v13, v16;
	v16 =	vmul.f32 v50, v44;
	v44 =	vld [tilespmem:$0x1DE00]  }
0x65d: {  	v50 =	vld [tilespmem:$0x1DE10]  }
0x65e: {  	v20 =	vmul.f32 v53, v51;
	v51 =	vld [tilespmem:s18+$0x50C0]  }
0x65f: {  	v53 =	vld [tilespmem:$0x1DE20]  }
0x660: {  	[tilespmem:$0x1E620] =	vst v54;
	v54 =	vld [tilespmem:$0x1DE30]  }
0x661: {  	v17 =	vadd.f32 v18, v17;
	v18 =	vmul.f32 v60, v55;
	v55 =	vld [tilespmem:s18+$0xD0C0]  }
0x662: {  	v60 =	vld [tilespmem:$0x1DE40]  }
0x663: {  	[tilespmem:$0x1E630] =	vst v40;
	v40 =	vld [tilespmem:$0x1DE70]  }
0x664: {  	v21 =	vmul.f32 v62, v61;
	v61 =	vld [tilespmem:$0x1DE50]  }
0x665: {  	v62 =	vld [tilespmem:$0x1DE60]  }
0x666: {  	[tilespmem:$0x1E5F0] =	vst v43;
	v43 =	vadd.f32 v20, v16;
	v16 =	vmul.f32 v50, v44;
	v50 =	vld [tilespmem:$0x1DE80]  }
0x667: {  	[tilespmem:$0x1E640] =	vst v51;
	v51 =	vld [tilespmem:$0x1DE90]  }
0x668: {  	v17 =	vadd.f32 v19, v17;
	v19 =	vmul.f32 v54, v53;
	v53 =	vld [tilespmem:$0x1DEA0]  }
0x669: {  	v54 =	vld [tilespmem:$0x1DEB0]  }
0x66a: {  	[tilespmem:$0x1E650] =	vst v55;
	v55 =	vld [tilespmem:s18+$0xD0D0]  }
0x66b: {  	v13 =	vadd.f32 v15, v13;
	v15 =	vadd.f32 v16, v43;
	v43 =	vld [tilespmem:s18+$0x50D0]  }
0x66c: {  	v20 =	vmul.f32 v61, v60;
	v60 =	vld [tilespmem:s18+$0x50E0]  }
0x66d: {  	v18 =	vadd.f32 v21, v18;
	v61 =	vld [tilespmem:s18+$0xD0E0]  }
0x66e: {  	v21 =	vmul.f32 v40, v62;
	v40 =	vld [tilespmem:s18+$0x50F0]  }
0x66f: {  	v44 =	vadd.f32 v19, v18;
	v18 =	vmul.f32 v51, v50;
	v50 =	vld [tilespmem:s18+$0xD0F0]  }
0x670: {  	v19 =	vmul.f32 v54, v53;
	v53 =	vld [tilespmem:s18+$0x5100]  }
0x671: {  	[tilespmem:$0x1E690] =	vst v55;
	v55 =	vld [tilespmem:s18+$0xD100]  }
0x672: {  	v13 =	vadd.f32 v20, v13;
	v51 =	vperm.xlane v5, v48;
	v20 =	vld [tilespmem:s18+$0xD110]  }
0x673: {  	v36 =	vperm.xlane v4, v48;
	v16 =	vadd.f32 v19, v44;
	v19 =	vld [tilespmem:s18+$0xD140]  }
0x674: {  	v62 =	vperm.xlane v3, v48;
	v54 =	vperm.xlane v2, v48;
	v2 =	vsel vm0, v2, v51;
	v51 =	vld [tilespmem:s18+$0xD160]  }
0x675: {  	v3 =	vsel vm0, v3, v36;
	v17 =	vadd.f32 v21, v17;
	v21 =	vperm.xlane v7, v48;
	[tilespmem:$0x1E6C0] =	vst v60;
	v60 =	vld [tilespmem:s18+$0x5110]  }
0x676: {  	v4 =	vsel vm0, v62, v4;
	v44 =	vperm.xlane v10, v48;
	v5 =	vsel vm0, v54, v5;
	[tilespmem:$0x1E6E0] =	vst v40;
	v40 =	vld [tilespmem:s18+$0x5120]  }
0x677: {  	v15 =	vadd.f32 v18, v15;
	v2 =	vadd.f32 v2, v5;
	v5 =	vsel vm0, v21, v8;
	v21 =	vld [tilespmem:s18+$0x5150]  }
0x678: {  	v62 =	vperm.xlane v6, v48;
	[tilespmem:$0x1E680] =	vst v43;
	v43 =	vperm.xlane v9, v48;
	v9 =	vsel vm0, v9, v44;
	v44 =	vld [tilespmem:s18+$0xD120]  }
0x679: {  	v36 =	vperm.xlane v8, v48;
	v13 =	vadd.f32 v17, v13;
	[tilespmem:$0x1E6D0] =	vst v61;
	v15 =	vadd.f32 v16, v15;
	v16 =	vld [tilespmem:s18+$0x5140]  }
0x67a: {  	v61 =	vperm.xlane v1, v48;
	v1 =	vsel vm0, v1, v62;
	v62 =	vperm.xlane v14, v48;
	[tilespmem:$0x1E710] =	vst v55;
	v55 =	vld [tilespmem:s18+$0x5130]  }
0x67b: {  	v3 =	vadd.f32 v3, v4;
	v10 =	vsel vm0, v43, v10;
	v43 =	vperm.xlane v11, v48;
	[tilespmem:$0x1E700] =	vst v53;
	v53 =	vld [tilespmem:s18+$0xD130]  }
0x67c: {  	v17 =	vperm.xlane v13, v48;
	v6 =	vsel vm0, v61, v6;
	v8 =	vsel vm0, v12, v62;
	v62 =	vld [tilespmem:s18+$0xD170]  }
0x67d: {  	[tilespmem:$0x1E6F0] =	vst v50;
	v50 =	vperm.xlane v0, v48;
	v61 =	vperm.xlane v12, v48;
	v0 =	vsel vm0, v0, v43;
	v43 =	vld [tilespmem:s18+$0x5160]  }
0x67e: {  	v1 =	vadd.f32 v1, v6;
	v18 =	vperm.xlane v15, v48;
	v6 =	vsel vm0, v17, v15;
	v15 =	vld [tilespmem:$0x1DEE0]  }
0x67f: {  	v7 =	vsel vm0, v7, v36;
	v36 =	vperm.xlane v3, v63;
	v17 =	vld [tilespmem:s18+$0x5190]  }
0x680: {  	v5 =	vadd.f32 v7, v5;
	v4 =	vadd.f32 v9, v10;
	v7 =	vsel vm0, v61, v14;
	v14 =	vld [tilespmem:$0x1DED0]  }
0x681: {  	[tilespmem:$0x1E780] =	vst v19;
	v19 =	vld [tilespmem:$0x1DF10]  }
0x682: {  	[tilespmem:$0x1E730] =	vst v20;
	v20 =	vperm.xlane v4, v63;
	v4 =	vsel vm1, v36, v4;
	v36 =	vld [tilespmem:s18+$0xD190]  }
0x683: {  	[tilespmem:$0x1E880] =	vst v51;
	v51 =	vld [tilespmem:s18+$0x51A0]  }
0x684: {  	[tilespmem:$0x1E740] =	vst v40;
	v40 =	vld [tilespmem:s18+$0xD150]  }
0x685: {  	[tilespmem:$0x1E720] =	vst v60;
	v60 =	vsel vm0, v50, v11;
	v11 =	vld [tilespmem:s18+$0xD180]  }
0x686: {  	v9 =	vsel vm0, v13, v18;
	v13 =	vld [tilespmem:$0x1DEC0]  }
0x687: {  	v18 =	vld [tilespmem:$0x1DF00]  }
0x688: {  	[tilespmem:$0x1E790] =	vst v21;
	v21 =	vld [tilespmem:$0x1DF30]  }
0x689: {  	v7 =	vadd.f32 v8, v7;
	v8 =	vld [tilespmem:$0x1E3D0]  }
0x68a: {  	v0 =	vadd.f32 v0, v60;
	v60 =	vld [tilespmem:s18+$0x5170]  }
0x68b: {  	v6 =	vadd.f32 v9, v6;
	v9 =	vld [tilespmem:s18+$0x5180]  }
0x68c: {  	v50 =	vperm.xlane v1, v63;
	[tilespmem:$0x1E770] =	vst v16;
	v16 =	vld [tilespmem:$0x1DEF0]  }
0x68d: {  	v3 =	vsel vm1, v3, v20;
	v20 =	vld [tilespmem:$0x1DF20]  }
0x68e: {  	[tilespmem:$0x1E750] =	vst v44;
	v44 =	vperm.xlane v2, v63;
	v2 =	vsel vm1, v2, v50;
	v50 =	vld [tilespmem:$0x1DF70]  }
0x68f: {  	[tilespmem:$0x1E8A0] =	vst v62;
	v62 =	vld [tilespmem:s18+$0xD1A0]  }
0x690: {  	v54 =	vperm.xlane v5, v63;
	[tilespmem:$0x1E870] =	vst v43;
	v43 =	vld [tilespmem:$0x1DF50]  }
0x691: {  	v1 =	vsel vm1, v44, v1;
	v44 =	vld [tilespmem:$0x1DF60]  }
0x692: {  	[tilespmem:$0x1E760] =	vst v55;
	v55 =	vperm.xlane v0, v63;
	v0 =	vsel vm1, v54, v0;
	v54 =	vld [tilespmem:$0x1DF80]  }
0x693: {  	[tilespmem:$0x1E7F0] =	vst v17;
	v17 =	vld [tilespmem:$0x1E030]  }
0x694: {  	[tilespmem:$0x1E800] =	vst v36;
	v36 =	vld [tilespmem:$0x1E070]  }
0x695: {  	[tilespmem:$0x1E7D0] =	vst v51;
	v51 =	vld [tilespmem:$0x1E0B0]  }
0x696: {  	v61 =	vperm.xlane v6, v63;
	[tilespmem:$0x1E7A0] =	vst v40;
	v40 =	vld [tilespmem:$0x1DF40]  }
0x697: {  	v3 =	vadd.f32 v3, v4;
	v63 =	vperm.xlane v7, v63;
	v4 =	vsel vm1, v5, v55;
	v55 =	vld [tilespmem:$0x1DF90]  }
0x698: {  	v10 =	vsel vm1, v7, v61;
	v61 =	vld [tilespmem:$0x1DFB0]  }
0x699: {  	v12 =	vsel vm1, v63, v6;
	v63 =	vld [tilespmem:$0x1DFC0]  }
0x69a: {  	[tilespmem:$0x1E7C0] =	vst v11;
	v11 =	vld [tilespmem:$0x1DFF0]  }
0x69b: {  	v1 =	vadd.f32 v2, v1;
	v2 =	vmul.f32 v14, v13;
	v13 =	vld [tilespmem:$0x1E000]  }
0x69c: {  	v14 =	vld [tilespmem:$0x1E010]  }
0x69d: {  	[tilespmem:$0x1E890] =	vst v60;
	v60 =	vld [tilespmem:$0x1DFA0]  }
0x69e: {  	[tilespmem:$0x1E7B0] =	vst v9;
	v9 =	vld [tilespmem:$0x1DFD0]  }
0x69f: {  	[tilespmem:$0x1E910] =	vst v3;
	v3 =	vmul.f32 v16, v15;
	v15 =	vld [tilespmem:s18+$0xD1B0]  }
0x6a0: {  	v16 =	vld [tilespmem:$0x1E020]  }
0x6a1: {  	[tilespmem:$0x1E900] =	vst v1;
	v1 =	vmul.f32 v21, v20;
	v20 =	vld [tilespmem:s18+$0x51C0]  }
0x6a2: {  	v0 =	vadd.f32 v4, v0;
	v21 =	vld [tilespmem:$0x1E060]  }
0x6a3: {  	[tilespmem:$0x1E7E0] =	vst v62;
	v62 =	vld [tilespmem:$0x1E0E0]  }
0x6a4: {  	[tilespmem:$0x1E930] =	vst v0;
	v0 =	vadd.f32 v10, v12;
	v10 =	vld [tilespmem:$0x1DFE0]  }
0x6a5: {  	v12 =	vld [tilespmem:s18+$0x51B0]  }
0x6a6: {  	v4 =	vmul.f32 v50, v44;
	v44 =	vld [tilespmem:s18+$0xD1C0]  }
0x6a7: {  	v50 =	vld [tilespmem:$0x1E0A0]  }
0x6a8: {  	[tilespmem:$0x1E920] =	vst v0;
	v0 =	vmul.f32 v19, v18;
	v18 =	vld [tilespmem:$0x1E040]  }
0x6a9: {  	v19 =	vld [tilespmem:$0x1E050]  }
0x6aa: {  	v2 =	vadd.f32 v3, v2;
	v3 =	vmul.f32 v43, v40;
	v40 =	vld [tilespmem:$0x1E080]  }
0x6ab: {  	v43 =	vld [tilespmem:$0x1E090]  }
0x6ac: {  	v5 =	vmul.f32 v61, v60;
	v60 =	vld [tilespmem:$0x1E0C0]  }
0x6ad: {  	v61 =	vld [tilespmem:$0x1E0D0]  }
0x6ae: {  	[tilespmem:$0x1E820] =	vst v15;
	v15 =	vld [tilespmem:$0x1E140]  }
0x6af: {  	[tilespmem:$0x1E830] =	vst v20;
	v20 =	vld [tilespmem:$0x1E180]  }
0x6b0: {  	v7 =	vmul.f32 v36, v21;
	v21 =	vld [tilespmem:$0x1E190]  }
0x6b1: {  	v36 =	vld [tilespmem:$0x1E1A0]  }
0x6b2: {  	v0 =	vadd.f32 v1, v0;
	v1 =	vmul.f32 v55, v54;
	v54 =	vld [tilespmem:s18+$0x51D0]  }
0x6b3: {  	v55 =	vld [tilespmem:s18+$0xD1D0]  }
0x6b4: {  	v2 =	vadd.f32 v3, v2;
	v3 =	vmul.f32 v9, v63;
	v63 =	vld [tilespmem:$0x1E0F0]  }
0x6b5: {  	v9 =	vld [tilespmem:s18+$0x51E0]  }
0x6b6: {  	v6 =	vmul.f32 v11, v10;
	v10 =	vld [tilespmem:$0x1E100]  }
0x6b7: {  	v11 =	vld [tilespmem:$0x1E110]  }
0x6b8: {  	[tilespmem:$0x1E810] =	vst v12;
	v12 =	vld [tilespmem:$0x1E120]  }
0x6b9: {  	[tilespmem:$0x1E840] =	vst v44;
	v44 =	vld [tilespmem:$0x1E1D0]  }
0x6ba: {  	v0 =	vadd.f32 v4, v0;
	v4 =	vmul.f32 v14, v13;
	v13 =	vld [tilespmem:$0x1E130]  }
0x6bb: {  	v14 =	vld [tilespmem:s18+$0xD1E0]  }
0x6bc: {  	v1 =	vadd.f32 v5, v1;
	v5 =	vmul.f32 v17, v16;
	v16 =	vld [tilespmem:$0x1E150]  }
0x6bd: {  	v17 =	vld [tilespmem:$0x1E160]  }
0x6be: {  	v3 =	vadd.f32 v6, v3;
	v6 =	vmul.f32 v19, v18;
	v18 =	vld [tilespmem:$0x1E170]  }
0x6bf: {  	v19 =	vld [tilespmem:s18+$0x51F0]  }
0x6c0: {  	v1 =	vadd.f32 v4, v1;
	v4 =	vmul.f32 v43, v40;
	v40 =	vld [tilespmem:$0x1E1B0]  }
0x6c1: {  	v43 =	vld [tilespmem:$0x1E1C0]  }
0x6c2: {  	v2 =	vadd.f32 v5, v2;
	v5 =	vmul.f32 v51, v50;
	v50 =	vld [tilespmem:$0x1E1E0]  }
0x6c3: {  	v51 =	vld [tilespmem:$0x1E1F0];
	v3 =	vadd.f32 v6, v3  }
0x6c4: {  	v0 =	vadd.f32 v7, v0;
	[tilespmem:$0x1E850] =	vst v54;
	v54 =	vld [tilespmem:s18+$0x5200]  }
0x6c5: {  	v1 =	vadd.f32 v4, v1;
	v4 =	vmul.f32 v61, v60;
	v61 =	vld [tilespmem:s18+$0xD1F0];
	v3 =	vadd.f32 v5, v3  }
0x6c6: {  	v5 =	vmul.f32 v63, v62;
	v62 =	vadd.f32 v0, v2;
	v0 =	vmul.f32 v11, v10;
	v10 =	vld [tilespmem:$0x1E200]  }
0x6c7: {  	v11 =	vld [tilespmem:$0x1E210]  }
0x6c8: {  	v63 =	vld [tilespmem:s18+$0xD200]  }
0x6c9: {  	v2 =	vmul.f32 v13, v12;
	v13 =	vld [tilespmem:$0x1E220]  }
0x6ca: {  	[tilespmem:$0x1E8C0] =	vst v14;
	v14 =	vld [tilespmem:$0x1E230]  }
0x6cb: {  	[tilespmem:$0x1E8D0] =	vst v19;
	v19 =	vld [tilespmem:$0x1E270]  }
0x6cc: {  	v60 =	vadd.f32 v3, v1;
	v1 =	vmul.f32 v15, v16;
	v15 =	vld [tilespmem:s18+$0x5210]  }
0x6cd: {  	v16 =	vld [tilespmem:$0x1E240]  }
0x6ce: {  	v3 =	vmul.f32 v18, v17;
	v17 =	vld [tilespmem:$0x1E250]  }
0x6cf: {  	v18 =	vld [tilespmem:$0x1E260]  }
0x6d0: {  	v0 =	vadd.f32 v0, v4;
	v4 =	vmul.f32 v21, v20;
	v20 =	vld [tilespmem:$0x1E280]  }
0x6d1: {  	v21 =	vld [tilespmem:$0x1E290]  }
0x6d2: {  	v7 =	vmul.f32 v51, v50;
	v50 =	vld [tilespmem:s18+$0xD220]  }
0x6d3: {  	v51 =	vld [tilespmem:s18+$0x5230]  }
0x6d4: {  	v2 =	vadd.f32 v2, v5;
	v5 =	vmul.f32 v44, v43;
	v44 =	vld [tilespmem:s18+$0xD230]  }
0x6d5: {  	v43 =	vld [tilespmem:s18+$0x5240]  }
0x6d6: {  	v6 =	vmul.f32 v40, v36;
	v40 =	vld [tilespmem:s18+$0xD240]  }
0x6d7: {  	[tilespmem:$0x1E8E0] =	vst v54;
	v54 =	vld [tilespmem:s18+$0x5220]  }
0x6d8: {  	[tilespmem:$0x1E860] =	vst v55;
	v55 =	vadd.f32 v6, v4;
	v4 =	vmul.f32 v10, v11;
	v10 =	vld [tilespmem:$0x1E2D0]  }
0x6d9: {  	v11 =	vld [tilespmem:$0x1E2E0]  }
0x6da: {  	v12 =	vadd.f32 v7, v5;
	v5 =	vmul.f32 v13, v14;
	v14 =	vmul.f32 v42, v41;
	v42 =	vld [tilespmem:s18+$0x5260]  }
0x6db: {  	v41 =	vmul.f32 v58, v57;
	v57 =	vld [tilespmem:$0x1E3A0]  }
0x6dc: {  	v58 =	vld [tilespmem:$0x1E3B0]  }
0x6dd: {  	v0 =	vadd.f32 v1, v0;
	v1 =	vadd.f32 v4, v55;
	v55 =	vld [tilespmem:s18+$0xD210]  }
0x6de: {  	v2 =	vadd.f32 v3, v2;
	v3 =	vadd.f32 v5, v12;
	v5 =	vmul.f32 v34, v21;
	v34 =	vld [tilespmem:$0x1E2C0]  }
0x6df: {  	v12 =	vld [tilespmem:$0x1E2F0]  }
0x6e0: {  	[tilespmem:$0x1E8F0] =	vst v15;
	v15 =	vld [tilespmem:$0x1E300]  }
0x6e1: {  	v6 =	vmul.f32 v17, v16;
	v16 =	vld [tilespmem:$0x1E310]  }
0x6e2: {  	v7 =	vmul.f32 v18, v19;
	v18 =	vld [tilespmem:$0x1E320]  }
0x6e3: {  	v4 =	vmul.f32 v27, v20;
	v20 =	vld [tilespmem:$0x1E330]  }
0x6e4: {  	v21 =	vld [tilespmem:$0x1E340]  }
0x6e5: {  	v17 =	vmul.f32 v47, v45;
	v45 =	vld [tilespmem:$0x1E370]  }
0x6e6: {  	v27 =	vmul.f32 v25, v32;
	v25 =	vld [tilespmem:s18+$0x5290]  }
0x6e7: {  	v44 =	vmul.f32 v44, v51;
	v51 =	vld [tilespmem:s18+$0x5390]  }
0x6e8: {  	v40 =	vmul.f32 v40, v43;
	v43 =	vld [tilespmem:s18+$0xD3A0]  }
0x6e9: {  	v50 =	vmul.f32 v50, v54;
	v54 =	vld [tilespmem:s18+$0xD380]  }
0x6ea: {  	v0 =	vadd.f32 v6, v0;
	v6 =	vld [tilespmem:$0x1E760]  }
0x6eb: {  	v2 =	vadd.f32 v7, v2;
	v7 =	vld [tilespmem:$0x1E770]  }
0x6ec: {  	v1 =	vadd.f32 v4, v1;
	v3 =	vadd.f32 v5, v3;
	v5 =	vmul.f32 v35, v10;
	v35 =	vld [tilespmem:s18+$0x5250]  }
0x6ed: {  	v10 =	vld [tilespmem:$0x1E3E0]  }
0x6ee: {  	v32 =	vadd.f32 v3, v1;
	v1 =	vmul.f32 v31, v30;
	v31 =	vld [tilespmem:$0x1E2B0]  }
0x6ef: {  	v36 =	vadd.f32 v2, v0;
	v0 =	vadd.f32 v27, v24;
	v27 =	vld [tilespmem:$0x1E350]  }
0x6f0: {  	v24 =	vld [tilespmem:s18+$0xD280]  }
0x6f1: {  	v13 =	vmul.f32 v12, v39;
	v39 =	vld [tilespmem:s18+$0x5270]  }
0x6f2: {  	v2 =	vmul.f32 v34, v33;
	v33 =	vld [tilespmem:$0x1E360]  }
0x6f3: {  	v19 =	vmul.f32 v22, v18;
	v22 =	vmul.f32 v49, v46;
	v46 =	vld [tilespmem:$0x1E380]  }
0x6f4: {  	v4 =	vmul.f32 v21, v20;
	v21 =	vld [tilespmem:s18+$0xD2A0]  }
0x6f5: {  	v20 =	vld [tilespmem:$0x1E450]  }
0x6f6: {  	v0 =	vadd.f32 v2, v0;
	v2 =	vmul.f32 v28, v11;
	v28 =	vld [tilespmem:s18+$0x5280]  }
0x6f7: {  	v11 =	vld [tilespmem:$0x1E3F0]  }
0x6f8: {  	v3 =	vmul.f32 v29, v31;
	v29 =	vld [tilespmem:s18+$0xD250]  }
0x6f9: {  	v31 =	vld [tilespmem:s18+$0xD270]  }
0x6fa: {  	[tilespmem:$0x1E8B0] =	vst v9;
	v9 =	vmul.f32 v23, v26;
	v2 =	vadd.f32 v13, v2;
	v13 =	vld [tilespmem:$0x1E400]  }
0x6fb: {  	v34 =	vmul.f32 v33, v27;
	v33 =	vld [tilespmem:$0x1E560]  }
0x6fc: {  	v1 =	vadd.f32 v3, v1;
	v3 =	vadd.f32 v5, v9;
	v5 =	vmul.f32 v16, v15;
	v15 =	vld [tilespmem:$0x1E420]  }
0x6fd: {  	v16 =	vld [tilespmem:$0x1E430]  }
0x6fe: {  	v2 =	vadd.f32 v17, v2;
	v12 =	vmul.f32 v11, v10;
	v10 =	vld [tilespmem:$0x1E4E0]  }
0x6ff: {  	v11 =	vld [tilespmem:$0x1E4F0]  }
0x700: {  	v47 =	vadd.f32 v22, v2;
	v22 =	vld [tilespmem:s18+$0x52A0]  }
0x701: {  	v3 =	vadd.f32 v14, v3;
	v14 =	vld [tilespmem:$0x1E410]  }
0x702: {  	v1 =	vadd.f32 v38, v1;
	v38 =	vmul.f32 v56, v52;
	v56 =	vld [tilespmem:$0x1E4A0]  }
0x703: {  	v0 =	vadd.f32 v5, v0;
	v5 =	vld [tilespmem:$0x1E750]  }
0x704: {  	v29 =	vmul.f32 v29, v35;
	v35 =	vld [tilespmem:s18+$0xD390]  }
0x705: {  	v1 =	vadd.f32 v19, v1;
	v19 =	vld [tilespmem:$0x1E440]  }
0x706: {  	v23 =	vadd.f32 v4, v3;
	v3 =	vmul.f32 v58, v57;
	v58 =	vld [tilespmem:s18+$0x52B0]  }
0x707: {  	v57 =	vld [tilespmem:$0x1E4B0]  }
0x708: {  	v17 =	vmul.f32 v16, v15;
	v15 =	vld [tilespmem:$0x1E520]  }
0x709: {  	v16 =	vld [tilespmem:$0x1E530]  }
0x70a: {  	v30 =	vadd.f32 v47, v23;
	v47 =	vld [tilespmem:$0x1E390]  }
0x70b: {  	v23 =	vld [tilespmem:s18+$0xD290]  }
0x70c: {  	v26 =	vadd.f32 v1, v0;
	v0 =	vmul.f32 v45, v59;
	v59 =	vld [tilespmem:$0x1E3C0]  }
0x70d: {  	v1 =	vadd.f32 v41, v34;
	v34 =	vld [tilespmem:$0x1E460]  }
0x70e: {  	v45 =	vld [tilespmem:s18+$0xD2B0]  }
0x70f: {  	v41 =	vld [tilespmem:$0x1E480]  }
0x710: {  	v2 =	vmul.f32 v14, v13;
	v13 =	vld [tilespmem:$0x1E500]  }
0x711: {  	v14 =	vld [tilespmem:$0x1E510]  }
0x712: {  	v21 =	vmul.f32 v21, v22;
	v22 =	vld [tilespmem:s18+$0x53A0]  }
0x713: {  	v0 =	vadd.f32 v0, v38;
	v38 =	vld [tilespmem:$0x1E470]  }
0x714: {  	v27 =	vmul.f32 v20, v19;
	v20 =	vld [tilespmem:s18+$0x52C0]  }
0x715: {  	v24 =	vmul.f32 v24, v28;
	v19 =	vld [tilespmem:s18+$0xD2C0]  }
0x716: {  	v2 =	vadd.f32 v17, v2;
	v17 =	vld [tilespmem:$0x1E540]  }
0x717: {  	v21 =	vadd.f32 v21, v24;
	v24 =	vld [tilespmem:s18+$0x53D0]  }
0x718: {  	v52 =	vmul.f32 v47, v46;
	v46 =	vld [tilespmem:$0x1E490]  }
0x719: {  	v9 =	vmul.f32 v8, v59;
	v8 =	vld [tilespmem:$0x1E4C0]  }
0x71a: {  	v59 =	vmul.f32 v57, v56;
	v56 =	vld [tilespmem:$0x1E5A0]  }
0x71b: {  	v57 =	vld [tilespmem:$0x1E5B0]  }
0x71c: {  	v23 =	vmul.f32 v23, v25;
	v25 =	vld [tilespmem:s18+$0xD3D0]  }
0x71d: {  	v18 =	vadd.f32 v12, v9;
	v9 =	vld [tilespmem:$0x1E4D0]  }
0x71e: {  	v0 =	vadd.f32 v3, v0;
	v3 =	vmul.f32 v38, v34;
	v34 =	vld [tilespmem:s18+$0x52D0]  }
0x71f: {  	v38 =	vld [tilespmem:s18+$0xD2D0]  }
0x720: {  	v0 =	vadd.f32 v59, v0;
	v59 =	vld [tilespmem:$0x1E5C0]  }
0x721: {  	v12 =	vmul.f32 v11, v10;
	v10 =	vld [tilespmem:$0x1E5F0]  }
0x722: {  	v47 =	vadd.f32 v27, v18;
	v27 =	vld [tilespmem:$0x1E550]  }
0x723: {  	v1 =	vadd.f32 v52, v1;
	v52 =	vmul.f32 v46, v41;
	v41 =	vld [tilespmem:$0x1E570]  }
0x724: {  	v46 =	vld [tilespmem:$0x1E580]  }
0x725: {  	v4 =	vmul.f32 v57, v56;
	v56 =	vld [tilespmem:$0x1E650]  }
0x726: {  	v57 =	vld [tilespmem:$0x1E660]  }
0x727: {  	v2 =	vadd.f32 v3, v2;
	v1 =	vadd.f32 v52, v1;
	v52 =	vld [tilespmem:$0x1E590]  }
0x728: {  	v3 =	vmul.f32 v9, v8;
	v8 =	vld [tilespmem:$0x1E5D0]  }
0x729: {  	v2 =	vadd.f32 v12, v2;
	v9 =	vld [tilespmem:$0x1E5E0]  }
0x72a: {  	v3 =	vadd.f32 v3, v47;
	v47 =	vadd.f32 v0, v1;
	v0 =	vmul.f32 v14, v13;
	v13 =	vld [tilespmem:$0x1E600]  }
0x72b: {  	v1 =	vmul.f32 v16, v15;
	v15 =	vld [tilespmem:$0x1E610]  }
0x72c: {  	v49 =	vadd.f32 v2, v3;
	v3 =	vmul.f32 v41, v33;
	v33 =	vld [tilespmem:$0x1E620]  }
0x72d: {  	v41 =	vld [tilespmem:$0x1E630]  }
0x72e: {  	v11 =	vmul.f32 v10, v9;
	v9 =	vld [tilespmem:$0x1E680]  }
0x72f: {  	v10 =	vld [tilespmem:$0x1E690]  }
0x730: {  	v12 =	vld [tilespmem:$0x1E6A0];
	v2 =	vmul.f32 v27, v17  }
0x731: {  	v0 =	vadd.f32 v1, v0;
	v1 =	vmul.f32 v52, v46;
	v52 =	vld [tilespmem:$0x1E640]  }
0x732: {  	v2 =	vadd.f32 v3, v2;
	v3 =	vmul.f32 v8, v59;
	v59 =	vld [tilespmem:$0x1E670]  }
0x733: {  	v0 =	vadd.f32 v1, v0;
	v1 =	vmul.f32 v15, v13;
	v46 =	vmul.f32 v41, v33;
	v41 =	vld [tilespmem:$0x1E6B0]  }
0x734: {  	v3 =	vadd.f32 v11, v3;
	v11 =	vmul.f32 v10, v9;
	v9 =	vld [tilespmem:$0x1E6C0]  }
0x735: {  	v10 =	vld [tilespmem:$0x1E6D0];
	v1 =	vadd.f32 v46, v1  }
0x736: {  	v33 =	vld [tilespmem:$0x1E6F0]  }
0x737: {  	v1 =	vadd.f32 v11, v1;
	v11 =	vld [tilespmem:$0x1E6E0]  }
0x738: {  	v2 =	vadd.f32 v4, v2;
	v4 =	vmul.f32 v56, v52;
	v52 =	vld [tilespmem:$0x1E710];
	v46 =	vmul.f32 v41, v12  }
0x739: {  	v56 =	vmul.f32 v59, v57;
	v57 =	vld [tilespmem:$0x1E720]  }
0x73a: {  	v3 =	vadd.f32 v4, v3;
	v4 =	vmul.f32 v10, v9;
	v2 =	vadd.f32 v46, v2;
	v46 =	vld [tilespmem:$0x1E700]  }
0x73b: {  	v59 =	vld [tilespmem:$0x1E730]  }
0x73c: {  	v3 =	vadd.f32 v4, v3;
	v4 =	vld [tilespmem:$0x1E740];
	v41 =	vmul.f32 v33, v11  }
0x73d: {  	v18 =	vld [tilespmem:s18+$0x52E0]  }
0x73e: {  	v1 =	vadd.f32 v41, v1;
	v41 =	vld [tilespmem:$0x1E780]  }
0x73f: {  	v0 =	vadd.f32 v56, v0;
	v33 =	vmul.f32 v52, v46;
	v46 =	vld [tilespmem:$0x1E790]  }
0x740: {  	v52 =	vmul.f32 v59, v57;
	v57 =	vld [tilespmem:$0x1E7A0]  }
0x741: {  	v16 =	vld [tilespmem:s18+$0x52F0];
	v11 =	vadd.f32 v2, v0;
	v2 =	vmul.f32 v5, v4  }
0x742: {  	v59 =	vld [tilespmem:$0x1E7B0]  }
0x743: {  	v2 =	vadd.f32 v2, v33;
	v33 =	vld [tilespmem:$0x1E7C0]  }
0x744: {  	v10 =	vadd.f32 v1, v3;
	v3 =	vmul.f32 v41, v7;
	v41 =	vld [tilespmem:$0x1E7D0]  }
0x745: {  	v1 =	vmul.f32 v57, v46;
	v46 =	vld [tilespmem:$0x1E7E0]  }
0x746: {  	v14 =	vld [tilespmem:s18+$0xD2F0];
	v0 =	vmul.f32 v53, v6  }
0x747: {  	v17 =	vld [tilespmem:s18+$0xD2E0]  }
0x748: {  	v0 =	vadd.f32 v0, v52;
	v52 =	vld [tilespmem:$0x1E7F0]  }
0x749: {  	v33 =	vmul.f32 v33, v59;
	v59 =	vld [tilespmem:$0x1E800]  }
0x74a: {  	v57 =	vmul.f32 v46, v41;
	v41 =	vld [tilespmem:$0x1E810]  }
0x74b: {  	v46 =	vld [tilespmem:$0x1E820]  }
0x74c: {  	v27 =	vld [tilespmem:s18+$0xD300]  }
0x74d: {  	v8 =	vld [tilespmem:s18+$0xD320]  }
0x74e: {  	v15 =	vld [tilespmem:s18+$0x5300]  }
0x74f: {  	v52 =	vmul.f32 v59, v52;
	v59 =	vld [tilespmem:$0x1E830]  }
0x750: {  	v46 =	vmul.f32 v46, v41;
	v41 =	vld [tilespmem:$0x1E840]  }
0x751: {  	v13 =	vld [tilespmem:s18+$0x5310]  }
0x752: {  	v56 =	vld [tilespmem:s18+$0x5320]  }
0x753: {  	v12 =	vld [tilespmem:s18+$0xD310]  }
0x754: {  	v4 =	vld [tilespmem:$0x1E870]  }
0x755: {  	v2 =	vadd.f32 v3, v2;
	v3 =	vadd.f32 v57, v33;
	v33 =	vmul.f32 v41, v59;
	v59 =	vld [tilespmem:$0x1E880]  }
0x756: {  	v0 =	vadd.f32 v1, v0;
	v1 =	vadd.f32 v46, v52;
	v46 =	vld [tilespmem:$0x1E850]  }
0x757: {  	v52 =	vld [tilespmem:$0x1E860]  }
0x758: {  	v9 =	vld [tilespmem:s18+$0x5330]  }
0x759: {  	v41 =	vld [tilespmem:$0x1E8A0]  }
0x75a: {  	v59 =	vmul.f32 v59, v4;
	v4 =	vld [tilespmem:$0x1E890]  }
0x75b: {  	v53 =	vld [tilespmem:s18+$0xD330]  }
0x75c: {  	v6 =	vld [tilespmem:s18+$0xD340];
	v46 =	vmul.f32 v52, v46  }
0x75d: {  	v5 =	vld [tilespmem:s18+$0x5350]  }
0x75e: {  	v1 =	vadd.f32 v46, v1;
	v46 =	vld [tilespmem:$0x1E8C0]  }
0x75f: {  	v41 =	vmul.f32 v41, v4;
	v4 =	vld [tilespmem:$0x1E8B0]  }
0x760: {  	v2 =	vadd.f32 v59, v2;
	v59 =	vld [tilespmem:$0x1E8E0]  }
0x761: {  	v7 =	vld [tilespmem:s18+$0x5340]  }
0x762: {  	v57 =	vld [tilespmem:s18+$0xD350]  }
0x763: {  	v52 =	vld [tilespmem:s18+$0x5360];
	v0 =	vadd.f32 v41, v0  }
0x764: {  	v19 =	vmul.f32 v19, v20;
	v46 =	vmul.f32 v46, v4;
	v4 =	vld [tilespmem:$0x1E8D0]  }
0x765: {  	v3 =	vadd.f32 v33, v3;
	v33 =	vld [tilespmem:s18+$0xD360];
	v0 =	vadd.f32 v0, v2;
	v2 =	vmul.f32 v63, v59  }
0x766: {  	v31 =	vmul.f32 v31, v39;
	v19 =	vadd.f32 v19, v21;
	v14 =	vmul.f32 v14, v16;
	v41 =	vld [tilespmem:s18+$0xD370]  }
0x767: {  	v17 =	vmul.f32 v17, v18;
	v2 =	vadd.f32 v50, v2;
	v50 =	vmul.f32 v38, v34;
	v38 =	vld [tilespmem:s18+$0x53F0]  }
0x768: {  	v15 =	vmul.f32 v27, v15;
	v8 =	vmul.f32 v8, v56;
	v3 =	vadd.f32 v46, v3;
	v46 =	vld [tilespmem:s18+$0x5380]  }
0x769: {  	v2 =	vadd.f32 v40, v2;
	v40 =	vmul.f32 v45, v58;
	v58 =	vld [tilespmem:s18+$0x53C0];
	v61 =	vmul.f32 v61, v4  }
0x76a: {  	v8 =	vadd.f32 v8, v15;
	v6 =	vmul.f32 v6, v7;
	v45 =	vmul.f32 v37, v42;
	v42 =	vld [tilespmem:s18+$0xD3F0]  }
0x76b: {  	v17 =	vadd.f32 v17, v19;
	v56 =	vperm.xlane v62, v48;
	v1 =	vadd.f32 v61, v1;
	v61 =	vld [tilespmem:$0x1E8F0]  }
0x76c: {  	v27 =	vmul.f32 v12, v13;
	v9 =	vmul.f32 v53, v9;
	v6 =	vadd.f32 v6, v8;
	v4 =	vld [tilespmem:s18+$0x5370]  }
0x76d: {  	v5 =	vmul.f32 v57, v5;
	v23 =	vadd.f32 v40, v23;
	v40 =	vmul.f32 v43, v22;
	v22 =	vld [tilespmem:$0x1FFE0]  }
0x76e: {  	v57 =	vperm.xlane v32, v48;
	v37 =	vmul.f32 v33, v52;
	v2 =	vadd.f32 v45, v2;
	v45 =	vld [tilespmem:$0x1E900]  }
0x76f: {  	v43 =	vmul.f32 v35, v51;
	v51 =	vld [tilespmem:$0x1E910];
	v59 =	vadd.f32 v50, v23;
	v39 =	vmul.f32 v54, v46  }
0x770: {  	v50 =	vmul.f32 v25, v24;
	v1 =	vadd.f32 v1, v3;
	v3 =	vmul.f32 v55, v61;
	v55 =	vld [tilespmem:s18+$0xD3B0]  }
0x771: {  	v6 =	vadd.f32 v37, v6;
	v23 =	vperm.xlane v47, v48;
	v53 =	vmul.f32 v42, v38;
	v61 =	vld [tilespmem:s18+$0xD3C0]  }
0x772: {  	v14 =	vadd.f32 v14, v59;
	v59 =	vperm.xlane v36, v48;
	v3 =	vadd.f32 v44, v3;
	v44 =	vld [tilespmem:s18+$0x53B0]  }
0x773: {  	v8 =	vadd.f32 v40, v39;
	v46 =	vperm.xlane v45, v22;
	v4 =	vmul.f32 v41, v4  }
0x774: {  	v52 =	vperm.xlane v51, v22;
	v28 =	vperm.xlane v1, v48;
	v3 =	vadd.f32 v29, v3  }
0x775: {  	v13 =	vadd.f32 v14, v17;
	v15 =	vsel vm2, v51, v46;
	v29 =	vperm.xlane v0, v48  }
0x776: {  	v63 =	vld [tilespmem:$0x1FFD0];
	v14 =	vsel vm2, v52, v45;
	v0 =	vsel vm0, v0, v28;
	v3 =	vadd.f32 v31, v3  }
0x777: {  	v34 =	vld [tilespmem:s18+$0xD3E0];
	v1 =	vsel vm0, v29, v1;
	v20 =	vmul.f32 v55, v44;
	v44 =	vmul.f32 v61, v58  }
0x778: {  	v31 =	vld [tilespmem:s18+$0x53E0];
	v55 =	vperm.xlane v60, v48;
	v61 =	vperm.xlane v26, v48;
	v0 =	vadd.f32 v0, v1  }
0x779: {  	v33 =	vld [tilespmem:$0x1E920];
	v2 =	vadd.f32 v3, v2;
	v3 =	vadd.f32 v9, v27;
	v27 =	vperm.xlane v10, v48  }
0x77a: {  	v8 =	vadd.f32 v44, v8;
	v58 =	vsel vm0, v62, v55;
	v62 =	vperm.xlane v30, v48  }
0x77b: {  	v9 =	vsel vm0, v61, v30;
	v41 =	vperm.xlane v0, v63;
	v3 =	vadd.f32 v5, v3  }
0x77c: {  	v5 =	vadd.f32 v20, v43;
	v20 =	vperm.xlane v49, v48;
	v30 =	vperm.xlane v2, v48  }
0x77d: {  	v7 =	vmul.f32 v34, v31;
	v24 =	vsel vm0, v26, v62;
	v26 =	vperm.xlane v11, v48  }
0x77e: {  	v11 =	vsel vm0, v11, v27;
	v31 =	vperm.xlane v13, v48;
	v34 =	vperm.xlane v33, v22  }
0x77f: {  	v5 =	vadd.f32 v50, v5;
	v3 =	vadd.f32 v4, v3;
	v25 =	vsel vm0, v47, v20  }
0x780: {  	v54 =	vadd.f32 v7, v8;
	v8 =	vsel vm0, v36, v57;
	v7 =	vsel vm0, v59, v32  }
0x781: {  	v10 =	vsel vm0, v26, v10;
	v2 =	vsel vm0, v2, v31;
	v5 =	vadd.f32 v53, v5  }
0x782: {  	v3 =	vadd.f32 v3, v6;
	v6 =	vsel vm0, v56, v60;
	v21 =	vadd.f32 v8, v7  }
0x783: {  	v7 =	vsel vm0, v23, v49;
	v8 =	vadd.f32 v24, v9;
	v4 =	vadd.f32 v5, v54  }
0x784: {  	v10 =	vadd.f32 v11, v10;
	v9 =	vsel vm0, v30, v13;
	v7 =	vadd.f32 v25, v7  }
0x785: {  	v2 =	vadd.f32 v2, v9;
	v35 =	vperm.xlane v3, v48;
	v32 =	vperm.xlane v4, v48  }
0x786: {  	v5 =	vadd.f32 v58, v6;
	v37 =	vperm.xlane v21, v63;
	v39 =	vperm.xlane v8, v63  }
0x787: {  	v40 =	vperm.xlane v10, v63;
	v1 =	vsel vm0, v35, v4;
	v3 =	vsel vm0, v3, v32  }
0x788: {  	v46 =	vld [tilespmem:$0x1E930];
	v44 =	vsel vm1, v10, v41;
	v38 =	vperm.xlane v7, v63;
	v1 =	vadd.f32 v3, v1  }
0x789: {  	v42 =	vperm.xlane v2, v63;
	v36 =	vperm.xlane v5, v63;
	v5 =	vsel vm1, v5, v37  }
0x78a: {  	v6 =	vsel vm1, v39, v7;
	v0 =	vsel vm1, v40, v0;
	v43 =	vperm.xlane v1, v63  }
0x78b: {  	v0 =	vadd.f32 v44, v0;
	v4 =	vsel vm1, v36, v21;
	v3 =	vsel vm1, v8, v38  }
0x78c: {  	v4 =	vadd.f32 v5, v4;
	v1 =	vsel vm1, v42, v1;
	v2 =	vsel vm1, v2, v43  }
0x78d: {  	v47 =	vperm.xlane v46, v22;
	v3 =	vadd.f32 v3, v6;
	v1 =	vadd.f32 v2, v1  }
0x78e: {  	v45 =	vld [tilespmem:$0x1FFF0];
	v49 =	vsel vm2, v46, v34;
	v52 =	vperm.xlane v0, v22;
	v50 =	vperm.xlane v4, v22  }
0x78f: {  	v6 =	vsel vm2, v47, v33;
	v51 =	vperm.xlane v3, v22;
	v53 =	vperm.xlane v1, v22  }
0x790: {  	v54 =	vadd.f32 v15, v14;
	v3 =	vsel vm2, v50, v3;
	v2 =	vadd.f32 v49, v6  }
0x791: {  	v4 =	vsel vm2, v4, v51;
	v1 =	vsel vm2, v52, v1;
	v0 =	vsel vm2, v0, v53  }
0x792: {  	s9 =	sshll.u32 s17, $0x4;
	v3 =	vadd.f32 v4, v3;
	v0 =	vadd.f32 v0, v1  }
0x793: {  	v57 =	vld [tilespmem:s9+$0x10480];
	v55 =	vperm.xlane v54, v45;
	v56 =	vperm.xlane v2, v45  }
0x794: {  	v60 =	vld [tilespmem:s9+$0x10490];
	v58 =	vperm.xlane v3, v45;
	v59 =	vperm.xlane v0, v45  }
0x795: {  	v61 =	vld [tilespmem:s9+$0x10580];
	v4 =	vsel vm3, v54, v56;
	v1 =	vsel vm3, v55, v2  }
0x796: {  	v62 =	vld [tilespmem:s9+$0x10590];
	v1 =	vadd.f32 v1, v4;
	v0 =	vsel vm3, v58, v0;
	v3 =	vsel vm3, v3, v59  }
0x797: {  	v0 =	vadd.f32 v0, v3  }
0x798: {  	p1 =	slt.u32 s17, $0x6;
	v1 =	vadd.f32 v1, v57  }
.Ltmp3:
0x799: {  	v0 =	vadd.f32 v0, v60;
	(pc) =	sbr.rel @p1 .LBB2_5-.Ltmp3, $4  }
0x79a: {  	v1 =	vadd.f32 v1, v61  }
0x79b: {  	v0 =	vadd.f32 v0, v62  }
0x79c: {  	s20 =	sadd.s32 $0x2, s17;
	[tilespmem:s9+$0x10600] =	vst v1  }
0x79d: {  	s17 =	smov.u32 s20;
	[tilespmem:s9+$0x10610] =	vst v0  }
.Ltmp4:
0x79e: {  	(pc) =	sbr.rel @!p0 .LBB2_8-.Ltmp4, $2  }
0x79f: {  	_ =	sdelay $0x2  }
0x7a0: {  	_ =	strace $0x9000004B  }
0x7a1: {  	[tilespmem:s19], [sflag:$0x2] =	stream.indirect.gather [hbm4b:s0+s14], $0x80, s5, s14, $0xb8;
	[tilespmem:$0x10680] =	vst v63  }
0x7a2: {  	_ = 	snop  }
0x7a3: {  	[tilespmem:s21], [sflag:$0x4] =	stream.indirect.gather [hbm4b:s1+s14], $0x80, s4, s14, $0xb8;
	[tilespmem:$0x10680] =	vst v63  }
0x7a4: {  	_ = 	snop  }
0x7a5: {  	[tilespmem:s22], [sflag:$0x6] =	stream.indirect.gather [hbm4b:s2+s14], $0x1, s5, s14, $0xb8;
	[tilespmem:$0x10680] =	vst v63  }
0x7a6: {  	s9 =	sadd.s32 s16, s6  }
0x7a7: {  	[tilespmem:s23], [sflag:$0x6] =	stream.indirect.gather [hbm4b:s3+s14], $0x1, s4, s14, $0xb8;
	[tilespmem:$0x10680] =	vst v63  }
.Ltmp5:
0x7a8: {  	s9 =	sadd.s32 $0x10, s9;
	(pc) =	sbr.rel .LBB2_2-.Ltmp5, $4  }
0x7a9: {  	[hbm4b:s9+s7] =	stream.linear.scatter [tilespmem:s28], [sflag:$0x7], $0x80, $0x38;
	[tilespmem:$0x10680] =	vst v63  }
0x7aa: {  	_ =	swait.ge [sflag:s12], $0x80  }
0x7ab: {  	[sflag:s12] =	ssyncset.done $0x0  }
0x7ac: {  	s16 =	simm.s32 $0x100;
	p0 =	por $0x0, $0x0;
	[sflag:s12] =	ssyncadd.s32 $0xFFFFFF80  }
.LBB2_9:
0x7ad: {  	_ =	sfence.sel $0x180000  }
0x7ae: {  	[bflag:$0x0] =	sbarrier.arrive $0xFFFF  }
0x7af: {  	_ =	strace $0x90000047  }
0x7b0: {  	s0 =	stileid.u32;
	[bflag:$0x2] =	sbarrier.arrive $0xFFFF  }
0x7b1: {  	p0 =	sne.s32 s0, $0x0;
	s0 =	rddreg [dreg:$0x7]  }
0x7b2: {  	s0 =	sadd.s32 @!p0 $0x100000, s0  }
0x7b3: {  	[sflag:s0] =	ssyncadd.tile.s32 @!p0 $0x1;
	_ =	shalt  }
.Lfunc_end2:
_tile_overlayer_lowered:
.L_overlay_start_2:
0x7b4: {  	(tag) =	ssettag $0x2  }
0x7b5: {  	s0 =	rddreg [dreg:$0x0];
	s2 =	stileid.u32  }
0x7b6: {  	s1 =	rddreg [dreg:$0x1];
	p0 =	sne.s32 s2, $0x0  }
0x7b7: {  	s3 =	rddreg [dreg:$0x2];
	[bflag:$0x3] =	sbarrier.arrive $0xFFFF;
	s2 =	simm.s32 @!p0 $0x1C07  }
0x7b8: {  	[timem:s3], [sflag:s2] =	dma.local @!p0 [hbm:s0], s1  }
0x7b9: {  	s0 =	simm.s32 @!p0 $0x7  }
0x7ba: {  	_ =	swait.ge @!p0 [sflag:s0], s1  }
0x7bb: {  	s1 =	ssub.s32 @!p0 $0x0, s1;
	[sflag:s0] =	ssyncset.done @!p0 $0x0  }
0x7bc: {  	[sflag:s0] =	ssyncadd.s32 @!p0 s1  }
0x7bd: {  	[bflag:$0x3] =	sbarrier.arrive $0xFFFF  }
0x7be: {  	_ =	shalt  }

</sc_bundles>
